<compile_context>
chip_gen: v7x
topology: tpu7x:2x2x1
jax: 0.10.2.dev20260603
libtpu: 0.0.44.dev20260713+nightly
codegen_flags: <defaults>
</compile_context>

<pallas_src>
import functools

import jax
import jax.numpy as jnp
from jax import lax
from jax.experimental import pallas as pl
from jax.experimental.pallas import tpu as pltpu
from jax.experimental.pallas import tpu_sc as plsc

N = 10000
E = 320000
D = 128
NC = 2
NS = 16
L = 16
NW = NC * NS
K = 64
G = 16
NG0 = 10
NG1 = 10
NG = NG0 + NG1
CWD = 80
KD = 128
TOTG = NS * NG
EPAD = TOTG * G * K
NPAD = 10240
RPS = NPAD // NS

def _mk_perm():
    pi = [0] * D
    for m in range(D // 32):
        for i in range(16):
            pi[32 * m + i] = 32 * m + 2 * i
            pi[32 * m + 16 + i] = 32 * m + 2 * i + 1
    inv = [0] * D
    for t, q in enumerate(pi):
        inv[q] = t
    return tuple(inv)

_PERM = _mk_perm()

_mesh = plsc.VectorSubcoreMesh(core_axis_name="c", subcore_axis_name="s")
_sc_params = pltpu.CompilerParams(needs_layout_passes=False,
                                  use_tc_tiling_on_sc=False)


@functools.partial(
    pl.kernel,
    out_type=jax.ShapeDtypeStruct((NC, NPAD), jnp.float32),
    mesh=_mesh,
    compiler_params=_sc_params,
    scratch_types=[
        pltpu.VMEM((CWD, KD), jnp.int32),
        pltpu.VMEM((CWD, KD), jnp.float32),
        pltpu.VMEM_SHARED((NPAD,), jnp.float32),
    ],
)
def _sc_deg(dst_hbm, ew_hbm, zdeg_hbm, deg_out, dst_v, ew_v, deg_sh):
    c = lax.axis_index("c")
    s = lax.axis_index("s")
    wid = s * NC + c
    pltpu.sync_copy(zdeg_hbm.at[pl.ds(s * RPS, RPS)],
                    deg_sh.at[pl.ds(s * RPS, RPS)])
    pltpu.sync_copy(dst_hbm.at[wid], dst_v)
    pltpu.sync_copy(ew_hbm.at[wid], ew_v)
    plsc.subcore_barrier()

    @pl.loop(0, CWD)
    def _(t):
        pltpu.sync_copy(ew_v.at[t], deg_sh.at[dst_v.at[t]], add=True)

    plsc.subcore_barrier()

    @pl.when(s == 0)
    def _():
        pltpu.sync_copy(deg_sh, deg_out.at[c])


@functools.partial(
    pl.kernel,
    out_type=jax.ShapeDtypeStruct((NC, NPAD, D), jnp.float32),
    mesh=_mesh,
    compiler_params=_sc_params,
    scratch_types=[
        pltpu.VMEM((2, G, K), jnp.int32),
        pltpu.VMEM((2, G, K), jnp.int32),
        pltpu.VMEM((2, G * K), jnp.float32),
        pltpu.VMEM((K, D // 2), jnp.int32),
        pltpu.VMEM((K, D // 2), jnp.int32),
        pltpu.VMEM((K, D // 2), jnp.int32),
        pltpu.VMEM((K, D // 2), jnp.int32),
        pltpu.VMEM((K, D), jnp.float32),
        pltpu.VMEM((K, D), jnp.float32),
        pltpu.VMEM_SHARED((NPAD, D), jnp.float32),
        pltpu.SemaphoreType.DMA,
        pltpu.SemaphoreType.DMA,
        pltpu.SemaphoreType.DMA,
        pltpu.SemaphoreType.DMA,
        pltpu.SemaphoreType.DMA,
        pltpu.SemaphoreType.DMA,
        pltpu.SemaphoreType.DMA,
    ],
)
def _sc_edge(g_hbm, src_hbm, dst_hbm, ew_hbm, zrow_hbm, acc_out,
             src_v, dst_v, ew_v, rb0, rb1, rb2, rb3, rc0, rc1, acc_sh,
             sg0, sg1, sg2, sg3, ss0, ss1, si):
    c = lax.axis_index("c")
    s = lax.axis_index("s")
    ng = jnp.where(c == 0, NG0, NG1)
    gb = jnp.where(c == 0, s * NG0, NS * NG0 + s * NG1)
    rb = [rb0, rb1, rb2, rb3]
    rc = [rc0, rc1]
    sg = [sg0, sg1, sg2, sg3]
    ss = [ss0, ss1]

    pltpu.sync_copy(zrow_hbm.at[pl.ds(s * RPS, RPS)],
                    acc_sh.at[pl.ds(s * RPS, RPS)])

    def load_group(gi, p):
        pltpu.make_async_copy(src_hbm.at[gb + gi], src_v.at[p], si).start()
        pltpu.make_async_copy(dst_hbm.at[gb + gi], dst_v.at[p], si).start()
        pltpu.make_async_copy(ew_hbm.at[gb + gi], ew_v.at[p], si).start()

    def wait_group(p):
        pltpu.make_async_copy(src_hbm.at[gb], src_v.at[p], si).wait()
        pltpu.make_async_copy(dst_hbm.at[gb], dst_v.at[p], si).wait()
        pltpu.make_async_copy(ew_hbm.at[gb], ew_v.at[p], si).wait()

    def start_gather(p, t, i):
        pltpu.make_async_copy(g_hbm.at[src_v.at[p, t]], rb[i], sg[i]).start()

    def wait_gather(p, i):
        pltpu.make_async_copy(g_hbm.at[src_v.at[p, 0]], rb[i], sg[i]).wait()

    def start_scatter(p, t, j):
        pltpu.make_async_copy(
            rc[j], acc_sh.at[dst_v.at[p, t]], ss[j]).start(add=True)

    def wait_scatter(p, j):
        pltpu.make_async_copy(rc[j], acc_sh.at[dst_v.at[p, 0]], ss[j]).wait()

    def scale(p, t, i, j):
        @plsc.parallel_loop(0, K, unroll=2)
        def _(k):
            w = plsc.load_gather(
                ew_v, [jnp.full((L,), p, jnp.int32),
                       jnp.full((L,), t * K + k, jnp.int32)])
            for m in range(D // 32):
                v32 = rb[i][k, pl.ds(16 * m, 16)]
                v = plsc.bitcast(v32, jnp.bfloat16)
                a, b = plsc.unpack(v, format=plsc.PackFormat.INTERLEAVED)
                rc[j][k, pl.ds(32 * m, L)] = a * w
                rc[j][k, pl.ds(32 * m + L, L)] = b * w

    @pl.when(ng > 0)
    def _():
        load_group(0, 0)

    plsc.subcore_barrier()

    @pl.when(ng > 0)
    def _():
        wait_group(0)
        for i in range(4):
            start_gather(0, i, i)

    @pl.loop(0, NG)
    def _(gi):
        @pl.when(gi < ng)
        def _():
            p = lax.rem(gi, 2)

            @pl.loop(0, G // 4)
            def _(q):
                for i in range(4):
                    t = q * 4 + i
                    j = i % 2
                    wait_gather(p, i)
                    if i < 2:
                        @pl.when(jnp.logical_or(gi > 0, q > 0))
                        def _():
                            wait_scatter(p, j)
                    else:
                        wait_scatter(p, j)
                    if i == 0:
                        @pl.when(jnp.logical_and(q == 1, gi + 1 < ng))
                        def _():
                            load_group(gi + 1, 1 - p)
                    scale(p, t, i, j)
                    start_scatter(p, t, j)

                    @pl.when(q < G // 4 - 1)
                    def _():
                        start_gather(p, t + 4, i)

                    @pl.when(jnp.logical_and(q == G // 4 - 1, gi + 1 < ng))
                    def _():
                        if i == 0:
                            wait_group(1 - p)
                        start_gather(1 - p, i, i)

    @pl.when(ng > 0)
    def _():
        wait_scatter(0, 0)
        wait_scatter(0, 1)

    plsc.subcore_barrier()
    pltpu.sync_copy(acc_sh.at[pl.ds(s * RPS, RPS)],
                    acc_out.at[c, pl.ds(s * RPS, RPS)])


def _tc_mm_scale(x, w, ws, deg_t):
    def body(x_ref, w_ref, ws_ref, deg_ref, dinv_ref, o_ref, ob_ref):
        d = deg_ref[:, 0:1] + deg_ref[:, 1:2] + 1.0
        dinv = jnp.where(d > 0, lax.rsqrt(d), 0.0)
        h = jnp.dot(x_ref[...], w_ref[...], preferred_element_type=jnp.float32)
        hs = jnp.dot(x_ref[...], ws_ref[...],
                     preferred_element_type=jnp.float32)
        dinv_ref[...] = dinv
        o_ref[...] = h * dinv
        ob_ref[...] = (hs * dinv).astype(jnp.bfloat16)

    return pl.pallas_call(
        body, out_shape=(jax.ShapeDtypeStruct((N, 1), jnp.float32),
                         jax.ShapeDtypeStruct((N, D), jnp.float32),
                         jax.ShapeDtypeStruct((N, D), jnp.bfloat16)))(
                             x, w, ws, deg_t)


def _tc_post_mm(acc, g, dinv, b, w, ws):
    def body(acc_ref, g_ref, dinv_ref, b_ref, w_ref, ws_ref, o_ref, ob_ref):
        agg = acc_ref[0, :N, :] + acc_ref[1, :N, :] + g_ref[...]
        x1 = jnp.maximum(dinv_ref[...] * agg + b_ref[...], 0.0)
        o_ref[...] = jnp.dot(
            x1, w_ref[...], preferred_element_type=jnp.float32) * dinv_ref[...]
        ob_ref[...] = (jnp.dot(
            x1, ws_ref[...],
            preferred_element_type=jnp.float32) * dinv_ref[...]).astype(
                jnp.bfloat16)

    return pl.pallas_call(
        body, out_shape=(jax.ShapeDtypeStruct((N, D), jnp.float32),
                         jax.ShapeDtypeStruct((N, D), jnp.bfloat16)))(
                             acc, g, dinv, b, w, ws)


def _tc_post_final(acc, g, dinv, b):
    def body(acc_ref, g_ref, dinv_ref, b_ref, o_ref):
        agg = acc_ref[0, :N, :] + acc_ref[1, :N, :] + g_ref[...]
        o_ref[...] = jnp.maximum(dinv_ref[...] * agg + b_ref[...], 0.0)

    return pl.pallas_call(
        body, out_shape=jax.ShapeDtypeStruct((N, D), jnp.float32))(
            acc, g, dinv, b)


@jax.jit
def kernel(x, edge_index, edge_weight, W1, b1, W2, b2):
    src = edge_index[0].astype(jnp.int32)
    dst = edge_index[1].astype(jnp.int32)
    ew = edge_weight.astype(jnp.float32)
    pad = EPAD - E
    src_p = jnp.pad(src, (0, pad))
    dst_p = jnp.pad(dst, (0, pad))
    ew_p = jnp.pad(ew, (0, pad))
    src4 = src_p.reshape(TOTG, G, K)
    dst4 = dst_p.reshape(TOTG, G, K)
    ew4 = ew_p.reshape(TOTG, G * K)
    dst3 = dst_p.reshape(NW, CWD, KD)
    ew3 = ew_p.reshape(NW, CWD, KD)
    zdeg = jnp.zeros((NPAD,), jnp.float32)
    zrow = jnp.zeros((NPAD, D), jnp.float32)
    perm = jnp.asarray(_PERM, dtype=jnp.int32)
    W1s = jnp.take(W1, perm, axis=1)
    W2s = jnp.take(W2, perm, axis=1)

    def as_words(gb):
        return lax.bitcast_convert_type(
            gb.reshape(N, D // 2, 2), jnp.int32)

    deg2 = _sc_deg(dst3, ew3, zdeg)
    deg_t = deg2.T[:N]

    dinv_col, g1, g1b = _tc_mm_scale(x, W1, W1s, deg_t)
    acc1 = _sc_edge(as_words(g1b), src4, dst4, ew4, zrow)
    g2, g2b = _tc_post_mm(acc1, g1, dinv_col, b1.reshape(1, D), W2, W2s)
    acc2 = _sc_edge(as_words(g2b), src4, dst4, ew4, zrow)
    return _tc_post_final(acc2, g2, dinv_col, b2.reshape(1, D))

# --- scband reference (transcript-rebuilt; emitter-appended) ---
"""Pipeline reference for scband-smclmda-64063732187755 (READ-ONLY COPY).

The authoritative reference and input builder live on the scoring server;
editing this copy changes nothing except your own understanding.
"""

import jax, jax.numpy as jnp
import numpy as np

N_NODES = 10000
N_EDGES = 320000
D_IN = 128
D_HID = 128
D_OUT = 128


def setup_inputs(seed: int = 0) -> dict:
    key = jax.random.key(seed)
    k_x, k_ei, k_ew, k_w1, k_b1, k_w2, k_b2 = jax.random.split(key, 7)
    x = jax.random.normal(k_x, (N_NODES, D_IN), dtype=jnp.float32)
    edge_index = jax.random.randint(k_ei, (2, N_EDGES), 0, N_NODES, dtype=jnp.int64)
    edge_weight = jax.random.uniform(k_ew, (N_EDGES,), dtype=jnp.float32)
    # GCNConv-style learned parameters (glorot-ish init)
    W1 = jax.random.normal(k_w1, (D_IN, D_HID), dtype=jnp.float32) * (1.0 / np.sqrt(D_IN))
    b1 = jnp.zeros((D_HID,), dtype=jnp.float32)
    W2 = jax.random.normal(k_w2, (D_HID, D_OUT), dtype=jnp.float32) * (1.0 / np.sqrt(D_HID))
    b2 = jnp.zeros((D_OUT,), dtype=jnp.float32)
    return {"x": x, "edge_index": edge_index, "edge_weight": edge_weight,
            "W1": W1, "b1": b1, "W2": W2, "b2": b2}


def _gcn_layer(x, edge_index, edge_weight, W, b):
    # Faithful GCNConv with edge weights: add self-loops (weight 1),
    # symmetric deg^{-1/2} A deg^{-1/2} normalization, scatter-add aggregation.
    n = x.shape[0]
    src = edge_index[0]
    dst = edge_index[1]
    loop = jnp.arange(n, dtype=src.dtype)
    src2 = jnp.concatenate([src, loop])
    dst2 = jnp.concatenate([dst, loop])
    ew2 = jnp.concatenate([edge_weight, jnp.ones((n,), dtype=edge_weight.dtype)])
    deg = jnp.zeros((n,), dtype=x.dtype).at[dst2].add(ew2)
    dinv = jnp.where(deg > 0, jax.lax.rsqrt(deg), 0.0)
    norm = dinv[src2] * ew2 * dinv[dst2]
    h = x @ W
    msg = jnp.take(h, src2, axis=0) * norm[:, None]
    out = jnp.zeros_like(h).at[dst2].add(msg)
    return out + b


def reference(x, edge_index, edge_weight, W1, b1, W2, b2):
    # mirrors: x1 = relu(GCNConv(in,hid)(x, ei, ew)); x2 = relu(GCNConv(hid,out)(x1, ei, ew))
    h1 = jax.nn.relu(_gcn_layer(x, edge_index, edge_weight, W1, b1))
    h2 = jax.nn.relu(_gcn_layer(h1, edge_index, edge_weight, W2, b2))
    return h2

if __name__ == "__main__":
    import jax
    _d = setup_inputs()
    print(jax.jit(kernel)(*tuple(_d.values())))

</pallas_src>

<mosaic_0001>
#map = affine_map<(d0, d1) -> (0, 0)>
#map1 = affine_map<(d0, d1) -> (0, 0, 0)>
module attributes {stable_mosaic.version = 14 : i64} {
  func.func @_sc_edge(%arg0: i32, %arg1: i32, %arg2: memref<10000x64xi32, #tpu.memory_space<hbm>>, %arg3: memref<320x16x64xi32, #tpu.memory_space<hbm>>, %arg4: memref<320x16x64xi32, #tpu.memory_space<hbm>>, %arg5: memref<320x1024xf32, #tpu.memory_space<hbm>>, %arg6: memref<10240x128xf32, #tpu.memory_space<hbm>>, %arg7: memref<2x10240x128xf32, #tpu.memory_space<hbm>>, %arg8: memref<2x16x64xi32, #tpu.memory_space<vmem>>, %arg9: memref<2x16x64xi32, #tpu.memory_space<vmem>>, %arg10: memref<2x1024xf32, #tpu.memory_space<vmem>>, %arg11: memref<64x64xi32, #tpu.memory_space<vmem>>, %arg12: memref<64x64xi32, #tpu.memory_space<vmem>>, %arg13: memref<64x64xi32, #tpu.memory_space<vmem>>, %arg14: memref<64x64xi32, #tpu.memory_space<vmem>>, %arg15: memref<64x128xf32, #tpu.memory_space<vmem>>, %arg16: memref<64x128xf32, #tpu.memory_space<vmem>>, %arg17: memref<10240x128xf32, #tpu.memory_space<vmem_shared>>, %arg18: memref<!tpu.dma_semaphore, #tpu.memory_space<semaphore_mem>>, %arg19: memref<!tpu.dma_semaphore, #tpu.memory_space<semaphore_mem>>, %arg20: memref<!tpu.dma_semaphore, #tpu.memory_space<semaphore_mem>>, %arg21: memref<!tpu.dma_semaphore, #tpu.memory_space<semaphore_mem>>, %arg22: memref<!tpu.dma_semaphore, #tpu.memory_space<semaphore_mem>>, %arg23: memref<!tpu.dma_semaphore, #tpu.memory_space<semaphore_mem>>, %arg24: memref<!tpu.dma_semaphore, #tpu.memory_space<semaphore_mem>>) attributes {dimension_semantics = [#tpu.dimension_semantics<core_parallel>, #tpu.dimension_semantics<subcore_parallel>], iteration_bounds = array<i64: 2, 16>, scalar_prefetch = 0 : i64, scratch_operands = 17 : i64, tpu.core_type = #tpu.core_type<sc_vector_subcore>, window_params = [{transform_indices = #map}, {transform_indices = #map1}, {transform_indices = #map1}, {transform_indices = #map}, {transform_indices = #map}, {transform_indices = #map1}]} {
    %eq3A = arith.constant 0 : i32
    %eq3A_0 = arith.cmpi eq, %arg0, %eq3A : i32
    %jit3A = arith.constant 10 : i32
    %jit3A_1 = arith.constant 10 : i32
    %select_n3A = arith.select %eq3A_0, %jit3A, %jit3A_1 : i32
    %eq3A_2 = arith.constant 0 : i32
    %eq3A_3 = arith.cmpi eq, %arg0, %eq3A_2 : i32
    %mul3A = arith.constant 10 : i32
    %mul3A_4 = arith.muli %arg1, %mul3A : i32
    %mul3A_5 = arith.constant 10 : i32
    %mul3A_6 = arith.muli %arg1, %mul3A_5 : i32
    %add3A = arith.constant 160 : i32
    %add3A_7 = arith.addi %add3A, %mul3A_6 : i32
    %select_n3A_8 = arith.select %eq3A_3, %mul3A_4, %add3A_7 : i32
    %mul3A_9 = arith.constant 640 : i32
    %mul3A_10 = arith.muli %arg1, %mul3A_9 : i32
    %mul3A_11 = arith.constant 640 : i32
    %mul3A_12 = arith.muli %arg1, %mul3A_11 : i32
    "tpu.region"() ({
      %run_scoped3A = tpu.sem_alloc : memref<!tpu.dma_semaphore, #tpu.memory_space<semaphore_mem>>
      %dma_start3A = arith.constant 0 : i32
      %dma_start3A_34 = tpu.memref_slice %arg17[%mul3A_12, %dma_start3A] : memref<10240x128xf32, #tpu.memory_space<vmem_shared>> -> memref<640x128xf32, #tpu.memory_space<vmem_shared>>
      %dma_start3A_35 = arith.constant 0 : i32
      %dma_start3A_36 = tpu.memref_slice %arg6[%mul3A_10, %dma_start3A_35] : memref<10240x128xf32, #tpu.memory_space<hbm>> -> memref<640x128xf32, #tpu.memory_space<hbm>>
      tpu.enqueue_dma source(%dma_start3A_36 : memref<640x128xf32, #tpu.memory_space<hbm>>) target(%dma_start3A_34 : memref<640x128xf32, #tpu.memory_space<vmem_shared>>) target_semaphore(%run_scoped3A : memref<!tpu.dma_semaphore, #tpu.memory_space<semaphore_mem>>)
      %dma_wait3A = arith.constant 0 : i32
      %dma_wait3A_37 = tpu.memref_slice %arg17[%mul3A_12, %dma_wait3A] : memref<10240x128xf32, #tpu.memory_space<vmem_shared>> -> memref<640x128xf32, #tpu.memory_space<vmem_shared>>
      %dma_wait3A_38 = arith.constant 0 : i32
      %dma_wait3A_39 = tpu.memref_slice %arg6[%mul3A_10, %dma_wait3A_38] : memref<10240x128xf32, #tpu.memory_space<hbm>> -> memref<640x128xf32, #tpu.memory_space<hbm>>
      tpu.wait_dma2 semaphore(%run_scoped3A : memref<!tpu.dma_semaphore, #tpu.memory_space<semaphore_mem>>) src(%dma_wait3A_39 : memref<640x128xf32, #tpu.memory_space<hbm>>) dst(%dma_wait3A_37 : memref<640x128xf32, #tpu.memory_space<vmem_shared>>)
      tpu.yield
    }) : () -> ()
    %gt3A = arith.constant 0 : i32
    %gt3A_13 = arith.cmpi sgt, %select_n3A, %gt3A : i32
    %convert_element_type3A = arith.extui %gt3A_13 : i1 to i32
    %cond3A = arith.constant 0 : i32
    %cond3A_14 = arith.cmpi ne, %convert_element_type3A, %cond3A : i32
    scf.if %cond3A_14 {
      %add3A_34 = arith.constant 0 : i32
      %add3A_35 = arith.addi %select_n3A_8, %add3A_34 : i32
      %dma_start3A = arith.constant 0 : i32
      %dma_start3A_36 = arith.constant 0 : i32
      %dma_start3A_37 = arith.constant 0 : i32
      %dma_start3A_38 = tpu.memref_slice %arg8[%dma_start3A, %dma_start3A_36, %dma_start3A_37] : memref<2x16x64xi32, #tpu.memory_space<vmem>> -> memref<1x16x64xi32, #tpu.memory_space<vmem>>
      %dma_start3A_39 = tpu.memref_squeeze %dma_start3A_38 : memref<1x16x64xi32, #tpu.memory_space<vmem>> -> memref<16x64xi32, #tpu.memory_space<vmem>>
      %dma_start3A_40 = arith.constant 0 : i32
      %dma_start3A_41 = arith.constant 0 : i32
      %dma_start3A_42 = tpu.memref_slice %arg3[%add3A_35, %dma_start3A_40, %dma_start3A_41] : memref<320x16x64xi32, #tpu.memory_space<hbm>> -> memref<1x16x64xi32, #tpu.memory_space<hbm>>
      %dma_start3A_43 = tpu.memref_squeeze %dma_start3A_42 : memref<1x16x64xi32, #tpu.memory_space<hbm>> -> memref<16x64xi32, #tpu.memory_space<hbm>>
      %dma_start3A_44 = arith.constant 0 : i32
      %dma_start3A_45 = arith.constant 0 : i32
      %dma_start3A_46 = tpu.memref_slice %arg8[%dma_start3A, %dma_start3A_44, %dma_start3A_45] : memref<2x16x64xi32, #tpu.memory_space<vmem>> -> memref<1x16x64xi32, #tpu.memory_space<vmem>>
      %dma_start3A_47 = tpu.memref_squeeze %dma_start3A_46 : memref<1x16x64xi32, #tpu.memory_space<vmem>> -> memref<16x64xi32, #tpu.memory_space<vmem>>
      %dma_start3A_48 = arith.constant 0 : i32
      %dma_start3A_49 = arith.constant 0 : i32
      %dma_start3A_50 = tpu.memref_slice %arg3[%add3A_35, %dma_start3A_48, %dma_start3A_49] : memref<320x16x64xi32, #tpu.memory_space<hbm>> -> memref<1x16x64xi32, #tpu.memory_space<hbm>>
      %dma_start3A_51 = tpu.memref_squeeze %dma_start3A_50 : memref<1x16x64xi32, #tpu.memory_space<hbm>> -> memref<16x64xi32, #tpu.memory_space<hbm>>
      tpu.enqueue_dma source(%dma_start3A_51 : memref<16x64xi32, #tpu.memory_space<hbm>>) target(%dma_start3A_47 : memref<16x64xi32, #tpu.memory_space<vmem>>) target_semaphore(%arg24 : memref<!tpu.dma_semaphore, #tpu.memory_space<semaphore_mem>>)
      %add3A_52 = arith.constant 0 : i32
      %add3A_53 = arith.addi %select_n3A_8, %add3A_52 : i32
      %dma_start3A_54 = arith.constant 0 : i32
      %dma_start3A_55 = arith.constant 0 : i32
      %dma_start3A_56 = arith.constant 0 : i32
      %dma_start3A_57 = tpu.memref_slice %arg9[%dma_start3A_54, %dma_start3A_55, %dma_start3A_56] : memref<2x16x64xi32, #tpu.memory_space<vmem>> -> memref<1x16x64xi32, #tpu.memory_space<vmem>>
      %dma_start3A_58 = tpu.memref_squeeze %dma_start3A_57 : memref<1x16x64xi32, #tpu.memory_space<vmem>> -> memref<16x64xi32, #tpu.memory_space<vmem>>
      %dma_start3A_59 = arith.constant 0 : i32
      %dma_start3A_60 = arith.constant 0 : i32
      %dma_start3A_61 = tpu.memref_slice %arg4[%add3A_53, %dma_start3A_59, %dma_start3A_60] : memref<320x16x64xi32, #tpu.memory_space<hbm>> -> memref<1x16x64xi32, #tpu.memory_space<hbm>>
      %dma_start3A_62 = tpu.memref_squeeze %dma_start3A_61 : memref<1x16x64xi32, #tpu.memory_space<hbm>> -> memref<16x64xi32, #tpu.memory_space<hbm>>
      %dma_start3A_63 = arith.constant 0 : i32
      %dma_start3A_64 = arith.constant 0 : i32
      %dma_start3A_65 = tpu.memref_slice %arg9[%dma_start3A_54, %dma_start3A_63, %dma_start3A_64] : memref<2x16x64xi32, #tpu.memory_space<vmem>> -> memref<1x16x64xi32, #tpu.memory_space<vmem>>
      %dma_start3A_66 = tpu.memref_squeeze %dma_start3A_65 : memref<1x16x64xi32, #tpu.memory_space<vmem>> -> memref<16x64xi32, #tpu.memory_space<vmem>>
      %dma_start3A_67 = arith.constant 0 : i32
      %dma_start3A_68 = arith.constant 0 : i32
      %dma_start3A_69 = tpu.memref_slice %arg4[%add3A_53, %dma_start3A_67, %dma_start3A_68] : memref<320x16x64xi32, #tpu.memory_space<hbm>> -> memref<1x16x64xi32, #tpu.memory_space<hbm>>
      %dma_start3A_70 = tpu.memref_squeeze %dma_start3A_69 : memref<1x16x64xi32, #tpu.memory_space<hbm>> -> memref<16x64xi32, #tpu.memory_space<hbm>>
      tpu.enqueue_dma source(%dma_start3A_70 : memref<16x64xi32, #tpu.memory_space<hbm>>) target(%dma_start3A_66 : memref<16x64xi32, #tpu.memory_space<vmem>>) target_semaphore(%arg24 : memref<!tpu.dma_semaphore, #tpu.memory_space<semaphore_mem>>)
      %add3A_71 = arith.constant 0 : i32
      %add3A_72 = arith.addi %select_n3A_8, %add3A_71 : i32
      %dma_start3A_73 = arith.constant 0 : i32
      %dma_start3A_74 = arith.constant 0 : i32
      %dma_start3A_75 = tpu.memref_slice %arg10[%dma_start3A_73, %dma_start3A_74] : memref<2x1024xf32, #tpu.memory_space<vmem>> -> memref<1x1024xf32, #tpu.memory_space<vmem>>
      %dma_start3A_76 = tpu.memref_squeeze %dma_start3A_75 : memref<1x1024xf32, #tpu.memory_space<vmem>> -> memref<1024xf32, #tpu.memory_space<vmem>>
      %dma_start3A_77 = arith.constant 0 : i32
      %dma_start3A_78 = tpu.memref_slice %arg5[%add3A_72, %dma_start3A_77] : memref<320x1024xf32, #tpu.memory_space<hbm>> -> memref<1x1024xf32, #tpu.memory_space<hbm>>
      %dma_start3A_79 = tpu.memref_squeeze %dma_start3A_78 : memref<1x1024xf32, #tpu.memory_space<hbm>> -> memref<1024xf32, #tpu.memory_space<hbm>>
      %dma_start3A_80 = arith.constant 0 : i32
      %dma_start3A_81 = tpu.memref_slice %arg10[%dma_start3A_73, %dma_start3A_80] : memref<2x1024xf32, #tpu.memory_space<vmem>> -> memref<1x1024xf32, #tpu.memory_space<vmem>>
      %dma_start3A_82 = tpu.memref_squeeze %dma_start3A_81 : memref<1x1024xf32, #tpu.memory_space<vmem>> -> memref<1024xf32, #tpu.memory_space<vmem>>
      %dma_start3A_83 = arith.constant 0 : i32
      %dma_start3A_84 = tpu.memref_slice %arg5[%add3A_72, %dma_start3A_83] : memref<320x1024xf32, #tpu.memory_space<hbm>> -> memref<1x1024xf32, #tpu.memory_space<hbm>>
      %dma_start3A_85 = tpu.memref_squeeze %dma_start3A_84 : memref<1x1024xf32, #tpu.memory_space<hbm>> -> memref<1024xf32, #tpu.memory_space<hbm>>
      tpu.enqueue_dma source(%dma_start3A_85 : memref<1024xf32, #tpu.memory_space<hbm>>) target(%dma_start3A_82 : memref<1024xf32, #tpu.memory_space<vmem>>) target_semaphore(%arg24 : memref<!tpu.dma_semaphore, #tpu.memory_space<semaphore_mem>>)
    } else {
    }
    %barrier3A = arith.constant 0 : index
    tpu.barrier barrier_id(%barrier3A)
    %gt3A_15 = arith.constant 0 : i32
    %gt3A_16 = arith.cmpi sgt, %select_n3A, %gt3A_15 : i32
    %convert_element_type3A_17 = arith.extui %gt3A_16 : i1 to i32
    %cond3A_18 = arith.constant 0 : i32
    %cond3A_19 = arith.cmpi ne, %convert_element_type3A_17, %cond3A_18 : i32
    scf.if %cond3A_19 {
      %dma_wait3A = arith.constant 0 : i32
      %dma_wait3A_34 = arith.constant 0 : i32
      %dma_wait3A_35 = arith.constant 0 : i32
      %dma_wait3A_36 = tpu.memref_slice %arg8[%dma_wait3A, %dma_wait3A_34, %dma_wait3A_35] : memref<2x16x64xi32, #tpu.memory_space<vmem>> -> memref<1x16x64xi32, #tpu.memory_space<vmem>>
      %dma_wait3A_37 = tpu.memref_squeeze %dma_wait3A_36 : memref<1x16x64xi32, #tpu.memory_space<vmem>> -> memref<16x64xi32, #tpu.memory_space<vmem>>
      %dma_wait3A_38 = arith.constant 0 : i32
      %dma_wait3A_39 = arith.constant 0 : i32
      %dma_wait3A_40 = tpu.memref_slice %arg3[%select_n3A_8, %dma_wait3A_38, %dma_wait3A_39] : memref<320x16x64xi32, #tpu.memory_space<hbm>> -> memref<1x16x64xi32, #tpu.memory_space<hbm>>
      %dma_wait3A_41 = tpu.memref_squeeze %dma_wait3A_40 : memref<1x16x64xi32, #tpu.memory_space<hbm>> -> memref<16x64xi32, #tpu.memory_space<hbm>>
      %dma_wait3A_42 = arith.constant 0 : i32
      %dma_wait3A_43 = arith.constant 0 : i32
      %dma_wait3A_44 = tpu.memref_slice %arg8[%dma_wait3A, %dma_wait3A_42, %dma_wait3A_43] : memref<2x16x64xi32, #tpu.memory_space<vmem>> -> memref<1x16x64xi32, #tpu.memory_space<vmem>>
      %dma_wait3A_45 = tpu.memref_squeeze %dma_wait3A_44 : memref<1x16x64xi32, #tpu.memory_space<vmem>> -> memref<16x64xi32, #tpu.memory_space<vmem>>
      %dma_wait3A_46 = arith.constant 0 : i32
      %dma_wait3A_47 = arith.constant 0 : i32
      %dma_wait3A_48 = tpu.memref_slice %arg3[%select_n3A_8, %dma_wait3A_46, %dma_wait3A_47] : memref<320x16x64xi32, #tpu.memory_space<hbm>> -> memref<1x16x64xi32, #tpu.memory_space<hbm>>
      %dma_wait3A_49 = tpu.memref_squeeze %dma_wait3A_48 : memref<1x16x64xi32, #tpu.memory_space<hbm>> -> memref<16x64xi32, #tpu.memory_space<hbm>>
      tpu.wait_dma2 semaphore(%arg24 : memref<!tpu.dma_semaphore, #tpu.memory_space<semaphore_mem>>) src(%dma_wait3A_49 : memref<16x64xi32, #tpu.memory_space<hbm>>) dst(%dma_wait3A_45 : memref<16x64xi32, #tpu.memory_space<vmem>>)
      %dma_wait3A_50 = arith.constant 0 : i32
      %dma_wait3A_51 = arith.constant 0 : i32
      %dma_wait3A_52 = arith.constant 0 : i32
      %dma_wait3A_53 = tpu.memref_slice %arg9[%dma_wait3A_50, %dma_wait3A_51, %dma_wait3A_52] : memref<2x16x64xi32, #tpu.memory_space<vmem>> -> memref<1x16x64xi32, #tpu.memory_space<vmem>>
      %dma_wait3A_54 = tpu.memref_squeeze %dma_wait3A_53 : memref<1x16x64xi32, #tpu.memory_space<vmem>> -> memref<16x64xi32, #tpu.memory_space<vmem>>
      %dma_wait3A_55 = arith.constant 0 : i32
      %dma_wait3A_56 = arith.constant 0 : i32
      %dma_wait3A_57 = tpu.memref_slice %arg4[%select_n3A_8, %dma_wait3A_55, %dma_wait3A_56] : memref<320x16x64xi32, #tpu.memory_space<hbm>> -> memref<1x16x64xi32, #tpu.memory_space<hbm>>
      %dma_wait3A_58 = tpu.memref_squeeze %dma_wait3A_57 : memref<1x16x64xi32, #tpu.memory_space<hbm>> -> memref<16x64xi32, #tpu.memory_space<hbm>>
      %dma_wait3A_59 = arith.constant 0 : i32
      %dma_wait3A_60 = arith.constant 0 : i32
      %dma_wait3A_61 = tpu.memref_slice %arg9[%dma_wait3A_50, %dma_wait3A_59, %dma_wait3A_60] : memref<2x16x64xi32, #tpu.memory_space<vmem>> -> memref<1x16x64xi32, #tpu.memory_space<vmem>>
      %dma_wait3A_62 = tpu.memref_squeeze %dma_wait3A_61 : memref<1x16x64xi32, #tpu.memory_space<vmem>> -> memref<16x64xi32, #tpu.memory_space<vmem>>
      %dma_wait3A_63 = arith.constant 0 : i32
      %dma_wait3A_64 = arith.constant 0 : i32
      %dma_wait3A_65 = tpu.memref_slice %arg4[%select_n3A_8, %dma_wait3A_63, %dma_wait3A_64] : memref<320x16x64xi32, #tpu.memory_space<hbm>> -> memref<1x16x64xi32, #tpu.memory_space<hbm>>
      %dma_wait3A_66 = tpu.memref_squeeze %dma_wait3A_65 : memref<1x16x64xi32, #tpu.memory_space<hbm>> -> memref<16x64xi32, #tpu.memory_space<hbm>>
      tpu.wait_dma2 semaphore(%arg24 : memref<!tpu.dma_semaphore, #tpu.memory_space<semaphore_mem>>) src(%dma_wait3A_66 : memref<16x64xi32, #tpu.memory_space<hbm>>) dst(%dma_wait3A_62 : memref<16x64xi32, #tpu.memory_space<vmem>>)
      %dma_wait3A_67 = arith.constant 0 : i32
      %dma_wait3A_68 = arith.constant 0 : i32
      %dma_wait3A_69 = tpu.memref_slice %arg10[%dma_wait3A_67, %dma_wait3A_68] : memref<2x1024xf32, #tpu.memory_space<vmem>> -> memref<1x1024xf32, #tpu.memory_space<vmem>>
      %dma_wait3A_70 = tpu.memref_squeeze %dma_wait3A_69 : memref<1x1024xf32, #tpu.memory_space<vmem>> -> memref<1024xf32, #tpu.memory_space<vmem>>
      %dma_wait3A_71 = arith.constant 0 : i32
      %dma_wait3A_72 = tpu.memref_slice %arg5[%select_n3A_8, %dma_wait3A_71] : memref<320x1024xf32, #tpu.memory_space<hbm>> -> memref<1x1024xf32, #tpu.memory_space<hbm>>
      %dma_wait3A_73 = tpu.memref_squeeze %dma_wait3A_72 : memref<1x1024xf32, #tpu.memory_space<hbm>> -> memref<1024xf32, #tpu.memory_space<hbm>>
      %dma_wait3A_74 = arith.constant 0 : i32
      %dma_wait3A_75 = tpu.memref_slice %arg10[%dma_wait3A_67, %dma_wait3A_74] : memref<2x1024xf32, #tpu.memory_space<vmem>> -> memref<1x1024xf32, #tpu.memory_space<vmem>>
      %dma_wait3A_76 = tpu.memref_squeeze %dma_wait3A_75 : memref<1x1024xf32, #tpu.memory_space<vmem>> -> memref<1024xf32, #tpu.memory_space<vmem>>
      %dma_wait3A_77 = arith.constant 0 : i32
      %dma_wait3A_78 = tpu.memref_slice %arg5[%select_n3A_8, %dma_wait3A_77] : memref<320x1024xf32, #tpu.memory_space<hbm>> -> memref<1x1024xf32, #tpu.memory_space<hbm>>
      %dma_wait3A_79 = tpu.memref_squeeze %dma_wait3A_78 : memref<1x1024xf32, #tpu.memory_space<hbm>> -> memref<1024xf32, #tpu.memory_space<hbm>>
      tpu.wait_dma2 semaphore(%arg24 : memref<!tpu.dma_semaphore, #tpu.memory_space<semaphore_mem>>) src(%dma_wait3A_79 : memref<1024xf32, #tpu.memory_space<hbm>>) dst(%dma_wait3A_76 : memref<1024xf32, #tpu.memory_space<vmem>>)
      %dma_start3A = arith.constant 0 : i32
      %dma_start3A_80 = arith.constant 0 : i32
      %dma_start3A_81 = arith.constant 0 : i32
      %dma_start3A_82 = tpu.memref_slice %arg8[%dma_start3A, %dma_start3A_80, %dma_start3A_81] : memref<2x16x64xi32, #tpu.memory_space<vmem>> -> memref<1x1x64xi32, #tpu.memory_space<vmem>>
      %dma_start3A_83 = tpu.memref_squeeze %dma_start3A_82 : memref<1x1x64xi32, #tpu.memory_space<vmem>> -> memref<64xi32, #tpu.memory_space<vmem>>
      %dma_start3A_84 = arith.constant 0 : i32
      %dma_start3A_85 = arith.constant 0 : i32
      %dma_start3A_86 = tpu.memref_slice %arg2[%dma_start3A_84, %dma_start3A_85] : memref<10000x64xi32, #tpu.memory_space<hbm>> -> memref<10000x64xi32, #tpu.memory_space<hbm>>
      tpu.enqueue_indirect_dma source(%dma_start3A_86 : memref<10000x64xi32, #tpu.memory_space<hbm>>) target(%arg11 : memref<64x64xi32, #tpu.memory_space<vmem>>) offsets(%dma_start3A_83 : memref<64xi32, #tpu.memory_space<vmem>>) semaphore(%arg18 : memref<!tpu.dma_semaphore, #tpu.memory_space<semaphore_mem>>)
      %dma_start3A_87 = arith.constant 0 : i32
      %dma_start3A_88 = arith.constant 1 : i32
      %dma_start3A_89 = arith.constant 0 : i32
      %dma_start3A_90 = tpu.memref_slice %arg8[%dma_start3A_87, %dma_start3A_88, %dma_start3A_89] : memref<2x16x64xi32, #tpu.memory_space<vmem>> -> memref<1x1x64xi32, #tpu.memory_space<vmem>>
      %dma_start3A_91 = tpu.memref_squeeze %dma_start3A_90 : memref<1x1x64xi32, #tpu.memory_space<vmem>> -> memref<64xi32, #tpu.memory_space<vmem>>
      %dma_start3A_92 = arith.constant 0 : i32
      %dma_start3A_93 = arith.constant 0 : i32
      %dma_start3A_94 = tpu.memref_slice %arg2[%dma_start3A_92, %dma_start3A_93] : memref<10000x64xi32, #tpu.memory_space<hbm>> -> memref<10000x64xi32, #tpu.memory_space<hbm>>
      tpu.enqueue_indirect_dma source(%dma_start3A_94 : memref<10000x64xi32, #tpu.memory_space<hbm>>) target(%arg12 : memref<64x64xi32, #tpu.memory_space<vmem>>) offsets(%dma_start3A_91 : memref<64xi32, #tpu.memory_space<vmem>>) semaphore(%arg19 : memref<!tpu.dma_semaphore, #tpu.memory_space<semaphore_mem>>)
      %dma_start3A_95 = arith.constant 0 : i32
      %dma_start3A_96 = arith.constant 2 : i32
      %dma_start3A_97 = arith.constant 0 : i32
      %dma_start3A_98 = tpu.memref_slice %arg8[%dma_start3A_95, %dma_start3A_96, %dma_start3A_97] : memref<2x16x64xi32, #tpu.memory_space<vmem>> -> memref<1x1x64xi32, #tpu.memory_space<vmem>>
      %dma_start3A_99 = tpu.memref_squeeze %dma_start3A_98 : memref<1x1x64xi32, #tpu.memory_space<vmem>> -> memref<64xi32, #tpu.memory_space<vmem>>
      %dma_start3A_100 = arith.constant 0 : i32
      %dma_start3A_101 = arith.constant 0 : i32
      %dma_start3A_102 = tpu.memref_slice %arg2[%dma_start3A_100, %dma_start3A_101] : memref<10000x64xi32, #tpu.memory_space<hbm>> -> memref<10000x64xi32, #tpu.memory_space<hbm>>
      tpu.enqueue_indirect_dma source(%dma_start3A_102 : memref<10000x64xi32, #tpu.memory_space<hbm>>) target(%arg13 : memref<64x64xi32, #tpu.memory_space<vmem>>) offsets(%dma_start3A_99 : memref<64xi32, #tpu.memory_space<vmem>>) semaphore(%arg20 : memref<!tpu.dma_semaphore, #tpu.memory_space<semaphore_mem>>)
      %dma_start3A_103 = arith.constant 0 : i32
      %dma_start3A_104 = arith.constant 3 : i32
      %dma_start3A_105 = arith.constant 0 : i32
      %dma_start3A_106 = tpu.memref_slice %arg8[%dma_start3A_103, %dma_start3A_104, %dma_start3A_105] : memref<2x16x64xi32, #tpu.memory_space<vmem>> -> memref<1x1x64xi32, #tpu.memory_space<vmem>>
      %dma_start3A_107 = tpu.memref_squeeze %dma_start3A_106 : memref<1x1x64xi32, #tpu.memory_space<vmem>> -> memref<64xi32, #tpu.memory_space<vmem>>
      %dma_start3A_108 = arith.constant 0 : i32
      %dma_start3A_109 = arith.constant 0 : i32
      %dma_start3A_110 = tpu.memref_slice %arg2[%dma_start3A_108, %dma_start3A_109] : memref<10000x64xi32, #tpu.memory_space<hbm>> -> memref<10000x64xi32, #tpu.memory_space<hbm>>
      tpu.enqueue_indirect_dma source(%dma_start3A_110 : memref<10000x64xi32, #tpu.memory_space<hbm>>) target(%arg14 : memref<64x64xi32, #tpu.memory_space<vmem>>) offsets(%dma_start3A_107 : memref<64xi32, #tpu.memory_space<vmem>>) semaphore(%arg21 : memref<!tpu.dma_semaphore, #tpu.memory_space<semaphore_mem>>)
    } else {
    }
    %scan3A = arith.constant 0 : i32
    %scan3A_20 = arith.constant 20 : i32
    %scan3A_21 = arith.addi %scan3A, %scan3A_20 : i32
    %scan3A_22 = arith.constant 1 : i32
    scf.for %scan3A_34 = %scan3A to %scan3A_21 step %scan3A_22  : i32 {
      %mul3A_35 = arith.constant 1 : i32
      %mul3A_36 = arith.muli %scan3A_34, %mul3A_35 : i32
      %add3A_37 = arith.constant 0 : i32
      %add3A_38 = arith.addi %add3A_37, %mul3A_36 : i32
      %lt3A = arith.cmpi slt, %add3A_38, %select_n3A : i32
      %convert_element_type3A_39 = arith.extui %lt3A : i1 to i32
      %cond3A_40 = arith.constant 0 : i32
      %cond3A_41 = arith.cmpi ne, %convert_element_type3A_39, %cond3A_40 : i32
      scf.if %cond3A_41 {
        %rem3A = arith.constant 2 : i32
        %rem3A_42 = arith.remsi %add3A_38, %rem3A : i32
        %scan3A_43 = arith.constant 0 : i32
        %scan3A_44 = arith.constant 4 : i32
        %scan3A_45 = arith.addi %scan3A_43, %scan3A_44 : i32
        %scan3A_46 = arith.constant 1 : i32
        scf.for %scan3A_48 = %scan3A_43 to %scan3A_45 step %scan3A_46  : i32 {
          %mul3A_49 = arith.constant 1 : i32
          %mul3A_50 = arith.muli %scan3A_48, %mul3A_49 : i32
          %add3A_51 = arith.constant 0 : i32
          %add3A_52 = arith.addi %add3A_51, %mul3A_50 : i32
          %mul3A_53 = arith.constant 4 : i32
          %mul3A_54 = arith.muli %add3A_52, %mul3A_53 : i32
          %add3A_55 = arith.constant 0 : i32
          %add3A_56 = arith.addi %mul3A_54, %add3A_55 : i32
          %dma_wait3A = arith.constant 0 : i32
          %dma_wait3A_57 = arith.constant 0 : i32
          %dma_wait3A_58 = tpu.memref_slice %arg8[%rem3A_42, %dma_wait3A, %dma_wait3A_57] : memref<2x16x64xi32, #tpu.memory_space<vmem>> -> memref<1x1x64xi32, #tpu.memory_space<vmem>>
          %dma_wait3A_59 = tpu.memref_squeeze %dma_wait3A_58 : memref<1x1x64xi32, #tpu.memory_space<vmem>> -> memref<64xi32, #tpu.memory_space<vmem>>
          %dma_wait3A_60 = arith.constant 0 : i32
          %dma_wait3A_61 = arith.constant 0 : i32
          %dma_wait3A_62 = tpu.memref_slice %arg2[%dma_wait3A_60, %dma_wait3A_61] : memref<10000x64xi32, #tpu.memory_space<hbm>> -> memref<10000x64xi32, #tpu.memory_space<hbm>>
          tpu.wait_indirect_dma semaphore(%arg18 : memref<!tpu.dma_semaphore, #tpu.memory_space<semaphore_mem>>) src(%dma_wait3A_62 : memref<10000x64xi32, #tpu.memory_space<hbm>>) dst(%arg11 : memref<64x64xi32, #tpu.memory_space<vmem>>)
          %gt3A_63 = arith.constant 0 : i32
          %gt3A_64 = arith.cmpi sgt, %add3A_38, %gt3A_63 : i32
          %gt3A_65 = arith.constant 0 : i32
          %gt3A_66 = arith.cmpi sgt, %add3A_52, %gt3A_65 : i32
          %or3A = arith.ori %gt3A_64, %gt3A_66 : i1
          %convert_element_type3A_67 = arith.extui %or3A : i1 to i32
          %cond3A_68 = arith.constant 0 : i32
          %cond3A_69 = arith.cmpi ne, %convert_element_type3A_67, %cond3A_68 : i32
          scf.if %cond3A_69 {
            %dma_wait3A_223 = arith.constant 0 : i32
            %dma_wait3A_224 = arith.constant 0 : i32
            %dma_wait3A_225 = tpu.memref_slice %arg9[%rem3A_42, %dma_wait3A_223, %dma_wait3A_224] : memref<2x16x64xi32, #tpu.memory_space<vmem>> -> memref<1x1x64xi32, #tpu.memory_space<vmem>>
            %dma_wait3A_226 = tpu.memref_squeeze %dma_wait3A_225 : memref<1x1x64xi32, #tpu.memory_space<vmem>> -> memref<64xi32, #tpu.memory_space<vmem>>
            %dma_wait3A_227 = arith.constant 0 : i32
            %dma_wait3A_228 = arith.constant 0 : i32
            %dma_wait3A_229 = tpu.memref_slice %arg17[%dma_wait3A_227, %dma_wait3A_228] : memref<10240x128xf32, #tpu.memory_space<vmem_shared>> -> memref<10240x128xf32, #tpu.memory_space<vmem_shared>>
            tpu.wait_indirect_dma semaphore(%arg22 : memref<!tpu.dma_semaphore, #tpu.memory_space<semaphore_mem>>) src(%arg15 : memref<64x128xf32, #tpu.memory_space<vmem>>) dst(%dma_wait3A_229 : memref<10240x128xf32, #tpu.memory_space<vmem_shared>>)
          } else {
          }
          %eq3A_70 = arith.constant 1 : i32
          %eq3A_71 = arith.cmpi eq, %add3A_52, %eq3A_70 : i32
          %add3A_72 = arith.constant 1 : i32
          %add3A_73 = arith.addi %add3A_38, %add3A_72 : i32
          %lt3A_74 = arith.cmpi slt, %add3A_73, %select_n3A : i32
          %and3A = arith.andi %eq3A_71, %lt3A_74 : i1
          %convert_element_type3A_75 = arith.extui %and3A : i1 to i32
          %cond3A_76 = arith.constant 0 : i32
          %cond3A_77 = arith.cmpi ne, %convert_element_type3A_75, %cond3A_76 : i32
          scf.if %cond3A_77 {
            %add3A_223 = arith.constant 1 : i32
            %add3A_224 = arith.addi %add3A_38, %add3A_223 : i32
            %sub3A = arith.constant 1 : i32
            %sub3A_225 = arith.subi %sub3A, %rem3A_42 : i32
            %add3A_226 = arith.addi %select_n3A_8, %add3A_224 : i32
            %dma_start3A_227 = arith.constant 0 : i32
            %dma_start3A_228 = arith.constant 0 : i32
            %dma_start3A_229 = tpu.memref_slice %arg8[%sub3A_225, %dma_start3A_227, %dma_start3A_228] : memref<2x16x64xi32, #tpu.memory_space<vmem>> -> memref<1x16x64xi32, #tpu.memory_space<vmem>>
            %dma_start3A_230 = tpu.memref_squeeze %dma_start3A_229 : memref<1x16x64xi32, #tpu.memory_space<vmem>> -> memref<16x64xi32, #tpu.memory_space<vmem>>
            %dma_start3A_231 = arith.constant 0 : i32
            %dma_start3A_232 = arith.constant 0 : i32
            %dma_start3A_233 = tpu.memref_slice %arg3[%add3A_226, %dma_start3A_231, %dma_start3A_232] : memref<320x16x64xi32, #tpu.memory_space<hbm>> -> memref<1x16x64xi32, #tpu.memory_space<hbm>>
            %dma_start3A_234 = tpu.memref_squeeze %dma_start3A_233 : memref<1x16x64xi32, #tpu.memory_space<hbm>> -> memref<16x64xi32, #tpu.memory_space<hbm>>
            %dma_start3A_235 = arith.constant 0 : i32
            %dma_start3A_236 = arith.constant 0 : i32
            %dma_start3A_237 = tpu.memref_slice %arg8[%sub3A_225, %dma_start3A_235, %dma_start3A_236] : memref<2x16x64xi32, #tpu.memory_space<vmem>> -> memref<1x16x64xi32, #tpu.memory_space<vmem>>
            %dma_start3A_238 = tpu.memref_squeeze %dma_start3A_237 : memref<1x16x64xi32, #tpu.memory_space<vmem>> -> memref<16x64xi32, #tpu.memory_space<vmem>>
            %dma_start3A_239 = arith.constant 0 : i32
            %dma_start3A_240 = arith.constant 0 : i32
            %dma_start3A_241 = tpu.memref_slice %arg3[%add3A_226, %dma_start3A_239, %dma_start3A_240] : memref<320x16x64xi32, #tpu.memory_space<hbm>> -> memref<1x16x64xi32, #tpu.memory_space<hbm>>
            %dma_start3A_242 = tpu.memref_squeeze %dma_start3A_241 : memref<1x16x64xi32, #tpu.memory_space<hbm>> -> memref<16x64xi32, #tpu.memory_space<hbm>>
            tpu.enqueue_dma source(%dma_start3A_242 : memref<16x64xi32, #tpu.memory_space<hbm>>) target(%dma_start3A_238 : memref<16x64xi32, #tpu.memory_space<vmem>>) target_semaphore(%arg24 : memref<!tpu.dma_semaphore, #tpu.memory_space<semaphore_mem>>)
            %add3A_243 = arith.addi %select_n3A_8, %add3A_224 : i32
            %dma_start3A_244 = arith.constant 0 : i32
            %dma_start3A_245 = arith.constant 0 : i32
            %dma_start3A_246 = tpu.memref_slice %arg9[%sub3A_225, %dma_start3A_244, %dma_start3A_245] : memref<2x16x64xi32, #tpu.memory_space<vmem>> -> memref<1x16x64xi32, #tpu.memory_space<vmem>>
            %dma_start3A_247 = tpu.memref_squeeze %dma_start3A_246 : memref<1x16x64xi32, #tpu.memory_space<vmem>> -> memref<16x64xi32, #tpu.memory_space<vmem>>
            %dma_start3A_248 = arith.constant 0 : i32
            %dma_start3A_249 = arith.constant 0 : i32
            %dma_start3A_250 = tpu.memref_slice %arg4[%add3A_243, %dma_start3A_248, %dma_start3A_249] : memref<320x16x64xi32, #tpu.memory_space<hbm>> -> memref<1x16x64xi32, #tpu.memory_space<hbm>>
            %dma_start3A_251 = tpu.memref_squeeze %dma_start3A_250 : memref<1x16x64xi32, #tpu.memory_space<hbm>> -> memref<16x64xi32, #tpu.memory_space<hbm>>
            %dma_start3A_252 = arith.constant 0 : i32
            %dma_start3A_253 = arith.constant 0 : i32
            %dma_start3A_254 = tpu.memref_slice %arg9[%sub3A_225, %dma_start3A_252, %dma_start3A_253] : memref<2x16x64xi32, #tpu.memory_space<vmem>> -> memref<1x16x64xi32, #tpu.memory_space<vmem>>
            %dma_start3A_255 = tpu.memref_squeeze %dma_start3A_254 : memref<1x16x64xi32, #tpu.memory_space<vmem>> -> memref<16x64xi32, #tpu.memory_space<vmem>>
            %dma_start3A_256 = arith.constant 0 : i32
            %dma_start3A_257 = arith.constant 0 : i32
            %dma_start3A_258 = tpu.memref_slice %arg4[%add3A_243, %dma_start3A_256, %dma_start3A_257] : memref<320x16x64xi32, #tpu.memory_space<hbm>> -> memref<1x16x64xi32, #tpu.memory_space<hbm>>
            %dma_start3A_259 = tpu.memref_squeeze %dma_start3A_258 : memref<1x16x64xi32, #tpu.memory_space<hbm>> -> memref<16x64xi32, #tpu.memory_space<hbm>>
            tpu.enqueue_dma source(%dma_start3A_259 : memref<16x64xi32, #tpu.memory_space<hbm>>) target(%dma_start3A_255 : memref<16x64xi32, #tpu.memory_space<vmem>>) target_semaphore(%arg24 : memref<!tpu.dma_semaphore, #tpu.memory_space<semaphore_mem>>)
            %add3A_260 = arith.addi %select_n3A_8, %add3A_224 : i32
            %dma_start3A_261 = arith.constant 0 : i32
            %dma_start3A_262 = tpu.memref_slice %arg10[%sub3A_225, %dma_start3A_261] : memref<2x1024xf32, #tpu.memory_space<vmem>> -> memref<1x1024xf32, #tpu.memory_space<vmem>>
            %dma_start3A_263 = tpu.memref_squeeze %dma_start3A_262 : memref<1x1024xf32, #tpu.memory_space<vmem>> -> memref<1024xf32, #tpu.memory_space<vmem>>
            %dma_start3A_264 = arith.constant 0 : i32
            %dma_start3A_265 = tpu.memref_slice %arg5[%add3A_260, %dma_start3A_264] : memref<320x1024xf32, #tpu.memory_space<hbm>> -> memref<1x1024xf32, #tpu.memory_space<hbm>>
            %dma_start3A_266 = tpu.memref_squeeze %dma_start3A_265 : memref<1x1024xf32, #tpu.memory_space<hbm>> -> memref<1024xf32, #tpu.memory_space<hbm>>
            %dma_start3A_267 = arith.constant 0 : i32
            %dma_start3A_268 = tpu.memref_slice %arg10[%sub3A_225, %dma_start3A_267] : memref<2x1024xf32, #tpu.memory_space<vmem>> -> memref<1x1024xf32, #tpu.memory_space<vmem>>
            %dma_start3A_269 = tpu.memref_squeeze %dma_start3A_268 : memref<1x1024xf32, #tpu.memory_space<vmem>> -> memref<1024xf32, #tpu.memory_space<vmem>>
            %dma_start3A_270 = arith.constant 0 : i32
            %dma_start3A_271 = tpu.memref_slice %arg5[%add3A_260, %dma_start3A_270] : memref<320x1024xf32, #tpu.memory_space<hbm>> -> memref<1x1024xf32, #tpu.memory_space<hbm>>
            %dma_start3A_272 = tpu.memref_squeeze %dma_start3A_271 : memref<1x1024xf32, #tpu.memory_space<hbm>> -> memref<1024xf32, #tpu.memory_space<hbm>>
            tpu.enqueue_dma source(%dma_start3A_272 : memref<1024xf32, #tpu.memory_space<hbm>>) target(%dma_start3A_269 : memref<1024xf32, #tpu.memory_space<vmem>>) target_semaphore(%arg24 : memref<!tpu.dma_semaphore, #tpu.memory_space<semaphore_mem>>)
          } else {
          }
          %parallel_loop3A = arith.constant 0 : i32
          %parallel_loop3A_78 = arith.constant 64 : i32
          %parallel_loop3A_79 = arith.constant 1 : i32
          scf.for %parallel_loop3A_223 = %parallel_loop3A to %parallel_loop3A_78 step %parallel_loop3A_79  : i32 {
            %parallel_loop3A_224 = vector.broadcast %rem3A_42 : i32 to vector<16xi32>
            %parallel_loop3A_225 = arith.constant 64 : i32
            %parallel_loop3A_226 = arith.muli %add3A_56, %parallel_loop3A_225 : i32
            %parallel_loop3A_227 = arith.addi %parallel_loop3A_226, %parallel_loop3A_223 : i32
            %parallel_loop3A_228 = vector.broadcast %parallel_loop3A_227 : i32 to vector<16xi32>
            %parallel_loop3A_229 = tpu.vector_load_idx %arg10[%parallel_loop3A_224, %parallel_loop3A_228] : memref<2x1024xf32, #tpu.memory_space<vmem>>[vector<16xi32>, vector<16xi32>], vector<16xf32>,
            %parallel_loop3A_230 = arith.index_cast %parallel_loop3A_223 : i32 to index
            %parallel_loop3A_231 = arith.constant 0 : index
            %parallel_loop3A_232 = tpu.vector_load %arg11[%parallel_loop3A_230, %parallel_loop3A_231] {strides = array<i32>} : memref<64x64xi32, #tpu.memory_space<vmem>>, vector<16xi32>,
            %parallel_loop3A_233 = vector.bitcast %parallel_loop3A_232 : vector<16xi32> to vector<32xbf16>
            %parallel_loop3A_234 = tpu.unpack_subelements %parallel_loop3A_233, 0 {pack_format = #tpu.pack_format<interleaved>} : vector<32xbf16> -> vector<16xf32>
            %parallel_loop3A_235 = tpu.unpack_subelements %parallel_loop3A_233, 1 {pack_format = #tpu.pack_format<interleaved>} : vector<32xbf16> -> vector<16xf32>
            %parallel_loop3A_236 = arith.mulf %parallel_loop3A_234, %parallel_loop3A_229 : vector<16xf32>
            %parallel_loop3A_237 = arith.index_cast %parallel_loop3A_223 : i32 to index
            %parallel_loop3A_238 = arith.constant 0 : index
            %parallel_loop3A_239 = tpu.vector_load %arg15[%parallel_loop3A_237, %parallel_loop3A_238] {strides = array<i32>} : memref<64x128xf32, #tpu.memory_space<vmem>>, vector<16xf32>,
            tpu.vector_store %arg15[%parallel_loop3A_237, %parallel_loop3A_238], %parallel_loop3A_236 {strides = array<i32>} : memref<64x128xf32, #tpu.memory_space<vmem>>, vector<16xf32>,
            %parallel_loop3A_240 = arith.mulf %parallel_loop3A_235, %parallel_loop3A_229 : vector<16xf32>
            %parallel_loop3A_241 = arith.index_cast %parallel_loop3A_223 : i32 to index
            %parallel_loop3A_242 = arith.constant 16 : index
            %parallel_loop3A_243 = tpu.vector_load %arg15[%parallel_loop3A_241, %parallel_loop3A_242] {strides = array<i32>} : memref<64x128xf32, #tpu.memory_space<vmem>>, vector<16xf32>,
            tpu.vector_store %arg15[%parallel_loop3A_241, %parallel_loop3A_242], %parallel_loop3A_240 {strides = array<i32>} : memref<64x128xf32, #tpu.memory_space<vmem>>, vector<16xf32>,
            %parallel_loop3A_244 = arith.index_cast %parallel_loop3A_223 : i32 to index
            %parallel_loop3A_245 = arith.constant 16 : index
            %parallel_loop3A_246 = tpu.vector_load %arg11[%parallel_loop3A_244, %parallel_loop3A_245] {strides = array<i32>} : memref<64x64xi32, #tpu.memory_space<vmem>>, vector<16xi32>,
            %parallel_loop3A_247 = vector.bitcast %parallel_loop3A_246 : vector<16xi32> to vector<32xbf16>
            %parallel_loop3A_248 = tpu.unpack_subelements %parallel_loop3A_247, 0 {pack_format = #tpu.pack_format<interleaved>} : vector<32xbf16> -> vector<16xf32>
            %parallel_loop3A_249 = tpu.unpack_subelements %parallel_loop3A_247, 1 {pack_format = #tpu.pack_format<interleaved>} : vector<32xbf16> -> vector<16xf32>
            %parallel_loop3A_250 = arith.mulf %parallel_loop3A_248, %parallel_loop3A_229 : vector<16xf32>
            %parallel_loop3A_251 = arith.index_cast %parallel_loop3A_223 : i32 to index
            %parallel_loop3A_252 = arith.constant 32 : index
            %parallel_loop3A_253 = tpu.vector_load %arg15[%parallel_loop3A_251, %parallel_loop3A_252] {strides = array<i32>} : memref<64x128xf32, #tpu.memory_space<vmem>>, vector<16xf32>,
            tpu.vector_store %arg15[%parallel_loop3A_251, %parallel_loop3A_252], %parallel_loop3A_250 {strides = array<i32>} : memref<64x128xf32, #tpu.memory_space<vmem>>, vector<16xf32>,
            %parallel_loop3A_254 = arith.mulf %parallel_loop3A_249, %parallel_loop3A_229 : vector<16xf32>
            %parallel_loop3A_255 = arith.index_cast %parallel_loop3A_223 : i32 to index
            %parallel_loop3A_256 = arith.constant 48 : index
            %parallel_loop3A_257 = tpu.vector_load %arg15[%parallel_loop3A_255, %parallel_loop3A_256] {strides = array<i32>} : memref<64x128xf32, #tpu.memory_space<vmem>>, vector<16xf32>,
            tpu.vector_store %arg15[%parallel_loop3A_255, %parallel_loop3A_256], %parallel_loop3A_254 {strides = array<i32>} : memref<64x128xf32, #tpu.memory_space<vmem>>, vector<16xf32>,
            %parallel_loop3A_258 = arith.index_cast %parallel_loop3A_223 : i32 to index
            %parallel_loop3A_259 = arith.constant 32 : index
            %parallel_loop3A_260 = tpu.vector_load %arg11[%parallel_loop3A_258, %parallel_loop3A_259] {strides = array<i32>} : memref<64x64xi32, #tpu.memory_space<vmem>>, vector<16xi32>,
            %parallel_loop3A_261 = vector.bitcast %parallel_loop3A_260 : vector<16xi32> to vector<32xbf16>
            %parallel_loop3A_262 = tpu.unpack_subelements %parallel_loop3A_261, 0 {pack_format = #tpu.pack_format<interleaved>} : vector<32xbf16> -> vector<16xf32>
            %parallel_loop3A_263 = tpu.unpack_subelements %parallel_loop3A_261, 1 {pack_format = #tpu.pack_format<interleaved>} : vector<32xbf16> -> vector<16xf32>
            %parallel_loop3A_264 = arith.mulf %parallel_loop3A_262, %parallel_loop3A_229 : vector<16xf32>
            %parallel_loop3A_265 = arith.index_cast %parallel_loop3A_223 : i32 to index
            %parallel_loop3A_266 = arith.constant 64 : index
            %parallel_loop3A_267 = tpu.vector_load %arg15[%parallel_loop3A_265, %parallel_loop3A_266] {strides = array<i32>} : memref<64x128xf32, #tpu.memory_space<vmem>>, vector<16xf32>,
            tpu.vector_store %arg15[%parallel_loop3A_265, %parallel_loop3A_266], %parallel_loop3A_264 {strides = array<i32>} : memref<64x128xf32, #tpu.memory_space<vmem>>, vector<16xf32>,
            %parallel_loop3A_268 = arith.mulf %parallel_loop3A_263, %parallel_loop3A_229 : vector<16xf32>
            %parallel_loop3A_269 = arith.index_cast %parallel_loop3A_223 : i32 to index
            %parallel_loop3A_270 = arith.constant 80 : index
            %parallel_loop3A_271 = tpu.vector_load %arg15[%parallel_loop3A_269, %parallel_loop3A_270] {strides = array<i32>} : memref<64x128xf32, #tpu.memory_space<vmem>>, vector<16xf32>,
            tpu.vector_store %arg15[%parallel_loop3A_269, %parallel_loop3A_270], %parallel_loop3A_268 {strides = array<i32>} : memref<64x128xf32, #tpu.memory_space<vmem>>, vector<16xf32>,
            %parallel_loop3A_272 = arith.index_cast %parallel_loop3A_223 : i32 to index
            %parallel_loop3A_273 = arith.constant 48 : index
            %parallel_loop3A_274 = tpu.vector_load %arg11[%parallel_loop3A_272, %parallel_loop3A_273] {strides = array<i32>} : memref<64x64xi32, #tpu.memory_space<vmem>>, vector<16xi32>,
            %parallel_loop3A_275 = vector.bitcast %parallel_loop3A_274 : vector<16xi32> to vector<32xbf16>
            %parallel_loop3A_276 = tpu.unpack_subelements %parallel_loop3A_275, 0 {pack_format = #tpu.pack_format<interleaved>} : vector<32xbf16> -> vector<16xf32>
            %parallel_loop3A_277 = tpu.unpack_subelements %parallel_loop3A_275, 1 {pack_format = #tpu.pack_format<interleaved>} : vector<32xbf16> -> vector<16xf32>
            %parallel_loop3A_278 = arith.mulf %parallel_loop3A_276, %parallel_loop3A_229 : vector<16xf32>
            %parallel_loop3A_279 = arith.index_cast %parallel_loop3A_223 : i32 to index
            %parallel_loop3A_280 = arith.constant 96 : index
            %parallel_loop3A_281 = tpu.vector_load %arg15[%parallel_loop3A_279, %parallel_loop3A_280] {strides = array<i32>} : memref<64x128xf32, #tpu.memory_space<vmem>>, vector<16xf32>,
            tpu.vector_store %arg15[%parallel_loop3A_279, %parallel_loop3A_280], %parallel_loop3A_278 {strides = array<i32>} : memref<64x128xf32, #tpu.memory_space<vmem>>, vector<16xf32>,
            %parallel_loop3A_282 = arith.mulf %parallel_loop3A_277, %parallel_loop3A_229 : vector<16xf32>
            %parallel_loop3A_283 = arith.index_cast %parallel_loop3A_223 : i32 to index
            %parallel_loop3A_284 = arith.constant 112 : index
            %parallel_loop3A_285 = tpu.vector_load %arg15[%parallel_loop3A_283, %parallel_loop3A_284] {strides = array<i32>} : memref<64x128xf32, #tpu.memory_space<vmem>>, vector<16xf32>,
            tpu.vector_store %arg15[%parallel_loop3A_283, %parallel_loop3A_284], %parallel_loop3A_282 {strides = array<i32>} : memref<64x128xf32, #tpu.memory_space<vmem>>, vector<16xf32>,
          } {sc.loop_unroll_factor = 2 : i64, sc.parallel_access}
          %dma_start3A = arith.constant 0 : i32
          %dma_start3A_80 = tpu.memref_slice %arg9[%rem3A_42, %add3A_56, %dma_start3A] : memref<2x16x64xi32, #tpu.memory_space<vmem>> -> memref<1x1x64xi32, #tpu.memory_space<vmem>>
          %dma_start3A_81 = tpu.memref_squeeze %dma_start3A_80 : memref<1x1x64xi32, #tpu.memory_space<vmem>> -> memref<64xi32, #tpu.memory_space<vmem>>
          %dma_start3A_82 = arith.constant 0 : i32
          %dma_start3A_83 = arith.constant 0 : i32
          %dma_start3A_84 = tpu.memref_slice %arg17[%dma_start3A_82, %dma_start3A_83] : memref<10240x128xf32, #tpu.memory_space<vmem_shared>> -> memref<10240x128xf32, #tpu.memory_space<vmem_shared>>
          tpu.enqueue_indirect_dma source(%arg15 : memref<64x128xf32, #tpu.memory_space<vmem>>) target(%dma_start3A_84 : memref<10240x128xf32, #tpu.memory_space<vmem_shared>>) offsets(%dma_start3A_81 : memref<64xi32, #tpu.memory_space<vmem>>) semaphore(%arg22 : memref<!tpu.dma_semaphore, #tpu.memory_space<semaphore_mem>>) {add = true}
          %lt3A_85 = arith.constant 3 : i32
          %lt3A_86 = arith.cmpi slt, %add3A_52, %lt3A_85 : i32
          %convert_element_type3A_87 = arith.extui %lt3A_86 : i1 to i32
          %cond3A_88 = arith.constant 0 : i32
          %cond3A_89 = arith.cmpi ne, %convert_element_type3A_87, %cond3A_88 : i32
          scf.if %cond3A_89 {
            %add3A_223 = arith.constant 4 : i32
            %add3A_224 = arith.addi %add3A_56, %add3A_223 : i32
            %dma_start3A_225 = arith.constant 0 : i32
            %dma_start3A_226 = tpu.memref_slice %arg8[%rem3A_42, %add3A_224, %dma_start3A_225] : memref<2x16x64xi32, #tpu.memory_space<vmem>> -> memref<1x1x64xi32, #tpu.memory_space<vmem>>
            %dma_start3A_227 = tpu.memref_squeeze %dma_start3A_226 : memref<1x1x64xi32, #tpu.memory_space<vmem>> -> memref<64xi32, #tpu.memory_space<vmem>>
            %dma_start3A_228 = arith.constant 0 : i32
            %dma_start3A_229 = arith.constant 0 : i32
            %dma_start3A_230 = tpu.memref_slice %arg2[%dma_start3A_228, %dma_start3A_229] : memref<10000x64xi32, #tpu.memory_space<hbm>> -> memref<10000x64xi32, #tpu.memory_space<hbm>>
            tpu.enqueue_indirect_dma source(%dma_start3A_230 : memref<10000x64xi32, #tpu.memory_space<hbm>>) target(%arg11 : memref<64x64xi32, #tpu.memory_space<vmem>>) offsets(%dma_start3A_227 : memref<64xi32, #tpu.memory_space<vmem>>) semaphore(%arg18 : memref<!tpu.dma_semaphore, #tpu.memory_space<semaphore_mem>>)
          } else {
          }
          %eq3A_90 = arith.constant 3 : i32
          %eq3A_91 = arith.cmpi eq, %add3A_52, %eq3A_90 : i32
          %add3A_92 = arith.constant 1 : i32
          %add3A_93 = arith.addi %add3A_38, %add3A_92 : i32
          %lt3A_94 = arith.cmpi slt, %add3A_93, %select_n3A : i32
          %and3A_95 = arith.andi %eq3A_91, %lt3A_94 : i1
          %convert_element_type3A_96 = arith.extui %and3A_95 : i1 to i32
          %cond3A_97 = arith.constant 0 : i32
          %cond3A_98 = arith.cmpi ne, %convert_element_type3A_96, %cond3A_97 : i32
          scf.if %cond3A_98 {
            %sub3A = arith.constant 1 : i32
            %sub3A_223 = arith.subi %sub3A, %rem3A_42 : i32
            %dma_wait3A_224 = arith.constant 0 : i32
            %dma_wait3A_225 = arith.constant 0 : i32
            %dma_wait3A_226 = tpu.memref_slice %arg8[%sub3A_223, %dma_wait3A_224, %dma_wait3A_225] : memref<2x16x64xi32, #tpu.memory_space<vmem>> -> memref<1x16x64xi32, #tpu.memory_space<vmem>>
            %dma_wait3A_227 = tpu.memref_squeeze %dma_wait3A_226 : memref<1x16x64xi32, #tpu.memory_space<vmem>> -> memref<16x64xi32, #tpu.memory_space<vmem>>
            %dma_wait3A_228 = arith.constant 0 : i32
            %dma_wait3A_229 = arith.constant 0 : i32
            %dma_wait3A_230 = tpu.memref_slice %arg3[%select_n3A_8, %dma_wait3A_228, %dma_wait3A_229] : memref<320x16x64xi32, #tpu.memory_space<hbm>> -> memref<1x16x64xi32, #tpu.memory_space<hbm>>
            %dma_wait3A_231 = tpu.memref_squeeze %dma_wait3A_230 : memref<1x16x64xi32, #tpu.memory_space<hbm>> -> memref<16x64xi32, #tpu.memory_space<hbm>>
            %dma_wait3A_232 = arith.constant 0 : i32
            %dma_wait3A_233 = arith.constant 0 : i32
            %dma_wait3A_234 = tpu.memref_slice %arg8[%sub3A_223, %dma_wait3A_232, %dma_wait3A_233] : memref<2x16x64xi32, #tpu.memory_space<vmem>> -> memref<1x16x64xi32, #tpu.memory_space<vmem>>
            %dma_wait3A_235 = tpu.memref_squeeze %dma_wait3A_234 : memref<1x16x64xi32, #tpu.memory_space<vmem>> -> memref<16x64xi32, #tpu.memory_space<vmem>>
            %dma_wait3A_236 = arith.constant 0 : i32
            %dma_wait3A_237 = arith.constant 0 : i32
            %dma_wait3A_238 = tpu.memref_slice %arg3[%select_n3A_8, %dma_wait3A_236, %dma_wait3A_237] : memref<320x16x64xi32, #tpu.memory_space<hbm>> -> memref<1x16x64xi32, #tpu.memory_space<hbm>>
            %dma_wait3A_239 = tpu.memref_squeeze %dma_wait3A_238 : memref<1x16x64xi32, #tpu.memory_space<hbm>> -> memref<16x64xi32, #tpu.memory_space<hbm>>
            tpu.wait_dma2 semaphore(%arg24 : memref<!tpu.dma_semaphore, #tpu.memory_space<semaphore_mem>>) src(%dma_wait3A_239 : memref<16x64xi32, #tpu.memory_space<hbm>>) dst(%dma_wait3A_235 : memref<16x64xi32, #tpu.memory_space<vmem>>)
            %dma_wait3A_240 = arith.constant 0 : i32
            %dma_wait3A_241 = arith.constant 0 : i32
            %dma_wait3A_242 = tpu.memref_slice %arg9[%sub3A_223, %dma_wait3A_240, %dma_wait3A_241] : memref<2x16x64xi32, #tpu.memory_space<vmem>> -> memref<1x16x64xi32, #tpu.memory_space<vmem>>
            %dma_wait3A_243 = tpu.memref_squeeze %dma_wait3A_242 : memref<1x16x64xi32, #tpu.memory_space<vmem>> -> memref<16x64xi32, #tpu.memory_space<vmem>>
            %dma_wait3A_244 = arith.constant 0 : i32
            %dma_wait3A_245 = arith.constant 0 : i32
            %dma_wait3A_246 = tpu.memref_slice %arg4[%select_n3A_8, %dma_wait3A_244, %dma_wait3A_245] : memref<320x16x64xi32, #tpu.memory_space<hbm>> -> memref<1x16x64xi32, #tpu.memory_space<hbm>>
            %dma_wait3A_247 = tpu.memref_squeeze %dma_wait3A_246 : memref<1x16x64xi32, #tpu.memory_space<hbm>> -> memref<16x64xi32, #tpu.memory_space<hbm>>
            %dma_wait3A_248 = arith.constant 0 : i32
            %dma_wait3A_249 = arith.constant 0 : i32
            %dma_wait3A_250 = tpu.memref_slice %arg9[%sub3A_223, %dma_wait3A_248, %dma_wait3A_249] : memref<2x16x64xi32, #tpu.memory_space<vmem>> -> memref<1x16x64xi32, #tpu.memory_space<vmem>>
            %dma_wait3A_251 = tpu.memref_squeeze %dma_wait3A_250 : memref<1x16x64xi32, #tpu.memory_space<vmem>> -> memref<16x64xi32, #tpu.memory_space<vmem>>
            %dma_wait3A_252 = arith.constant 0 : i32
            %dma_wait3A_253 = arith.constant 0 : i32
            %dma_wait3A_254 = tpu.memref_slice %arg4[%select_n3A_8, %dma_wait3A_252, %dma_wait3A_253] : memref<320x16x64xi32, #tpu.memory_space<hbm>> -> memref<1x16x64xi32, #tpu.memory_space<hbm>>
            %dma_wait3A_255 = tpu.memref_squeeze %dma_wait3A_254 : memref<1x16x64xi32, #tpu.memory_space<hbm>> -> memref<16x64xi32, #tpu.memory_space<hbm>>
            tpu.wait_dma2 semaphore(%arg24 : memref<!tpu.dma_semaphore, #tpu.memory_space<semaphore_mem>>) src(%dma_wait3A_255 : memref<16x64xi32, #tpu.memory_space<hbm>>) dst(%dma_wait3A_251 : memref<16x64xi32, #tpu.memory_space<vmem>>)
            %dma_wait3A_256 = arith.constant 0 : i32
            %dma_wait3A_257 = tpu.memref_slice %arg10[%sub3A_223, %dma_wait3A_256] : memref<2x1024xf32, #tpu.memory_space<vmem>> -> memref<1x1024xf32, #tpu.memory_space<vmem>>
            %dma_wait3A_258 = tpu.memref_squeeze %dma_wait3A_257 : memref<1x1024xf32, #tpu.memory_space<vmem>> -> memref<1024xf32, #tpu.memory_space<vmem>>
            %dma_wait3A_259 = arith.constant 0 : i32
            %dma_wait3A_260 = tpu.memref_slice %arg5[%select_n3A_8, %dma_wait3A_259] : memref<320x1024xf32, #tpu.memory_space<hbm>> -> memref<1x1024xf32, #tpu.memory_space<hbm>>
            %dma_wait3A_261 = tpu.memref_squeeze %dma_wait3A_260 : memref<1x1024xf32, #tpu.memory_space<hbm>> -> memref<1024xf32, #tpu.memory_space<hbm>>
            %dma_wait3A_262 = arith.constant 0 : i32
            %dma_wait3A_263 = tpu.memref_slice %arg10[%sub3A_223, %dma_wait3A_262] : memref<2x1024xf32, #tpu.memory_space<vmem>> -> memref<1x1024xf32, #tpu.memory_space<vmem>>
            %dma_wait3A_264 = tpu.memref_squeeze %dma_wait3A_263 : memref<1x1024xf32, #tpu.memory_space<vmem>> -> memref<1024xf32, #tpu.memory_space<vmem>>
            %dma_wait3A_265 = arith.constant 0 : i32
            %dma_wait3A_266 = tpu.memref_slice %arg5[%select_n3A_8, %dma_wait3A_265] : memref<320x1024xf32, #tpu.memory_space<hbm>> -> memref<1x1024xf32, #tpu.memory_space<hbm>>
            %dma_wait3A_267 = tpu.memref_squeeze %dma_wait3A_266 : memref<1x1024xf32, #tpu.memory_space<hbm>> -> memref<1024xf32, #tpu.memory_space<hbm>>
            tpu.wait_dma2 semaphore(%arg24 : memref<!tpu.dma_semaphore, #tpu.memory_space<semaphore_mem>>) src(%dma_wait3A_267 : memref<1024xf32, #tpu.memory_space<hbm>>) dst(%dma_wait3A_264 : memref<1024xf32, #tpu.memory_space<vmem>>)
            %sub3A_268 = arith.constant 1 : i32
            %sub3A_269 = arith.subi %sub3A_268, %rem3A_42 : i32
            %dma_start3A_270 = arith.constant 0 : i32
            %dma_start3A_271 = arith.constant 0 : i32
            %dma_start3A_272 = tpu.memref_slice %arg8[%sub3A_269, %dma_start3A_270, %dma_start3A_271] : memref<2x16x64xi32, #tpu.memory_space<vmem>> -> memref<1x1x64xi32, #tpu.memory_space<vmem>>
            %dma_start3A_273 = tpu.memref_squeeze %dma_start3A_272 : memref<1x1x64xi32, #tpu.memory_space<vmem>> -> memref<64xi32, #tpu.memory_space<vmem>>
            %dma_start3A_274 = arith.constant 0 : i32
            %dma_start3A_275 = arith.constant 0 : i32
            %dma_start3A_276 = tpu.memref_slice %arg2[%dma_start3A_274, %dma_start3A_275] : memref<10000x64xi32, #tpu.memory_space<hbm>> -> memref<10000x64xi32, #tpu.memory_space<hbm>>
            tpu.enqueue_indirect_dma source(%dma_start3A_276 : memref<10000x64xi32, #tpu.memory_space<hbm>>) target(%arg11 : memref<64x64xi32, #tpu.memory_space<vmem>>) offsets(%dma_start3A_273 : memref<64xi32, #tpu.memory_space<vmem>>) semaphore(%arg18 : memref<!tpu.dma_semaphore, #tpu.memory_space<semaphore_mem>>)
          } else {
          }
          %mul3A_99 = arith.constant 4 : i32
          %mul3A_100 = arith.muli %add3A_52, %mul3A_99 : i32
          %add3A_101 = arith.constant 1 : i32
          %add3A_102 = arith.addi %mul3A_100, %add3A_101 : i32
          %dma_wait3A_103 = arith.constant 0 : i32
          %dma_wait3A_104 = arith.constant 0 : i32
          %dma_wait3A_105 = tpu.memref_slice %arg8[%rem3A_42, %dma_wait3A_103, %dma_wait3A_104] : memref<2x16x64xi32, #tpu.memory_space<vmem>> -> memref<1x1x64xi32, #tpu.memory_space<vmem>>
          %dma_wait3A_106 = tpu.memref_squeeze %dma_wait3A_105 : memref<1x1x64xi32, #tpu.memory_space<vmem>> -> memref<64xi32, #tpu.memory_space<vmem>>
          %dma_wait3A_107 = arith.constant 0 : i32
          %dma_wait3A_108 = arith.constant 0 : i32
          %dma_wait3A_109 = tpu.memref_slice %arg2[%dma_wait3A_107, %dma_wait3A_108] : memref<10000x64xi32, #tpu.memory_space<hbm>> -> memref<10000x64xi32, #tpu.memory_space<hbm>>
          tpu.wait_indirect_dma semaphore(%arg19 : memref<!tpu.dma_semaphore, #tpu.memory_space<semaphore_mem>>) src(%dma_wait3A_109 : memref<10000x64xi32, #tpu.memory_space<hbm>>) dst(%arg12 : memref<64x64xi32, #tpu.memory_space<vmem>>)
          %gt3A_110 = arith.constant 0 : i32
          %gt3A_111 = arith.cmpi sgt, %add3A_38, %gt3A_110 : i32
          %gt3A_112 = arith.constant 0 : i32
          %gt3A_113 = arith.cmpi sgt, %add3A_52, %gt3A_112 : i32
          %or3A_114 = arith.ori %gt3A_111, %gt3A_113 : i1
          %convert_element_type3A_115 = arith.extui %or3A_114 : i1 to i32
          %cond3A_116 = arith.constant 0 : i32
          %cond3A_117 = arith.cmpi ne, %convert_element_type3A_115, %cond3A_116 : i32
          scf.if %cond3A_117 {
            %dma_wait3A_223 = arith.constant 0 : i32
            %dma_wait3A_224 = arith.constant 0 : i32
            %dma_wait3A_225 = tpu.memref_slice %arg9[%rem3A_42, %dma_wait3A_223, %dma_wait3A_224] : memref<2x16x64xi32, #tpu.memory_space<vmem>> -> memref<1x1x64xi32, #tpu.memory_space<vmem>>
            %dma_wait3A_226 = tpu.memref_squeeze %dma_wait3A_225 : memref<1x1x64xi32, #tpu.memory_space<vmem>> -> memref<64xi32, #tpu.memory_space<vmem>>
            %dma_wait3A_227 = arith.constant 0 : i32
            %dma_wait3A_228 = arith.constant 0 : i32
            %dma_wait3A_229 = tpu.memref_slice %arg17[%dma_wait3A_227, %dma_wait3A_228] : memref<10240x128xf32, #tpu.memory_space<vmem_shared>> -> memref<10240x128xf32, #tpu.memory_space<vmem_shared>>
            tpu.wait_indirect_dma semaphore(%arg23 : memref<!tpu.dma_semaphore, #tpu.memory_space<semaphore_mem>>) src(%arg16 : memref<64x128xf32, #tpu.memory_space<vmem>>) dst(%dma_wait3A_229 : memref<10240x128xf32, #tpu.memory_space<vmem_shared>>)
          } else {
          }
          %parallel_loop3A_118 = arith.constant 0 : i32
          %parallel_loop3A_119 = arith.constant 64 : i32
          %parallel_loop3A_120 = arith.constant 1 : i32
          scf.for %parallel_loop3A_223 = %parallel_loop3A_118 to %parallel_loop3A_119 step %parallel_loop3A_120  : i32 {
            %parallel_loop3A_224 = vector.broadcast %rem3A_42 : i32 to vector<16xi32>
            %parallel_loop3A_225 = arith.constant 64 : i32
            %parallel_loop3A_226 = arith.muli %add3A_102, %parallel_loop3A_225 : i32
            %parallel_loop3A_227 = arith.addi %parallel_loop3A_226, %parallel_loop3A_223 : i32
            %parallel_loop3A_228 = vector.broadcast %parallel_loop3A_227 : i32 to vector<16xi32>
            %parallel_loop3A_229 = tpu.vector_load_idx %arg10[%parallel_loop3A_224, %parallel_loop3A_228] : memref<2x1024xf32, #tpu.memory_space<vmem>>[vector<16xi32>, vector<16xi32>], vector<16xf32>,
            %parallel_loop3A_230 = arith.index_cast %parallel_loop3A_223 : i32 to index
            %parallel_loop3A_231 = arith.constant 0 : index
            %parallel_loop3A_232 = tpu.vector_load %arg12[%parallel_loop3A_230, %parallel_loop3A_231] {strides = array<i32>} : memref<64x64xi32, #tpu.memory_space<vmem>>, vector<16xi32>,
            %parallel_loop3A_233 = vector.bitcast %parallel_loop3A_232 : vector<16xi32> to vector<32xbf16>
            %parallel_loop3A_234 = tpu.unpack_subelements %parallel_loop3A_233, 0 {pack_format = #tpu.pack_format<interleaved>} : vector<32xbf16> -> vector<16xf32>
            %parallel_loop3A_235 = tpu.unpack_subelements %parallel_loop3A_233, 1 {pack_format = #tpu.pack_format<interleaved>} : vector<32xbf16> -> vector<16xf32>
            %parallel_loop3A_236 = arith.mulf %parallel_loop3A_234, %parallel_loop3A_229 : vector<16xf32>
            %parallel_loop3A_237 = arith.index_cast %parallel_loop3A_223 : i32 to index
            %parallel_loop3A_238 = arith.constant 0 : index
            %parallel_loop3A_239 = tpu.vector_load %arg16[%parallel_loop3A_237, %parallel_loop3A_238] {strides = array<i32>} : memref<64x128xf32, #tpu.memory_space<vmem>>, vector<16xf32>,
            tpu.vector_store %arg16[%parallel_loop3A_237, %parallel_loop3A_238], %parallel_loop3A_236 {strides = array<i32>} : memref<64x128xf32, #tpu.memory_space<vmem>>, vector<16xf32>,
            %parallel_loop3A_240 = arith.mulf %parallel_loop3A_235, %parallel_loop3A_229 : vector<16xf32>
            %parallel_loop3A_241 = arith.index_cast %parallel_loop3A_223 : i32 to index
            %parallel_loop3A_242 = arith.constant 16 : index
            %parallel_loop3A_243 = tpu.vector_load %arg16[%parallel_loop3A_241, %parallel_loop3A_242] {strides = array<i32>} : memref<64x128xf32, #tpu.memory_space<vmem>>, vector<16xf32>,
            tpu.vector_store %arg16[%parallel_loop3A_241, %parallel_loop3A_242], %parallel_loop3A_240 {strides = array<i32>} : memref<64x128xf32, #tpu.memory_space<vmem>>, vector<16xf32>,
            %parallel_loop3A_244 = arith.index_cast %parallel_loop3A_223 : i32 to index
            %parallel_loop3A_245 = arith.constant 16 : index
            %parallel_loop3A_246 = tpu.vector_load %arg12[%parallel_loop3A_244, %parallel_loop3A_245] {strides = array<i32>} : memref<64x64xi32, #tpu.memory_space<vmem>>, vector<16xi32>,
            %parallel_loop3A_247 = vector.bitcast %parallel_loop3A_246 : vector<16xi32> to vector<32xbf16>
            %parallel_loop3A_248 = tpu.unpack_subelements %parallel_loop3A_247, 0 {pack_format = #tpu.pack_format<interleaved>} : vector<32xbf16> -> vector<16xf32>
            %parallel_loop3A_249 = tpu.unpack_subelements %parallel_loop3A_247, 1 {pack_format = #tpu.pack_format<interleaved>} : vector<32xbf16> -> vector<16xf32>
            %parallel_loop3A_250 = arith.mulf %parallel_loop3A_248, %parallel_loop3A_229 : vector<16xf32>
            %parallel_loop3A_251 = arith.index_cast %parallel_loop3A_223 : i32 to index
            %parallel_loop3A_252 = arith.constant 32 : index
            %parallel_loop3A_253 = tpu.vector_load %arg16[%parallel_loop3A_251, %parallel_loop3A_252] {strides = array<i32>} : memref<64x128xf32, #tpu.memory_space<vmem>>, vector<16xf32>,
            tpu.vector_store %arg16[%parallel_loop3A_251, %parallel_loop3A_252], %parallel_loop3A_250 {strides = array<i32>} : memref<64x128xf32, #tpu.memory_space<vmem>>, vector<16xf32>,
            %parallel_loop3A_254 = arith.mulf %parallel_loop3A_249, %parallel_loop3A_229 : vector<16xf32>
            %parallel_loop3A_255 = arith.index_cast %parallel_loop3A_223 : i32 to index
            %parallel_loop3A_256 = arith.constant 48 : index
            %parallel_loop3A_257 = tpu.vector_load %arg16[%parallel_loop3A_255, %parallel_loop3A_256] {strides = array<i32>} : memref<64x128xf32, #tpu.memory_space<vmem>>, vector<16xf32>,
            tpu.vector_store %arg16[%parallel_loop3A_255, %parallel_loop3A_256], %parallel_loop3A_254 {strides = array<i32>} : memref<64x128xf32, #tpu.memory_space<vmem>>, vector<16xf32>,
            %parallel_loop3A_258 = arith.index_cast %parallel_loop3A_223 : i32 to index
            %parallel_loop3A_259 = arith.constant 32 : index
            %parallel_loop3A_260 = tpu.vector_load %arg12[%parallel_loop3A_258, %parallel_loop3A_259] {strides = array<i32>} : memref<64x64xi32, #tpu.memory_space<vmem>>, vector<16xi32>,
            %parallel_loop3A_261 = vector.bitcast %parallel_loop3A_260 : vector<16xi32> to vector<32xbf16>
            %parallel_loop3A_262 = tpu.unpack_subelements %parallel_loop3A_261, 0 {pack_format = #tpu.pack_format<interleaved>} : vector<32xbf16> -> vector<16xf32>
            %parallel_loop3A_263 = tpu.unpack_subelements %parallel_loop3A_261, 1 {pack_format = #tpu.pack_format<interleaved>} : vector<32xbf16> -> vector<16xf32>
            %parallel_loop3A_264 = arith.mulf %parallel_loop3A_262, %parallel_loop3A_229 : vector<16xf32>
            %parallel_loop3A_265 = arith.index_cast %parallel_loop3A_223 : i32 to index
            %parallel_loop3A_266 = arith.constant 64 : index
            %parallel_loop3A_267 = tpu.vector_load %arg16[%parallel_loop3A_265, %parallel_loop3A_266] {strides = array<i32>} : memref<64x128xf32, #tpu.memory_space<vmem>>, vector<16xf32>,
            tpu.vector_store %arg16[%parallel_loop3A_265, %parallel_loop3A_266], %parallel_loop3A_264 {strides = array<i32>} : memref<64x128xf32, #tpu.memory_space<vmem>>, vector<16xf32>,
            %parallel_loop3A_268 = arith.mulf %parallel_loop3A_263, %parallel_loop3A_229 : vector<16xf32>
            %parallel_loop3A_269 = arith.index_cast %parallel_loop3A_223 : i32 to index
            %parallel_loop3A_270 = arith.constant 80 : index
            %parallel_loop3A_271 = tpu.vector_load %arg16[%parallel_loop3A_269, %parallel_loop3A_270] {strides = array<i32>} : memref<64x128xf32, #tpu.memory_space<vmem>>, vector<16xf32>,
            tpu.vector_store %arg16[%parallel_loop3A_269, %parallel_loop3A_270], %parallel_loop3A_268 {strides = array<i32>} : memref<64x128xf32, #tpu.memory_space<vmem>>, vector<16xf32>,
            %parallel_loop3A_272 = arith.index_cast %parallel_loop3A_223 : i32 to index
            %parallel_loop3A_273 = arith.constant 48 : index
            %parallel_loop3A_274 = tpu.vector_load %arg12[%parallel_loop3A_272, %parallel_loop3A_273] {strides = array<i32>} : memref<64x64xi32, #tpu.memory_space<vmem>>, vector<16xi32>,
            %parallel_loop3A_275 = vector.bitcast %parallel_loop3A_274 : vector<16xi32> to vector<32xbf16>
            %parallel_loop3A_276 = tpu.unpack_subelements %parallel_loop3A_275, 0 {pack_format = #tpu.pack_format<interleaved>} : vector<32xbf16> -> vector<16xf32>
            %parallel_loop3A_277 = tpu.unpack_subelements %parallel_loop3A_275, 1 {pack_format = #tpu.pack_format<interleaved>} : vector<32xbf16> -> vector<16xf32>
            %parallel_loop3A_278 = arith.mulf %parallel_loop3A_276, %parallel_loop3A_229 : vector<16xf32>
            %parallel_loop3A_279 = arith.index_cast %parallel_loop3A_223 : i32 to index
            %parallel_loop3A_280 = arith.constant 96 : index
            %parallel_loop3A_281 = tpu.vector_load %arg16[%parallel_loop3A_279, %parallel_loop3A_280] {strides = array<i32>} : memref<64x128xf32, #tpu.memory_space<vmem>>, vector<16xf32>,
            tpu.vector_store %arg16[%parallel_loop3A_279, %parallel_loop3A_280], %parallel_loop3A_278 {strides = array<i32>} : memref<64x128xf32, #tpu.memory_space<vmem>>, vector<16xf32>,
            %parallel_loop3A_282 = arith.mulf %parallel_loop3A_277, %parallel_loop3A_229 : vector<16xf32>
            %parallel_loop3A_283 = arith.index_cast %parallel_loop3A_223 : i32 to index
            %parallel_loop3A_284 = arith.constant 112 : index
            %parallel_loop3A_285 = tpu.vector_load %arg16[%parallel_loop3A_283, %parallel_loop3A_284] {strides = array<i32>} : memref<64x128xf32, #tpu.memory_space<vmem>>, vector<16xf32>,
            tpu.vector_store %arg16[%parallel_loop3A_283, %parallel_loop3A_284], %parallel_loop3A_282 {strides = array<i32>} : memref<64x128xf32, #tpu.memory_space<vmem>>, vector<16xf32>,
          } {sc.loop_unroll_factor = 2 : i64, sc.parallel_access}
          %dma_start3A_121 = arith.constant 0 : i32
          %dma_start3A_122 = tpu.memref_slice %arg9[%rem3A_42, %add3A_102, %dma_start3A_121] : memref<2x16x64xi32, #tpu.memory_space<vmem>> -> memref<1x1x64xi32, #tpu.memory_space<vmem>>
          %dma_start3A_123 = tpu.memref_squeeze %dma_start3A_122 : memref<1x1x64xi32, #tpu.memory_space<vmem>> -> memref<64xi32, #tpu.memory_space<vmem>>
          %dma_start3A_124 = arith.constant 0 : i32
          %dma_start3A_125 = arith.constant 0 : i32
          %dma_start3A_126 = tpu.memref_slice %arg17[%dma_start3A_124, %dma_start3A_125] : memref<10240x128xf32, #tpu.memory_space<vmem_shared>> -> memref<10240x128xf32, #tpu.memory_space<vmem_shared>>
          tpu.enqueue_indirect_dma source(%arg16 : memref<64x128xf32, #tpu.memory_space<vmem>>) target(%dma_start3A_126 : memref<10240x128xf32, #tpu.memory_space<vmem_shared>>) offsets(%dma_start3A_123 : memref<64xi32, #tpu.memory_space<vmem>>) semaphore(%arg23 : memref<!tpu.dma_semaphore, #tpu.memory_space<semaphore_mem>>) {add = true}
          %lt3A_127 = arith.constant 3 : i32
          %lt3A_128 = arith.cmpi slt, %add3A_52, %lt3A_127 : i32
          %convert_element_type3A_129 = arith.extui %lt3A_128 : i1 to i32
          %cond3A_130 = arith.constant 0 : i32
          %cond3A_131 = arith.cmpi ne, %convert_element_type3A_129, %cond3A_130 : i32
          scf.if %cond3A_131 {
            %add3A_223 = arith.constant 4 : i32
            %add3A_224 = arith.addi %add3A_102, %add3A_223 : i32
            %dma_start3A_225 = arith.constant 0 : i32
            %dma_start3A_226 = tpu.memref_slice %arg8[%rem3A_42, %add3A_224, %dma_start3A_225] : memref<2x16x64xi32, #tpu.memory_space<vmem>> -> memref<1x1x64xi32, #tpu.memory_space<vmem>>
            %dma_start3A_227 = tpu.memref_squeeze %dma_start3A_226 : memref<1x1x64xi32, #tpu.memory_space<vmem>> -> memref<64xi32, #tpu.memory_space<vmem>>
            %dma_start3A_228 = arith.constant 0 : i32
            %dma_start3A_229 = arith.constant 0 : i32
            %dma_start3A_230 = tpu.memref_slice %arg2[%dma_start3A_228, %dma_start3A_229] : memref<10000x64xi32, #tpu.memory_space<hbm>> -> memref<10000x64xi32, #tpu.memory_space<hbm>>
            tpu.enqueue_indirect_dma source(%dma_start3A_230 : memref<10000x64xi32, #tpu.memory_space<hbm>>) target(%arg12 : memref<64x64xi32, #tpu.memory_space<vmem>>) offsets(%dma_start3A_227 : memref<64xi32, #tpu.memory_space<vmem>>) semaphore(%arg19 : memref<!tpu.dma_semaphore, #tpu.memory_space<semaphore_mem>>)
          } else {
          }
          %eq3A_132 = arith.constant 3 : i32
          %eq3A_133 = arith.cmpi eq, %add3A_52, %eq3A_132 : i32
          %add3A_134 = arith.constant 1 : i32
          %add3A_135 = arith.addi %add3A_38, %add3A_134 : i32
          %lt3A_136 = arith.cmpi slt, %add3A_135, %select_n3A : i32
          %and3A_137 = arith.andi %eq3A_133, %lt3A_136 : i1
          %convert_element_type3A_138 = arith.extui %and3A_137 : i1 to i32
          %cond3A_139 = arith.constant 0 : i32
          %cond3A_140 = arith.cmpi ne, %convert_element_type3A_138, %cond3A_139 : i32
          scf.if %cond3A_140 {
            %sub3A = arith.constant 1 : i32
            %sub3A_223 = arith.subi %sub3A, %rem3A_42 : i32
            %dma_start3A_224 = arith.constant 1 : i32
            %dma_start3A_225 = arith.constant 0 : i32
            %dma_start3A_226 = tpu.memref_slice %arg8[%sub3A_223, %dma_start3A_224, %dma_start3A_225] : memref<2x16x64xi32, #tpu.memory_space<vmem>> -> memref<1x1x64xi32, #tpu.memory_space<vmem>>
            %dma_start3A_227 = tpu.memref_squeeze %dma_start3A_226 : memref<1x1x64xi32, #tpu.memory_space<vmem>> -> memref<64xi32, #tpu.memory_space<vmem>>
            %dma_start3A_228 = arith.constant 0 : i32
            %dma_start3A_229 = arith.constant 0 : i32
            %dma_start3A_230 = tpu.memref_slice %arg2[%dma_start3A_228, %dma_start3A_229] : memref<10000x64xi32, #tpu.memory_space<hbm>> -> memref<10000x64xi32, #tpu.memory_space<hbm>>
            tpu.enqueue_indirect_dma source(%dma_start3A_230 : memref<10000x64xi32, #tpu.memory_space<hbm>>) target(%arg12 : memref<64x64xi32, #tpu.memory_space<vmem>>) offsets(%dma_start3A_227 : memref<64xi32, #tpu.memory_space<vmem>>) semaphore(%arg19 : memref<!tpu.dma_semaphore, #tpu.memory_space<semaphore_mem>>)
          } else {
          }
          %mul3A_141 = arith.constant 4 : i32
          %mul3A_142 = arith.muli %add3A_52, %mul3A_141 : i32
          %add3A_143 = arith.constant 2 : i32
          %add3A_144 = arith.addi %mul3A_142, %add3A_143 : i32
          %dma_wait3A_145 = arith.constant 0 : i32
          %dma_wait3A_146 = arith.constant 0 : i32
          %dma_wait3A_147 = tpu.memref_slice %arg8[%rem3A_42, %dma_wait3A_145, %dma_wait3A_146] : memref<2x16x64xi32, #tpu.memory_space<vmem>> -> memref<1x1x64xi32, #tpu.memory_space<vmem>>
          %dma_wait3A_148 = tpu.memref_squeeze %dma_wait3A_147 : memref<1x1x64xi32, #tpu.memory_space<vmem>> -> memref<64xi32, #tpu.memory_space<vmem>>
          %dma_wait3A_149 = arith.constant 0 : i32
          %dma_wait3A_150 = arith.constant 0 : i32
          %dma_wait3A_151 = tpu.memref_slice %arg2[%dma_wait3A_149, %dma_wait3A_150] : memref<10000x64xi32, #tpu.memory_space<hbm>> -> memref<10000x64xi32, #tpu.memory_space<hbm>>
          tpu.wait_indirect_dma semaphore(%arg20 : memref<!tpu.dma_semaphore, #tpu.memory_space<semaphore_mem>>) src(%dma_wait3A_151 : memref<10000x64xi32, #tpu.memory_space<hbm>>) dst(%arg13 : memref<64x64xi32, #tpu.memory_space<vmem>>)
          %dma_wait3A_152 = arith.constant 0 : i32
          %dma_wait3A_153 = arith.constant 0 : i32
          %dma_wait3A_154 = tpu.memref_slice %arg9[%rem3A_42, %dma_wait3A_152, %dma_wait3A_153] : memref<2x16x64xi32, #tpu.memory_space<vmem>> -> memref<1x1x64xi32, #tpu.memory_space<vmem>>
          %dma_wait3A_155 = tpu.memref_squeeze %dma_wait3A_154 : memref<1x1x64xi32, #tpu.memory_space<vmem>> -> memref<64xi32, #tpu.memory_space<vmem>>
          %dma_wait3A_156 = arith.constant 0 : i32
          %dma_wait3A_157 = arith.constant 0 : i32
          %dma_wait3A_158 = tpu.memref_slice %arg17[%dma_wait3A_156, %dma_wait3A_157] : memref<10240x128xf32, #tpu.memory_space<vmem_shared>> -> memref<10240x128xf32, #tpu.memory_space<vmem_shared>>
          tpu.wait_indirect_dma semaphore(%arg22 : memref<!tpu.dma_semaphore, #tpu.memory_space<semaphore_mem>>) src(%arg15 : memref<64x128xf32, #tpu.memory_space<vmem>>) dst(%dma_wait3A_158 : memref<10240x128xf32, #tpu.memory_space<vmem_shared>>)
          %parallel_loop3A_159 = arith.constant 0 : i32
          %parallel_loop3A_160 = arith.constant 64 : i32
          %parallel_loop3A_161 = arith.constant 1 : i32
          scf.for %parallel_loop3A_223 = %parallel_loop3A_159 to %parallel_loop3A_160 step %parallel_loop3A_161  : i32 {
            %parallel_loop3A_224 = vector.broadcast %rem3A_42 : i32 to vector<16xi32>
            %parallel_loop3A_225 = arith.constant 64 : i32
            %parallel_loop3A_226 = arith.muli %add3A_144, %parallel_loop3A_225 : i32
            %parallel_loop3A_227 = arith.addi %parallel_loop3A_226, %parallel_loop3A_223 : i32
            %parallel_loop3A_228 = vector.broadcast %parallel_loop3A_227 : i32 to vector<16xi32>
            %parallel_loop3A_229 = tpu.vector_load_idx %arg10[%parallel_loop3A_224, %parallel_loop3A_228] : memref<2x1024xf32, #tpu.memory_space<vmem>>[vector<16xi32>, vector<16xi32>], vector<16xf32>,
            %parallel_loop3A_230 = arith.index_cast %parallel_loop3A_223 : i32 to index
            %parallel_loop3A_231 = arith.constant 0 : index
            %parallel_loop3A_232 = tpu.vector_load %arg13[%parallel_loop3A_230, %parallel_loop3A_231] {strides = array<i32>} : memref<64x64xi32, #tpu.memory_space<vmem>>, vector<16xi32>,
            %parallel_loop3A_233 = vector.bitcast %parallel_loop3A_232 : vector<16xi32> to vector<32xbf16>
            %parallel_loop3A_234 = tpu.unpack_subelements %parallel_loop3A_233, 0 {pack_format = #tpu.pack_format<interleaved>} : vector<32xbf16> -> vector<16xf32>
            %parallel_loop3A_235 = tpu.unpack_subelements %parallel_loop3A_233, 1 {pack_format = #tpu.pack_format<interleaved>} : vector<32xbf16> -> vector<16xf32>
            %parallel_loop3A_236 = arith.mulf %parallel_loop3A_234, %parallel_loop3A_229 : vector<16xf32>
            %parallel_loop3A_237 = arith.index_cast %parallel_loop3A_223 : i32 to index
            %parallel_loop3A_238 = arith.constant 0 : index
            %parallel_loop3A_239 = tpu.vector_load %arg15[%parallel_loop3A_237, %parallel_loop3A_238] {strides = array<i32>} : memref<64x128xf32, #tpu.memory_space<vmem>>, vector<16xf32>,
            tpu.vector_store %arg15[%parallel_loop3A_237, %parallel_loop3A_238], %parallel_loop3A_236 {strides = array<i32>} : memref<64x128xf32, #tpu.memory_space<vmem>>, vector<16xf32>,
            %parallel_loop3A_240 = arith.mulf %parallel_loop3A_235, %parallel_loop3A_229 : vector<16xf32>
            %parallel_loop3A_241 = arith.index_cast %parallel_loop3A_223 : i32 to index
            %parallel_loop3A_242 = arith.constant 16 : index
            %parallel_loop3A_243 = tpu.vector_load %arg15[%parallel_loop3A_241, %parallel_loop3A_242] {strides = array<i32>} : memref<64x128xf32, #tpu.memory_space<vmem>>, vector<16xf32>,
            tpu.vector_store %arg15[%parallel_loop3A_241, %parallel_loop3A_242], %parallel_loop3A_240 {strides = array<i32>} : memref<64x128xf32, #tpu.memory_space<vmem>>, vector<16xf32>,
            %parallel_loop3A_244 = arith.index_cast %parallel_loop3A_223 : i32 to index
            %parallel_loop3A_245 = arith.constant 16 : index
            %parallel_loop3A_246 = tpu.vector_load %arg13[%parallel_loop3A_244, %parallel_loop3A_245] {strides = array<i32>} : memref<64x64xi32, #tpu.memory_space<vmem>>, vector<16xi32>,
            %parallel_loop3A_247 = vector.bitcast %parallel_loop3A_246 : vector<16xi32> to vector<32xbf16>
            %parallel_loop3A_248 = tpu.unpack_subelements %parallel_loop3A_247, 0 {pack_format = #tpu.pack_format<interleaved>} : vector<32xbf16> -> vector<16xf32>
            %parallel_loop3A_249 = tpu.unpack_subelements %parallel_loop3A_247, 1 {pack_format = #tpu.pack_format<interleaved>} : vector<32xbf16> -> vector<16xf32>
            %parallel_loop3A_250 = arith.mulf %parallel_loop3A_248, %parallel_loop3A_229 : vector<16xf32>
            %parallel_loop3A_251 = arith.index_cast %parallel_loop3A_223 : i32 to index
            %parallel_loop3A_252 = arith.constant 32 : index
            %parallel_loop3A_253 = tpu.vector_load %arg15[%parallel_loop3A_251, %parallel_loop3A_252] {strides = array<i32>} : memref<64x128xf32, #tpu.memory_space<vmem>>, vector<16xf32>,
            tpu.vector_store %arg15[%parallel_loop3A_251, %parallel_loop3A_252], %parallel_loop3A_250 {strides = array<i32>} : memref<64x128xf32, #tpu.memory_space<vmem>>, vector<16xf32>,
            %parallel_loop3A_254 = arith.mulf %parallel_loop3A_249, %parallel_loop3A_229 : vector<16xf32>
            %parallel_loop3A_255 = arith.index_cast %parallel_loop3A_223 : i32 to index
            %parallel_loop3A_256 = arith.constant 48 : index
            %parallel_loop3A_257 = tpu.vector_load %arg15[%parallel_loop3A_255, %parallel_loop3A_256] {strides = array<i32>} : memref<64x128xf32, #tpu.memory_space<vmem>>, vector<16xf32>,
            tpu.vector_store %arg15[%parallel_loop3A_255, %parallel_loop3A_256], %parallel_loop3A_254 {strides = array<i32>} : memref<64x128xf32, #tpu.memory_space<vmem>>, vector<16xf32>,
            %parallel_loop3A_258 = arith.index_cast %parallel_loop3A_223 : i32 to index
            %parallel_loop3A_259 = arith.constant 32 : index
            %parallel_loop3A_260 = tpu.vector_load %arg13[%parallel_loop3A_258, %parallel_loop3A_259] {strides = array<i32>} : memref<64x64xi32, #tpu.memory_space<vmem>>, vector<16xi32>,
            %parallel_loop3A_261 = vector.bitcast %parallel_loop3A_260 : vector<16xi32> to vector<32xbf16>
            %parallel_loop3A_262 = tpu.unpack_subelements %parallel_loop3A_261, 0 {pack_format = #tpu.pack_format<interleaved>} : vector<32xbf16> -> vector<16xf32>
            %parallel_loop3A_263 = tpu.unpack_subelements %parallel_loop3A_261, 1 {pack_format = #tpu.pack_format<interleaved>} : vector<32xbf16> -> vector<16xf32>
            %parallel_loop3A_264 = arith.mulf %parallel_loop3A_262, %parallel_loop3A_229 : vector<16xf32>
            %parallel_loop3A_265 = arith.index_cast %parallel_loop3A_223 : i32 to index
            %parallel_loop3A_266 = arith.constant 64 : index
            %parallel_loop3A_267 = tpu.vector_load %arg15[%parallel_loop3A_265, %parallel_loop3A_266] {strides = array<i32>} : memref<64x128xf32, #tpu.memory_space<vmem>>, vector<16xf32>,
            tpu.vector_store %arg15[%parallel_loop3A_265, %parallel_loop3A_266], %parallel_loop3A_264 {strides = array<i32>} : memref<64x128xf32, #tpu.memory_space<vmem>>, vector<16xf32>,
            %parallel_loop3A_268 = arith.mulf %parallel_loop3A_263, %parallel_loop3A_229 : vector<16xf32>
            %parallel_loop3A_269 = arith.index_cast %parallel_loop3A_223 : i32 to index
            %parallel_loop3A_270 = arith.constant 80 : index
            %parallel_loop3A_271 = tpu.vector_load %arg15[%parallel_loop3A_269, %parallel_loop3A_270] {strides = array<i32>} : memref<64x128xf32, #tpu.memory_space<vmem>>, vector<16xf32>,
            tpu.vector_store %arg15[%parallel_loop3A_269, %parallel_loop3A_270], %parallel_loop3A_268 {strides = array<i32>} : memref<64x128xf32, #tpu.memory_space<vmem>>, vector<16xf32>,
            %parallel_loop3A_272 = arith.index_cast %parallel_loop3A_223 : i32 to index
            %parallel_loop3A_273 = arith.constant 48 : index
            %parallel_loop3A_274 = tpu.vector_load %arg13[%parallel_loop3A_272, %parallel_loop3A_273] {strides = array<i32>} : memref<64x64xi32, #tpu.memory_space<vmem>>, vector<16xi32>,
            %parallel_loop3A_275 = vector.bitcast %parallel_loop3A_274 : vector<16xi32> to vector<32xbf16>
            %parallel_loop3A_276 = tpu.unpack_subelements %parallel_loop3A_275, 0 {pack_format = #tpu.pack_format<interleaved>} : vector<32xbf16> -> vector<16xf32>
            %parallel_loop3A_277 = tpu.unpack_subelements %parallel_loop3A_275, 1 {pack_format = #tpu.pack_format<interleaved>} : vector<32xbf16> -> vector<16xf32>
            %parallel_loop3A_278 = arith.mulf %parallel_loop3A_276, %parallel_loop3A_229 : vector<16xf32>
            %parallel_loop3A_279 = arith.index_cast %parallel_loop3A_223 : i32 to index
            %parallel_loop3A_280 = arith.constant 96 : index
            %parallel_loop3A_281 = tpu.vector_load %arg15[%parallel_loop3A_279, %parallel_loop3A_280] {strides = array<i32>} : memref<64x128xf32, #tpu.memory_space<vmem>>, vector<16xf32>,
            tpu.vector_store %arg15[%parallel_loop3A_279, %parallel_loop3A_280], %parallel_loop3A_278 {strides = array<i32>} : memref<64x128xf32, #tpu.memory_space<vmem>>, vector<16xf32>,
            %parallel_loop3A_282 = arith.mulf %parallel_loop3A_277, %parallel_loop3A_229 : vector<16xf32>
            %parallel_loop3A_283 = arith.index_cast %parallel_loop3A_223 : i32 to index
            %parallel_loop3A_284 = arith.constant 112 : index
            %parallel_loop3A_285 = tpu.vector_load %arg15[%parallel_loop3A_283, %parallel_loop3A_284] {strides = array<i32>} : memref<64x128xf32, #tpu.memory_space<vmem>>, vector<16xf32>,
            tpu.vector_store %arg15[%parallel_loop3A_283, %parallel_loop3A_284], %parallel_loop3A_282 {strides = array<i32>} : memref<64x128xf32, #tpu.memory_space<vmem>>, vector<16xf32>,
          } {sc.loop_unroll_factor = 2 : i64, sc.parallel_access}
          %dma_start3A_162 = arith.constant 0 : i32
          %dma_start3A_163 = tpu.memref_slice %arg9[%rem3A_42, %add3A_144, %dma_start3A_162] : memref<2x16x64xi32, #tpu.memory_space<vmem>> -> memref<1x1x64xi32, #tpu.memory_space<vmem>>
          %dma_start3A_164 = tpu.memref_squeeze %dma_start3A_163 : memref<1x1x64xi32, #tpu.memory_space<vmem>> -> memref<64xi32, #tpu.memory_space<vmem>>
          %dma_start3A_165 = arith.constant 0 : i32
          %dma_start3A_166 = arith.constant 0 : i32
          %dma_start3A_167 = tpu.memref_slice %arg17[%dma_start3A_165, %dma_start3A_166] : memref<10240x128xf32, #tpu.memory_space<vmem_shared>> -> memref<10240x128xf32, #tpu.memory_space<vmem_shared>>
          tpu.enqueue_indirect_dma source(%arg15 : memref<64x128xf32, #tpu.memory_space<vmem>>) target(%dma_start3A_167 : memref<10240x128xf32, #tpu.memory_space<vmem_shared>>) offsets(%dma_start3A_164 : memref<64xi32, #tpu.memory_space<vmem>>) semaphore(%arg22 : memref<!tpu.dma_semaphore, #tpu.memory_space<semaphore_mem>>) {add = true}
          %lt3A_168 = arith.constant 3 : i32
          %lt3A_169 = arith.cmpi slt, %add3A_52, %lt3A_168 : i32
          %convert_element_type3A_170 = arith.extui %lt3A_169 : i1 to i32
          %cond3A_171 = arith.constant 0 : i32
          %cond3A_172 = arith.cmpi ne, %convert_element_type3A_170, %cond3A_171 : i32
          scf.if %cond3A_172 {
            %add3A_223 = arith.constant 4 : i32
            %add3A_224 = arith.addi %add3A_144, %add3A_223 : i32
            %dma_start3A_225 = arith.constant 0 : i32
            %dma_start3A_226 = tpu.memref_slice %arg8[%rem3A_42, %add3A_224, %dma_start3A_225] : memref<2x16x64xi32, #tpu.memory_space<vmem>> -> memref<1x1x64xi32, #tpu.memory_space<vmem>>
            %dma_start3A_227 = tpu.memref_squeeze %dma_start3A_226 : memref<1x1x64xi32, #tpu.memory_space<vmem>> -> memref<64xi32, #tpu.memory_space<vmem>>
            %dma_start3A_228 = arith.constant 0 : i32
            %dma_start3A_229 = arith.constant 0 : i32
            %dma_start3A_230 = tpu.memref_slice %arg2[%dma_start3A_228, %dma_start3A_229] : memref<10000x64xi32, #tpu.memory_space<hbm>> -> memref<10000x64xi32, #tpu.memory_space<hbm>>
            tpu.enqueue_indirect_dma source(%dma_start3A_230 : memref<10000x64xi32, #tpu.memory_space<hbm>>) target(%arg13 : memref<64x64xi32, #tpu.memory_space<vmem>>) offsets(%dma_start3A_227 : memref<64xi32, #tpu.memory_space<vmem>>) semaphore(%arg20 : memref<!tpu.dma_semaphore, #tpu.memory_space<semaphore_mem>>)
          } else {
          }
          %eq3A_173 = arith.constant 3 : i32
          %eq3A_174 = arith.cmpi eq, %add3A_52, %eq3A_173 : i32
          %add3A_175 = arith.constant 1 : i32
          %add3A_176 = arith.addi %add3A_38, %add3A_175 : i32
          %lt3A_177 = arith.cmpi slt, %add3A_176, %select_n3A : i32
          %and3A_178 = arith.andi %eq3A_174, %lt3A_177 : i1
          %convert_element_type3A_179 = arith.extui %and3A_178 : i1 to i32
          %cond3A_180 = arith.constant 0 : i32
          %cond3A_181 = arith.cmpi ne, %convert_element_type3A_179, %cond3A_180 : i32
          scf.if %cond3A_181 {
            %sub3A = arith.constant 1 : i32
            %sub3A_223 = arith.subi %sub3A, %rem3A_42 : i32
            %dma_start3A_224 = arith.constant 2 : i32
            %dma_start3A_225 = arith.constant 0 : i32
            %dma_start3A_226 = tpu.memref_slice %arg8[%sub3A_223, %dma_start3A_224, %dma_start3A_225] : memref<2x16x64xi32, #tpu.memory_space<vmem>> -> memref<1x1x64xi32, #tpu.memory_space<vmem>>
            %dma_start3A_227 = tpu.memref_squeeze %dma_start3A_226 : memref<1x1x64xi32, #tpu.memory_space<vmem>> -> memref<64xi32, #tpu.memory_space<vmem>>
            %dma_start3A_228 = arith.constant 0 : i32
            %dma_start3A_229 = arith.constant 0 : i32
            %dma_start3A_230 = tpu.memref_slice %arg2[%dma_start3A_228, %dma_start3A_229] : memref<10000x64xi32, #tpu.memory_space<hbm>> -> memref<10000x64xi32, #tpu.memory_space<hbm>>
            tpu.enqueue_indirect_dma source(%dma_start3A_230 : memref<10000x64xi32, #tpu.memory_space<hbm>>) target(%arg13 : memref<64x64xi32, #tpu.memory_space<vmem>>) offsets(%dma_start3A_227 : memref<64xi32, #tpu.memory_space<vmem>>) semaphore(%arg20 : memref<!tpu.dma_semaphore, #tpu.memory_space<semaphore_mem>>)
          } else {
          }
          %mul3A_182 = arith.constant 4 : i32
          %mul3A_183 = arith.muli %add3A_52, %mul3A_182 : i32
          %add3A_184 = arith.constant 3 : i32
          %add3A_185 = arith.addi %mul3A_183, %add3A_184 : i32
          %dma_wait3A_186 = arith.constant 0 : i32
          %dma_wait3A_187 = arith.constant 0 : i32
          %dma_wait3A_188 = tpu.memref_slice %arg8[%rem3A_42, %dma_wait3A_186, %dma_wait3A_187] : memref<2x16x64xi32, #tpu.memory_space<vmem>> -> memref<1x1x64xi32, #tpu.memory_space<vmem>>
          %dma_wait3A_189 = tpu.memref_squeeze %dma_wait3A_188 : memref<1x1x64xi32, #tpu.memory_space<vmem>> -> memref<64xi32, #tpu.memory_space<vmem>>
          %dma_wait3A_190 = arith.constant 0 : i32
          %dma_wait3A_191 = arith.constant 0 : i32
          %dma_wait3A_192 = tpu.memref_slice %arg2[%dma_wait3A_190, %dma_wait3A_191] : memref<10000x64xi32, #tpu.memory_space<hbm>> -> memref<10000x64xi32, #tpu.memory_space<hbm>>
          tpu.wait_indirect_dma semaphore(%arg21 : memref<!tpu.dma_semaphore, #tpu.memory_space<semaphore_mem>>) src(%dma_wait3A_192 : memref<10000x64xi32, #tpu.memory_space<hbm>>) dst(%arg14 : memref<64x64xi32, #tpu.memory_space<vmem>>)
          %dma_wait3A_193 = arith.constant 0 : i32
          %dma_wait3A_194 = arith.constant 0 : i32
          %dma_wait3A_195 = tpu.memref_slice %arg9[%rem3A_42, %dma_wait3A_193, %dma_wait3A_194] : memref<2x16x64xi32, #tpu.memory_space<vmem>> -> memref<1x1x64xi32, #tpu.memory_space<vmem>>
          %dma_wait3A_196 = tpu.memref_squeeze %dma_wait3A_195 : memref<1x1x64xi32, #tpu.memory_space<vmem>> -> memref<64xi32, #tpu.memory_space<vmem>>
          %dma_wait3A_197 = arith.constant 0 : i32
          %dma_wait3A_198 = arith.constant 0 : i32
          %dma_wait3A_199 = tpu.memref_slice %arg17[%dma_wait3A_197, %dma_wait3A_198] : memref<10240x128xf32, #tpu.memory_space<vmem_shared>> -> memref<10240x128xf32, #tpu.memory_space<vmem_shared>>
          tpu.wait_indirect_dma semaphore(%arg23 : memref<!tpu.dma_semaphore, #tpu.memory_space<semaphore_mem>>) src(%arg16 : memref<64x128xf32, #tpu.memory_space<vmem>>) dst(%dma_wait3A_199 : memref<10240x128xf32, #tpu.memory_space<vmem_shared>>)
          %parallel_loop3A_200 = arith.constant 0 : i32
          %parallel_loop3A_201 = arith.constant 64 : i32
          %parallel_loop3A_202 = arith.constant 1 : i32
          scf.for %parallel_loop3A_223 = %parallel_loop3A_200 to %parallel_loop3A_201 step %parallel_loop3A_202  : i32 {
            %parallel_loop3A_224 = vector.broadcast %rem3A_42 : i32 to vector<16xi32>
            %parallel_loop3A_225 = arith.constant 64 : i32
            %parallel_loop3A_226 = arith.muli %add3A_185, %parallel_loop3A_225 : i32
            %parallel_loop3A_227 = arith.addi %parallel_loop3A_226, %parallel_loop3A_223 : i32
            %parallel_loop3A_228 = vector.broadcast %parallel_loop3A_227 : i32 to vector<16xi32>
            %parallel_loop3A_229 = tpu.vector_load_idx %arg10[%parallel_loop3A_224, %parallel_loop3A_228] : memref<2x1024xf32, #tpu.memory_space<vmem>>[vector<16xi32>, vector<16xi32>], vector<16xf32>,
            %parallel_loop3A_230 = arith.index_cast %parallel_loop3A_223 : i32 to index
            %parallel_loop3A_231 = arith.constant 0 : index
            %parallel_loop3A_232 = tpu.vector_load %arg14[%parallel_loop3A_230, %parallel_loop3A_231] {strides = array<i32>} : memref<64x64xi32, #tpu.memory_space<vmem>>, vector<16xi32>,
            %parallel_loop3A_233 = vector.bitcast %parallel_loop3A_232 : vector<16xi32> to vector<32xbf16>
            %parallel_loop3A_234 = tpu.unpack_subelements %parallel_loop3A_233, 0 {pack_format = #tpu.pack_format<interleaved>} : vector<32xbf16> -> vector<16xf32>
            %parallel_loop3A_235 = tpu.unpack_subelements %parallel_loop3A_233, 1 {pack_format = #tpu.pack_format<interleaved>} : vector<32xbf16> -> vector<16xf32>
            %parallel_loop3A_236 = arith.mulf %parallel_loop3A_234, %parallel_loop3A_229 : vector<16xf32>
            %parallel_loop3A_237 = arith.index_cast %parallel_loop3A_223 : i32 to index
            %parallel_loop3A_238 = arith.constant 0 : index
            %parallel_loop3A_239 = tpu.vector_load %arg16[%parallel_loop3A_237, %parallel_loop3A_238] {strides = array<i32>} : memref<64x128xf32, #tpu.memory_space<vmem>>, vector<16xf32>,
            tpu.vector_store %arg16[%parallel_loop3A_237, %parallel_loop3A_238], %parallel_loop3A_236 {strides = array<i32>} : memref<64x128xf32, #tpu.memory_space<vmem>>, vector<16xf32>,
            %parallel_loop3A_240 = arith.mulf %parallel_loop3A_235, %parallel_loop3A_229 : vector<16xf32>
            %parallel_loop3A_241 = arith.index_cast %parallel_loop3A_223 : i32 to index
            %parallel_loop3A_242 = arith.constant 16 : index
            %parallel_loop3A_243 = tpu.vector_load %arg16[%parallel_loop3A_241, %parallel_loop3A_242] {strides = array<i32>} : memref<64x128xf32, #tpu.memory_space<vmem>>, vector<16xf32>,
            tpu.vector_store %arg16[%parallel_loop3A_241, %parallel_loop3A_242], %parallel_loop3A_240 {strides = array<i32>} : memref<64x128xf32, #tpu.memory_space<vmem>>, vector<16xf32>,
            %parallel_loop3A_244 = arith.index_cast %parallel_loop3A_223 : i32 to index
            %parallel_loop3A_245 = arith.constant 16 : index
            %parallel_loop3A_246 = tpu.vector_load %arg14[%parallel_loop3A_244, %parallel_loop3A_245] {strides = array<i32>} : memref<64x64xi32, #tpu.memory_space<vmem>>, vector<16xi32>,
            %parallel_loop3A_247 = vector.bitcast %parallel_loop3A_246 : vector<16xi32> to vector<32xbf16>
            %parallel_loop3A_248 = tpu.unpack_subelements %parallel_loop3A_247, 0 {pack_format = #tpu.pack_format<interleaved>} : vector<32xbf16> -> vector<16xf32>
            %parallel_loop3A_249 = tpu.unpack_subelements %parallel_loop3A_247, 1 {pack_format = #tpu.pack_format<interleaved>} : vector<32xbf16> -> vector<16xf32>
            %parallel_loop3A_250 = arith.mulf %parallel_loop3A_248, %parallel_loop3A_229 : vector<16xf32>
            %parallel_loop3A_251 = arith.index_cast %parallel_loop3A_223 : i32 to index
            %parallel_loop3A_252 = arith.constant 32 : index
            %parallel_loop3A_253 = tpu.vector_load %arg16[%parallel_loop3A_251, %parallel_loop3A_252] {strides = array<i32>} : memref<64x128xf32, #tpu.memory_space<vmem>>, vector<16xf32>,
            tpu.vector_store %arg16[%parallel_loop3A_251, %parallel_loop3A_252], %parallel_loop3A_250 {strides = array<i32>} : memref<64x128xf32, #tpu.memory_space<vmem>>, vector<16xf32>,
            %parallel_loop3A_254 = arith.mulf %parallel_loop3A_249, %parallel_loop3A_229 : vector<16xf32>
            %parallel_loop3A_255 = arith.index_cast %parallel_loop3A_223 : i32 to index
            %parallel_loop3A_256 = arith.constant 48 : index
            %parallel_loop3A_257 = tpu.vector_load %arg16[%parallel_loop3A_255, %parallel_loop3A_256] {strides = array<i32>} : memref<64x128xf32, #tpu.memory_space<vmem>>, vector<16xf32>,
            tpu.vector_store %arg16[%parallel_loop3A_255, %parallel_loop3A_256], %parallel_loop3A_254 {strides = array<i32>} : memref<64x128xf32, #tpu.memory_space<vmem>>, vector<16xf32>,
            %parallel_loop3A_258 = arith.index_cast %parallel_loop3A_223 : i32 to index
            %parallel_loop3A_259 = arith.constant 32 : index
            %parallel_loop3A_260 = tpu.vector_load %arg14[%parallel_loop3A_258, %parallel_loop3A_259] {strides = array<i32>} : memref<64x64xi32, #tpu.memory_space<vmem>>, vector<16xi32>,
            %parallel_loop3A_261 = vector.bitcast %parallel_loop3A_260 : vector<16xi32> to vector<32xbf16>
            %parallel_loop3A_262 = tpu.unpack_subelements %parallel_loop3A_261, 0 {pack_format = #tpu.pack_format<interleaved>} : vector<32xbf16> -> vector<16xf32>
            %parallel_loop3A_263 = tpu.unpack_subelements %parallel_loop3A_261, 1 {pack_format = #tpu.pack_format<interleaved>} : vector<32xbf16> -> vector<16xf32>
            %parallel_loop3A_264 = arith.mulf %parallel_loop3A_262, %parallel_loop3A_229 : vector<16xf32>
            %parallel_loop3A_265 = arith.index_cast %parallel_loop3A_223 : i32 to index
            %parallel_loop3A_266 = arith.constant 64 : index
            %parallel_loop3A_267 = tpu.vector_load %arg16[%parallel_loop3A_265, %parallel_loop3A_266] {strides = array<i32>} : memref<64x128xf32, #tpu.memory_space<vmem>>, vector<16xf32>,
            tpu.vector_store %arg16[%parallel_loop3A_265, %parallel_loop3A_266], %parallel_loop3A_264 {strides = array<i32>} : memref<64x128xf32, #tpu.memory_space<vmem>>, vector<16xf32>,
            %parallel_loop3A_268 = arith.mulf %parallel_loop3A_263, %parallel_loop3A_229 : vector<16xf32>
            %parallel_loop3A_269 = arith.index_cast %parallel_loop3A_223 : i32 to index
            %parallel_loop3A_270 = arith.constant 80 : index
            %parallel_loop3A_271 = tpu.vector_load %arg16[%parallel_loop3A_269, %parallel_loop3A_270] {strides = array<i32>} : memref<64x128xf32, #tpu.memory_space<vmem>>, vector<16xf32>,
            tpu.vector_store %arg16[%parallel_loop3A_269, %parallel_loop3A_270], %parallel_loop3A_268 {strides = array<i32>} : memref<64x128xf32, #tpu.memory_space<vmem>>, vector<16xf32>,
            %parallel_loop3A_272 = arith.index_cast %parallel_loop3A_223 : i32 to index
            %parallel_loop3A_273 = arith.constant 48 : index
            %parallel_loop3A_274 = tpu.vector_load %arg14[%parallel_loop3A_272, %parallel_loop3A_273] {strides = array<i32>} : memref<64x64xi32, #tpu.memory_space<vmem>>, vector<16xi32>,
            %parallel_loop3A_275 = vector.bitcast %parallel_loop3A_274 : vector<16xi32> to vector<32xbf16>
            %parallel_loop3A_276 = tpu.unpack_subelements %parallel_loop3A_275, 0 {pack_format = #tpu.pack_format<interleaved>} : vector<32xbf16> -> vector<16xf32>
            %parallel_loop3A_277 = tpu.unpack_subelements %parallel_loop3A_275, 1 {pack_format = #tpu.pack_format<interleaved>} : vector<32xbf16> -> vector<16xf32>
            %parallel_loop3A_278 = arith.mulf %parallel_loop3A_276, %parallel_loop3A_229 : vector<16xf32>
            %parallel_loop3A_279 = arith.index_cast %parallel_loop3A_223 : i32 to index
            %parallel_loop3A_280 = arith.constant 96 : index
            %parallel_loop3A_281 = tpu.vector_load %arg16[%parallel_loop3A_279, %parallel_loop3A_280] {strides = array<i32>} : memref<64x128xf32, #tpu.memory_space<vmem>>, vector<16xf32>,
            tpu.vector_store %arg16[%parallel_loop3A_279, %parallel_loop3A_280], %parallel_loop3A_278 {strides = array<i32>} : memref<64x128xf32, #tpu.memory_space<vmem>>, vector<16xf32>,
            %parallel_loop3A_282 = arith.mulf %parallel_loop3A_277, %parallel_loop3A_229 : vector<16xf32>
            %parallel_loop3A_283 = arith.index_cast %parallel_loop3A_223 : i32 to index
            %parallel_loop3A_284 = arith.constant 112 : index
            %parallel_loop3A_285 = tpu.vector_load %arg16[%parallel_loop3A_283, %parallel_loop3A_284] {strides = array<i32>} : memref<64x128xf32, #tpu.memory_space<vmem>>, vector<16xf32>,
            tpu.vector_store %arg16[%parallel_loop3A_283, %parallel_loop3A_284], %parallel_loop3A_282 {strides = array<i32>} : memref<64x128xf32, #tpu.memory_space<vmem>>, vector<16xf32>,
          } {sc.loop_unroll_factor = 2 : i64, sc.parallel_access}
          %dma_start3A_203 = arith.constant 0 : i32
          %dma_start3A_204 = tpu.memref_slice %arg9[%rem3A_42, %add3A_185, %dma_start3A_203] : memref<2x16x64xi32, #tpu.memory_space<vmem>> -> memref<1x1x64xi32, #tpu.memory_space<vmem>>
          %dma_start3A_205 = tpu.memref_squeeze %dma_start3A_204 : memref<1x1x64xi32, #tpu.memory_space<vmem>> -> memref<64xi32, #tpu.memory_space<vmem>>
          %dma_start3A_206 = arith.constant 0 : i32
          %dma_start3A_207 = arith.constant 0 : i32
          %dma_start3A_208 = tpu.memref_slice %arg17[%dma_start3A_206, %dma_start3A_207] : memref<10240x128xf32, #tpu.memory_space<vmem_shared>> -> memref<10240x128xf32, #tpu.memory_space<vmem_shared>>
          tpu.enqueue_indirect_dma source(%arg16 : memref<64x128xf32, #tpu.memory_space<vmem>>) target(%dma_start3A_208 : memref<10240x128xf32, #tpu.memory_space<vmem_shared>>) offsets(%dma_start3A_205 : memref<64xi32, #tpu.memory_space<vmem>>) semaphore(%arg23 : memref<!tpu.dma_semaphore, #tpu.memory_space<semaphore_mem>>) {add = true}
          %lt3A_209 = arith.constant 3 : i32
          %lt3A_210 = arith.cmpi slt, %add3A_52, %lt3A_209 : i32
          %convert_element_type3A_211 = arith.extui %lt3A_210 : i1 to i32
          %cond3A_212 = arith.constant 0 : i32
          %cond3A_213 = arith.cmpi ne, %convert_element_type3A_211, %cond3A_212 : i32
          scf.if %cond3A_213 {
            %add3A_223 = arith.constant 4 : i32
            %add3A_224 = arith.addi %add3A_185, %add3A_223 : i32
            %dma_start3A_225 = arith.constant 0 : i32
            %dma_start3A_226 = tpu.memref_slice %arg8[%rem3A_42, %add3A_224, %dma_start3A_225] : memref<2x16x64xi32, #tpu.memory_space<vmem>> -> memref<1x1x64xi32, #tpu.memory_space<vmem>>
            %dma_start3A_227 = tpu.memref_squeeze %dma_start3A_226 : memref<1x1x64xi32, #tpu.memory_space<vmem>> -> memref<64xi32, #tpu.memory_space<vmem>>
            %dma_start3A_228 = arith.constant 0 : i32
            %dma_start3A_229 = arith.constant 0 : i32
            %dma_start3A_230 = tpu.memref_slice %arg2[%dma_start3A_228, %dma_start3A_229] : memref<10000x64xi32, #tpu.memory_space<hbm>> -> memref<10000x64xi32, #tpu.memory_space<hbm>>
            tpu.enqueue_indirect_dma source(%dma_start3A_230 : memref<10000x64xi32, #tpu.memory_space<hbm>>) target(%arg14 : memref<64x64xi32, #tpu.memory_space<vmem>>) offsets(%dma_start3A_227 : memref<64xi32, #tpu.memory_space<vmem>>) semaphore(%arg21 : memref<!tpu.dma_semaphore, #tpu.memory_space<semaphore_mem>>)
          } else {
          }
          %eq3A_214 = arith.constant 3 : i32
          %eq3A_215 = arith.cmpi eq, %add3A_52, %eq3A_214 : i32
          %add3A_216 = arith.constant 1 : i32
          %add3A_217 = arith.addi %add3A_38, %add3A_216 : i32
          %lt3A_218 = arith.cmpi slt, %add3A_217, %select_n3A : i32
          %and3A_219 = arith.andi %eq3A_215, %lt3A_218 : i1
          %convert_element_type3A_220 = arith.extui %and3A_219 : i1 to i32
          %cond3A_221 = arith.constant 0 : i32
          %cond3A_222 = arith.cmpi ne, %convert_element_type3A_220, %cond3A_221 : i32
          scf.if %cond3A_222 {
            %sub3A = arith.constant 1 : i32
            %sub3A_223 = arith.subi %sub3A, %rem3A_42 : i32
            %dma_start3A_224 = arith.constant 3 : i32
            %dma_start3A_225 = arith.constant 0 : i32
            %dma_start3A_226 = tpu.memref_slice %arg8[%sub3A_223, %dma_start3A_224, %dma_start3A_225] : memref<2x16x64xi32, #tpu.memory_space<vmem>> -> memref<1x1x64xi32, #tpu.memory_space<vmem>>
            %dma_start3A_227 = tpu.memref_squeeze %dma_start3A_226 : memref<1x1x64xi32, #tpu.memory_space<vmem>> -> memref<64xi32, #tpu.memory_space<vmem>>
            %dma_start3A_228 = arith.constant 0 : i32
            %dma_start3A_229 = arith.constant 0 : i32
            %dma_start3A_230 = tpu.memref_slice %arg2[%dma_start3A_228, %dma_start3A_229] : memref<10000x64xi32, #tpu.memory_space<hbm>> -> memref<10000x64xi32, #tpu.memory_space<hbm>>
            tpu.enqueue_indirect_dma source(%dma_start3A_230 : memref<10000x64xi32, #tpu.memory_space<hbm>>) target(%arg14 : memref<64x64xi32, #tpu.memory_space<vmem>>) offsets(%dma_start3A_227 : memref<64xi32, #tpu.memory_space<vmem>>) semaphore(%arg21 : memref<!tpu.dma_semaphore, #tpu.memory_space<semaphore_mem>>)
          } else {
          }
        }
        %scan3A_47 = arith.constant 4 : i32
      } else {
      }
    }
    %scan3A_23 = arith.constant 20 : i32
    %gt3A_24 = arith.constant 0 : i32
    %gt3A_25 = arith.cmpi sgt, %select_n3A, %gt3A_24 : i32
    %convert_element_type3A_26 = arith.extui %gt3A_25 : i1 to i32
    %cond3A_27 = arith.constant 0 : i32
    %cond3A_28 = arith.cmpi ne, %convert_element_type3A_26, %cond3A_27 : i32
    scf.if %cond3A_28 {
      %dma_wait3A = arith.constant 0 : i32
      %dma_wait3A_34 = arith.constant 0 : i32
      %dma_wait3A_35 = arith.constant 0 : i32
      %dma_wait3A_36 = tpu.memref_slice %arg9[%dma_wait3A, %dma_wait3A_34, %dma_wait3A_35] : memref<2x16x64xi32, #tpu.memory_space<vmem>> -> memref<1x1x64xi32, #tpu.memory_space<vmem>>
      %dma_wait3A_37 = tpu.memref_squeeze %dma_wait3A_36 : memref<1x1x64xi32, #tpu.memory_space<vmem>> -> memref<64xi32, #tpu.memory_space<vmem>>
      %dma_wait3A_38 = arith.constant 0 : i32
      %dma_wait3A_39 = arith.constant 0 : i32
      %dma_wait3A_40 = tpu.memref_slice %arg17[%dma_wait3A_38, %dma_wait3A_39] : memref<10240x128xf32, #tpu.memory_space<vmem_shared>> -> memref<10240x128xf32, #tpu.memory_space<vmem_shared>>
      tpu.wait_indirect_dma semaphore(%arg22 : memref<!tpu.dma_semaphore, #tpu.memory_space<semaphore_mem>>) src(%arg15 : memref<64x128xf32, #tpu.memory_space<vmem>>) dst(%dma_wait3A_40 : memref<10240x128xf32, #tpu.memory_space<vmem_shared>>)
      %dma_wait3A_41 = arith.constant 0 : i32
      %dma_wait3A_42 = arith.constant 0 : i32
      %dma_wait3A_43 = arith.constant 0 : i32
      %dma_wait3A_44 = tpu.memref_slice %arg9[%dma_wait3A_41, %dma_wait3A_42, %dma_wait3A_43] : memref<2x16x64xi32, #tpu.memory_space<vmem>> -> memref<1x1x64xi32, #tpu.memory_space<vmem>>
      %dma_wait3A_45 = tpu.memref_squeeze %dma_wait3A_44 : memref<1x1x64xi32, #tpu.memory_space<vmem>> -> memref<64xi32, #tpu.memory_space<vmem>>
      %dma_wait3A_46 = arith.constant 0 : i32
      %dma_wait3A_47 = arith.constant 0 : i32
      %dma_wait3A_48 = tpu.memref_slice %arg17[%dma_wait3A_46, %dma_wait3A_47] : memref<10240x128xf32, #tpu.memory_space<vmem_shared>> -> memref<10240x128xf32, #tpu.memory_space<vmem_shared>>
      tpu.wait_indirect_dma semaphore(%arg23 : memref<!tpu.dma_semaphore, #tpu.memory_space<semaphore_mem>>) src(%arg16 : memref<64x128xf32, #tpu.memory_space<vmem>>) dst(%dma_wait3A_48 : memref<10240x128xf32, #tpu.memory_space<vmem_shared>>)
    } else {
    }
    %barrier3A_29 = arith.constant 0 : index
    tpu.barrier barrier_id(%barrier3A_29)
    %mul3A_30 = arith.constant 640 : i32
    %mul3A_31 = arith.muli %arg1, %mul3A_30 : i32
    %mul3A_32 = arith.constant 640 : i32
    %mul3A_33 = arith.muli %arg1, %mul3A_32 : i32
    "tpu.region"() ({
      %run_scoped3A = tpu.sem_alloc : memref<!tpu.dma_semaphore, #tpu.memory_space<semaphore_mem>>
      %dma_start3A = arith.constant 0 : i32
      %dma_start3A_34 = tpu.memref_slice %arg7[%arg0, %mul3A_33, %dma_start3A] : memref<2x10240x128xf32, #tpu.memory_space<hbm>> -> memref<1x640x128xf32, #tpu.memory_space<hbm>>
      %dma_start3A_35 = tpu.memref_squeeze %dma_start3A_34 : memref<1x640x128xf32, #tpu.memory_space<hbm>> -> memref<640x128xf32, #tpu.memory_space<hbm>>
      %dma_start3A_36 = arith.constant 0 : i32
      %dma_start3A_37 = tpu.memref_slice %arg17[%mul3A_31, %dma_start3A_36] : memref<10240x128xf32, #tpu.memory_space<vmem_shared>> -> memref<640x128xf32, #tpu.memory_space<vmem_shared>>
      tpu.enqueue_dma source(%dma_start3A_37 : memref<640x128xf32, #tpu.memory_space<vmem_shared>>) target(%dma_start3A_35 : memref<640x128xf32, #tpu.memory_space<hbm>>) target_semaphore(%run_scoped3A : memref<!tpu.dma_semaphore, #tpu.memory_space<semaphore_mem>>)
      %dma_wait3A = arith.constant 0 : i32
      %dma_wait3A_38 = tpu.memref_slice %arg7[%arg0, %mul3A_33, %dma_wait3A] : memref<2x10240x128xf32, #tpu.memory_space<hbm>> -> memref<1x640x128xf32, #tpu.memory_space<hbm>>
      %dma_wait3A_39 = tpu.memref_squeeze %dma_wait3A_38 : memref<1x640x128xf32, #tpu.memory_space<hbm>> -> memref<640x128xf32, #tpu.memory_space<hbm>>
      %dma_wait3A_40 = arith.constant 0 : i32
      %dma_wait3A_41 = tpu.memref_slice %arg17[%mul3A_31, %dma_wait3A_40] : memref<10240x128xf32, #tpu.memory_space<vmem_shared>> -> memref<640x128xf32, #tpu.memory_space<vmem_shared>>
      tpu.wait_dma2 semaphore(%run_scoped3A : memref<!tpu.dma_semaphore, #tpu.memory_space<semaphore_mem>>) src(%dma_wait3A_41 : memref<640x128xf32, #tpu.memory_space<vmem_shared>>) dst(%dma_wait3A_39 : memref<640x128xf32, #tpu.memory_space<hbm>>)
      tpu.yield
    }) : () -> ()
    return
  }
}

#map = affine_map<(d0, d1) -> (0, 0, 0)>
#map1 = affine_map<(d0, d1) -> (0)>
#map2 = affine_map<(d0, d1) -> (0, 0)>
module attributes {stable_mosaic.version = 14 : i64} {
  func.func @_sc_deg(%arg0: i32, %arg1: i32, %arg2: memref<32x80x128xi32, #tpu.memory_space<hbm>>, %arg3: memref<32x80x128xf32, #tpu.memory_space<hbm>>, %arg4: memref<10240xf32, #tpu.memory_space<hbm>>, %arg5: memref<2x10240xf32, #tpu.memory_space<hbm>>, %arg6: memref<80x128xi32, #tpu.memory_space<vmem>>, %arg7: memref<80x128xf32, #tpu.memory_space<vmem>>, %arg8: memref<10240xf32, #tpu.memory_space<vmem_shared>>) attributes {dimension_semantics = [#tpu.dimension_semantics<core_parallel>, #tpu.dimension_semantics<subcore_parallel>], iteration_bounds = array<i64: 2, 16>, scalar_prefetch = 0 : i64, scratch_operands = 3 : i64, tpu.core_type = #tpu.core_type<sc_vector_subcore>, window_params = [{transform_indices = #map}, {transform_indices = #map}, {transform_indices = #map1}, {transform_indices = #map2}]} {
    %mul3A = arith.constant 2 : i32
    %mul3A_0 = arith.muli %arg1, %mul3A : i32
    %add3A = arith.addi %mul3A_0, %arg0 : i32
    %mul3A_1 = arith.constant 640 : i32
    %mul3A_2 = arith.muli %arg1, %mul3A_1 : i32
    %mul3A_3 = arith.constant 640 : i32
    %mul3A_4 = arith.muli %arg1, %mul3A_3 : i32
    "tpu.region"() ({
      %run_scoped3A = tpu.sem_alloc : memref<!tpu.dma_semaphore, #tpu.memory_space<semaphore_mem>>
      %dma_start3A = tpu.memref_slice %arg8[%mul3A_4] : memref<10240xf32, #tpu.memory_space<vmem_shared>> -> memref<640xf32, #tpu.memory_space<vmem_shared>>
      %dma_start3A_12 = tpu.memref_slice %arg4[%mul3A_2] : memref<10240xf32, #tpu.memory_space<hbm>> -> memref<640xf32, #tpu.memory_space<hbm>>
      tpu.enqueue_dma source(%dma_start3A_12 : memref<640xf32, #tpu.memory_space<hbm>>) target(%dma_start3A : memref<640xf32, #tpu.memory_space<vmem_shared>>) target_semaphore(%run_scoped3A : memref<!tpu.dma_semaphore, #tpu.memory_space<semaphore_mem>>)
      %dma_wait3A = tpu.memref_slice %arg8[%mul3A_4] : memref<10240xf32, #tpu.memory_space<vmem_shared>> -> memref<640xf32, #tpu.memory_space<vmem_shared>>
      %dma_wait3A_13 = tpu.memref_slice %arg4[%mul3A_2] : memref<10240xf32, #tpu.memory_space<hbm>> -> memref<640xf32, #tpu.memory_space<hbm>>
      tpu.wait_dma2 semaphore(%run_scoped3A : memref<!tpu.dma_semaphore, #tpu.memory_space<semaphore_mem>>) src(%dma_wait3A_13 : memref<640xf32, #tpu.memory_space<hbm>>) dst(%dma_wait3A : memref<640xf32, #tpu.memory_space<vmem_shared>>)
      tpu.yield
    }) : () -> ()
    "tpu.region"() ({
      %run_scoped3A = tpu.sem_alloc : memref<!tpu.dma_semaphore, #tpu.memory_space<semaphore_mem>>
      %dma_start3A = arith.constant 0 : i32
      %dma_start3A_12 = arith.constant 0 : i32
      %dma_start3A_13 = tpu.memref_slice %arg2[%add3A, %dma_start3A, %dma_start3A_12] : memref<32x80x128xi32, #tpu.memory_space<hbm>> -> memref<1x80x128xi32, #tpu.memory_space<hbm>>
      %dma_start3A_14 = tpu.memref_squeeze %dma_start3A_13 : memref<1x80x128xi32, #tpu.memory_space<hbm>> -> memref<80x128xi32, #tpu.memory_space<hbm>>
      %dma_start3A_15 = arith.constant 0 : i32
      %dma_start3A_16 = arith.constant 0 : i32
      %dma_start3A_17 = tpu.memref_slice %arg2[%add3A, %dma_start3A_15, %dma_start3A_16] : memref<32x80x128xi32, #tpu.memory_space<hbm>> -> memref<1x80x128xi32, #tpu.memory_space<hbm>>
      %dma_start3A_18 = tpu.memref_squeeze %dma_start3A_17 : memref<1x80x128xi32, #tpu.memory_space<hbm>> -> memref<80x128xi32, #tpu.memory_space<hbm>>
      tpu.enqueue_dma source(%dma_start3A_18 : memref<80x128xi32, #tpu.memory_space<hbm>>) target(%arg6 : memref<80x128xi32, #tpu.memory_space<vmem>>) target_semaphore(%run_scoped3A : memref<!tpu.dma_semaphore, #tpu.memory_space<semaphore_mem>>)
      %dma_wait3A = arith.constant 0 : i32
      %dma_wait3A_19 = arith.constant 0 : i32
      %dma_wait3A_20 = tpu.memref_slice %arg2[%add3A, %dma_wait3A, %dma_wait3A_19] : memref<32x80x128xi32, #tpu.memory_space<hbm>> -> memref<1x80x128xi32, #tpu.memory_space<hbm>>
      %dma_wait3A_21 = tpu.memref_squeeze %dma_wait3A_20 : memref<1x80x128xi32, #tpu.memory_space<hbm>> -> memref<80x128xi32, #tpu.memory_space<hbm>>
      %dma_wait3A_22 = arith.constant 0 : i32
      %dma_wait3A_23 = arith.constant 0 : i32
      %dma_wait3A_24 = tpu.memref_slice %arg2[%add3A, %dma_wait3A_22, %dma_wait3A_23] : memref<32x80x128xi32, #tpu.memory_space<hbm>> -> memref<1x80x128xi32, #tpu.memory_space<hbm>>
      %dma_wait3A_25 = tpu.memref_squeeze %dma_wait3A_24 : memref<1x80x128xi32, #tpu.memory_space<hbm>> -> memref<80x128xi32, #tpu.memory_space<hbm>>
      tpu.wait_dma2 semaphore(%run_scoped3A : memref<!tpu.dma_semaphore, #tpu.memory_space<semaphore_mem>>) src(%dma_wait3A_25 : memref<80x128xi32, #tpu.memory_space<hbm>>) dst(%arg6 : memref<80x128xi32, #tpu.memory_space<vmem>>)
      tpu.yield
    }) : () -> ()
    "tpu.region"() ({
      %run_scoped3A = tpu.sem_alloc : memref<!tpu.dma_semaphore, #tpu.memory_space<semaphore_mem>>
      %dma_start3A = arith.constant 0 : i32
      %dma_start3A_12 = arith.constant 0 : i32
      %dma_start3A_13 = tpu.memref_slice %arg3[%add3A, %dma_start3A, %dma_start3A_12] : memref<32x80x128xf32, #tpu.memory_space<hbm>> -> memref<1x80x128xf32, #tpu.memory_space<hbm>>
      %dma_start3A_14 = tpu.memref_squeeze %dma_start3A_13 : memref<1x80x128xf32, #tpu.memory_space<hbm>> -> memref<80x128xf32, #tpu.memory_space<hbm>>
      %dma_start3A_15 = arith.constant 0 : i32
      %dma_start3A_16 = arith.constant 0 : i32
      %dma_start3A_17 = tpu.memref_slice %arg3[%add3A, %dma_start3A_15, %dma_start3A_16] : memref<32x80x128xf32, #tpu.memory_space<hbm>> -> memref<1x80x128xf32, #tpu.memory_space<hbm>>
      %dma_start3A_18 = tpu.memref_squeeze %dma_start3A_17 : memref<1x80x128xf32, #tpu.memory_space<hbm>> -> memref<80x128xf32, #tpu.memory_space<hbm>>
      tpu.enqueue_dma source(%dma_start3A_18 : memref<80x128xf32, #tpu.memory_space<hbm>>) target(%arg7 : memref<80x128xf32, #tpu.memory_space<vmem>>) target_semaphore(%run_scoped3A : memref<!tpu.dma_semaphore, #tpu.memory_space<semaphore_mem>>)
      %dma_wait3A = arith.constant 0 : i32
      %dma_wait3A_19 = arith.constant 0 : i32
      %dma_wait3A_20 = tpu.memref_slice %arg3[%add3A, %dma_wait3A, %dma_wait3A_19] : memref<32x80x128xf32, #tpu.memory_space<hbm>> -> memref<1x80x128xf32, #tpu.memory_space<hbm>>
      %dma_wait3A_21 = tpu.memref_squeeze %dma_wait3A_20 : memref<1x80x128xf32, #tpu.memory_space<hbm>> -> memref<80x128xf32, #tpu.memory_space<hbm>>
      %dma_wait3A_22 = arith.constant 0 : i32
      %dma_wait3A_23 = arith.constant 0 : i32
      %dma_wait3A_24 = tpu.memref_slice %arg3[%add3A, %dma_wait3A_22, %dma_wait3A_23] : memref<32x80x128xf32, #tpu.memory_space<hbm>> -> memref<1x80x128xf32, #tpu.memory_space<hbm>>
      %dma_wait3A_25 = tpu.memref_squeeze %dma_wait3A_24 : memref<1x80x128xf32, #tpu.memory_space<hbm>> -> memref<80x128xf32, #tpu.memory_space<hbm>>
      tpu.wait_dma2 semaphore(%run_scoped3A : memref<!tpu.dma_semaphore, #tpu.memory_space<semaphore_mem>>) src(%dma_wait3A_25 : memref<80x128xf32, #tpu.memory_space<hbm>>) dst(%arg7 : memref<80x128xf32, #tpu.memory_space<vmem>>)
      tpu.yield
    }) : () -> ()
    %barrier3A = arith.constant 0 : index
    tpu.barrier barrier_id(%barrier3A)
    %scan3A = arith.constant 0 : i32
    %scan3A_5 = arith.constant 80 : i32
    %scan3A_6 = arith.addi %scan3A, %scan3A_5 : i32
    %scan3A_7 = arith.constant 1 : i32
    scf.for %scan3A_12 = %scan3A to %scan3A_6 step %scan3A_7  : i32 {
      %mul3A_13 = arith.constant 1 : i32
      %mul3A_14 = arith.muli %scan3A_12, %mul3A_13 : i32
      %add3A_15 = arith.constant 0 : i32
      %add3A_16 = arith.addi %add3A_15, %mul3A_14 : i32
      "tpu.region"() ({
        %run_scoped3A = tpu.sem_alloc : memref<!tpu.dma_semaphore, #tpu.memory_space<semaphore_mem>>
        %dma_start3A = arith.constant 0 : i32
        %dma_start3A_17 = tpu.memref_slice %arg7[%add3A_16, %dma_start3A] : memref<80x128xf32, #tpu.memory_space<vmem>> -> memref<1x128xf32, #tpu.memory_space<vmem>>
        %dma_start3A_18 = tpu.memref_squeeze %dma_start3A_17 : memref<1x128xf32, #tpu.memory_space<vmem>> -> memref<128xf32, #tpu.memory_space<vmem>>
        %dma_start3A_19 = arith.constant 0 : i32
        %dma_start3A_20 = tpu.memref_slice %arg6[%add3A_16, %dma_start3A_19] : memref<80x128xi32, #tpu.memory_space<vmem>> -> memref<1x128xi32, #tpu.memory_space<vmem>>
        %dma_start3A_21 = tpu.memref_squeeze %dma_start3A_20 : memref<1x128xi32, #tpu.memory_space<vmem>> -> memref<128xi32, #tpu.memory_space<vmem>>
        %dma_start3A_22 = arith.constant 0 : i32
        %dma_start3A_23 = tpu.memref_slice %arg8[%dma_start3A_22] : memref<10240xf32, #tpu.memory_space<vmem_shared>> -> memref<10240xf32, #tpu.memory_space<vmem_shared>>
        tpu.enqueue_indirect_dma source(%dma_start3A_18 : memref<128xf32, #tpu.memory_space<vmem>>) target(%dma_start3A_23 : memref<10240xf32, #tpu.memory_space<vmem_shared>>) offsets(%dma_start3A_21 : memref<128xi32, #tpu.memory_space<vmem>>) semaphore(%run_scoped3A : memref<!tpu.dma_semaphore, #tpu.memory_space<semaphore_mem>>) {add = true}
        %dma_wait3A = arith.constant 0 : i32
        %dma_wait3A_24 = tpu.memref_slice %arg7[%add3A_16, %dma_wait3A] : memref<80x128xf32, #tpu.memory_space<vmem>> -> memref<1x128xf32, #tpu.memory_space<vmem>>
        %dma_wait3A_25 = tpu.memref_squeeze %dma_wait3A_24 : memref<1x128xf32, #tpu.memory_space<vmem>> -> memref<128xf32, #tpu.memory_space<vmem>>
        %dma_wait3A_26 = arith.constant 0 : i32
        %dma_wait3A_27 = tpu.memref_slice %arg6[%add3A_16, %dma_wait3A_26] : memref<80x128xi32, #tpu.memory_space<vmem>> -> memref<1x128xi32, #tpu.memory_space<vmem>>
        %dma_wait3A_28 = tpu.memref_squeeze %dma_wait3A_27 : memref<1x128xi32, #tpu.memory_space<vmem>> -> memref<128xi32, #tpu.memory_space<vmem>>
        %dma_wait3A_29 = arith.constant 0 : i32
        %dma_wait3A_30 = tpu.memref_slice %arg8[%dma_wait3A_29] : memref<10240xf32, #tpu.memory_space<vmem_shared>> -> memref<10240xf32, #tpu.memory_space<vmem_shared>>
        tpu.wait_indirect_dma semaphore(%run_scoped3A : memref<!tpu.dma_semaphore, #tpu.memory_space<semaphore_mem>>) src(%dma_wait3A_25 : memref<128xf32, #tpu.memory_space<vmem>>) dst(%dma_wait3A_30 : memref<10240xf32, #tpu.memory_space<vmem_shared>>)
        tpu.yield
      }) : () -> ()
    }
    %scan3A_8 = arith.constant 80 : i32
    %barrier3A_9 = arith.constant 0 : index
    tpu.barrier barrier_id(%barrier3A_9)
    %eq3A = arith.constant 0 : i32
    %eq3A_10 = arith.cmpi eq, %arg1, %eq3A : i32
    %convert_element_type3A = arith.extui %eq3A_10 : i1 to i32
    %cond3A = arith.constant 0 : i32
    %cond3A_11 = arith.cmpi ne, %convert_element_type3A, %cond3A : i32
    scf.if %cond3A_11 {
      "tpu.region"() ({
        %run_scoped3A = tpu.sem_alloc : memref<!tpu.dma_semaphore, #tpu.memory_space<semaphore_mem>>
        %dma_start3A = arith.constant 0 : i32
        %dma_start3A_12 = tpu.memref_slice %arg5[%arg0, %dma_start3A] : memref<2x10240xf32, #tpu.memory_space<hbm>> -> memref<1x10240xf32, #tpu.memory_space<hbm>>
        %dma_start3A_13 = tpu.memref_squeeze %dma_start3A_12 : memref<1x10240xf32, #tpu.memory_space<hbm>> -> memref<10240xf32, #tpu.memory_space<hbm>>
        tpu.enqueue_dma source(%arg8 : memref<10240xf32, #tpu.memory_space<vmem_shared>>) target(%dma_start3A_13 : memref<10240xf32, #tpu.memory_space<hbm>>) target_semaphore(%run_scoped3A : memref<!tpu.dma_semaphore, #tpu.memory_space<semaphore_mem>>)
        %dma_wait3A = arith.constant 0 : i32
        %dma_wait3A_14 = tpu.memref_slice %arg5[%arg0, %dma_wait3A] : memref<2x10240xf32, #tpu.memory_space<hbm>> -> memref<1x10240xf32, #tpu.memory_space<hbm>>
        %dma_wait3A_15 = tpu.memref_squeeze %dma_wait3A_14 : memref<1x10240xf32, #tpu.memory_space<hbm>> -> memref<10240xf32, #tpu.memory_space<hbm>>
        tpu.wait_dma2 semaphore(%run_scoped3A : memref<!tpu.dma_semaphore, #tpu.memory_space<semaphore_mem>>) src(%arg8 : memref<10240xf32, #tpu.memory_space<vmem_shared>>) dst(%dma_wait3A_15 : memref<10240xf32, #tpu.memory_space<hbm>>)
        tpu.yield
      }) : () -> ()
    } else {
    }
    return
  }
}

#map = affine_map<(d0, d1) -> (0, 0)>
#map1 = affine_map<(d0, d1) -> (0, 0, 0)>
module attributes {stable_mosaic.version = 14 : i64} {
  func.func @_sc_edge(%arg0: i32, %arg1: i32, %arg2: memref<10000x64xi32, #tpu.memory_space<hbm>>, %arg3: memref<320x16x64xi32, #tpu.memory_space<hbm>>, %arg4: memref<320x16x64xi32, #tpu.memory_space<hbm>>, %arg5: memref<320x1024xf32, #tpu.memory_space<hbm>>, %arg6: memref<10240x128xf32, #tpu.memory_space<hbm>>, %arg7: memref<2x10240x128xf32, #tpu.memory_space<hbm>>, %arg8: memref<2x16x64xi32, #tpu.memory_space<vmem>>, %arg9: memref<2x16x64xi32, #tpu.memory_space<vmem>>, %arg10: memref<2x1024xf32, #tpu.memory_space<vmem>>, %arg11: memref<64x64xi32, #tpu.memory_space<vmem>>, %arg12: memref<64x64xi32, #tpu.memory_space<vmem>>, %arg13: memref<64x64xi32, #tpu.memory_space<vmem>>, %arg14: memref<64x64xi32, #tpu.memory_space<vmem>>, %arg15: memref<64x128xf32, #tpu.memory_space<vmem>>, %arg16: memref<64x128xf32, #tpu.memory_space<vmem>>, %arg17: memref<10240x128xf32, #tpu.memory_space<vmem_shared>>, %arg18: memref<!tpu.dma_semaphore, #tpu.memory_space<semaphore_mem>>, %arg19: memref<!tpu.dma_semaphore, #tpu.memory_space<semaphore_mem>>, %arg20: memref<!tpu.dma_semaphore, #tpu.memory_space<semaphore_mem>>, %arg21: memref<!tpu.dma_semaphore, #tpu.memory_space<semaphore_mem>>, %arg22: memref<!tpu.dma_semaphore, #tpu.memory_space<semaphore_mem>>, %arg23: memref<!tpu.dma_semaphore, #tpu.memory_space<semaphore_mem>>, %arg24: memref<!tpu.dma_semaphore, #tpu.memory_space<semaphore_mem>>) attributes {dimension_semantics = [#tpu.dimension_semantics<core_parallel>, #tpu.dimension_semantics<subcore_parallel>], iteration_bounds = array<i64: 2, 16>, scalar_prefetch = 0 : i64, scratch_operands = 17 : i64, tpu.core_type = #tpu.core_type<sc_vector_subcore>, window_params = [{transform_indices = #map}, {transform_indices = #map1}, {transform_indices = #map1}, {transform_indices = #map}, {transform_indices = #map}, {transform_indices = #map1}]} {
    %eq3A = arith.constant 0 : i32
    %eq3A_0 = arith.cmpi eq, %arg0, %eq3A : i32
    %jit3A = arith.constant 10 : i32
    %jit3A_1 = arith.constant 10 : i32
    %select_n3A = arith.select %eq3A_0, %jit3A, %jit3A_1 : i32
    %eq3A_2 = arith.constant 0 : i32
    %eq3A_3 = arith.cmpi eq, %arg0, %eq3A_2 : i32
    %mul3A = arith.constant 10 : i32
    %mul3A_4 = arith.muli %arg1, %mul3A : i32
    %mul3A_5 = arith.constant 10 : i32
    %mul3A_6 = arith.muli %arg1, %mul3A_5 : i32
    %add3A = arith.constant 160 : i32
    %add3A_7 = arith.addi %add3A, %mul3A_6 : i32
    %select_n3A_8 = arith.select %eq3A_3, %mul3A_4, %add3A_7 : i32
    %mul3A_9 = arith.constant 640 : i32
    %mul3A_10 = arith.muli %arg1, %mul3A_9 : i32
    %mul3A_11 = arith.constant 640 : i32
    %mul3A_12 = arith.muli %arg1, %mul3A_11 : i32
    "tpu.region"() ({
      %run_scoped3A = tpu.sem_alloc : memref<!tpu.dma_semaphore, #tpu.memory_space<semaphore_mem>>
      %dma_start3A = arith.constant 0 : i32
      %dma_start3A_34 = tpu.memref_slice %arg17[%mul3A_12, %dma_start3A] : memref<10240x128xf32, #tpu.memory_space<vmem_shared>> -> memref<640x128xf32, #tpu.memory_space<vmem_shared>>
      %dma_start3A_35 = arith.constant 0 : i32
      %dma_start3A_36 = tpu.memref_slice %arg6[%mul3A_10, %dma_start3A_35] : memref<10240x128xf32, #tpu.memory_space<hbm>> -> memref<640x128xf32, #tpu.memory_space<hbm>>
      tpu.enqueue_dma source(%dma_start3A_36 : memref<640x128xf32, #tpu.memory_space<hbm>>) target(%dma_start3A_34 : memref<640x128xf32, #tpu.memory_space<vmem_shared>>) target_semaphore(%run_scoped3A : memref<!tpu.dma_semaphore, #tpu.memory_space<semaphore_mem>>)
      %dma_wait3A = arith.constant 0 : i32
      %dma_wait3A_37 = tpu.memref_slice %arg17[%mul3A_12, %dma_wait3A] : memref<10240x128xf32, #tpu.memory_space<vmem_shared>> -> memref<640x128xf32, #tpu.memory_space<vmem_shared>>
      %dma_wait3A_38 = arith.constant 0 : i32
      %dma_wait3A_39 = tpu.memref_slice %arg6[%mul3A_10, %dma_wait3A_38] : memref<10240x128xf32, #tpu.memory_space<hbm>> -> memref<640x128xf32, #tpu.memory_space<hbm>>
      tpu.wait_dma2 semaphore(%run_scoped3A : memref<!tpu.dma_semaphore, #tpu.memory_space<semaphore_mem>>) src(%dma_wait3A_39 : memref<640x128xf32, #tpu.memory_space<hbm>>) dst(%dma_wait3A_37 : memref<640x128xf32, #tpu.memory_space<vmem_shared>>)
      tpu.yield
    }) : () -> ()
    %gt3A = arith.constant 0 : i32
    %gt3A_13 = arith.cmpi sgt, %select_n3A, %gt3A : i32
    %convert_element_type3A = arith.extui %gt3A_13 : i1 to i32
    %cond3A = arith.constant 0 : i32
    %cond3A_14 = arith.cmpi ne, %convert_element_type3A, %cond3A : i32
    scf.if %cond3A_14 {
      %add3A_34 = arith.constant 0 : i32
      %add3A_35 = arith.addi %select_n3A_8, %add3A_34 : i32
      %dma_start3A = arith.constant 0 : i32
      %dma_start3A_36 = arith.constant 0 : i32
      %dma_start3A_37 = arith.constant 0 : i32
      %dma_start3A_38 = tpu.memref_slice %arg8[%dma_start3A, %dma_start3A_36, %dma_start3A_37] : memref<2x16x64xi32, #tpu.memory_space<vmem>> -> memref<1x16x64xi32, #tpu.memory_space<vmem>>
      %dma_start3A_39 = tpu.memref_squeeze %dma_start3A_38 : memref<1x16x64xi32, #tpu.memory_space<vmem>> -> memref<16x64xi32, #tpu.memory_space<vmem>>
      %dma_start3A_40 = arith.constant 0 : i32
      %dma_start3A_41 = arith.constant 0 : i32
      %dma_start3A_42 = tpu.memref_slice %arg3[%add3A_35, %dma_start3A_40, %dma_start3A_41] : memref<320x16x64xi32, #tpu.memory_space<hbm>> -> memref<1x16x64xi32, #tpu.memory_space<hbm>>
      %dma_start3A_43 = tpu.memref_squeeze %dma_start3A_42 : memref<1x16x64xi32, #tpu.memory_space<hbm>> -> memref<16x64xi32, #tpu.memory_space<hbm>>
      %dma_start3A_44 = arith.constant 0 : i32
      %dma_start3A_45 = arith.constant 0 : i32
      %dma_start3A_46 = tpu.memref_slice %arg8[%dma_start3A, %dma_start3A_44, %dma_start3A_45] : memref<2x16x64xi32, #tpu.memory_space<vmem>> -> memref<1x16x64xi32, #tpu.memory_space<vmem>>
      %dma_start3A_47 = tpu.memref_squeeze %dma_start3A_46 : memref<1x16x64xi32, #tpu.memory_space<vmem>> -> memref<16x64xi32, #tpu.memory_space<vmem>>
      %dma_start3A_48 = arith.constant 0 : i32
      %dma_start3A_49 = arith.constant 0 : i32
      %dma_start3A_50 = tpu.memref_slice %arg3[%add3A_35, %dma_start3A_48, %dma_start3A_49] : memref<320x16x64xi32, #tpu.memory_space<hbm>> -> memref<1x16x64xi32, #tpu.memory_space<hbm>>
      %dma_start3A_51 = tpu.memref_squeeze %dma_start3A_50 : memref<1x16x64xi32, #tpu.memory_space<hbm>> -> memref<16x64xi32, #tpu.memory_space<hbm>>
      tpu.enqueue_dma source(%dma_start3A_51 : memref<16x64xi32, #tpu.memory_space<hbm>>) target(%dma_start3A_47 : memref<16x64xi32, #tpu.memory_space<vmem>>) target_semaphore(%arg24 : memref<!tpu.dma_semaphore, #tpu.memory_space<semaphore_mem>>)
      %add3A_52 = arith.constant 0 : i32
      %add3A_53 = arith.addi %select_n3A_8, %add3A_52 : i32
      %dma_start3A_54 = arith.constant 0 : i32
      %dma_start3A_55 = arith.constant 0 : i32
      %dma_start3A_56 = arith.constant 0 : i32
      %dma_start3A_57 = tpu.memref_slice %arg9[%dma_start3A_54, %dma_start3A_55, %dma_start3A_56] : memref<2x16x64xi32, #tpu.memory_space<vmem>> -> memref<1x16x64xi32, #tpu.memory_space<vmem>>
      %dma_start3A_58 = tpu.memref_squeeze %dma_start3A_57 : memref<1x16x64xi32, #tpu.memory_space<vmem>> -> memref<16x64xi32, #tpu.memory_space<vmem>>
      %dma_start3A_59 = arith.constant 0 : i32
      %dma_start3A_60 = arith.constant 0 : i32
      %dma_start3A_61 = tpu.memref_slice %arg4[%add3A_53, %dma_start3A_59, %dma_start3A_60] : memref<320x16x64xi32, #tpu.memory_space<hbm>> -> memref<1x16x64xi32, #tpu.memory_space<hbm>>
      %dma_start3A_62 = tpu.memref_squeeze %dma_start3A_61 : memref<1x16x64xi32, #tpu.memory_space<hbm>> -> memref<16x64xi32, #tpu.memory_space<hbm>>
      %dma_start3A_63 = arith.constant 0 : i32
      %dma_start3A_64 = arith.constant 0 : i32
      %dma_start3A_65 = tpu.memref_slice %arg9[%dma_start3A_54, %dma_start3A_63, %dma_start3A_64] : memref<2x16x64xi32, #tpu.memory_space<vmem>> -> memref<1x16x64xi32, #tpu.memory_space<vmem>>
      %dma_start3A_66 = tpu.memref_squeeze %dma_start3A_65 : memref<1x16x64xi32, #tpu.memory_space<vmem>> -> memref<16x64xi32, #tpu.memory_space<vmem>>
      %dma_start3A_67 = arith.constant 0 : i32
      %dma_start3A_68 = arith.constant 0 : i32
      %dma_start3A_69 = tpu.memref_slice %arg4[%add3A_53, %dma_start3A_67, %dma_start3A_68] : memref<320x16x64xi32, #tpu.memory_space<hbm>> -> memref<1x16x64xi32, #tpu.memory_space<hbm>>
      %dma_start3A_70 = tpu.memref_squeeze %dma_start3A_69 : memref<1x16x64xi32, #tpu.memory_space<hbm>> -> memref<16x64xi32, #tpu.memory_space<hbm>>
      tpu.enqueue_dma source(%dma_start3A_70 : memref<16x64xi32, #tpu.memory_space<hbm>>) target(%dma_start3A_66 : memref<16x64xi32, #tpu.memory_space<vmem>>) target_semaphore(%arg24 : memref<!tpu.dma_semaphore, #tpu.memory_space<semaphore_mem>>)
      %add3A_71 = arith.constant 0 : i32
      %add3A_72 = arith.addi %select_n3A_8, %add3A_71 : i32
      %dma_start3A_73 = arith.constant 0 : i32
      %dma_start3A_74 = arith.constant 0 : i32
      %dma_start3A_75 = tpu.memref_slice %arg10[%dma_start3A_73, %dma_start3A_74] : memref<2x1024xf32, #tpu.memory_space<vmem>> -> memref<1x1024xf32, #tpu.memory_space<vmem>>
      %dma_start3A_76 = tpu.memref_squeeze %dma_start3A_75 : memref<1x1024xf32, #tpu.memory_space<vmem>> -> memref<1024xf32, #tpu.memory_space<vmem>>
      %dma_start3A_77 = arith.constant 0 : i32
      %dma_start3A_78 = tpu.memref_slice %arg5[%add3A_72, %dma_start3A_77] : memref<320x1024xf32, #tpu.memory_space<hbm>> -> memref<1x1024xf32, #tpu.memory_space<hbm>>
      %dma_start3A_79 = tpu.memref_squeeze %dma_start3A_78 : memref<1x1024xf32, #tpu.memory_space<hbm>> -> memref<1024xf32, #tpu.memory_space<hbm>>
      %dma_start3A_80 = arith.constant 0 : i32
      %dma_start3A_81 = tpu.memref_slice %arg10[%dma_start3A_73, %dma_start3A_80] : memref<2x1024xf32, #tpu.memory_space<vmem>> -> memref<1x1024xf32, #tpu.memory_space<vmem>>
      %dma_start3A_82 = tpu.memref_squeeze %dma_start3A_81 : memref<1x1024xf32, #tpu.memory_space<vmem>> -> memref<1024xf32, #tpu.memory_space<vmem>>
      %dma_start3A_83 = arith.constant 0 : i32
      %dma_start3A_84 = tpu.memref_slice %arg5[%add3A_72, %dma_start3A_83] : memref<320x1024xf32, #tpu.memory_space<hbm>> -> memref<1x1024xf32, #tpu.memory_space<hbm>>
      %dma_start3A_85 = tpu.memref_squeeze %dma_start3A_84 : memref<1x1024xf32, #tpu.memory_space<hbm>> -> memref<1024xf32, #tpu.memory_space<hbm>>
      tpu.enqueue_dma source(%dma_start3A_85 : memref<1024xf32, #tpu.memory_space<hbm>>) target(%dma_start3A_82 : memref<1024xf32, #tpu.memory_space<vmem>>) target_semaphore(%arg24 : memref<!tpu.dma_semaphore, #tpu.memory_space<semaphore_mem>>)
    } else {
    }
    %barrier3A = arith.constant 0 : index
    tpu.barrier barrier_id(%barrier3A)
    %gt3A_15 = arith.constant 0 : i32
    %gt3A_16 = arith.cmpi sgt, %select_n3A, %gt3A_15 : i32
    %convert_element_type3A_17 = arith.extui %gt3A_16 : i1 to i32
    %cond3A_18 = arith.constant 0 : i32
    %cond3A_19 = arith.cmpi ne, %convert_element_type3A_17, %cond3A_18 : i32
    scf.if %cond3A_19 {
      %dma_wait3A = arith.constant 0 : i32
      %dma_wait3A_34 = arith.constant 0 : i32
      %dma_wait3A_35 = arith.constant 0 : i32
      %dma_wait3A_36 = tpu.memref_slice %arg8[%dma_wait3A, %dma_wait3A_34, %dma_wait3A_35] : memref<2x16x64xi32, #tpu.memory_space<vmem>> -> memref<1x16x64xi32, #tpu.memory_space<vmem>>
      %dma_wait3A_37 = tpu.memref_squeeze %dma_wait3A_36 : memref<1x16x64xi32, #tpu.memory_space<vmem>> -> memref<16x64xi32, #tpu.memory_space<vmem>>
      %dma_wait3A_38 = arith.constant 0 : i32
      %dma_wait3A_39 = arith.constant 0 : i32
      %dma_wait3A_40 = tpu.memref_slice %arg3[%select_n3A_8, %dma_wait3A_38, %dma_wait3A_39] : memref<320x16x64xi32, #tpu.memory_space<hbm>> -> memref<1x16x64xi32, #tpu.memory_space<hbm>>
      %dma_wait3A_41 = tpu.memref_squeeze %dma_wait3A_40 : memref<1x16x64xi32, #tpu.memory_space<hbm>> -> memref<16x64xi32, #tpu.memory_space<hbm>>
      %dma_wait3A_42 = arith.constant 0 : i32
      %dma_wait3A_43 = arith.constant 0 : i32
      %dma_wait3A_44 = tpu.memref_slice %arg8[%dma_wait3A, %dma_wait3A_42, %dma_wait3A_43] : memref<2x16x64xi32, #tpu.memory_space<vmem>> -> memref<1x16x64xi32, #tpu.memory_space<vmem>>
      %dma_wait3A_45 = tpu.memref_squeeze %dma_wait3A_44 : memref<1x16x64xi32, #tpu.memory_space<vmem>> -> memref<16x64xi32, #tpu.memory_space<vmem>>
      %dma_wait3A_46 = arith.constant 0 : i32
      %dma_wait3A_47 = arith.constant 0 : i32
      %dma_wait3A_48 = tpu.memref_slice %arg3[%select_n3A_8, %dma_wait3A_46, %dma_wait3A_47] : memref<320x16x64xi32, #tpu.memory_space<hbm>> -> memref<1x16x64xi32, #tpu.memory_space<hbm>>
      %dma_wait3A_49 = tpu.memref_squeeze %dma_wait3A_48 : memref<1x16x64xi32, #tpu.memory_space<hbm>> -> memref<16x64xi32, #tpu.memory_space<hbm>>
      tpu.wait_dma2 semaphore(%arg24 : memref<!tpu.dma_semaphore, #tpu.memory_space<semaphore_mem>>) src(%dma_wait3A_49 : memref<16x64xi32, #tpu.memory_space<hbm>>) dst(%dma_wait3A_45 : memref<16x64xi32, #tpu.memory_space<vmem>>)
      %dma_wait3A_50 = arith.constant 0 : i32
      %dma_wait3A_51 = arith.constant 0 : i32
      %dma_wait3A_52 = arith.constant 0 : i32
      %dma_wait3A_53 = tpu.memref_slice %arg9[%dma_wait3A_50, %dma_wait3A_51, %dma_wait3A_52] : memref<2x16x64xi32, #tpu.memory_space<vmem>> -> memref<1x16x64xi32, #tpu.memory_space<vmem>>
      %dma_wait3A_54 = tpu.memref_squeeze %dma_wait3A_53 : memref<1x16x64xi32, #tpu.memory_space<vmem>> -> memref<16x64xi32, #tpu.memory_space<vmem>>
      %dma_wait3A_55 = arith.constant 0 : i32
      %dma_wait3A_56 = arith.constant 0 : i32
      %dma_wait3A_57 = tpu.memref_slice %arg4[%select_n3A_8, %dma_wait3A_55, %dma_wait3A_56] : memref<320x16x64xi32, #tpu.memory_space<hbm>> -> memref<1x16x64xi32, #tpu.memory_space<hbm>>
      %dma_wait3A_58 = tpu.memref_squeeze %dma_wait3A_57 : memref<1x16x64xi32, #tpu.memory_space<hbm>> -> memref<16x64xi32, #tpu.memory_space<hbm>>
      %dma_wait3A_59 = arith.constant 0 : i32
      %dma_wait3A_60 = arith.constant 0 : i32
      %dma_wait3A_61 = tpu.memref_slice %arg9[%dma_wait3A_50, %dma_wait3A_59, %dma_wait3A_60] : memref<2x16x64xi32, #tpu.memory_space<vmem>> -> memref<1x16x64xi32, #tpu.memory_space<vmem>>
      %dma_wait3A_62 = tpu.memref_squeeze %dma_wait3A_61 : memref<1x16x64xi32, #tpu.memory_space<vmem>> -> memref<16x64xi32, #tpu.memory_space<vmem>>
      %dma_wait3A_63 = arith.constant 0 : i32
      %dma_wait3A_64 = arith.constant 0 : i32
      %dma_wait3A_65 = tpu.memref_slice %arg4[%select_n3A_8, %dma_wait3A_63, %dma_wait3A_64] : memref<320x16x64xi32, #tpu.memory_space<hbm>> -> memref<1x16x64xi32, #tpu.memory_space<hbm>>
      %dma_wait3A_66 = tpu.memref_squeeze %dma_wait3A_65 : memref<1x16x64xi32, #tpu.memory_space<hbm>> -> memref<16x64xi32, #tpu.memory_space<hbm>>
      tpu.wait_dma2 semaphore(%arg24 : memref<!tpu.dma_semaphore, #tpu.memory_space<semaphore_mem>>) src(%dma_wait3A_66 : memref<16x64xi32, #tpu.memory_space<hbm>>) dst(%dma_wait3A_62 : memref<16x64xi32, #tpu.memory_space<vmem>>)
      %dma_wait3A_67 = arith.constant 0 : i32
      %dma_wait3A_68 = arith.constant 0 : i32
      %dma_wait3A_69 = tpu.memref_slice %arg10[%dma_wait3A_67, %dma_wait3A_68] : memref<2x1024xf32, #tpu.memory_space<vmem>> -> memref<1x1024xf32, #tpu.memory_space<vmem>>
      %dma_wait3A_70 = tpu.memref_squeeze %dma_wait3A_69 : memref<1x1024xf32, #tpu.memory_space<vmem>> -> memref<1024xf32, #tpu.memory_space<vmem>>
      %dma_wait3A_71 = arith.constant 0 : i32
      %dma_wait3A_72 = tpu.memref_slice %arg5[%select_n3A_8, %dma_wait3A_71] : memref<320x1024xf32, #tpu.memory_space<hbm>> -> memref<1x1024xf32, #tpu.memory_space<hbm>>
      %dma_wait3A_73 = tpu.memref_squeeze %dma_wait3A_72 : memref<1x1024xf32, #tpu.memory_space<hbm>> -> memref<1024xf32, #tpu.memory_space<hbm>>
      %dma_wait3A_74 = arith.constant 0 : i32
      %dma_wait3A_75 = tpu.memref_slice %arg10[%dma_wait3A_67, %dma_wait3A_74] : memref<2x1024xf32, #tpu.memory_space<vmem>> -> memref<1x1024xf32, #tpu.memory_space<vmem>>
      %dma_wait3A_76 = tpu.memref_squeeze %dma_wait3A_75 : memref<1x1024xf32, #tpu.memory_space<vmem>> -> memref<1024xf32, #tpu.memory_space<vmem>>
      %dma_wait3A_77 = arith.constant 0 : i32
      %dma_wait3A_78 = tpu.memref_slice %arg5[%select_n3A_8, %dma_wait3A_77] : memref<320x1024xf32, #tpu.memory_space<hbm>> -> memref<1x1024xf32, #tpu.memory_space<hbm>>
      %dma_wait3A_79 = tpu.memref_squeeze %dma_wait3A_78 : memref<1x1024xf32, #tpu.memory_space<hbm>> -> memref<1024xf32, #tpu.memory_space<hbm>>
      tpu.wait_dma2 semaphore(%arg24 : memref<!tpu.dma_semaphore, #tpu.memory_space<semaphore_mem>>) src(%dma_wait3A_79 : memref<1024xf32, #tpu.memory_space<hbm>>) dst(%dma_wait3A_76 : memref<1024xf32, #tpu.memory_space<vmem>>)
      %dma_start3A = arith.constant 0 : i32
      %dma_start3A_80 = arith.constant 0 : i32
      %dma_start3A_81 = arith.constant 0 : i32
      %dma_start3A_82 = tpu.memref_slice %arg8[%dma_start3A, %dma_start3A_80, %dma_start3A_81] : memref<2x16x64xi32, #tpu.memory_space<vmem>> -> memref<1x1x64xi32, #tpu.memory_space<vmem>>
      %dma_start3A_83 = tpu.memref_squeeze %dma_start3A_82 : memref<1x1x64xi32, #tpu.memory_space<vmem>> -> memref<64xi32, #tpu.memory_space<vmem>>
      %dma_start3A_84 = arith.constant 0 : i32
      %dma_start3A_85 = arith.constant 0 : i32
      %dma_start3A_86 = tpu.memref_slice %arg2[%dma_start3A_84, %dma_start3A_85] : memref<10000x64xi32, #tpu.memory_space<hbm>> -> memref<10000x64xi32, #tpu.memory_space<hbm>>
      tpu.enqueue_indirect_dma source(%dma_start3A_86 : memref<10000x64xi32, #tpu.memory_space<hbm>>) target(%arg11 : memref<64x64xi32, #tpu.memory_space<vmem>>) offsets(%dma_start3A_83 : memref<64xi32, #tpu.memory_space<vmem>>) semaphore(%arg18 : memref<!tpu.dma_semaphore, #tpu.memory_space<semaphore_mem>>)
      %dma_start3A_87 = arith.constant 0 : i32
      %dma_start3A_88 = arith.constant 1 : i32
      %dma_start3A_89 = arith.constant 0 : i32
      %dma_start3A_90 = tpu.memref_slice %arg8[%dma_start3A_87, %dma_start3A_88, %dma_start3A_89] : memref<2x16x64xi32, #tpu.memory_space<vmem>> -> memref<1x1x64xi32, #tpu.memory_space<vmem>>
      %dma_start3A_91 = tpu.memref_squeeze %dma_start3A_90 : memref<1x1x64xi32, #tpu.memory_space<vmem>> -> memref<64xi32, #tpu.memory_space<vmem>>
      %dma_start3A_92 = arith.constant 0 : i32
      %dma_start3A_93 = arith.constant 0 : i32
      %dma_start3A_94 = tpu.memref_slice %arg2[%dma_start3A_92, %dma_start3A_93] : memref<10000x64xi32, #tpu.memory_space<hbm>> -> memref<10000x64xi32, #tpu.memory_space<hbm>>
      tpu.enqueue_indirect_dma source(%dma_start3A_94 : memref<10000x64xi32, #tpu.memory_space<hbm>>) target(%arg12 : memref<64x64xi32, #tpu.memory_space<vmem>>) offsets(%dma_start3A_91 : memref<64xi32, #tpu.memory_space<vmem>>) semaphore(%arg19 : memref<!tpu.dma_semaphore, #tpu.memory_space<semaphore_mem>>)
      %dma_start3A_95 = arith.constant 0 : i32
      %dma_start3A_96 = arith.constant 2 : i32
      %dma_start3A_97 = arith.constant 0 : i32
      %dma_start3A_98 = tpu.memref_slice %arg8[%dma_start3A_95, %dma_start3A_96, %dma_start3A_97] : memref<2x16x64xi32, #tpu.memory_space<vmem>> -> memref<1x1x64xi32, #tpu.memory_space<vmem>>
      %dma_start3A_99 = tpu.memref_squeeze %dma_start3A_98 : memref<1x1x64xi32, #tpu.memory_space<vmem>> -> memref<64xi32, #tpu.memory_space<vmem>>
      %dma_start3A_100 = arith.constant 0 : i32
      %dma_start3A_101 = arith.constant 0 : i32
      %dma_start3A_102 = tpu.memref_slice %arg2[%dma_start3A_100, %dma_start3A_101] : memref<10000x64xi32, #tpu.memory_space<hbm>> -> memref<10000x64xi32, #tpu.memory_space<hbm>>
      tpu.enqueue_indirect_dma source(%dma_start3A_102 : memref<10000x64xi32, #tpu.memory_space<hbm>>) target(%arg13 : memref<64x64xi32, #tpu.memory_space<vmem>>) offsets(%dma_start3A_99 : memref<64xi32, #tpu.memory_space<vmem>>) semaphore(%arg20 : memref<!tpu.dma_semaphore, #tpu.memory_space<semaphore_mem>>)
      %dma_start3A_103 = arith.constant 0 : i32
      %dma_start3A_104 = arith.constant 3 : i32
      %dma_start3A_105 = arith.constant 0 : i32
      %dma_start3A_106 = tpu.memref_slice %arg8[%dma_start3A_103, %dma_start3A_104, %dma_start3A_105] : memref<2x16x64xi32, #tpu.memory_space<vmem>> -> memref<1x1x64xi32, #tpu.memory_space<vmem>>
      %dma_start3A_107 = tpu.memref_squeeze %dma_start3A_106 : memref<1x1x64xi32, #tpu.memory_space<vmem>> -> memref<64xi32, #tpu.memory_space<vmem>>
      %dma_start3A_108 = arith.constant 0 : i32
      %dma_start3A_109 = arith.constant 0 : i32
      %dma_start3A_110 = tpu.memref_slice %arg2[%dma_start3A_108, %dma_start3A_109] : memref<10000x64xi32, #tpu.memory_space<hbm>> -> memref<10000x64xi32, #tpu.memory_space<hbm>>
      tpu.enqueue_indirect_dma source(%dma_start3A_110 : memref<10000x64xi32, #tpu.memory_space<hbm>>) target(%arg14 : memref<64x64xi32, #tpu.memory_space<vmem>>) offsets(%dma_start3A_107 : memref<64xi32, #tpu.memory_space<vmem>>) semaphore(%arg21 : memref<!tpu.dma_semaphore, #tpu.memory_space<semaphore_mem>>)
    } else {
    }
    %scan3A = arith.constant 0 : i32
    %scan3A_20 = arith.constant 20 : i32
    %scan3A_21 = arith.addi %scan3A, %scan3A_20 : i32
    %scan3A_22 = arith.constant 1 : i32
    scf.for %scan3A_34 = %scan3A to %scan3A_21 step %scan3A_22  : i32 {
      %mul3A_35 = arith.constant 1 : i32
      %mul3A_36 = arith.muli %scan3A_34, %mul3A_35 : i32
      %add3A_37 = arith.constant 0 : i32
      %add3A_38 = arith.addi %add3A_37, %mul3A_36 : i32
      %lt3A = arith.cmpi slt, %add3A_38, %select_n3A : i32
      %convert_element_type3A_39 = arith.extui %lt3A : i1 to i32
      %cond3A_40 = arith.constant 0 : i32
      %cond3A_41 = arith.cmpi ne, %convert_element_type3A_39, %cond3A_40 : i32
      scf.if %cond3A_41 {
        %rem3A = arith.constant 2 : i32
        %rem3A_42 = arith.remsi %add3A_38, %rem3A : i32
        %scan3A_43 = arith.constant 0 : i32
        %scan3A_44 = arith.constant 4 : i32
        %scan3A_45 = arith.addi %scan3A_43, %scan3A_44 : i32
        %scan3A_46 = arith.constant 1 : i32
        scf.for %scan3A_48 = %scan3A_43 to %scan3A_45 step %scan3A_46  : i32 {
          %mul3A_49 = arith.constant 1 : i32
          %mul3A_50 = arith.muli %scan3A_48, %mul3A_49 : i32
          %add3A_51 = arith.constant 0 : i32
          %add3A_52 = arith.addi %add3A_51, %mul3A_50 : i32
          %mul3A_53 = arith.constant 4 : i32
          %mul3A_54 = arith.muli %add3A_52, %mul3A_53 : i32
          %add3A_55 = arith.constant 0 : i32
          %add3A_56 = arith.addi %mul3A_54, %add3A_55 : i32
          %dma_wait3A = arith.constant 0 : i32
          %dma_wait3A_57 = arith.constant 0 : i32
          %dma_wait3A_58 = tpu.memref_slice %arg8[%rem3A_42, %dma_wait3A, %dma_wait3A_57] : memref<2x16x64xi32, #tpu.memory_space<vmem>> -> memref<1x1x64xi32, #tpu.memory_space<vmem>>
          %dma_wait3A_59 = tpu.memref_squeeze %dma_wait3A_58 : memref<1x1x64xi32, #tpu.memory_space<vmem>> -> memref<64xi32, #tpu.memory_space<vmem>>
          %dma_wait3A_60 = arith.constant 0 : i32
          %dma_wait3A_61 = arith.constant 0 : i32
          %dma_wait3A_62 = tpu.memref_slice %arg2[%dma_wait3A_60, %dma_wait3A_61] : memref<10000x64xi32, #tpu.memory_space<hbm>> -> memref<10000x64xi32, #tpu.memory_space<hbm>>
          tpu.wait_indirect_dma semaphore(%arg18 : memref<!tpu.dma_semaphore, #tpu.memory_space<semaphore_mem>>) src(%dma_wait3A_62 : memref<10000x64xi32, #tpu.memory_space<hbm>>) dst(%arg11 : memref<64x64xi32, #tpu.memory_space<vmem>>)
          %gt3A_63 = arith.constant 0 : i32
          %gt3A_64 = arith.cmpi sgt, %add3A_38, %gt3A_63 : i32
          %gt3A_65 = arith.constant 0 : i32
          %gt3A_66 = arith.cmpi sgt, %add3A_52, %gt3A_65 : i32
          %or3A = arith.ori %gt3A_64, %gt3A_66 : i1
          %convert_element_type3A_67 = arith.extui %or3A : i1 to i32
          %cond3A_68 = arith.constant 0 : i32
          %cond3A_69 = arith.cmpi ne, %convert_element_type3A_67, %cond3A_68 : i32
          scf.if %cond3A_69 {
            %dma_wait3A_223 = arith.constant 0 : i32
            %dma_wait3A_224 = arith.constant 0 : i32
            %dma_wait3A_225 = tpu.memref_slice %arg9[%rem3A_42, %dma_wait3A_223, %dma_wait3A_224] : memref<2x16x64xi32, #tpu.memory_space<vmem>> -> memref<1x1x64xi32, #tpu.memory_space<vmem>>
            %dma_wait3A_226 = tpu.memref_squeeze %dma_wait3A_225 : memref<1x1x64xi32, #tpu.memory_space<vmem>> -> memref<64xi32, #tpu.memory_space<vmem>>
            %dma_wait3A_227 = arith.constant 0 : i32
            %dma_wait3A_228 = arith.constant 0 : i32
            %dma_wait3A_229 = tpu.memref_slice %arg17[%dma_wait3A_227, %dma_wait3A_228] : memref<10240x128xf32, #tpu.memory_space<vmem_shared>> -> memref<10240x128xf32, #tpu.memory_space<vmem_shared>>
            tpu.wait_indirect_dma semaphore(%arg22 : memref<!tpu.dma_semaphore, #tpu.memory_space<semaphore_mem>>) src(%arg15 : memref<64x128xf32, #tpu.memory_space<vmem>>) dst(%dma_wait3A_229 : memref<10240x128xf32, #tpu.memory_space<vmem_shared>>)
          } else {
          }
          %eq3A_70 = arith.constant 1 : i32
          %eq3A_71 = arith.cmpi eq, %add3A_52, %eq3A_70 : i32
          %add3A_72 = arith.constant 1 : i32
          %add3A_73 = arith.addi %add3A_38, %add3A_72 : i32
          %lt3A_74 = arith.cmpi slt, %add3A_73, %select_n3A : i32
          %and3A = arith.andi %eq3A_71, %lt3A_74 : i1
          %convert_element_type3A_75 = arith.extui %and3A : i1 to i32
          %cond3A_76 = arith.constant 0 : i32
          %cond3A_77 = arith.cmpi ne, %convert_element_type3A_75, %cond3A_76 : i32
          scf.if %cond3A_77 {
            %add3A_223 = arith.constant 1 : i32
            %add3A_224 = arith.addi %add3A_38, %add3A_223 : i32
            %sub3A = arith.constant 1 : i32
            %sub3A_225 = arith.subi %sub3A, %rem3A_42 : i32
            %add3A_226 = arith.addi %select_n3A_8, %add3A_224 : i32
            %dma_start3A_227 = arith.constant 0 : i32
            %dma_start3A_228 = arith.constant 0 : i32
            %dma_start3A_229 = tpu.memref_slice %arg8[%sub3A_225, %dma_start3A_227, %dma_start3A_228] : memref<2x16x64xi32, #tpu.memory_space<vmem>> -> memref<1x16x64xi32, #tpu.memory_space<vmem>>
            %dma_start3A_230 = tpu.memref_squeeze %dma_start3A_229 : memref<1x16x64xi32, #tpu.memory_space<vmem>> -> memref<16x64xi32, #tpu.memory_space<vmem>>
            %dma_start3A_231 = arith.constant 0 : i32
            %dma_start3A_232 = arith.constant 0 : i32
            %dma_start3A_233 = tpu.memref_slice %arg3[%add3A_226, %dma_start3A_231, %dma_start3A_232] : memref<320x16x64xi32, #tpu.memory_space<hbm>> -> memref<1x16x64xi32, #tpu.memory_space<hbm>>
            %dma_start3A_234 = tpu.memref_squeeze %dma_start3A_233 : memref<1x16x64xi32, #tpu.memory_space<hbm>> -> memref<16x64xi32, #tpu.memory_space<hbm>>
            %dma_start3A_235 = arith.constant 0 : i32
            %dma_start3A_236 = arith.constant 0 : i32
            %dma_start3A_237 = tpu.memref_slice %arg8[%sub3A_225, %dma_start3A_235, %dma_start3A_236] : memref<2x16x64xi32, #tpu.memory_space<vmem>> -> memref<1x16x64xi32, #tpu.memory_space<vmem>>
            %dma_start3A_238 = tpu.memref_squeeze %dma_start3A_237 : memref<1x16x64xi32, #tpu.memory_space<vmem>> -> memref<16x64xi32, #tpu.memory_space<vmem>>
            %dma_start3A_239 = arith.constant 0 : i32
            %dma_start3A_240 = arith.constant 0 : i32
            %dma_start3A_241 = tpu.memref_slice %arg3[%add3A_226, %dma_start3A_239, %dma_start3A_240] : memref<320x16x64xi32, #tpu.memory_space<hbm>> -> memref<1x16x64xi32, #tpu.memory_space<hbm>>
            %dma_start3A_242 = tpu.memref_squeeze %dma_start3A_241 : memref<1x16x64xi32, #tpu.memory_space<hbm>> -> memref<16x64xi32, #tpu.memory_space<hbm>>
            tpu.enqueue_dma source(%dma_start3A_242 : memref<16x64xi32, #tpu.memory_space<hbm>>) target(%dma_start3A_238 : memref<16x64xi32, #tpu.memory_space<vmem>>) target_semaphore(%arg24 : memref<!tpu.dma_semaphore, #tpu.memory_space<semaphore_mem>>)
            %add3A_243 = arith.addi %select_n3A_8, %add3A_224 : i32
            %dma_start3A_244 = arith.constant 0 : i32
            %dma_start3A_245 = arith.constant 0 : i32
            %dma_start3A_246 = tpu.memref_slice %arg9[%sub3A_225, %dma_start3A_244, %dma_start3A_245] : memref<2x16x64xi32, #tpu.memory_space<vmem>> -> memref<1x16x64xi32, #tpu.memory_space<vmem>>
            %dma_start3A_247 = tpu.memref_squeeze %dma_start3A_246 : memref<1x16x64xi32, #tpu.memory_space<vmem>> -> memref<16x64xi32, #tpu.memory_space<vmem>>
            %dma_start3A_248 = arith.constant 0 : i32
            %dma_start3A_249 = arith.constant 0 : i32
            %dma_start3A_250 = tpu.memref_slice %arg4[%add3A_243, %dma_start3A_248, %dma_start3A_249] : memref<320x16x64xi32, #tpu.memory_space<hbm>> -> memref<1x16x64xi32, #tpu.memory_space<hbm>>
            %dma_start3A_251 = tpu.memref_squeeze %dma_start3A_250 : memref<1x16x64xi32, #tpu.memory_space<hbm>> -> memref<16x64xi32, #tpu.memory_space<hbm>>
            %dma_start3A_252 = arith.constant 0 : i32
            %dma_start3A_253 = arith.constant 0 : i32
            %dma_start3A_254 = tpu.memref_slice %arg9[%sub3A_225, %dma_start3A_252, %dma_start3A_253] : memref<2x16x64xi32, #tpu.memory_space<vmem>> -> memref<1x16x64xi32, #tpu.memory_space<vmem>>
            %dma_start3A_255 = tpu.memref_squeeze %dma_start3A_254 : memref<1x16x64xi32, #tpu.memory_space<vmem>> -> memref<16x64xi32, #tpu.memory_space<vmem>>
            %dma_start3A_256 = arith.constant 0 : i32
            %dma_start3A_257 = arith.constant 0 : i32
            %dma_start3A_258 = tpu.memref_slice %arg4[%add3A_243, %dma_start3A_256, %dma_start3A_257] : memref<320x16x64xi32, #tpu.memory_space<hbm>> -> memref<1x16x64xi32, #tpu.memory_space<hbm>>
            %dma_start3A_259 = tpu.memref_squeeze %dma_start3A_258 : memref<1x16x64xi32, #tpu.memory_space<hbm>> -> memref<16x64xi32, #tpu.memory_space<hbm>>
            tpu.enqueue_dma source(%dma_start3A_259 : memref<16x64xi32, #tpu.memory_space<hbm>>) target(%dma_start3A_255 : memref<16x64xi32, #tpu.memory_space<vmem>>) target_semaphore(%arg24 : memref<!tpu.dma_semaphore, #tpu.memory_space<semaphore_mem>>)
            %add3A_260 = arith.addi %select_n3A_8, %add3A_224 : i32
            %dma_start3A_261 = arith.constant 0 : i32
            %dma_start3A_262 = tpu.memref_slice %arg10[%sub3A_225, %dma_start3A_261] : memref<2x1024xf32, #tpu.memory_space<vmem>> -> memref<1x1024xf32, #tpu.memory_space<vmem>>
            %dma_start3A_263 = tpu.memref_squeeze %dma_start3A_262 : memref<1x1024xf32, #tpu.memory_space<vmem>> -> memref<1024xf32, #tpu.memory_space<vmem>>
            %dma_start3A_264 = arith.constant 0 : i32
            %dma_start3A_265 = tpu.memref_slice %arg5[%add3A_260, %dma_start3A_264] : memref<320x1024xf32, #tpu.memory_space<hbm>> -> memref<1x1024xf32, #tpu.memory_space<hbm>>
            %dma_start3A_266 = tpu.memref_squeeze %dma_start3A_265 : memref<1x1024xf32, #tpu.memory_space<hbm>> -> memref<1024xf32, #tpu.memory_space<hbm>>
            %dma_start3A_267 = arith.constant 0 : i32
            %dma_start3A_268 = tpu.memref_slice %arg10[%sub3A_225, %dma_start3A_267] : memref<2x1024xf32, #tpu.memory_space<vmem>> -> memref<1x1024xf32, #tpu.memory_space<vmem>>
            %dma_start3A_269 = tpu.memref_squeeze %dma_start3A_268 : memref<1x1024xf32, #tpu.memory_space<vmem>> -> memref<1024xf32, #tpu.memory_space<vmem>>
            %dma_start3A_270 = arith.constant 0 : i32
            %dma_start3A_271 = tpu.memref_slice %arg5[%add3A_260, %dma_start3A_270] : memref<320x1024xf32, #tpu.memory_space<hbm>> -> memref<1x1024xf32, #tpu.memory_space<hbm>>
            %dma_start3A_272 = tpu.memref_squeeze %dma_start3A_271 : memref<1x1024xf32, #tpu.memory_space<hbm>> -> memref<1024xf32, #tpu.memory_space<hbm>>
            tpu.enqueue_dma source(%dma_start3A_272 : memref<1024xf32, #tpu.memory_space<hbm>>) target(%dma_start3A_269 : memref<1024xf32, #tpu.memory_space<vmem>>) target_semaphore(%arg24 : memref<!tpu.dma_semaphore, #tpu.memory_space<semaphore_mem>>)
          } else {
          }
          %parallel_loop3A = arith.constant 0 : i32
          %parallel_loop3A_78 = arith.constant 64 : i32
          %parallel_loop3A_79 = arith.constant 1 : i32
          scf.for %parallel_loop3A_223 = %parallel_loop3A to %parallel_loop3A_78 step %parallel_loop3A_79  : i32 {
            %parallel_loop3A_224 = vector.broadcast %rem3A_42 : i32 to vector<16xi32>
            %parallel_loop3A_225 = arith.constant 64 : i32
            %parallel_loop3A_226 = arith.muli %add3A_56, %parallel_loop3A_225 : i32
            %parallel_loop3A_227 = arith.addi %parallel_loop3A_226, %parallel_loop3A_223 : i32
            %parallel_loop3A_228 = vector.broadcast %parallel_loop3A_227 : i32 to vector<16xi32>
            %parallel_loop3A_229 = tpu.vector_load_idx %arg10[%parallel_loop3A_224, %parallel_loop3A_228] : memref<2x1024xf32, #tpu.memory_space<vmem>>[vector<16xi32>, vector<16xi32>], vector<16xf32>,
            %parallel_loop3A_230 = arith.index_cast %parallel_loop3A_223 : i32 to index
            %parallel_loop3A_231 = arith.constant 0 : index
            %parallel_loop3A_232 = tpu.vector_load %arg11[%parallel_loop3A_230, %parallel_loop3A_231] {strides = array<i32>} : memref<64x64xi32, #tpu.memory_space<vmem>>, vector<16xi32>,
            %parallel_loop3A_233 = vector.bitcast %parallel_loop3A_232 : vector<16xi32> to vector<32xbf16>
            %parallel_loop3A_234 = tpu.unpack_subelements %parallel_loop3A_233, 0 {pack_format = #tpu.pack_format<interleaved>} : vector<32xbf16> -> vector<16xf32>
            %parallel_loop3A_235 = tpu.unpack_subelements %parallel_loop3A_233, 1 {pack_format = #tpu.pack_format<interleaved>} : vector<32xbf16> -> vector<16xf32>
            %parallel_loop3A_236 = arith.mulf %parallel_loop3A_234, %parallel_loop3A_229 : vector<16xf32>
            %parallel_loop3A_237 = arith.index_cast %parallel_loop3A_223 : i32 to index
            %parallel_loop3A_238 = arith.constant 0 : index
            %parallel_loop3A_239 = tpu.vector_load %arg15[%parallel_loop3A_237, %parallel_loop3A_238] {strides = array<i32>} : memref<64x128xf32, #tpu.memory_space<vmem>>, vector<16xf32>,
            tpu.vector_store %arg15[%parallel_loop3A_237, %parallel_loop3A_238], %parallel_loop3A_236 {strides = array<i32>} : memref<64x128xf32, #tpu.memory_space<vmem>>, vector<16xf32>,
            %parallel_loop3A_240 = arith.mulf %parallel_loop3A_235, %parallel_loop3A_229 : vector<16xf32>
            %parallel_loop3A_241 = arith.index_cast %parallel_loop3A_223 : i32 to index
            %parallel_loop3A_242 = arith.constant 16 : index
            %parallel_loop3A_243 = tpu.vector_load %arg15[%parallel_loop3A_241, %parallel_loop3A_242] {strides = array<i32>} : memref<64x128xf32, #tpu.memory_space<vmem>>, vector<16xf32>,
            tpu.vector_store %arg15[%parallel_loop3A_241, %parallel_loop3A_242], %parallel_loop3A_240 {strides = array<i32>} : memref<64x128xf32, #tpu.memory_space<vmem>>, vector<16xf32>,
            %parallel_loop3A_244 = arith.index_cast %parallel_loop3A_223 : i32 to index
            %parallel_loop3A_245 = arith.constant 16 : index
            %parallel_loop3A_246 = tpu.vector_load %arg11[%parallel_loop3A_244, %parallel_loop3A_245] {strides = array<i32>} : memref<64x64xi32, #tpu.memory_space<vmem>>, vector<16xi32>,
            %parallel_loop3A_247 = vector.bitcast %parallel_loop3A_246 : vector<16xi32> to vector<32xbf16>
            %parallel_loop3A_248 = tpu.unpack_subelements %parallel_loop3A_247, 0 {pack_format = #tpu.pack_format<interleaved>} : vector<32xbf16> -> vector<16xf32>
            %parallel_loop3A_249 = tpu.unpack_subelements %parallel_loop3A_247, 1 {pack_format = #tpu.pack_format<interleaved>} : vector<32xbf16> -> vector<16xf32>
            %parallel_loop3A_250 = arith.mulf %parallel_loop3A_248, %parallel_loop3A_229 : vector<16xf32>
            %parallel_loop3A_251 = arith.index_cast %parallel_loop3A_223 : i32 to index
            %parallel_loop3A_252 = arith.constant 32 : index
            %parallel_loop3A_253 = tpu.vector_load %arg15[%parallel_loop3A_251, %parallel_loop3A_252] {strides = array<i32>} : memref<64x128xf32, #tpu.memory_space<vmem>>, vector<16xf32>,
            tpu.vector_store %arg15[%parallel_loop3A_251, %parallel_loop3A_252], %parallel_loop3A_250 {strides = array<i32>} : memref<64x128xf32, #tpu.memory_space<vmem>>, vector<16xf32>,
            %parallel_loop3A_254 = arith.mulf %parallel_loop3A_249, %parallel_loop3A_229 : vector<16xf32>
            %parallel_loop3A_255 = arith.index_cast %parallel_loop3A_223 : i32 to index
            %parallel_loop3A_256 = arith.constant 48 : index
            %parallel_loop3A_257 = tpu.vector_load %arg15[%parallel_loop3A_255, %parallel_loop3A_256] {strides = array<i32>} : memref<64x128xf32, #tpu.memory_space<vmem>>, vector<16xf32>,
            tpu.vector_store %arg15[%parallel_loop3A_255, %parallel_loop3A_256], %parallel_loop3A_254 {strides = array<i32>} : memref<64x128xf32, #tpu.memory_space<vmem>>, vector<16xf32>,
            %parallel_loop3A_258 = arith.index_cast %parallel_loop3A_223 : i32 to index
            %parallel_loop3A_259 = arith.constant 32 : index
            %parallel_loop3A_260 = tpu.vector_load %arg11[%parallel_loop3A_258, %parallel_loop3A_259] {strides = array<i32>} : memref<64x64xi32, #tpu.memory_space<vmem>>, vector<16xi32>,
            %parallel_loop3A_261 = vector.bitcast %parallel_loop3A_260 : vector<16xi32> to vector<32xbf16>
            %parallel_loop3A_262 = tpu.unpack_subelements %parallel_loop3A_261, 0 {pack_format = #tpu.pack_format<interleaved>} : vector<32xbf16> -> vector<16xf32>
            %parallel_loop3A_263 = tpu.unpack_subelements %parallel_loop3A_261, 1 {pack_format = #tpu.pack_format<interleaved>} : vector<32xbf16> -> vector<16xf32>
            %parallel_loop3A_264 = arith.mulf %parallel_loop3A_262, %parallel_loop3A_229 : vector<16xf32>
            %parallel_loop3A_265 = arith.index_cast %parallel_loop3A_223 : i32 to index
            %parallel_loop3A_266 = arith.constant 64 : index
            %parallel_loop3A_267 = tpu.vector_load %arg15[%parallel_loop3A_265, %parallel_loop3A_266] {strides = array<i32>} : memref<64x128xf32, #tpu.memory_space<vmem>>, vector<16xf32>,
            tpu.vector_store %arg15[%parallel_loop3A_265, %parallel_loop3A_266], %parallel_loop3A_264 {strides = array<i32>} : memref<64x128xf32, #tpu.memory_space<vmem>>, vector<16xf32>,
            %parallel_loop3A_268 = arith.mulf %parallel_loop3A_263, %parallel_loop3A_229 : vector<16xf32>
            %parallel_loop3A_269 = arith.index_cast %parallel_loop3A_223 : i32 to index
            %parallel_loop3A_270 = arith.constant 80 : index
            %parallel_loop3A_271 = tpu.vector_load %arg15[%parallel_loop3A_269, %parallel_loop3A_270] {strides = array<i32>} : memref<64x128xf32, #tpu.memory_space<vmem>>, vector<16xf32>,
            tpu.vector_store %arg15[%parallel_loop3A_269, %parallel_loop3A_270], %parallel_loop3A_268 {strides = array<i32>} : memref<64x128xf32, #tpu.memory_space<vmem>>, vector<16xf32>,
            %parallel_loop3A_272 = arith.index_cast %parallel_loop3A_223 : i32 to index
            %parallel_loop3A_273 = arith.constant 48 : index
            %parallel_loop3A_274 = tpu.vector_load %arg11[%parallel_loop3A_272, %parallel_loop3A_273] {strides = array<i32>} : memref<64x64xi32, #tpu.memory_space<vmem>>, vector<16xi32>,
            %parallel_loop3A_275 = vector.bitcast %parallel_loop3A_274 : vector<16xi32> to vector<32xbf16>
            %parallel_loop3A_276 = tpu.unpack_subelements %parallel_loop3A_275, 0 {pack_format = #tpu.pack_format<interleaved>} : vector<32xbf16> -> vector<16xf32>
            %parallel_loop3A_277 = tpu.unpack_subelements %parallel_loop3A_275, 1 {pack_format = #tpu.pack_format<interleaved>} : vector<32xbf16> -> vector<16xf32>
            %parallel_loop3A_278 = arith.mulf %parallel_loop3A_276, %parallel_loop3A_229 : vector<16xf32>
            %parallel_loop3A_279 = arith.index_cast %parallel_loop3A_223 : i32 to index
            %parallel_loop3A_280 = arith.constant 96 : index
            %parallel_loop3A_281 = tpu.vector_load %arg15[%parallel_loop3A_279, %parallel_loop3A_280] {strides = array<i32>} : memref<64x128xf32, #tpu.memory_space<vmem>>, vector<16xf32>,
            tpu.vector_store %arg15[%parallel_loop3A_279, %parallel_loop3A_280], %parallel_loop3A_278 {strides = array<i32>} : memref<64x128xf32, #tpu.memory_space<vmem>>, vector<16xf32>,
            %parallel_loop3A_282 = arith.mulf %parallel_loop3A_277, %parallel_loop3A_229 : vector<16xf32>
            %parallel_loop3A_283 = arith.index_cast %parallel_loop3A_223 : i32 to index
            %parallel_loop3A_284 = arith.constant 112 : index
            %parallel_loop3A_285 = tpu.vector_load %arg15[%parallel_loop3A_283, %parallel_loop3A_284] {strides = array<i32>} : memref<64x128xf32, #tpu.memory_space<vmem>>, vector<16xf32>,
            tpu.vector_store %arg15[%parallel_loop3A_283, %parallel_loop3A_284], %parallel_loop3A_282 {strides = array<i32>} : memref<64x128xf32, #tpu.memory_space<vmem>>, vector<16xf32>,
          } {sc.loop_unroll_factor = 2 : i64, sc.parallel_access}
          %dma_start3A = arith.constant 0 : i32
          %dma_start3A_80 = tpu.memref_slice %arg9[%rem3A_42, %add3A_56, %dma_start3A] : memref<2x16x64xi32, #tpu.memory_space<vmem>> -> memref<1x1x64xi32, #tpu.memory_space<vmem>>
          %dma_start3A_81 = tpu.memref_squeeze %dma_start3A_80 : memref<1x1x64xi32, #tpu.memory_space<vmem>> -> memref<64xi32, #tpu.memory_space<vmem>>
          %dma_start3A_82 = arith.constant 0 : i32
          %dma_start3A_83 = arith.constant 0 : i32
          %dma_start3A_84 = tpu.memref_slice %arg17[%dma_start3A_82, %dma_start3A_83] : memref<10240x128xf32, #tpu.memory_space<vmem_shared>> -> memref<10240x128xf32, #tpu.memory_space<vmem_shared>>
          tpu.enqueue_indirect_dma source(%arg15 : memref<64x128xf32, #tpu.memory_space<vmem>>) target(%dma_start3A_84 : memref<10240x128xf32, #tpu.memory_space<vmem_shared>>) offsets(%dma_start3A_81 : memref<64xi32, #tpu.memory_space<vmem>>) semaphore(%arg22 : memref<!tpu.dma_semaphore, #tpu.memory_space<semaphore_mem>>) {add = true}
          %lt3A_85 = arith.constant 3 : i32
          %lt3A_86 = arith.cmpi slt, %add3A_52, %lt3A_85 : i32
          %convert_element_type3A_87 = arith.extui %lt3A_86 : i1 to i32
          %cond3A_88 = arith.constant 0 : i32
          %cond3A_89 = arith.cmpi ne, %convert_element_type3A_87, %cond3A_88 : i32
          scf.if %cond3A_89 {
            %add3A_223 = arith.constant 4 : i32
            %add3A_224 = arith.addi %add3A_56, %add3A_223 : i32
            %dma_start3A_225 = arith.constant 0 : i32
            %dma_start3A_226 = tpu.memref_slice %arg8[%rem3A_42, %add3A_224, %dma_start3A_225] : memref<2x16x64xi32, #tpu.memory_space<vmem>> -> memref<1x1x64xi32, #tpu.memory_space<vmem>>
            %dma_start3A_227 = tpu.memref_squeeze %dma_start3A_226 : memref<1x1x64xi32, #tpu.memory_space<vmem>> -> memref<64xi32, #tpu.memory_space<vmem>>
            %dma_start3A_228 = arith.constant 0 : i32
            %dma_start3A_229 = arith.constant 0 : i32
            %dma_start3A_230 = tpu.memref_slice %arg2[%dma_start3A_228, %dma_start3A_229] : memref<10000x64xi32, #tpu.memory_space<hbm>> -> memref<10000x64xi32, #tpu.memory_space<hbm>>
            tpu.enqueue_indirect_dma source(%dma_start3A_230 : memref<10000x64xi32, #tpu.memory_space<hbm>>) target(%arg11 : memref<64x64xi32, #tpu.memory_space<vmem>>) offsets(%dma_start3A_227 : memref<64xi32, #tpu.memory_space<vmem>>) semaphore(%arg18 : memref<!tpu.dma_semaphore, #tpu.memory_space<semaphore_mem>>)
          } else {
          }
          %eq3A_90 = arith.constant 3 : i32
          %eq3A_91 = arith.cmpi eq, %add3A_52, %eq3A_90 : i32
          %add3A_92 = arith.constant 1 : i32
          %add3A_93 = arith.addi %add3A_38, %add3A_92 : i32
          %lt3A_94 = arith.cmpi slt, %add3A_93, %select_n3A : i32
          %and3A_95 = arith.andi %eq3A_91, %lt3A_94 : i1
          %convert_element_type3A_96 = arith.extui %and3A_95 : i1 to i32
          %cond3A_97 = arith.constant 0 : i32
          %cond3A_98 = arith.cmpi ne, %convert_element_type3A_96, %cond3A_97 : i32
          scf.if %cond3A_98 {
            %sub3A = arith.constant 1 : i32
            %sub3A_223 = arith.subi %sub3A, %rem3A_42 : i32
            %dma_wait3A_224 = arith.constant 0 : i32
            %dma_wait3A_225 = arith.constant 0 : i32
            %dma_wait3A_226 = tpu.memref_slice %arg8[%sub3A_223, %dma_wait3A_224, %dma_wait3A_225] : memref<2x16x64xi32, #tpu.memory_space<vmem>> -> memref<1x16x64xi32, #tpu.memory_space<vmem>>
            %dma_wait3A_227 = tpu.memref_squeeze %dma_wait3A_226 : memref<1x16x64xi32, #tpu.memory_space<vmem>> -> memref<16x64xi32, #tpu.memory_space<vmem>>
            %dma_wait3A_228 = arith.constant 0 : i32
            %dma_wait3A_229 = arith.constant 0 : i32
            %dma_wait3A_230 = tpu.memref_slice %arg3[%select_n3A_8, %dma_wait3A_228, %dma_wait3A_229] : memref<320x16x64xi32, #tpu.memory_space<hbm>> -> memref<1x16x64xi32, #tpu.memory_space<hbm>>
            %dma_wait3A_231 = tpu.memref_squeeze %dma_wait3A_230 : memref<1x16x64xi32, #tpu.memory_space<hbm>> -> memref<16x64xi32, #tpu.memory_space<hbm>>
            %dma_wait3A_232 = arith.constant 0 : i32
            %dma_wait3A_233 = arith.constant 0 : i32
            %dma_wait3A_234 = tpu.memref_slice %arg8[%sub3A_223, %dma_wait3A_232, %dma_wait3A_233] : memref<2x16x64xi32, #tpu.memory_space<vmem>> -> memref<1x16x64xi32, #tpu.memory_space<vmem>>
            %dma_wait3A_235 = tpu.memref_squeeze %dma_wait3A_234 : memref<1x16x64xi32, #tpu.memory_space<vmem>> -> memref<16x64xi32, #tpu.memory_space<vmem>>
            %dma_wait3A_236 = arith.constant 0 : i32
            %dma_wait3A_237 = arith.constant 0 : i32
            %dma_wait3A_238 = tpu.memref_slice %arg3[%select_n3A_8, %dma_wait3A_236, %dma_wait3A_237] : memref<320x16x64xi32, #tpu.memory_space<hbm>> -> memref<1x16x64xi32, #tpu.memory_space<hbm>>
            %dma_wait3A_239 = tpu.memref_squeeze %dma_wait3A_238 : memref<1x16x64xi32, #tpu.memory_space<hbm>> -> memref<16x64xi32, #tpu.memory_space<hbm>>
            tpu.wait_dma2 semaphore(%arg24 : memref<!tpu.dma_semaphore, #tpu.memory_space<semaphore_mem>>) src(%dma_wait3A_239 : memref<16x64xi32, #tpu.memory_space<hbm>>) dst(%dma_wait3A_235 : memref<16x64xi32, #tpu.memory_space<vmem>>)
            %dma_wait3A_240 = arith.constant 0 : i32
            %dma_wait3A_241 = arith.constant 0 : i32
            %dma_wait3A_242 = tpu.memref_slice %arg9[%sub3A_223, %dma_wait3A_240, %dma_wait3A_241] : memref<2x16x64xi32, #tpu.memory_space<vmem>> -> memref<1x16x64xi32, #tpu.memory_space<vmem>>
            %dma_wait3A_243 = tpu.memref_squeeze %dma_wait3A_242 : memref<1x16x64xi32, #tpu.memory_space<vmem>> -> memref<16x64xi32, #tpu.memory_space<vmem>>
            %dma_wait3A_244 = arith.constant 0 : i32
            %dma_wait3A_245 = arith.constant 0 : i32
            %dma_wait3A_246 = tpu.memref_slice %arg4[%select_n3A_8, %dma_wait3A_244, %dma_wait3A_245] : memref<320x16x64xi32, #tpu.memory_space<hbm>> -> memref<1x16x64xi32, #tpu.memory_space<hbm>>
            %dma_wait3A_247 = tpu.memref_squeeze %dma_wait3A_246 : memref<1x16x64xi32, #tpu.memory_space<hbm>> -> memref<16x64xi32, #tpu.memory_space<hbm>>
            %dma_wait3A_248 = arith.constant 0 : i32
            %dma_wait3A_249 = arith.constant 0 : i32
            %dma_wait3A_250 = tpu.memref_slice %arg9[%sub3A_223, %dma_wait3A_248, %dma_wait3A_249] : memref<2x16x64xi32, #tpu.memory_space<vmem>> -> memref<1x16x64xi32, #tpu.memory_space<vmem>>
            %dma_wait3A_251 = tpu.memref_squeeze %dma_wait3A_250 : memref<1x16x64xi32, #tpu.memory_space<vmem>> -> memref<16x64xi32, #tpu.memory_space<vmem>>
            %dma_wait3A_252 = arith.constant 0 : i32
            %dma_wait3A_253 = arith.constant 0 : i32
            %dma_wait3A_254 = tpu.memref_slice %arg4[%select_n3A_8, %dma_wait3A_252, %dma_wait3A_253] : memref<320x16x64xi32, #tpu.memory_space<hbm>> -> memref<1x16x64xi32, #tpu.memory_space<hbm>>
            %dma_wait3A_255 = tpu.memref_squeeze %dma_wait3A_254 : memref<1x16x64xi32, #tpu.memory_space<hbm>> -> memref<16x64xi32, #tpu.memory_space<hbm>>
            tpu.wait_dma2 semaphore(%arg24 : memref<!tpu.dma_semaphore, #tpu.memory_space<semaphore_mem>>) src(%dma_wait3A_255 : memref<16x64xi32, #tpu.memory_space<hbm>>) dst(%dma_wait3A_251 : memref<16x64xi32, #tpu.memory_space<vmem>>)
            %dma_wait3A_256 = arith.constant 0 : i32
            %dma_wait3A_257 = tpu.memref_slice %arg10[%sub3A_223, %dma_wait3A_256] : memref<2x1024xf32, #tpu.memory_space<vmem>> -> memref<1x1024xf32, #tpu.memory_space<vmem>>
            %dma_wait3A_258 = tpu.memref_squeeze %dma_wait3A_257 : memref<1x1024xf32, #tpu.memory_space<vmem>> -> memref<1024xf32, #tpu.memory_space<vmem>>
            %dma_wait3A_259 = arith.constant 0 : i32
            %dma_wait3A_260 = tpu.memref_slice %arg5[%select_n3A_8, %dma_wait3A_259] : memref<320x1024xf32, #tpu.memory_space<hbm>> -> memref<1x1024xf32, #tpu.memory_space<hbm>>
            %dma_wait3A_261 = tpu.memref_squeeze %dma_wait3A_260 : memref<1x1024xf32, #tpu.memory_space<hbm>> -> memref<1024xf32, #tpu.memory_space<hbm>>
            %dma_wait3A_262 = arith.constant 0 : i32
            %dma_wait3A_263 = tpu.memref_slice %arg10[%sub3A_223, %dma_wait3A_262] : memref<2x1024xf32, #tpu.memory_space<vmem>> -> memref<1x1024xf32, #tpu.memory_space<vmem>>
            %dma_wait3A_264 = tpu.memref_squeeze %dma_wait3A_263 : memref<1x1024xf32, #tpu.memory_space<vmem>> -> memref<1024xf32, #tpu.memory_space<vmem>>
            %dma_wait3A_265 = arith.constant 0 : i32
            %dma_wait3A_266 = tpu.memref_slice %arg5[%select_n3A_8, %dma_wait3A_265] : memref<320x1024xf32, #tpu.memory_space<hbm>> -> memref<1x1024xf32, #tpu.memory_space<hbm>>
            %dma_wait3A_267 = tpu.memref_squeeze %dma_wait3A_266 : memref<1x1024xf32, #tpu.memory_space<hbm>> -> memref<1024xf32, #tpu.memory_space<hbm>>
            tpu.wait_dma2 semaphore(%arg24 : memref<!tpu.dma_semaphore, #tpu.memory_space<semaphore_mem>>) src(%dma_wait3A_267 : memref<1024xf32, #tpu.memory_space<hbm>>) dst(%dma_wait3A_264 : memref<1024xf32, #tpu.memory_space<vmem>>)
            %sub3A_268 = arith.constant 1 : i32
            %sub3A_269 = arith.subi %sub3A_268, %rem3A_42 : i32
            %dma_start3A_270 = arith.constant 0 : i32
            %dma_start3A_271 = arith.constant 0 : i32
            %dma_start3A_272 = tpu.memref_slice %arg8[%sub3A_269, %dma_start3A_270, %dma_start3A_271] : memref<2x16x64xi32, #tpu.memory_space<vmem>> -> memref<1x1x64xi32, #tpu.memory_space<vmem>>
            %dma_start3A_273 = tpu.memref_squeeze %dma_start3A_272 : memref<1x1x64xi32, #tpu.memory_space<vmem>> -> memref<64xi32, #tpu.memory_space<vmem>>
            %dma_start3A_274 = arith.constant 0 : i32
            %dma_start3A_275 = arith.constant 0 : i32
            %dma_start3A_276 = tpu.memref_slice %arg2[%dma_start3A_274, %dma_start3A_275] : memref<10000x64xi32, #tpu.memory_space<hbm>> -> memref<10000x64xi32, #tpu.memory_space<hbm>>
            tpu.enqueue_indirect_dma source(%dma_start3A_276 : memref<10000x64xi32, #tpu.memory_space<hbm>>) target(%arg11 : memref<64x64xi32, #tpu.memory_space<vmem>>) offsets(%dma_start3A_273 : memref<64xi32, #tpu.memory_space<vmem>>) semaphore(%arg18 : memref<!tpu.dma_semaphore, #tpu.memory_space<semaphore_mem>>)
          } else {
          }
          %mul3A_99 = arith.constant 4 : i32
          %mul3A_100 = arith.muli %add3A_52, %mul3A_99 : i32
          %add3A_101 = arith.constant 1 : i32
          %add3A_102 = arith.addi %mul3A_100, %add3A_101 : i32
          %dma_wait3A_103 = arith.constant 0 : i32
          %dma_wait3A_104 = arith.constant 0 : i32
          %dma_wait3A_105 = tpu.memref_slice %arg8[%rem3A_42, %dma_wait3A_103, %dma_wait3A_104] : memref<2x16x64xi32, #tpu.memory_space<vmem>> -> memref<1x1x64xi32, #tpu.memory_space<vmem>>
          %dma_wait3A_106 = tpu.memref_squeeze %dma_wait3A_105 : memref<1x1x64xi32, #tpu.memory_space<vmem>> -> memref<64xi32, #tpu.memory_space<vmem>>
          %dma_wait3A_107 = arith.constant 0 : i32
          %dma_wait3A_108 = arith.constant 0 : i32
          %dma_wait3A_109 = tpu.memref_slice %arg2[%dma_wait3A_107, %dma_wait3A_108] : memref<10000x64xi32, #tpu.memory_space<hbm>> -> memref<10000x64xi32, #tpu.memory_space<hbm>>
          tpu.wait_indirect_dma semaphore(%arg19 : memref<!tpu.dma_semaphore, #tpu.memory_space<semaphore_mem>>) src(%dma_wait3A_109 : memref<10000x64xi32, #tpu.memory_space<hbm>>) dst(%arg12 : memref<64x64xi32, #tpu.memory_space<vmem>>)
          %gt3A_110 = arith.constant 0 : i32
          %gt3A_111 = arith.cmpi sgt, %add3A_38, %gt3A_110 : i32
          %gt3A_112 = arith.constant 0 : i32
          %gt3A_113 = arith.cmpi sgt, %add3A_52, %gt3A_112 : i32
          %or3A_114 = arith.ori %gt3A_111, %gt3A_113 : i1
          %convert_element_type3A_115 = arith.extui %or3A_114 : i1 to i32
          %cond3A_116 = arith.constant 0 : i32
          %cond3A_117 = arith.cmpi ne, %convert_element_type3A_115, %cond3A_116 : i32
          scf.if %cond3A_117 {
            %dma_wait3A_223 = arith.constant 0 : i32
            %dma_wait3A_224 = arith.constant 0 : i32
            %dma_wait3A_225 = tpu.memref_slice %arg9[%rem3A_42, %dma_wait3A_223, %dma_wait3A_224] : memref<2x16x64xi32, #tpu.memory_space<vmem>> -> memref<1x1x64xi32, #tpu.memory_space<vmem>>
            %dma_wait3A_226 = tpu.memref_squeeze %dma_wait3A_225 : memref<1x1x64xi32, #tpu.memory_space<vmem>> -> memref<64xi32, #tpu.memory_space<vmem>>
            %dma_wait3A_227 = arith.constant 0 : i32
            %dma_wait3A_228 = arith.constant 0 : i32
            %dma_wait3A_229 = tpu.memref_slice %arg17[%dma_wait3A_227, %dma_wait3A_228] : memref<10240x128xf32, #tpu.memory_space<vmem_shared>> -> memref<10240x128xf32, #tpu.memory_space<vmem_shared>>
            tpu.wait_indirect_dma semaphore(%arg23 : memref<!tpu.dma_semaphore, #tpu.memory_space<semaphore_mem>>) src(%arg16 : memref<64x128xf32, #tpu.memory_space<vmem>>) dst(%dma_wait3A_229 : memref<10240x128xf32, #tpu.memory_space<vmem_shared>>)
          } else {
          }
          %parallel_loop3A_118 = arith.constant 0 : i32
          %parallel_loop3A_119 = arith.constant 64 : i32
          %parallel_loop3A_120 = arith.constant 1 : i32
          scf.for %parallel_loop3A_223 = %parallel_loop3A_118 to %parallel_loop3A_119 step %parallel_loop3A_120  : i32 {
            %parallel_loop3A_224 = vector.broadcast %rem3A_42 : i32 to vector<16xi32>
            %parallel_loop3A_225 = arith.constant 64 : i32
            %parallel_loop3A_226 = arith.muli %add3A_102, %parallel_loop3A_225 : i32
            %parallel_loop3A_227 = arith.addi %parallel_loop3A_226, %parallel_loop3A_223 : i32
            %parallel_loop3A_228 = vector.broadcast %parallel_loop3A_227 : i32 to vector<16xi32>
            %parallel_loop3A_229 = tpu.vector_load_idx %arg10[%parallel_loop3A_224, %parallel_loop3A_228] : memref<2x1024xf32, #tpu.memory_space<vmem>>[vector<16xi32>, vector<16xi32>], vector<16xf32>,
            %parallel_loop3A_230 = arith.index_cast %parallel_loop3A_223 : i32 to index
            %parallel_loop3A_231 = arith.constant 0 : index
            %parallel_loop3A_232 = tpu.vector_load %arg12[%parallel_loop3A_230, %parallel_loop3A_231] {strides = array<i32>} : memref<64x64xi32, #tpu.memory_space<vmem>>, vector<16xi32>,
            %parallel_loop3A_233 = vector.bitcast %parallel_loop3A_232 : vector<16xi32> to vector<32xbf16>
            %parallel_loop3A_234 = tpu.unpack_subelements %parallel_loop3A_233, 0 {pack_format = #tpu.pack_format<interleaved>} : vector<32xbf16> -> vector<16xf32>
            %parallel_loop3A_235 = tpu.unpack_subelements %parallel_loop3A_233, 1 {pack_format = #tpu.pack_format<interleaved>} : vector<32xbf16> -> vector<16xf32>
            %parallel_loop3A_236 = arith.mulf %parallel_loop3A_234, %parallel_loop3A_229 : vector<16xf32>
            %parallel_loop3A_237 = arith.index_cast %parallel_loop3A_223 : i32 to index
            %parallel_loop3A_238 = arith.constant 0 : index
            %parallel_loop3A_239 = tpu.vector_load %arg16[%parallel_loop3A_237, %parallel_loop3A_238] {strides = array<i32>} : memref<64x128xf32, #tpu.memory_space<vmem>>, vector<16xf32>,
            tpu.vector_store %arg16[%parallel_loop3A_237, %parallel_loop3A_238], %parallel_loop3A_236 {strides = array<i32>} : memref<64x128xf32, #tpu.memory_space<vmem>>, vector<16xf32>,
            %parallel_loop3A_240 = arith.mulf %parallel_loop3A_235, %parallel_loop3A_229 : vector<16xf32>
            %parallel_loop3A_241 = arith.index_cast %parallel_loop3A_223 : i32 to index
            %parallel_loop3A_242 = arith.constant 16 : index
            %parallel_loop3A_243 = tpu.vector_load %arg16[%parallel_loop3A_241, %parallel_loop3A_242] {strides = array<i32>} : memref<64x128xf32, #tpu.memory_space<vmem>>, vector<16xf32>,
            tpu.vector_store %arg16[%parallel_loop3A_241, %parallel_loop3A_242], %parallel_loop3A_240 {strides = array<i32>} : memref<64x128xf32, #tpu.memory_space<vmem>>, vector<16xf32>,
            %parallel_loop3A_244 = arith.index_cast %parallel_loop3A_223 : i32 to index
            %parallel_loop3A_245 = arith.constant 16 : index
            %parallel_loop3A_246 = tpu.vector_load %arg12[%parallel_loop3A_244, %parallel_loop3A_245] {strides = array<i32>} : memref<64x64xi32, #tpu.memory_space<vmem>>, vector<16xi32>,
            %parallel_loop3A_247 = vector.bitcast %parallel_loop3A_246 : vector<16xi32> to vector<32xbf16>
            %parallel_loop3A_248 = tpu.unpack_subelements %parallel_loop3A_247, 0 {pack_format = #tpu.pack_format<interleaved>} : vector<32xbf16> -> vector<16xf32>
            %parallel_loop3A_249 = tpu.unpack_subelements %parallel_loop3A_247, 1 {pack_format = #tpu.pack_format<interleaved>} : vector<32xbf16> -> vector<16xf32>
            %parallel_loop3A_250 = arith.mulf %parallel_loop3A_248, %parallel_loop3A_229 : vector<16xf32>
            %parallel_loop3A_251 = arith.index_cast %parallel_loop3A_223 : i32 to index
            %parallel_loop3A_252 = arith.constant 32 : index
            %parallel_loop3A_253 = tpu.vector_load %arg16[%parallel_loop3A_251, %parallel_loop3A_252] {strides = array<i32>} : memref<64x128xf32, #tpu.memory_space<vmem>>, vector<16xf32>,
            tpu.vector_store %arg16[%parallel_loop3A_251, %parallel_loop3A_252], %parallel_loop3A_250 {strides = array<i32>} : memref<64x128xf32, #tpu.memory_space<vmem>>, vector<16xf32>,
            %parallel_loop3A_254 = arith.mulf %parallel_loop3A_249, %parallel_loop3A_229 : vector<16xf32>
            %parallel_loop3A_255 = arith.index_cast %parallel_loop3A_223 : i32 to index
            %parallel_loop3A_256 = arith.constant 48 : index
            %parallel_loop3A_257 = tpu.vector_load %arg16[%parallel_loop3A_255, %parallel_loop3A_256] {strides = array<i32>} : memref<64x128xf32, #tpu.memory_space<vmem>>, vector<16xf32>,
            tpu.vector_store %arg16[%parallel_loop3A_255, %parallel_loop3A_256], %parallel_loop3A_254 {strides = array<i32>} : memref<64x128xf32, #tpu.memory_space<vmem>>, vector<16xf32>,
            %parallel_loop3A_258 = arith.index_cast %parallel_loop3A_223 : i32 to index
            %parallel_loop3A_259 = arith.constant 32 : index
            %parallel_loop3A_260 = tpu.vector_load %arg12[%parallel_loop3A_258, %parallel_loop3A_259] {strides = array<i32>} : memref<64x64xi32, #tpu.memory_space<vmem>>, vector<16xi32>,
            %parallel_loop3A_261 = vector.bitcast %parallel_loop3A_260 : vector<16xi32> to vector<32xbf16>
            %parallel_loop3A_262 = tpu.unpack_subelements %parallel_loop3A_261, 0 {pack_format = #tpu.pack_format<interleaved>} : vector<32xbf16> -> vector<16xf32>
            %parallel_loop3A_263 = tpu.unpack_subelements %parallel_loop3A_261, 1 {pack_format = #tpu.pack_format<interleaved>} : vector<32xbf16> -> vector<16xf32>
            %parallel_loop3A_264 = arith.mulf %parallel_loop3A_262, %parallel_loop3A_229 : vector<16xf32>
            %parallel_loop3A_265 = arith.index_cast %parallel_loop3A_223 : i32 to index
            %parallel_loop3A_266 = arith.constant 64 : index
            %parallel_loop3A_267 = tpu.vector_load %arg16[%parallel_loop3A_265, %parallel_loop3A_266] {strides = array<i32>} : memref<64x128xf32, #tpu.memory_space<vmem>>, vector<16xf32>,
            tpu.vector_store %arg16[%parallel_loop3A_265, %parallel_loop3A_266], %parallel_loop3A_264 {strides = array<i32>} : memref<64x128xf32, #tpu.memory_space<vmem>>, vector<16xf32>,
            %parallel_loop3A_268 = arith.mulf %parallel_loop3A_263, %parallel_loop3A_229 : vector<16xf32>
            %parallel_loop3A_269 = arith.index_cast %parallel_loop3A_223 : i32 to index
            %parallel_loop3A_270 = arith.constant 80 : index
            %parallel_loop3A_271 = tpu.vector_load %arg16[%parallel_loop3A_269, %parallel_loop3A_270] {strides = array<i32>} : memref<64x128xf32, #tpu.memory_space<vmem>>, vector<16xf32>,
            tpu.vector_store %arg16[%parallel_loop3A_269, %parallel_loop3A_270], %parallel_loop3A_268 {strides = array<i32>} : memref<64x128xf32, #tpu.memory_space<vmem>>, vector<16xf32>,
            %parallel_loop3A_272 = arith.index_cast %parallel_loop3A_223 : i32 to index
            %parallel_loop3A_273 = arith.constant 48 : index
            %parallel_loop3A_274 = tpu.vector_load %arg12[%parallel_loop3A_272, %parallel_loop3A_273] {strides = array<i32>} : memref<64x64xi32, #tpu.memory_space<vmem>>, vector<16xi32>,
            %parallel_loop3A_275 = vector.bitcast %parallel_loop3A_274 : vector<16xi32> to vector<32xbf16>
            %parallel_loop3A_276 = tpu.unpack_subelements %parallel_loop3A_275, 0 {pack_format = #tpu.pack_format<interleaved>} : vector<32xbf16> -> vector<16xf32>
            %parallel_loop3A_277 = tpu.unpack_subelements %parallel_loop3A_275, 1 {pack_format = #tpu.pack_format<interleaved>} : vector<32xbf16> -> vector<16xf32>
            %parallel_loop3A_278 = arith.mulf %parallel_loop3A_276, %parallel_loop3A_229 : vector<16xf32>
            %parallel_loop3A_279 = arith.index_cast %parallel_loop3A_223 : i32 to index
            %parallel_loop3A_280 = arith.constant 96 : index
            %parallel_loop3A_281 = tpu.vector_load %arg16[%parallel_loop3A_279, %parallel_loop3A_280] {strides = array<i32>} : memref<64x128xf32, #tpu.memory_space<vmem>>, vector<16xf32>,
            tpu.vector_store %arg16[%parallel_loop3A_279, %parallel_loop3A_280], %parallel_loop3A_278 {strides = array<i32>} : memref<64x128xf32, #tpu.memory_space<vmem>>, vector<16xf32>,
            %parallel_loop3A_282 = arith.mulf %parallel_loop3A_277, %parallel_loop3A_229 : vector<16xf32>
            %parallel_loop3A_283 = arith.index_cast %parallel_loop3A_223 : i32 to index
            %parallel_loop3A_284 = arith.constant 112 : index
            %parallel_loop3A_285 = tpu.vector_load %arg16[%parallel_loop3A_283, %parallel_loop3A_284] {strides = array<i32>} : memref<64x128xf32, #tpu.memory_space<vmem>>, vector<16xf32>,
            tpu.vector_store %arg16[%parallel_loop3A_283, %parallel_loop3A_284], %parallel_loop3A_282 {strides = array<i32>} : memref<64x128xf32, #tpu.memory_space<vmem>>, vector<16xf32>,
          } {sc.loop_unroll_factor = 2 : i64, sc.parallel_access}
          %dma_start3A_121 = arith.constant 0 : i32
          %dma_start3A_122 = tpu.memref_slice %arg9[%rem3A_42, %add3A_102, %dma_start3A_121] : memref<2x16x64xi32, #tpu.memory_space<vmem>> -> memref<1x1x64xi32, #tpu.memory_space<vmem>>
          %dma_start3A_123 = tpu.memref_squeeze %dma_start3A_122 : memref<1x1x64xi32, #tpu.memory_space<vmem>> -> memref<64xi32, #tpu.memory_space<vmem>>
          %dma_start3A_124 = arith.constant 0 : i32
          %dma_start3A_125 = arith.constant 0 : i32
          %dma_start3A_126 = tpu.memref_slice %arg17[%dma_start3A_124, %dma_start3A_125] : memref<10240x128xf32, #tpu.memory_space<vmem_shared>> -> memref<10240x128xf32, #tpu.memory_space<vmem_shared>>
          tpu.enqueue_indirect_dma source(%arg16 : memref<64x128xf32, #tpu.memory_space<vmem>>) target(%dma_start3A_126 : memref<10240x128xf32, #tpu.memory_space<vmem_shared>>) offsets(%dma_start3A_123 : memref<64xi32, #tpu.memory_space<vmem>>) semaphore(%arg23 : memref<!tpu.dma_semaphore, #tpu.memory_space<semaphore_mem>>) {add = true}
          %lt3A_127 = arith.constant 3 : i32
          %lt3A_128 = arith.cmpi slt, %add3A_52, %lt3A_127 : i32
          %convert_element_type3A_129 = arith.extui %lt3A_128 : i1 to i32
          %cond3A_130 = arith.constant 0 : i32
          %cond3A_131 = arith.cmpi ne, %convert_element_type3A_129, %cond3A_130 : i32
          scf.if %cond3A_131 {
            %add3A_223 = arith.constant 4 : i32
            %add3A_224 = arith.addi %add3A_102, %add3A_223 : i32
            %dma_start3A_225 = arith.constant 0 : i32
            %dma_start3A_226 = tpu.memref_slice %arg8[%rem3A_42, %add3A_224, %dma_start3A_225] : memref<2x16x64xi32, #tpu.memory_space<vmem>> -> memref<1x1x64xi32, #tpu.memory_space<vmem>>
            %dma_start3A_227 = tpu.memref_squeeze %dma_start3A_226 : memref<1x1x64xi32, #tpu.memory_space<vmem>> -> memref<64xi32, #tpu.memory_space<vmem>>
            %dma_start3A_228 = arith.constant 0 : i32
            %dma_start3A_229 = arith.constant 0 : i32
            %dma_start3A_230 = tpu.memref_slice %arg2[%dma_start3A_228, %dma_start3A_229] : memref<10000x64xi32, #tpu.memory_space<hbm>> -> memref<10000x64xi32, #tpu.memory_space<hbm>>
            tpu.enqueue_indirect_dma source(%dma_start3A_230 : memref<10000x64xi32, #tpu.memory_space<hbm>>) target(%arg12 : memref<64x64xi32, #tpu.memory_space<vmem>>) offsets(%dma_start3A_227 : memref<64xi32, #tpu.memory_space<vmem>>) semaphore(%arg19 : memref<!tpu.dma_semaphore, #tpu.memory_space<semaphore_mem>>)
          } else {
          }
          %eq3A_132 = arith.constant 3 : i32
          %eq3A_133 = arith.cmpi eq, %add3A_52, %eq3A_132 : i32
          %add3A_134 = arith.constant 1 : i32
          %add3A_135 = arith.addi %add3A_38, %add3A_134 : i32
          %lt3A_136 = arith.cmpi slt, %add3A_135, %select_n3A : i32
          %and3A_137 = arith.andi %eq3A_133, %lt3A_136 : i1
          %convert_element_type3A_138 = arith.extui %and3A_137 : i1 to i32
          %cond3A_139 = arith.constant 0 : i32
          %cond3A_140 = arith.cmpi ne, %convert_element_type3A_138, %cond3A_139 : i32
          scf.if %cond3A_140 {
            %sub3A = arith.constant 1 : i32
            %sub3A_223 = arith.subi %sub3A, %rem3A_42 : i32
            %dma_start3A_224 = arith.constant 1 : i32
            %dma_start3A_225 = arith.constant 0 : i32
            %dma_start3A_226 = tpu.memref_slice %arg8[%sub3A_223, %dma_start3A_224, %dma_start3A_225] : memref<2x16x64xi32, #tpu.memory_space<vmem>> -> memref<1x1x64xi32, #tpu.memory_space<vmem>>
            %dma_start3A_227 = tpu.memref_squeeze %dma_start3A_226 : memref<1x1x64xi32, #tpu.memory_space<vmem>> -> memref<64xi32, #tpu.memory_space<vmem>>
            %dma_start3A_228 = arith.constant 0 : i32
            %dma_start3A_229 = arith.constant 0 : i32
            %dma_start3A_230 = tpu.memref_slice %arg2[%dma_start3A_228, %dma_start3A_229] : memref<10000x64xi32, #tpu.memory_space<hbm>> -> memref<10000x64xi32, #tpu.memory_space<hbm>>
            tpu.enqueue_indirect_dma source(%dma_start3A_230 : memref<10000x64xi32, #tpu.memory_space<hbm>>) target(%arg12 : memref<64x64xi32, #tpu.memory_space<vmem>>) offsets(%dma_start3A_227 : memref<64xi32, #tpu.memory_space<vmem>>) semaphore(%arg19 : memref<!tpu.dma_semaphore, #tpu.memory_space<semaphore_mem>>)
          } else {
          }
          %mul3A_141 = arith.constant 4 : i32
          %mul3A_142 = arith.muli %add3A_52, %mul3A_141 : i32
          %add3A_143 = arith.constant 2 : i32
          %add3A_144 = arith.addi %mul3A_142, %add3A_143 : i32
          %dma_wait3A_145 = arith.constant 0 : i32
          %dma_wait3A_146 = arith.constant 0 : i32
          %dma_wait3A_147 = tpu.memref_slice %arg8[%rem3A_42, %dma_wait3A_145, %dma_wait3A_146] : memref<2x16x64xi32, #tpu.memory_space<vmem>> -> memref<1x1x64xi32, #tpu.memory_space<vmem>>
          %dma_wait3A_148 = tpu.memref_squeeze %dma_wait3A_147 : memref<1x1x64xi32, #tpu.memory_space<vmem>> -> memref<64xi32, #tpu.memory_space<vmem>>
          %dma_wait3A_149 = arith.constant 0 : i32
          %dma_wait3A_150 = arith.constant 0 : i32
          %dma_wait3A_151 = tpu.memref_slice %arg2[%dma_wait3A_149, %dma_wait3A_150] : memref<10000x64xi32, #tpu.memory_space<hbm>> -> memref<10000x64xi32, #tpu.memory_space<hbm>>
          tpu.wait_indirect_dma semaphore(%arg20 : memref<!tpu.dma_semaphore, #tpu.memory_space<semaphore_mem>>) src(%dma_wait3A_151 : memref<10000x64xi32, #tpu.memory_space<hbm>>) dst(%arg13 : memref<64x64xi32, #tpu.memory_space<vmem>>)
          %dma_wait3A_152 = arith.constant 0 : i32
          %dma_wait3A_153 = arith.constant 0 : i32
          %dma_wait3A_154 = tpu.memref_slice %arg9[%rem3A_42, %dma_wait3A_152, %dma_wait3A_153] : memref<2x16x64xi32, #tpu.memory_space<vmem>> -> memref<1x1x64xi32, #tpu.memory_space<vmem>>
          %dma_wait3A_155 = tpu.memref_squeeze %dma_wait3A_154 : memref<1x1x64xi32, #tpu.memory_space<vmem>> -> memref<64xi32, #tpu.memory_space<vmem>>
          %dma_wait3A_156 = arith.constant 0 : i32
          %dma_wait3A_157 = arith.constant 0 : i32
          %dma_wait3A_158 = tpu.memref_slice %arg17[%dma_wait3A_156, %dma_wait3A_157] : memref<10240x128xf32, #tpu.memory_space<vmem_shared>> -> memref<10240x128xf32, #tpu.memory_space<vmem_shared>>
          tpu.wait_indirect_dma semaphore(%arg22 : memref<!tpu.dma_semaphore, #tpu.memory_space<semaphore_mem>>) src(%arg15 : memref<64x128xf32, #tpu.memory_space<vmem>>) dst(%dma_wait3A_158 : memref<10240x128xf32, #tpu.memory_space<vmem_shared>>)
          %parallel_loop3A_159 = arith.constant 0 : i32
          %parallel_loop3A_160 = arith.constant 64 : i32
          %parallel_loop3A_161 = arith.constant 1 : i32
          scf.for %parallel_loop3A_223 = %parallel_loop3A_159 to %parallel_loop3A_160 step %parallel_loop3A_161  : i32 {
            %parallel_loop3A_224 = vector.broadcast %rem3A_42 : i32 to vector<16xi32>
            %parallel_loop3A_225 = arith.constant 64 : i32
            %parallel_loop3A_226 = arith.muli %add3A_144, %parallel_loop3A_225 : i32
            %parallel_loop3A_227 = arith.addi %parallel_loop3A_226, %parallel_loop3A_223 : i32
            %parallel_loop3A_228 = vector.broadcast %parallel_loop3A_227 : i32 to vector<16xi32>
            %parallel_loop3A_229 = tpu.vector_load_idx %arg10[%parallel_loop3A_224, %parallel_loop3A_228] : memref<2x1024xf32, #tpu.memory_space<vmem>>[vector<16xi32>, vector<16xi32>], vector<16xf32>,
            %parallel_loop3A_230 = arith.index_cast %parallel_loop3A_223 : i32 to index
            %parallel_loop3A_231 = arith.constant 0 : index
            %parallel_loop3A_232 = tpu.vector_load %arg13[%parallel_loop3A_230, %parallel_loop3A_231] {strides = array<i32>} : memref<64x64xi32, #tpu.memory_space<vmem>>, vector<16xi32>,
            %parallel_loop3A_233 = vector.bitcast %parallel_loop3A_232 : vector<16xi32> to vector<32xbf16>
            %parallel_loop3A_234 = tpu.unpack_subelements %parallel_loop3A_233, 0 {pack_format = #tpu.pack_format<interleaved>} : vector<32xbf16> -> vector<16xf32>
            %parallel_loop3A_235 = tpu.unpack_subelements %parallel_loop3A_233, 1 {pack_format = #tpu.pack_format<interleaved>} : vector<32xbf16> -> vector<16xf32>
            %parallel_loop3A_236 = arith.mulf %parallel_loop3A_234, %parallel_loop3A_229 : vector<16xf32>
            %parallel_loop3A_237 = arith.index_cast %parallel_loop3A_223 : i32 to index
            %parallel_loop3A_238 = arith.constant 0 : index
            %parallel_loop3A_239 = tpu.vector_load %arg15[%parallel_loop3A_237, %parallel_loop3A_238] {strides = array<i32>} : memref<64x128xf32, #tpu.memory_space<vmem>>, vector<16xf32>,
            tpu.vector_store %arg15[%parallel_loop3A_237, %parallel_loop3A_238], %parallel_loop3A_236 {strides = array<i32>} : memref<64x128xf32, #tpu.memory_space<vmem>>, vector<16xf32>,
            %parallel_loop3A_240 = arith.mulf %parallel_loop3A_235, %parallel_loop3A_229 : vector<16xf32>
            %parallel_loop3A_241 = arith.index_cast %parallel_loop3A_223 : i32 to index
            %parallel_loop3A_242 = arith.constant 16 : index
            %parallel_loop3A_243 = tpu.vector_load %arg15[%parallel_loop3A_241, %parallel_loop3A_242] {strides = array<i32>} : memref<64x128xf32, #tpu.memory_space<vmem>>, vector<16xf32>,
            tpu.vector_store %arg15[%parallel_loop3A_241, %parallel_loop3A_242], %parallel_loop3A_240 {strides = array<i32>} : memref<64x128xf32, #tpu.memory_space<vmem>>, vector<16xf32>,
            %parallel_loop3A_244 = arith.index_cast %parallel_loop3A_223 : i32 to index
            %parallel_loop3A_245 = arith.constant 16 : index
            %parallel_loop3A_246 = tpu.vector_load %arg13[%parallel_loop3A_244, %parallel_loop3A_245] {strides = array<i32>} : memref<64x64xi32, #tpu.memory_space<vmem>>, vector<16xi32>,
            %parallel_loop3A_247 = vector.bitcast %parallel_loop3A_246 : vector<16xi32> to vector<32xbf16>
            %parallel_loop3A_248 = tpu.unpack_subelements %parallel_loop3A_247, 0 {pack_format = #tpu.pack_format<interleaved>} : vector<32xbf16> -> vector<16xf32>
            %parallel_loop3A_249 = tpu.unpack_subelements %parallel_loop3A_247, 1 {pack_format = #tpu.pack_format<interleaved>} : vector<32xbf16> -> vector<16xf32>
            %parallel_loop3A_250 = arith.mulf %parallel_loop3A_248, %parallel_loop3A_229 : vector<16xf32>
            %parallel_loop3A_251 = arith.index_cast %parallel_loop3A_223 : i32 to index
            %parallel_loop3A_252 = arith.constant 32 : index
            %parallel_loop3A_253 = tpu.vector_load %arg15[%parallel_loop3A_251, %parallel_loop3A_252] {strides = array<i32>} : memref<64x128xf32, #tpu.memory_space<vmem>>, vector<16xf32>,
            tpu.vector_store %arg15[%parallel_loop3A_251, %parallel_loop3A_252], %parallel_loop3A_250 {strides = array<i32>} : memref<64x128xf32, #tpu.memory_space<vmem>>, vector<16xf32>,
            %parallel_loop3A_254 = arith.mulf %parallel_loop3A_249, %parallel_loop3A_229 : vector<16xf32>
            %parallel_loop3A_255 = arith.index_cast %parallel_loop3A_223 : i32 to index
            %parallel_loop3A_256 = arith.constant 48 : index
            %parallel_loop3A_257 = tpu.vector_load %arg15[%parallel_loop3A_255, %parallel_loop3A_256] {strides = array<i32>} : memref<64x128xf32, #tpu.memory_space<vmem>>, vector<16xf32>,
            tpu.vector_store %arg15[%parallel_loop3A_255, %parallel_loop3A_256], %parallel_loop3A_254 {strides = array<i32>} : memref<64x128xf32, #tpu.memory_space<vmem>>, vector<16xf32>,
            %parallel_loop3A_258 = arith.index_cast %parallel_loop3A_223 : i32 to index
            %parallel_loop3A_259 = arith.constant 32 : index
            %parallel_loop3A_260 = tpu.vector_load %arg13[%parallel_loop3A_258, %parallel_loop3A_259] {strides = array<i32>} : memref<64x64xi32, #tpu.memory_space<vmem>>, vector<16xi32>,
            %parallel_loop3A_261 = vector.bitcast %parallel_loop3A_260 : vector<16xi32> to vector<32xbf16>
            %parallel_loop3A_262 = tpu.unpack_subelements %parallel_loop3A_261, 0 {pack_format = #tpu.pack_format<interleaved>} : vector<32xbf16> -> vector<16xf32>
            %parallel_loop3A_263 = tpu.unpack_subelements %parallel_loop3A_261, 1 {pack_format = #tpu.pack_format<interleaved>} : vector<32xbf16> -> vector<16xf32>
            %parallel_loop3A_264 = arith.mulf %parallel_loop3A_262, %parallel_loop3A_229 : vector<16xf32>
            %parallel_loop3A_265 = arith.index_cast %parallel_loop3A_223 : i32 to index
            %parallel_loop3A_266 = arith.constant 64 : index
            %parallel_loop3A_267 = tpu.vector_load %arg15[%parallel_loop3A_265, %parallel_loop3A_266] {strides = array<i32>} : memref<64x128xf32, #tpu.memory_space<vmem>>, vector<16xf32>,
            tpu.vector_store %arg15[%parallel_loop3A_265, %parallel_loop3A_266], %parallel_loop3A_264 {strides = array<i32>} : memref<64x128xf32, #tpu.memory_space<vmem>>, vector<16xf32>,
            %parallel_loop3A_268 = arith.mulf %parallel_loop3A_263, %parallel_loop3A_229 : vector<16xf32>
            %parallel_loop3A_269 = arith.index_cast %parallel_loop3A_223 : i32 to index
            %parallel_loop3A_270 = arith.constant 80 : index
            %parallel_loop3A_271 = tpu.vector_load %arg15[%parallel_loop3A_269, %parallel_loop3A_270] {strides = array<i32>} : memref<64x128xf32, #tpu.memory_space<vmem>>, vector<16xf32>,
            tpu.vector_store %arg15[%parallel_loop3A_269, %parallel_loop3A_270], %parallel_loop3A_268 {strides = array<i32>} : memref<64x128xf32, #tpu.memory_space<vmem>>, vector<16xf32>,
            %parallel_loop3A_272 = arith.index_cast %parallel_loop3A_223 : i32 to index
            %parallel_loop3A_273 = arith.constant 48 : index
            %parallel_loop3A_274 = tpu.vector_load %arg13[%parallel_loop3A_272, %parallel_loop3A_273] {strides = array<i32>} : memref<64x64xi32, #tpu.memory_space<vmem>>, vector<16xi32>,
            %parallel_loop3A_275 = vector.bitcast %parallel_loop3A_274 : vector<16xi32> to vector<32xbf16>
            %parallel_loop3A_276 = tpu.unpack_subelements %parallel_loop3A_275, 0 {pack_format = #tpu.pack_format<interleaved>} : vector<32xbf16> -> vector<16xf32>
            %parallel_loop3A_277 = tpu.unpack_subelements %parallel_loop3A_275, 1 {pack_format = #tpu.pack_format<interleaved>} : vector<32xbf16> -> vector<16xf32>
            %parallel_loop3A_278 = arith.mulf %parallel_loop3A_276, %parallel_loop3A_229 : vector<16xf32>
            %parallel_loop3A_279 = arith.index_cast %parallel_loop3A_223 : i32 to index
            %parallel_loop3A_280 = arith.constant 96 : index
            %parallel_loop3A_281 = tpu.vector_load %arg15[%parallel_loop3A_279, %parallel_loop3A_280] {strides = array<i32>} : memref<64x128xf32, #tpu.memory_space<vmem>>, vector<16xf32>,
            tpu.vector_store %arg15[%parallel_loop3A_279, %parallel_loop3A_280], %parallel_loop3A_278 {strides = array<i32>} : memref<64x128xf32, #tpu.memory_space<vmem>>, vector<16xf32>,
            %parallel_loop3A_282 = arith.mulf %parallel_loop3A_277, %parallel_loop3A_229 : vector<16xf32>
            %parallel_loop3A_283 = arith.index_cast %parallel_loop3A_223 : i32 to index
            %parallel_loop3A_284 = arith.constant 112 : index
            %parallel_loop3A_285 = tpu.vector_load %arg15[%parallel_loop3A_283, %parallel_loop3A_284] {strides = array<i32>} : memref<64x128xf32, #tpu.memory_space<vmem>>, vector<16xf32>,
            tpu.vector_store %arg15[%parallel_loop3A_283, %parallel_loop3A_284], %parallel_loop3A_282 {strides = array<i32>} : memref<64x128xf32, #tpu.memory_space<vmem>>, vector<16xf32>,
          } {sc.loop_unroll_factor = 2 : i64, sc.parallel_access}
          %dma_start3A_162 = arith.constant 0 : i32
          %dma_start3A_163 = tpu.memref_slice %arg9[%rem3A_42, %add3A_144, %dma_start3A_162] : memref<2x16x64xi32, #tpu.memory_space<vmem>> -> memref<1x1x64xi32, #tpu.memory_space<vmem>>
          %dma_start3A_164 = tpu.memref_squeeze %dma_start3A_163 : memref<1x1x64xi32, #tpu.memory_space<vmem>> -> memref<64xi32, #tpu.memory_space<vmem>>
          %dma_start3A_165 = arith.constant 0 : i32
          %dma_start3A_166 = arith.constant 0 : i32
          %dma_start3A_167 = tpu.memref_slice %arg17[%dma_start3A_165, %dma_start3A_166] : memref<10240x128xf32, #tpu.memory_space<vmem_shared>> -> memref<10240x128xf32, #tpu.memory_space<vmem_shared>>
          tpu.enqueue_indirect_dma source(%arg15 : memref<64x128xf32, #tpu.memory_space<vmem>>) target(%dma_start3A_167 : memref<10240x128xf32, #tpu.memory_space<vmem_shared>>) offsets(%dma_start3A_164 : memref<64xi32, #tpu.memory_space<vmem>>) semaphore(%arg22 : memref<!tpu.dma_semaphore, #tpu.memory_space<semaphore_mem>>) {add = true}
          %lt3A_168 = arith.constant 3 : i32
          %lt3A_169 = arith.cmpi slt, %add3A_52, %lt3A_168 : i32
          %convert_element_type3A_170 = arith.extui %lt3A_169 : i1 to i32
          %cond3A_171 = arith.constant 0 : i32
          %cond3A_172 = arith.cmpi ne, %convert_element_type3A_170, %cond3A_171 : i32
          scf.if %cond3A_172 {
            %add3A_223 = arith.constant 4 : i32
            %add3A_224 = arith.addi %add3A_144, %add3A_223 : i32
            %dma_start3A_225 = arith.constant 0 : i32
            %dma_start3A_226 = tpu.memref_slice %arg8[%rem3A_42, %add3A_224, %dma_start3A_225] : memref<2x16x64xi32, #tpu.memory_space<vmem>> -> memref<1x1x64xi32, #tpu.memory_space<vmem>>
            %dma_start3A_227 = tpu.memref_squeeze %dma_start3A_226 : memref<1x1x64xi32, #tpu.memory_space<vmem>> -> memref<64xi32, #tpu.memory_space<vmem>>
            %dma_start3A_228 = arith.constant 0 : i32
            %dma_start3A_229 = arith.constant 0 : i32
            %dma_start3A_230 = tpu.memref_slice %arg2[%dma_start3A_228, %dma_start3A_229] : memref<10000x64xi32, #tpu.memory_space<hbm>> -> memref<10000x64xi32, #tpu.memory_space<hbm>>
            tpu.enqueue_indirect_dma source(%dma_start3A_230 : memref<10000x64xi32, #tpu.memory_space<hbm>>) target(%arg13 : memref<64x64xi32, #tpu.memory_space<vmem>>) offsets(%dma_start3A_227 : memref<64xi32, #tpu.memory_space<vmem>>) semaphore(%arg20 : memref<!tpu.dma_semaphore, #tpu.memory_space<semaphore_mem>>)
          } else {
          }
          %eq3A_173 = arith.constant 3 : i32
          %eq3A_174 = arith.cmpi eq, %add3A_52, %eq3A_173 : i32
          %add3A_175 = arith.constant 1 : i32
          %add3A_176 = arith.addi %add3A_38, %add3A_175 : i32
          %lt3A_177 = arith.cmpi slt, %add3A_176, %select_n3A : i32
          %and3A_178 = arith.andi %eq3A_174, %lt3A_177 : i1
          %convert_element_type3A_179 = arith.extui %and3A_178 : i1 to i32
          %cond3A_180 = arith.constant 0 : i32
          %cond3A_181 = arith.cmpi ne, %convert_element_type3A_179, %cond3A_180 : i32
          scf.if %cond3A_181 {
            %sub3A = arith.constant 1 : i32
            %sub3A_223 = arith.subi %sub3A, %rem3A_42 : i32
            %dma_start3A_224 = arith.constant 2 : i32
            %dma_start3A_225 = arith.constant 0 : i32
            %dma_start3A_226 = tpu.memref_slice %arg8[%sub3A_223, %dma_start3A_224, %dma_start3A_225] : memref<2x16x64xi32, #tpu.memory_space<vmem>> -> memref<1x1x64xi32, #tpu.memory_space<vmem>>
            %dma_start3A_227 = tpu.memref_squeeze %dma_start3A_226 : memref<1x1x64xi32, #tpu.memory_space<vmem>> -> memref<64xi32, #tpu.memory_space<vmem>>
            %dma_start3A_228 = arith.constant 0 : i32
            %dma_start3A_229 = arith.constant 0 : i32
            %dma_start3A_230 = tpu.memref_slice %arg2[%dma_start3A_228, %dma_start3A_229] : memref<10000x64xi32, #tpu.memory_space<hbm>> -> memref<10000x64xi32, #tpu.memory_space<hbm>>
            tpu.enqueue_indirect_dma source(%dma_start3A_230 : memref<10000x64xi32, #tpu.memory_space<hbm>>) target(%arg13 : memref<64x64xi32, #tpu.memory_space<vmem>>) offsets(%dma_start3A_227 : memref<64xi32, #tpu.memory_space<vmem>>) semaphore(%arg20 : memref<!tpu.dma_semaphore, #tpu.memory_space<semaphore_mem>>)
          } else {
          }
          %mul3A_182 = arith.constant 4 : i32
          %mul3A_183 = arith.muli %add3A_52, %mul3A_182 : i32
          %add3A_184 = arith.constant 3 : i32
          %add3A_185 = arith.addi %mul3A_183, %add3A_184 : i32
          %dma_wait3A_186 = arith.constant 0 : i32
          %dma_wait3A_187 = arith.constant 0 : i32
          %dma_wait3A_188 = tpu.memref_slice %arg8[%rem3A_42, %dma_wait3A_186, %dma_wait3A_187] : memref<2x16x64xi32, #tpu.memory_space<vmem>> -> memref<1x1x64xi32, #tpu.memory_space<vmem>>
          %dma_wait3A_189 = tpu.memref_squeeze %dma_wait3A_188 : memref<1x1x64xi32, #tpu.memory_space<vmem>> -> memref<64xi32, #tpu.memory_space<vmem>>
          %dma_wait3A_190 = arith.constant 0 : i32
          %dma_wait3A_191 = arith.constant 0 : i32
          %dma_wait3A_192 = tpu.memref_slice %arg2[%dma_wait3A_190, %dma_wait3A_191] : memref<10000x64xi32, #tpu.memory_space<hbm>> -> memref<10000x64xi32, #tpu.memory_space<hbm>>
          tpu.wait_indirect_dma semaphore(%arg21 : memref<!tpu.dma_semaphore, #tpu.memory_space<semaphore_mem>>) src(%dma_wait3A_192 : memref<10000x64xi32, #tpu.memory_space<hbm>>) dst(%arg14 : memref<64x64xi32, #tpu.memory_space<vmem>>)
          %dma_wait3A_193 = arith.constant 0 : i32
          %dma_wait3A_194 = arith.constant 0 : i32
          %dma_wait3A_195 = tpu.memref_slice %arg9[%rem3A_42, %dma_wait3A_193, %dma_wait3A_194] : memref<2x16x64xi32, #tpu.memory_space<vmem>> -> memref<1x1x64xi32, #tpu.memory_space<vmem>>
          %dma_wait3A_196 = tpu.memref_squeeze %dma_wait3A_195 : memref<1x1x64xi32, #tpu.memory_space<vmem>> -> memref<64xi32, #tpu.memory_space<vmem>>
          %dma_wait3A_197 = arith.constant 0 : i32
          %dma_wait3A_198 = arith.constant 0 : i32
          %dma_wait3A_199 = tpu.memref_slice %arg17[%dma_wait3A_197, %dma_wait3A_198] : memref<10240x128xf32, #tpu.memory_space<vmem_shared>> -> memref<10240x128xf32, #tpu.memory_space<vmem_shared>>
          tpu.wait_indirect_dma semaphore(%arg23 : memref<!tpu.dma_semaphore, #tpu.memory_space<semaphore_mem>>) src(%arg16 : memref<64x128xf32, #tpu.memory_space<vmem>>) dst(%dma_wait3A_199 : memref<10240x128xf32, #tpu.memory_space<vmem_shared>>)
          %parallel_loop3A_200 = arith.constant 0 : i32
          %parallel_loop3A_201 = arith.constant 64 : i32
          %parallel_loop3A_202 = arith.constant 1 : i32
          scf.for %parallel_loop3A_223 = %parallel_loop3A_200 to %parallel_loop3A_201 step %parallel_loop3A_202  : i32 {
            %parallel_loop3A_224 = vector.broadcast %rem3A_42 : i32 to vector<16xi32>
            %parallel_loop3A_225 = arith.constant 64 : i32
            %parallel_loop3A_226 = arith.muli %add3A_185, %parallel_loop3A_225 : i32
            %parallel_loop3A_227 = arith.addi %parallel_loop3A_226, %parallel_loop3A_223 : i32
            %parallel_loop3A_228 = vector.broadcast %parallel_loop3A_227 : i32 to vector<16xi32>
            %parallel_loop3A_229 = tpu.vector_load_idx %arg10[%parallel_loop3A_224, %parallel_loop3A_228] : memref<2x1024xf32, #tpu.memory_space<vmem>>[vector<16xi32>, vector<16xi32>], vector<16xf32>,
            %parallel_loop3A_230 = arith.index_cast %parallel_loop3A_223 : i32 to index
            %parallel_loop3A_231 = arith.constant 0 : index
            %parallel_loop3A_232 = tpu.vector_load %arg14[%parallel_loop3A_230, %parallel_loop3A_231] {strides = array<i32>} : memref<64x64xi32, #tpu.memory_space<vmem>>, vector<16xi32>,
            %parallel_loop3A_233 = vector.bitcast %parallel_loop3A_232 : vector<16xi32> to vector<32xbf16>
            %parallel_loop3A_234 = tpu.unpack_subelements %parallel_loop3A_233, 0 {pack_format = #tpu.pack_format<interleaved>} : vector<32xbf16> -> vector<16xf32>
            %parallel_loop3A_235 = tpu.unpack_subelements %parallel_loop3A_233, 1 {pack_format = #tpu.pack_format<interleaved>} : vector<32xbf16> -> vector<16xf32>
            %parallel_loop3A_236 = arith.mulf %parallel_loop3A_234, %parallel_loop3A_229 : vector<16xf32>
            %parallel_loop3A_237 = arith.index_cast %parallel_loop3A_223 : i32 to index
            %parallel_loop3A_238 = arith.constant 0 : index
            %parallel_loop3A_239 = tpu.vector_load %arg16[%parallel_loop3A_237, %parallel_loop3A_238] {strides = array<i32>} : memref<64x128xf32, #tpu.memory_space<vmem>>, vector<16xf32>,
            tpu.vector_store %arg16[%parallel_loop3A_237, %parallel_loop3A_238], %parallel_loop3A_236 {strides = array<i32>} : memref<64x128xf32, #tpu.memory_space<vmem>>, vector<16xf32>,
            %parallel_loop3A_240 = arith.mulf %parallel_loop3A_235, %parallel_loop3A_229 : vector<16xf32>
            %parallel_loop3A_241 = arith.index_cast %parallel_loop3A_223 : i32 to index
            %parallel_loop3A_242 = arith.constant 16 : index
            %parallel_loop3A_243 = tpu.vector_load %arg16[%parallel_loop3A_241, %parallel_loop3A_242] {strides = array<i32>} : memref<64x128xf32, #tpu.memory_space<vmem>>, vector<16xf32>,
            tpu.vector_store %arg16[%parallel_loop3A_241, %parallel_loop3A_242], %parallel_loop3A_240 {strides = array<i32>} : memref<64x128xf32, #tpu.memory_space<vmem>>, vector<16xf32>,
            %parallel_loop3A_244 = arith.index_cast %parallel_loop3A_223 : i32 to index
            %parallel_loop3A_245 = arith.constant 16 : index
            %parallel_loop3A_246 = tpu.vector_load %arg14[%parallel_loop3A_244, %parallel_loop3A_245] {strides = array<i32>} : memref<64x64xi32, #tpu.memory_space<vmem>>, vector<16xi32>,
            %parallel_loop3A_247 = vector.bitcast %parallel_loop3A_246 : vector<16xi32> to vector<32xbf16>
            %parallel_loop3A_248 = tpu.unpack_subelements %parallel_loop3A_247, 0 {pack_format = #tpu.pack_format<interleaved>} : vector<32xbf16> -> vector<16xf32>
            %parallel_loop3A_249 = tpu.unpack_subelements %parallel_loop3A_247, 1 {pack_format = #tpu.pack_format<interleaved>} : vector<32xbf16> -> vector<16xf32>
            %parallel_loop3A_250 = arith.mulf %parallel_loop3A_248, %parallel_loop3A_229 : vector<16xf32>
            %parallel_loop3A_251 = arith.index_cast %parallel_loop3A_223 : i32 to index
            %parallel_loop3A_252 = arith.constant 32 : index
            %parallel_loop3A_253 = tpu.vector_load %arg16[%parallel_loop3A_251, %parallel_loop3A_252] {strides = array<i32>} : memref<64x128xf32, #tpu.memory_space<vmem>>, vector<16xf32>,
            tpu.vector_store %arg16[%parallel_loop3A_251, %parallel_loop3A_252], %parallel_loop3A_250 {strides = array<i32>} : memref<64x128xf32, #tpu.memory_space<vmem>>, vector<16xf32>,
            %parallel_loop3A_254 = arith.mulf %parallel_loop3A_249, %parallel_loop3A_229 : vector<16xf32>
            %parallel_loop3A_255 = arith.index_cast %parallel_loop3A_223 : i32 to index
            %parallel_loop3A_256 = arith.constant 48 : index
            %parallel_loop3A_257 = tpu.vector_load %arg16[%parallel_loop3A_255, %parallel_loop3A_256] {strides = array<i32>} : memref<64x128xf32, #tpu.memory_space<vmem>>, vector<16xf32>,
            tpu.vector_store %arg16[%parallel_loop3A_255, %parallel_loop3A_256], %parallel_loop3A_254 {strides = array<i32>} : memref<64x128xf32, #tpu.memory_space<vmem>>, vector<16xf32>,
            %parallel_loop3A_258 = arith.index_cast %parallel_loop3A_223 : i32 to index
            %parallel_loop3A_259 = arith.constant 32 : index
            %parallel_loop3A_260 = tpu.vector_load %arg14[%parallel_loop3A_258, %parallel_loop3A_259] {strides = array<i32>} : memref<64x64xi32, #tpu.memory_space<vmem>>, vector<16xi32>,
            %parallel_loop3A_261 = vector.bitcast %parallel_loop3A_260 : vector<16xi32> to vector<32xbf16>
            %parallel_loop3A_262 = tpu.unpack_subelements %parallel_loop3A_261, 0 {pack_format = #tpu.pack_format<interleaved>} : vector<32xbf16> -> vector<16xf32>
            %parallel_loop3A_263 = tpu.unpack_subelements %parallel_loop3A_261, 1 {pack_format = #tpu.pack_format<interleaved>} : vector<32xbf16> -> vector<16xf32>
            %parallel_loop3A_264 = arith.mulf %parallel_loop3A_262, %parallel_loop3A_229 : vector<16xf32>
            %parallel_loop3A_265 = arith.index_cast %parallel_loop3A_223 : i32 to index
            %parallel_loop3A_266 = arith.constant 64 : index
            %parallel_loop3A_267 = tpu.vector_load %arg16[%parallel_loop3A_265, %parallel_loop3A_266] {strides = array<i32>} : memref<64x128xf32, #tpu.memory_space<vmem>>, vector<16xf32>,
            tpu.vector_store %arg16[%parallel_loop3A_265, %parallel_loop3A_266], %parallel_loop3A_264 {strides = array<i32>} : memref<64x128xf32, #tpu.memory_space<vmem>>, vector<16xf32>,
            %parallel_loop3A_268 = arith.mulf %parallel_loop3A_263, %parallel_loop3A_229 : vector<16xf32>
            %parallel_loop3A_269 = arith.index_cast %parallel_loop3A_223 : i32 to index
            %parallel_loop3A_270 = arith.constant 80 : index
            %parallel_loop3A_271 = tpu.vector_load %arg16[%parallel_loop3A_269, %parallel_loop3A_270] {strides = array<i32>} : memref<64x128xf32, #tpu.memory_space<vmem>>, vector<16xf32>,
            tpu.vector_store %arg16[%parallel_loop3A_269, %parallel_loop3A_270], %parallel_loop3A_268 {strides = array<i32>} : memref<64x128xf32, #tpu.memory_space<vmem>>, vector<16xf32>,
            %parallel_loop3A_272 = arith.index_cast %parallel_loop3A_223 : i32 to index
            %parallel_loop3A_273 = arith.constant 48 : index
            %parallel_loop3A_274 = tpu.vector_load %arg14[%parallel_loop3A_272, %parallel_loop3A_273] {strides = array<i32>} : memref<64x64xi32, #tpu.memory_space<vmem>>, vector<16xi32>,
            %parallel_loop3A_275 = vector.bitcast %parallel_loop3A_274 : vector<16xi32> to vector<32xbf16>
            %parallel_loop3A_276 = tpu.unpack_subelements %parallel_loop3A_275, 0 {pack_format = #tpu.pack_format<interleaved>} : vector<32xbf16> -> vector<16xf32>
            %parallel_loop3A_277 = tpu.unpack_subelements %parallel_loop3A_275, 1 {pack_format = #tpu.pack_format<interleaved>} : vector<32xbf16> -> vector<16xf32>
            %parallel_loop3A_278 = arith.mulf %parallel_loop3A_276, %parallel_loop3A_229 : vector<16xf32>
            %parallel_loop3A_279 = arith.index_cast %parallel_loop3A_223 : i32 to index
            %parallel_loop3A_280 = arith.constant 96 : index
            %parallel_loop3A_281 = tpu.vector_load %arg16[%parallel_loop3A_279, %parallel_loop3A_280] {strides = array<i32>} : memref<64x128xf32, #tpu.memory_space<vmem>>, vector<16xf32>,
            tpu.vector_store %arg16[%parallel_loop3A_279, %parallel_loop3A_280], %parallel_loop3A_278 {strides = array<i32>} : memref<64x128xf32, #tpu.memory_space<vmem>>, vector<16xf32>,
            %parallel_loop3A_282 = arith.mulf %parallel_loop3A_277, %parallel_loop3A_229 : vector<16xf32>
            %parallel_loop3A_283 = arith.index_cast %parallel_loop3A_223 : i32 to index
            %parallel_loop3A_284 = arith.constant 112 : index
            %parallel_loop3A_285 = tpu.vector_load %arg16[%parallel_loop3A_283, %parallel_loop3A_284] {strides = array<i32>} : memref<64x128xf32, #tpu.memory_space<vmem>>, vector<16xf32>,
            tpu.vector_store %arg16[%parallel_loop3A_283, %parallel_loop3A_284], %parallel_loop3A_282 {strides = array<i32>} : memref<64x128xf32, #tpu.memory_space<vmem>>, vector<16xf32>,
          } {sc.loop_unroll_factor = 2 : i64, sc.parallel_access}
          %dma_start3A_203 = arith.constant 0 : i32
          %dma_start3A_204 = tpu.memref_slice %arg9[%rem3A_42, %add3A_185, %dma_start3A_203] : memref<2x16x64xi32, #tpu.memory_space<vmem>> -> memref<1x1x64xi32, #tpu.memory_space<vmem>>
          %dma_start3A_205 = tpu.memref_squeeze %dma_start3A_204 : memref<1x1x64xi32, #tpu.memory_space<vmem>> -> memref<64xi32, #tpu.memory_space<vmem>>
          %dma_start3A_206 = arith.constant 0 : i32
          %dma_start3A_207 = arith.constant 0 : i32
          %dma_start3A_208 = tpu.memref_slice %arg17[%dma_start3A_206, %dma_start3A_207] : memref<10240x128xf32, #tpu.memory_space<vmem_shared>> -> memref<10240x128xf32, #tpu.memory_space<vmem_shared>>
          tpu.enqueue_indirect_dma source(%arg16 : memref<64x128xf32, #tpu.memory_space<vmem>>) target(%dma_start3A_208 : memref<10240x128xf32, #tpu.memory_space<vmem_shared>>) offsets(%dma_start3A_205 : memref<64xi32, #tpu.memory_space<vmem>>) semaphore(%arg23 : memref<!tpu.dma_semaphore, #tpu.memory_space<semaphore_mem>>) {add = true}
          %lt3A_209 = arith.constant 3 : i32
          %lt3A_210 = arith.cmpi slt, %add3A_52, %lt3A_209 : i32
          %convert_element_type3A_211 = arith.extui %lt3A_210 : i1 to i32
          %cond3A_212 = arith.constant 0 : i32
          %cond3A_213 = arith.cmpi ne, %convert_element_type3A_211, %cond3A_212 : i32
          scf.if %cond3A_213 {
            %add3A_223 = arith.constant 4 : i32
            %add3A_224 = arith.addi %add3A_185, %add3A_223 : i32
            %dma_start3A_225 = arith.constant 0 : i32
            %dma_start3A_226 = tpu.memref_slice %arg8[%rem3A_42, %add3A_224, %dma_start3A_225] : memref<2x16x64xi32, #tpu.memory_space<vmem>> -> memref<1x1x64xi32, #tpu.memory_space<vmem>>
            %dma_start3A_227 = tpu.memref_squeeze %dma_start3A_226 : memref<1x1x64xi32, #tpu.memory_space<vmem>> -> memref<64xi32, #tpu.memory_space<vmem>>
            %dma_start3A_228 = arith.constant 0 : i32
            %dma_start3A_229 = arith.constant 0 : i32
            %dma_start3A_230 = tpu.memref_slice %arg2[%dma_start3A_228, %dma_start3A_229] : memref<10000x64xi32, #tpu.memory_space<hbm>> -> memref<10000x64xi32, #tpu.memory_space<hbm>>
            tpu.enqueue_indirect_dma source(%dma_start3A_230 : memref<10000x64xi32, #tpu.memory_space<hbm>>) target(%arg14 : memref<64x64xi32, #tpu.memory_space<vmem>>) offsets(%dma_start3A_227 : memref<64xi32, #tpu.memory_space<vmem>>) semaphore(%arg21 : memref<!tpu.dma_semaphore, #tpu.memory_space<semaphore_mem>>)
          } else {
          }
          %eq3A_214 = arith.constant 3 : i32
          %eq3A_215 = arith.cmpi eq, %add3A_52, %eq3A_214 : i32
          %add3A_216 = arith.constant 1 : i32
          %add3A_217 = arith.addi %add3A_38, %add3A_216 : i32
          %lt3A_218 = arith.cmpi slt, %add3A_217, %select_n3A : i32
          %and3A_219 = arith.andi %eq3A_215, %lt3A_218 : i1
          %convert_element_type3A_220 = arith.extui %and3A_219 : i1 to i32
          %cond3A_221 = arith.constant 0 : i32
          %cond3A_222 = arith.cmpi ne, %convert_element_type3A_220, %cond3A_221 : i32
          scf.if %cond3A_222 {
            %sub3A = arith.constant 1 : i32
            %sub3A_223 = arith.subi %sub3A, %rem3A_42 : i32
            %dma_start3A_224 = arith.constant 3 : i32
            %dma_start3A_225 = arith.constant 0 : i32
            %dma_start3A_226 = tpu.memref_slice %arg8[%sub3A_223, %dma_start3A_224, %dma_start3A_225] : memref<2x16x64xi32, #tpu.memory_space<vmem>> -> memref<1x1x64xi32, #tpu.memory_space<vmem>>
            %dma_start3A_227 = tpu.memref_squeeze %dma_start3A_226 : memref<1x1x64xi32, #tpu.memory_space<vmem>> -> memref<64xi32, #tpu.memory_space<vmem>>
            %dma_start3A_228 = arith.constant 0 : i32
            %dma_start3A_229 = arith.constant 0 : i32
            %dma_start3A_230 = tpu.memref_slice %arg2[%dma_start3A_228, %dma_start3A_229] : memref<10000x64xi32, #tpu.memory_space<hbm>> -> memref<10000x64xi32, #tpu.memory_space<hbm>>
            tpu.enqueue_indirect_dma source(%dma_start3A_230 : memref<10000x64xi32, #tpu.memory_space<hbm>>) target(%arg14 : memref<64x64xi32, #tpu.memory_space<vmem>>) offsets(%dma_start3A_227 : memref<64xi32, #tpu.memory_space<vmem>>) semaphore(%arg21 : memref<!tpu.dma_semaphore, #tpu.memory_space<semaphore_mem>>)
          } else {
          }
        }
        %scan3A_47 = arith.constant 4 : i32
      } else {
      }
    }
    %scan3A_23 = arith.constant 20 : i32
    %gt3A_24 = arith.constant 0 : i32
    %gt3A_25 = arith.cmpi sgt, %select_n3A, %gt3A_24 : i32
    %convert_element_type3A_26 = arith.extui %gt3A_25 : i1 to i32
    %cond3A_27 = arith.constant 0 : i32
    %cond3A_28 = arith.cmpi ne, %convert_element_type3A_26, %cond3A_27 : i32
    scf.if %cond3A_28 {
      %dma_wait3A = arith.constant 0 : i32
      %dma_wait3A_34 = arith.constant 0 : i32
      %dma_wait3A_35 = arith.constant 0 : i32
      %dma_wait3A_36 = tpu.memref_slice %arg9[%dma_wait3A, %dma_wait3A_34, %dma_wait3A_35] : memref<2x16x64xi32, #tpu.memory_space<vmem>> -> memref<1x1x64xi32, #tpu.memory_space<vmem>>
      %dma_wait3A_37 = tpu.memref_squeeze %dma_wait3A_36 : memref<1x1x64xi32, #tpu.memory_space<vmem>> -> memref<64xi32, #tpu.memory_space<vmem>>
      %dma_wait3A_38 = arith.constant 0 : i32
      %dma_wait3A_39 = arith.constant 0 : i32
      %dma_wait3A_40 = tpu.memref_slice %arg17[%dma_wait3A_38, %dma_wait3A_39] : memref<10240x128xf32, #tpu.memory_space<vmem_shared>> -> memref<10240x128xf32, #tpu.memory_space<vmem_shared>>
      tpu.wait_indirect_dma semaphore(%arg22 : memref<!tpu.dma_semaphore, #tpu.memory_space<semaphore_mem>>) src(%arg15 : memref<64x128xf32, #tpu.memory_space<vmem>>) dst(%dma_wait3A_40 : memref<10240x128xf32, #tpu.memory_space<vmem_shared>>)
      %dma_wait3A_41 = arith.constant 0 : i32
      %dma_wait3A_42 = arith.constant 0 : i32
      %dma_wait3A_43 = arith.constant 0 : i32
      %dma_wait3A_44 = tpu.memref_slice %arg9[%dma_wait3A_41, %dma_wait3A_42, %dma_wait3A_43] : memref<2x16x64xi32, #tpu.memory_space<vmem>> -> memref<1x1x64xi32, #tpu.memory_space<vmem>>
      %dma_wait3A_45 = tpu.memref_squeeze %dma_wait3A_44 : memref<1x1x64xi32, #tpu.memory_space<vmem>> -> memref<64xi32, #tpu.memory_space<vmem>>
      %dma_wait3A_46 = arith.constant 0 : i32
      %dma_wait3A_47 = arith.constant 0 : i32
      %dma_wait3A_48 = tpu.memref_slice %arg17[%dma_wait3A_46, %dma_wait3A_47] : memref<10240x128xf32, #tpu.memory_space<vmem_shared>> -> memref<10240x128xf32, #tpu.memory_space<vmem_shared>>
      tpu.wait_indirect_dma semaphore(%arg23 : memref<!tpu.dma_semaphore, #tpu.memory_space<semaphore_mem>>) src(%arg16 : memref<64x128xf32, #tpu.memory_space<vmem>>) dst(%dma_wait3A_48 : memref<10240x128xf32, #tpu.memory_space<vmem_shared>>)
    } else {
    }
    %barrier3A_29 = arith.constant 0 : index
    tpu.barrier barrier_id(%barrier3A_29)
    %mul3A_30 = arith.constant 640 : i32
    %mul3A_31 = arith.muli %arg1, %mul3A_30 : i32
    %mul3A_32 = arith.constant 640 : i32
    %mul3A_33 = arith.muli %arg1, %mul3A_32 : i32
    "tpu.region"() ({
      %run_scoped3A = tpu.sem_alloc : memref<!tpu.dma_semaphore, #tpu.memory_space<semaphore_mem>>
      %dma_start3A = arith.constant 0 : i32
      %dma_start3A_34 = tpu.memref_slice %arg7[%arg0, %mul3A_33, %dma_start3A] : memref<2x10240x128xf32, #tpu.memory_space<hbm>> -> memref<1x640x128xf32, #tpu.memory_space<hbm>>
      %dma_start3A_35 = tpu.memref_squeeze %dma_start3A_34 : memref<1x640x128xf32, #tpu.memory_space<hbm>> -> memref<640x128xf32, #tpu.memory_space<hbm>>
      %dma_start3A_36 = arith.constant 0 : i32
      %dma_start3A_37 = tpu.memref_slice %arg17[%mul3A_31, %dma_start3A_36] : memref<10240x128xf32, #tpu.memory_space<vmem_shared>> -> memref<640x128xf32, #tpu.memory_space<vmem_shared>>
      tpu.enqueue_dma source(%dma_start3A_37 : memref<640x128xf32, #tpu.memory_space<vmem_shared>>) target(%dma_start3A_35 : memref<640x128xf32, #tpu.memory_space<hbm>>) target_semaphore(%run_scoped3A : memref<!tpu.dma_semaphore, #tpu.memory_space<semaphore_mem>>)
      %dma_wait3A = arith.constant 0 : i32
      %dma_wait3A_38 = tpu.memref_slice %arg7[%arg0, %mul3A_33, %dma_wait3A] : memref<2x10240x128xf32, #tpu.memory_space<hbm>> -> memref<1x640x128xf32, #tpu.memory_space<hbm>>
      %dma_wait3A_39 = tpu.memref_squeeze %dma_wait3A_38 : memref<1x640x128xf32, #tpu.memory_space<hbm>> -> memref<640x128xf32, #tpu.memory_space<hbm>>
      %dma_wait3A_40 = arith.constant 0 : i32
      %dma_wait3A_41 = tpu.memref_slice %arg17[%mul3A_31, %dma_wait3A_40] : memref<10240x128xf32, #tpu.memory_space<vmem_shared>> -> memref<640x128xf32, #tpu.memory_space<vmem_shared>>
      tpu.wait_dma2 semaphore(%run_scoped3A : memref<!tpu.dma_semaphore, #tpu.memory_space<semaphore_mem>>) src(%dma_wait3A_41 : memref<640x128xf32, #tpu.memory_space<vmem_shared>>) dst(%dma_wait3A_39 : memref<640x128xf32, #tpu.memory_space<hbm>>)
      tpu.yield
    }) : () -> ()
    return
  }
}

module attributes {stable_mosaic.version = 14 : i64} {
  func.func @body(%arg0: memref<10000x128xf32, #tpu.memory_space<vmem>>, %arg1: memref<128x128xf32, #tpu.memory_space<vmem>>, %arg2: memref<128x128xf32, #tpu.memory_space<vmem>>, %arg3: memref<10000x2xf32, #tpu.memory_space<vmem>>, %arg4: memref<10000x1xf32, #tpu.memory_space<vmem>>, %arg5: memref<10000x128xf32, #tpu.memory_space<vmem>>, %arg6: memref<10000x128xbf16, #tpu.memory_space<vmem>>) attributes {dimension_semantics = [], scalar_prefetch = 0 : i64, scratch_operands = 0 : i64, tpu.core_type = #tpu.core_type<tc>} {
    %get3A = arith.constant 0 : index
    %get3A_0 = arith.constant 0 : index
    %get3A_1 = vector.load %arg3[%get3A, %get3A_0] : memref<10000x2xf32, #tpu.memory_space<vmem>>, vector<10000x1xf32>
    %get3A_2 = arith.constant 0 : index
    %get3A_3 = arith.constant 1 : index
    %get3A_4 = vector.load %arg3[%get3A_2, %get3A_3] : memref<10000x2xf32, #tpu.memory_space<vmem>>, vector<10000x1xf32>
    %add3A = arith.addf %get3A_1, %get3A_4 : vector<10000x1xf32>
    %add3A_5 = arith.constant 1.000000e+00 : f32
    %add3A_6 = vector.broadcast %add3A_5 : f32 to vector<10000x1xf32>
    %add3A_7 = arith.addf %add3A, %add3A_6 : vector<10000x1xf32>
    %gt3A = arith.constant 0.000000e+00 : f32
    %gt3A_8 = vector.broadcast %gt3A : f32 to vector<10000x1xf32>
    %gt3A_9 = arith.cmpf ogt, %add3A_7, %gt3A_8 : vector<10000x1xf32>
    %rsqrt3A = math.rsqrt %add3A_7 : vector<10000x1xf32>
    %jit3A = arith.constant 0.000000e+00 : f32
    %broadcast_in_dim3A = vector.broadcast %jit3A : f32 to vector<10000x1xf32>
    %select_n3A = arith.select %gt3A_9, %rsqrt3A, %broadcast_in_dim3A : vector<10000x1xi1>, vector<10000x1xf32>
    %get3A_10 = arith.constant 0 : index
    %get3A_11 = arith.constant 0 : index
    %get3A_12 = vector.load %arg0[%get3A_10, %get3A_11] : memref<10000x128xf32, #tpu.memory_space<vmem>>, vector<10000x128xf32>
    %get3A_13 = arith.constant 0 : index
    %get3A_14 = arith.constant 0 : index
    %get3A_15 = vector.load %arg1[%get3A_13, %get3A_14] : memref<128x128xf32, #tpu.memory_space<vmem>>, vector<128x128xf32>
    %dot_general3A = arith.constant dense<0.000000e+00> : vector<10000x128xf32>
    %dot_general3A_16 = tpu.matmul %get3A_12, %get3A_15, %dot_general3A {dimension_numbers = #tpu.dot_dimension_numbers<[1], [0], [0], [1], [0, 0, 1, 1], [], []>, transpose_lhs_hint = false} : vector<10000x128xf32>, vector<128x128xf32>, vector<10000x128xf32> -> vector<10000x128xf32>
    %get3A_17 = arith.constant 0 : index
    %get3A_18 = arith.constant 0 : index
    %get3A_19 = vector.load %arg0[%get3A_17, %get3A_18] : memref<10000x128xf32, #tpu.memory_space<vmem>>, vector<10000x128xf32>
    %get3A_20 = arith.constant 0 : index
    %get3A_21 = arith.constant 0 : index
    %get3A_22 = vector.load %arg2[%get3A_20, %get3A_21] : memref<128x128xf32, #tpu.memory_space<vmem>>, vector<128x128xf32>
    %dot_general3A_23 = arith.constant dense<0.000000e+00> : vector<10000x128xf32>
    %dot_general3A_24 = tpu.matmul %get3A_19, %get3A_22, %dot_general3A_23 {dimension_numbers = #tpu.dot_dimension_numbers<[1], [0], [0], [1], [0, 0, 1, 1], [], []>, transpose_lhs_hint = false} : vector<10000x128xf32>, vector<128x128xf32>, vector<10000x128xf32> -> vector<10000x128xf32>
    %swap3A = arith.constant 0 : index
    %swap3A_25 = arith.constant 0 : index
    %swap3A_26 = vector.load %arg4[%swap3A, %swap3A_25] : memref<10000x1xf32, #tpu.memory_space<vmem>>, vector<10000x1xf32>
    tpu.vector_store %arg4[%swap3A, %swap3A_25], %select_n3A {strides = array<i32>} : memref<10000x1xf32, #tpu.memory_space<vmem>>, vector<10000x1xf32>,
    %mul3A = vector.broadcast %select_n3A : vector<10000x1xf32> to vector<10000x128xf32>
    %mul3A_27 = arith.mulf %dot_general3A_16, %mul3A : vector<10000x128xf32>
    %swap3A_28 = arith.constant 0 : index
    %swap3A_29 = arith.constant 0 : index
    %swap3A_30 = vector.load %arg5[%swap3A_28, %swap3A_29] : memref<10000x128xf32, #tpu.memory_space<vmem>>, vector<10000x128xf32>
    tpu.vector_store %arg5[%swap3A_28, %swap3A_29], %mul3A_27 {strides = array<i32>} : memref<10000x128xf32, #tpu.memory_space<vmem>>, vector<10000x128xf32>,
    %mul3A_31 = vector.broadcast %select_n3A : vector<10000x1xf32> to vector<10000x128xf32>
    %mul3A_32 = arith.mulf %dot_general3A_24, %mul3A_31 : vector<10000x128xf32>
    %convert_element_type3A = arith.truncf %mul3A_32 : vector<10000x128xf32> to vector<10000x128xbf16>
    %swap3A_33 = arith.constant 0 : index
    %swap3A_34 = arith.constant 0 : index
    %swap3A_35 = vector.load %arg6[%swap3A_33, %swap3A_34] : memref<10000x128xbf16, #tpu.memory_space<vmem>>, vector<10000x128xbf16>
    tpu.vector_store %arg6[%swap3A_33, %swap3A_34], %convert_element_type3A {strides = array<i32>} : memref<10000x128xbf16, #tpu.memory_space<vmem>>, vector<10000x128xbf16>,
    return
  }
}

module attributes {stable_mosaic.version = 14 : i64} {
  func.func @body(%arg0: memref<2x10240x128xf32, #tpu.memory_space<vmem>>, %arg1: memref<10000x128xf32, #tpu.memory_space<vmem>>, %arg2: memref<10000x1xf32, #tpu.memory_space<vmem>>, %arg3: memref<1x128xf32, #tpu.memory_space<vmem>>, %arg4: memref<128x128xf32, #tpu.memory_space<vmem>>, %arg5: memref<128x128xf32, #tpu.memory_space<vmem>>, %arg6: memref<10000x128xf32, #tpu.memory_space<vmem>>, %arg7: memref<10000x128xbf16, #tpu.memory_space<vmem>>) attributes {dimension_semantics = [], scalar_prefetch = 0 : i64, scratch_operands = 0 : i64, tpu.core_type = #tpu.core_type<tc>} {
    %get3A = arith.constant 0 : index
    %get3A_0 = arith.constant 0 : index
    %get3A_1 = arith.constant 0 : index
    %get3A_2 = vector.load %arg0[%get3A, %get3A_0, %get3A_1] : memref<2x10240x128xf32, #tpu.memory_space<vmem>>, vector<1x10000x128xf32>
    %get3A_3 = vector.shape_cast %get3A_2 : vector<1x10000x128xf32> to vector<10000x128xf32>
    %get3A_4 = arith.constant 1 : index
    %get3A_5 = arith.constant 0 : index
    %get3A_6 = arith.constant 0 : index
    %get3A_7 = vector.load %arg0[%get3A_4, %get3A_5, %get3A_6] : memref<2x10240x128xf32, #tpu.memory_space<vmem>>, vector<1x10000x128xf32>
    %get3A_8 = vector.shape_cast %get3A_7 : vector<1x10000x128xf32> to vector<10000x128xf32>
    %add3A = arith.addf %get3A_3, %get3A_8 : vector<10000x128xf32>
    %get3A_9 = arith.constant 0 : index
    %get3A_10 = arith.constant 0 : index
    %get3A_11 = vector.load %arg1[%get3A_9, %get3A_10] : memref<10000x128xf32, #tpu.memory_space<vmem>>, vector<10000x128xf32>
    %add3A_12 = arith.addf %add3A, %get3A_11 : vector<10000x128xf32>
    %get3A_13 = arith.constant 0 : index
    %get3A_14 = arith.constant 0 : index
    %get3A_15 = vector.load %arg2[%get3A_13, %get3A_14] : memref<10000x1xf32, #tpu.memory_space<vmem>>, vector<10000x1xf32>
    %mul3A = vector.broadcast %get3A_15 : vector<10000x1xf32> to vector<10000x128xf32>
    %mul3A_16 = arith.mulf %mul3A, %add3A_12 : vector<10000x128xf32>
    %get3A_17 = arith.constant 0 : index
    %get3A_18 = arith.constant 0 : index
    %get3A_19 = vector.load %arg3[%get3A_17, %get3A_18] : memref<1x128xf32, #tpu.memory_space<vmem>>, vector<1x128xf32>
    %add3A_20 = vector.broadcast %get3A_19 : vector<1x128xf32> to vector<10000x128xf32>
    %add3A_21 = arith.addf %mul3A_16, %add3A_20 : vector<10000x128xf32>
    %max3A = arith.constant 0.000000e+00 : f32
    %max3A_22 = vector.broadcast %max3A : f32 to vector<10000x128xf32>
    %max3A_23 = arith.maximumf %add3A_21, %max3A_22 : vector<10000x128xf32>
    %get3A_24 = arith.constant 0 : index
    %get3A_25 = arith.constant 0 : index
    %get3A_26 = vector.load %arg4[%get3A_24, %get3A_25] : memref<128x128xf32, #tpu.memory_space<vmem>>, vector<128x128xf32>
    %dot_general3A = arith.constant dense<0.000000e+00> : vector<10000x128xf32>
    %dot_general3A_27 = tpu.matmul %max3A_23, %get3A_26, %dot_general3A {dimension_numbers = #tpu.dot_dimension_numbers<[1], [0], [0], [1], [0, 0, 1, 1], [], []>, transpose_lhs_hint = false} : vector<10000x128xf32>, vector<128x128xf32>, vector<10000x128xf32> -> vector<10000x128xf32>
    %get3A_28 = arith.constant 0 : index
    %get3A_29 = arith.constant 0 : index
    %get3A_30 = vector.load %arg2[%get3A_28, %get3A_29] : memref<10000x1xf32, #tpu.memory_space<vmem>>, vector<10000x1xf32>
    %mul3A_31 = vector.broadcast %get3A_30 : vector<10000x1xf32> to vector<10000x128xf32>
    %mul3A_32 = arith.mulf %dot_general3A_27, %mul3A_31 : vector<10000x128xf32>
    %swap3A = arith.constant 0 : index
    %swap3A_33 = arith.constant 0 : index
    %swap3A_34 = vector.load %arg6[%swap3A, %swap3A_33] : memref<10000x128xf32, #tpu.memory_space<vmem>>, vector<10000x128xf32>
    tpu.vector_store %arg6[%swap3A, %swap3A_33], %mul3A_32 {strides = array<i32>} : memref<10000x128xf32, #tpu.memory_space<vmem>>, vector<10000x128xf32>,
    %get3A_35 = arith.constant 0 : index
    %get3A_36 = arith.constant 0 : index
    %get3A_37 = vector.load %arg5[%get3A_35, %get3A_36] : memref<128x128xf32, #tpu.memory_space<vmem>>, vector<128x128xf32>
    %dot_general3A_38 = arith.constant dense<0.000000e+00> : vector<10000x128xf32>
    %dot_general3A_39 = tpu.matmul %max3A_23, %get3A_37, %dot_general3A_38 {dimension_numbers = #tpu.dot_dimension_numbers<[1], [0], [0], [1], [0, 0, 1, 1], [], []>, transpose_lhs_hint = false} : vector<10000x128xf32>, vector<128x128xf32>, vector<10000x128xf32> -> vector<10000x128xf32>
    %get3A_40 = arith.constant 0 : index
    %get3A_41 = arith.constant 0 : index
    %get3A_42 = vector.load %arg2[%get3A_40, %get3A_41] : memref<10000x1xf32, #tpu.memory_space<vmem>>, vector<10000x1xf32>
    %mul3A_43 = vector.broadcast %get3A_42 : vector<10000x1xf32> to vector<10000x128xf32>
    %mul3A_44 = arith.mulf %dot_general3A_39, %mul3A_43 : vector<10000x128xf32>
    %convert_element_type3A = arith.truncf %mul3A_44 : vector<10000x128xf32> to vector<10000x128xbf16>
    %swap3A_45 = arith.constant 0 : index
    %swap3A_46 = arith.constant 0 : index
    %swap3A_47 = vector.load %arg7[%swap3A_45, %swap3A_46] : memref<10000x128xbf16, #tpu.memory_space<vmem>>, vector<10000x128xbf16>
    tpu.vector_store %arg7[%swap3A_45, %swap3A_46], %convert_element_type3A {strides = array<i32>} : memref<10000x128xbf16, #tpu.memory_space<vmem>>, vector<10000x128xbf16>,
    return
  }
}

module attributes {stable_mosaic.version = 14 : i64} {
  func.func @body(%arg0: memref<2x10240x128xf32, #tpu.memory_space<vmem>>, %arg1: memref<10000x128xf32, #tpu.memory_space<vmem>>, %arg2: memref<10000x1xf32, #tpu.memory_space<vmem>>, %arg3: memref<1x128xf32, #tpu.memory_space<vmem>>, %arg4: memref<10000x128xf32, #tpu.memory_space<vmem>>) attributes {dimension_semantics = [], scalar_prefetch = 0 : i64, scratch_operands = 0 : i64, tpu.core_type = #tpu.core_type<tc>} {
    %get3A = arith.constant 0 : index
    %get3A_0 = arith.constant 0 : index
    %get3A_1 = arith.constant 0 : index
    %get3A_2 = vector.load %arg0[%get3A, %get3A_0, %get3A_1] : memref<2x10240x128xf32, #tpu.memory_space<vmem>>, vector<1x10000x128xf32>
    %get3A_3 = vector.shape_cast %get3A_2 : vector<1x10000x128xf32> to vector<10000x128xf32>
    %get3A_4 = arith.constant 1 : index
    %get3A_5 = arith.constant 0 : index
    %get3A_6 = arith.constant 0 : index
    %get3A_7 = vector.load %arg0[%get3A_4, %get3A_5, %get3A_6] : memref<2x10240x128xf32, #tpu.memory_space<vmem>>, vector<1x10000x128xf32>
    %get3A_8 = vector.shape_cast %get3A_7 : vector<1x10000x128xf32> to vector<10000x128xf32>
    %add3A = arith.addf %get3A_3, %get3A_8 : vector<10000x128xf32>
    %get3A_9 = arith.constant 0 : index
    %get3A_10 = arith.constant 0 : index
    %get3A_11 = vector.load %arg1[%get3A_9, %get3A_10] : memref<10000x128xf32, #tpu.memory_space<vmem>>, vector<10000x128xf32>
    %add3A_12 = arith.addf %add3A, %get3A_11 : vector<10000x128xf32>
    %get3A_13 = arith.constant 0 : index
    %get3A_14 = arith.constant 0 : index
    %get3A_15 = vector.load %arg2[%get3A_13, %get3A_14] : memref<10000x1xf32, #tpu.memory_space<vmem>>, vector<10000x1xf32>
    %mul3A = vector.broadcast %get3A_15 : vector<10000x1xf32> to vector<10000x128xf32>
    %mul3A_16 = arith.mulf %mul3A, %add3A_12 : vector<10000x128xf32>
    %get3A_17 = arith.constant 0 : index
    %get3A_18 = arith.constant 0 : index
    %get3A_19 = vector.load %arg3[%get3A_17, %get3A_18] : memref<1x128xf32, #tpu.memory_space<vmem>>, vector<1x128xf32>
    %add3A_20 = vector.broadcast %get3A_19 : vector<1x128xf32> to vector<10000x128xf32>
    %add3A_21 = arith.addf %mul3A_16, %add3A_20 : vector<10000x128xf32>
    %max3A = arith.constant 0.000000e+00 : f32
    %max3A_22 = vector.broadcast %max3A : f32 to vector<10000x128xf32>
    %max3A_23 = arith.maximumf %add3A_21, %max3A_22 : vector<10000x128xf32>
    %swap3A = arith.constant 0 : index
    %swap3A_24 = arith.constant 0 : index
    %swap3A_25 = vector.load %arg4[%swap3A, %swap3A_24] : memref<10000x128xf32, #tpu.memory_space<vmem>>, vector<10000x128xf32>
    tpu.vector_store %arg4[%swap3A, %swap3A_24], %max3A_23 {strides = array<i32>} : memref<10000x128xf32, #tpu.memory_space<vmem>>, vector<10000x128xf32>,
    return
  }
}

</mosaic_0001>

<sc_bundles>
// kernel: kernel.11.cloned.1.call-start
scs
__scs_entry_jumppad:
0x0: {  	(pc) =	sbr.rel $0x88, $3  }
0x1: {  	(tag) =	ssettag $0x0;
	lr =	simm.s32 $0x1  }
0x2: {  	[smem:$0x3F9A] =	sst lr;
	_ =	strace $0xD0000000  }
0x3: {  	_ = 	snop  }
0x4: {  	_ = 	snop  }
0x5: {  	_ = 	snop  }
0x6: {  	_ = 	snop  }
0x7: {  	_ = 	snop  }
__scs_overlays_trampoline_lowered:
0x8: {  	[smem:$0x3FA9] =	sst s0  }
0x9: {  	[smem:$0x3FAA] =	sst s1  }
0xa: {  	[smem:$0x3FAB] =	sst s2  }
0xb: {  	[smem:$0x3FAC] =	sst s3  }
0xc: {  	[smem:$0x3FAD] =	sst s4  }
0xd: {  	[smem:$0x3FAE] =	sst s5  }
0xe: {  	[smem:$0x3FAF] =	sst s6  }
0xf: {  	[smem:$0x3FB0] =	sst s7  }
0x10: {  	[smem:$0x3FB1] =	sst s8  }
0x11: {  	[smem:$0x3FB2] =	sst s9;
	s0 =	simm.s32 @!p0 $0x0  }
0x12: {  	s1 =	sld [smem:$0x3F98];
	s0 =	simm.s32 @p0 $0x1  }
0x13: {  	[smem:$0x3FB3] =	sst s0;
	s0 =	simm.s32 @!p1 $0x0  }
0x14: {  	s2 =	sld [smem:$0x3F97];
	s0 =	simm.s32 @p1 $0x1  }
0x15: {  	[smem:$0x3FB4] =	sst s0;
	s0 =	simm.s32 @!p2 $0x0  }
0x16: {  	s3 =	sld [smem:$0x3FDB];
	s0 =	simm.s32 @p2 $0x1  }
0x17: {  	s4 =	simm.s32 $0x1BF5;
	[smem:$0x3FB6] =	sst s0  }
0x18: {  	s0 =	sld [smem:$0x3F99];
	_ =	swait.ge [sflag:s4], $0x0  }
0x19: {  	s7 =	sld [smem:$0x3F9A]  }
0x1a: {  	s8 =	sadd.s32 $0xFFFFE003, lr  }
0x1b: {  	s9 =	sadd.s32 $0xFFFFFEF7, lr;
	s5 =	simm.s32 $0xFFFFFFFF;
	p2 =	slt.u32 s8, $0xFFFFF086  }
0x1c: {  	p1 =	slt.u32 s9, $0xF7A;
	s5 =	simm.s32 @!p2 $0x0  }
0x1d: {  	s5 =	simm.s32 @p1 $0x1;
	p0 =	seq.s32 s7, s2  }
0x1e: {  	s7 =	smul.u32 @!p0 $0xF7A, s2;
	p2 =	seq.s32 @!p0 s5, $0x0  }
0x1f: {  	s9 =	smul.u32 $0xF7A, s1;
	s8 =	simm.s32 @!p0 $0x1BF5;
	p2 =	por !p2, p0  }
0x20: {  	[sflag:s8] =	ssyncset.s32 @!p0 $0xFFFFF086;
	s6 =	sadd.s32 @!p0 s3, s7;
	s7 =	simm.s32 @!p0 $0x108  }
0x21: {  	s3 =	sadd.s32 s3, s9;
	s6 =	sadd.s32 @!p0 $0x88, s6;
	s7 =	simm.s32 @p2 $0x1082  }
0x22: {  	[simem:s7], [sflag:s8] =	dma.local @!p0 [hbm:s6], $0xF7A  }
0x23: {  	s9 =	sor.u32 $0xD0000000, s2;
	s6 =	simm.s32 $0x108;
	_ =	swait.ge @!p0 [sflag:s8], $0x0  }
0x24: {  	s3 =	sadd.s32 $0x88, s3;
	s6 =	simm.s32 @!p1 $0x1082;
	[sflag:s4] =	ssyncset.s32 $0xFFFFF086  }
0x25: {  	[simem:s6], [sflag:s4] =	dma.local [hbm:s3], $0xF7A  }
0x26: {  	[smem:$0x3F9A] =	sst s1;
	(tag) =	ssettag s2;
	_ =	strace s9  }
0x27: {  	s1 =	sld [smem:$0x3FAA]  }
0x28: {  	s2 =	sld [smem:$0x3FAB]  }
0x29: {  	s4 =	sld [smem:$0x3FAD]  }
0x2a: {  	p0 =	seq.s32 s5, $0x0;
	s5 =	sld [smem:$0x3FAE]  }
0x2b: {  	s6 =	sld [smem:$0x3FAF]  }
0x2c: {  	s7 =	sld [smem:$0x3FB0]  }
0x2d: {  	s3 =	simm.s32 $0x108;
	s8 =	sld [smem:$0x3FB1]  }
0x2e: {  	s3 =	simm.s32 @!p0 $0x1082;
	s9 =	sld [smem:$0x3FB2]  }
0x2f: {  	lr =	sadd.s32 s0, s3;
	s0 =	sld [smem:$0x3FA9]  }
0x30: {  	s3 =	sld [smem:$0x3FAC]  }
0x31: {  	[smem:$0x3FB5] =	sst s10  }
0x32: {  	s10 =	sld [smem:$0x3FB3];
	_ =	sdelay $0x3  }
0x33: {  	p0 =	seq.s32 s10, $0x1;
	s10 =	sld [smem:$0x3FB5];
	_ =	sdelay $0x3  }
0x34: {  	[smem:$0x3FB5] =	sst s10  }
0x35: {  	s10 =	sld [smem:$0x3FB4];
	_ =	sdelay $0x3  }
0x36: {  	p1 =	seq.s32 s10, $0x1;
	s10 =	sld [smem:$0x3FB5];
	_ =	sdelay $0x3  }
0x37: {  	[smem:$0x3FB5] =	sst s10  }
0x38: {  	s10 =	sld [smem:$0x3FB6]  }
0x39: {  	_ = 	snop;
	(pc) =	sbr.ind lr, $3  }
0x3a: {  	_ = 	snop  }
0x3b: {  	_ = 	snop  }
0x3c: {  	p2 =	seq.s32 s10, $0x1;
	s10 =	sld [smem:$0x3FB5]  }
0x3d: {  	_ =	shalt  }
0x3e: {  	_ =	shalt  }
0x3f: {  	_ =	shalt  }
0x40: {  	_ =	shalt  }
0x41: {  	_ =	shalt  }
0x42: {  	_ =	shalt  }
0x43: {  	_ =	shalt  }
0x44: {  	_ =	shalt  }
0x45: {  	_ =	shalt  }
0x46: {  	_ =	shalt  }
0x47: {  	_ =	shalt  }
0x48: {  	_ =	shalt  }
0x49: {  	_ =	shalt  }
0x4a: {  	_ =	shalt  }
0x4b: {  	_ =	shalt  }
0x4c: {  	_ =	shalt  }
0x4d: {  	_ =	shalt  }
0x4e: {  	_ =	shalt  }
0x4f: {  	_ =	shalt  }
0x50: {  	_ =	shalt  }
0x51: {  	_ =	shalt  }
0x52: {  	_ =	shalt  }
0x53: {  	_ =	shalt  }
0x54: {  	_ =	shalt  }
0x55: {  	_ =	shalt  }
0x56: {  	_ =	shalt  }
0x57: {  	_ =	shalt  }
0x58: {  	_ =	shalt  }
0x59: {  	_ =	shalt  }
0x5a: {  	_ =	shalt  }
0x5b: {  	_ =	shalt  }
0x5c: {  	_ =	shalt  }
0x5d: {  	_ =	shalt  }
0x5e: {  	_ =	shalt  }
0x5f: {  	_ =	shalt  }
0x60: {  	_ =	shalt  }
0x61: {  	_ =	shalt  }
0x62: {  	_ =	shalt  }
0x63: {  	_ =	shalt  }
0x64: {  	_ =	shalt  }
0x65: {  	_ =	shalt  }
0x66: {  	_ =	shalt  }
0x67: {  	_ =	shalt  }
0x68: {  	_ =	shalt  }
0x69: {  	_ =	shalt  }
0x6a: {  	_ =	shalt  }
0x6b: {  	_ =	shalt  }
0x6c: {  	_ =	shalt  }
0x6d: {  	_ =	shalt  }
0x6e: {  	_ =	shalt  }
0x6f: {  	_ =	shalt  }
0x70: {  	_ =	shalt  }
0x71: {  	_ =	shalt  }
0x72: {  	_ =	shalt  }
0x73: {  	_ =	shalt  }
0x74: {  	_ =	shalt  }
0x75: {  	_ =	shalt  }
0x76: {  	_ =	shalt  }
0x77: {  	_ =	shalt  }
0x78: {  	_ =	shalt  }
0x79: {  	_ =	shalt  }
0x7a: {  	_ =	shalt  }
0x7b: {  	_ =	shalt  }
0x7c: {  	_ =	shalt  }
0x7d: {  	_ =	shalt  }
0x7e: {  	_ =	shalt  }
0x7f: {  	_ =	shalt  }
0x80: {  	_ =	shalt  }
0x81: {  	_ =	shalt  }
0x82: {  	_ =	shalt  }
0x83: {  	_ =	shalt  }
0x84: {  	_ =	shalt  }
0x85: {  	_ =	shalt  }
0x86: {  	_ =	shalt  }
0x87: {  	_ =	shalt  }
.Lfunc_end0:
.L_simem_size_0:
called_computation.1_lowered:
.L_overlay_start_0:
0x88: {  	s2 =	sld [smem:$0x3FD9]  }
0x89: {  	s3 =	sld [smem:$0x3FFE];
	_ =	sdelay $0x1  }
0x8a: {  	s1 =	srdreg.scid  }
0x8b: {  	s0 =	sand.u32 $0x1, s1  }
0x8c: {  	s17 =	sshll.u32 s0, $0xA;
	s2 =	sadd.s32 s3, s2  }
0x8d: {  	s2 =	sadd.s32 s2, s17  }
0x8e: {  	[smem:$0x3FC1] =	sst s2  }
0x8f: {  	_ = 	snop  }
0x90: {  	s2 =	sld [smem:$0x3FD0];
	(tm) =	ssettm $0x1  }
0x91: {  	s18 =	sld [smem:$0x3FFB];
	_ =	sdelay $0x3  }
0x92: {  	_ =	strace s18  }
0x93: {  	s3 =	sld [smem:$0x3FFC];
	_ =	sdelay $0x3  }
0x94: {  	_ =	strace s3  }
0x95: {  	s3 =	sld [smem:$0x3FFD];
	_ =	sdelay $0x3  }
0x96: {  	_ =	strace s3  }
0x97: {  	_ =	strace $0x8FFFFFFF  }
0x98: {  	s19 =	sld [smem:$0x3FDB];
	_ =	sdelay $0x1  }
0x99: {  	s4 =	simm.s32 $_scs_section_size  }
0x9a: {  	s5 =	simm.s32 $_size__tile_overlayer_lowered;
	s6 =	simm.s32 $_tile_overlayer_lowered  }
0x9b: {  	s22 =	simm.s32 $0x1BFF;
	s21 =	sshll.u32 s6, $0x1;
	s3 =	sadd.s32 s4, s19  }
0x9c: {  	s7 =	simm.s32 $0x0;
	s20 =	sshll.u32 s5, $0x1;
	s5 =	sadd.s32 s21, s3  }
0x9d: {  	[timem:s7], [sflag:s22] =	dma.local [hbm:s5], s20  }
0x9e: {  	_ =	swait.ge [sflag:s22], s20  }
0x9f: {  	s4 =	ssub.s32 $0x0, s20;
	[sflag:s22] =	ssyncset.done $0x0  }
0xa0: {  	[sflag:s22] =	ssyncadd.s32 s4;
	_ =	sdelay $0x1  }
0xa1: {  	s23 =	simm.s32 $0x1B8B  }
0xa2: {  	_ =	swait.ge [sflag:s23], $0x1  }
0xa3: {  	[sflag:s23] =	ssyncset.done $0x0  }
0xa4: {  	s25 =	simm.s32 $0x1B8E;
	s24 =	sld [smem:$0x3FFE];
	[sflag:s23] =	ssyncadd.s32 $0xFFFFFFFF  }
0xa5: {  	s26 =	simm.s32 $execute0_lowered;
	[smem:$0x3FD2] =	sst s25  }
0xa6: {  	s5 =	sshll.u32 s26, $0x1;
	_ =	strace $0x80000049;
	[dreg:$0x1] =	wrdreg $0xFFFFFFFF  }
0xa7: {  	s28 =	simm.s32 $_size_execute0_lowered;
	s3 =	sadd.s32 s3, s5;
	[dreg:$0x0] =	wrdreg $0x0  }
0xa8: {  	s5 =	sshll.u32 s28, $0x1;
	[dreg:$0x2] =	wrdreg s3  }
0xa9: {  	[dreg:$0x3] =	wrdreg s5  }
0xaa: {  	[dreg:$0x4] =	wrdreg $0xC0  }
0xab: {  	_ =	task [dreg:s7], $0x5FFFF  }
0xac: {  	[dreg:$0x1] =	wrdreg $0xFFFFFFFF  }
0xad: {  	[dreg:$0x0] =	wrdreg $0x60  }
0xae: {  	[dreg:$0x2] =	wrdreg s2  }
0xaf: {  	[dreg:$0x3] =	wrdreg s24  }
0xb0: {  	[dreg:$0x4] =	wrdreg $0x98000  }
0xb1: {  	[dreg:$0x5] =	wrdreg $0x9  }
0xb2: {  	_ =	task.clear_ibuf [dreg:s7], $0x6FFFF;
	_ =	strace $0x90000049  }
0xb3: {  	s29 =	simm.s32 $0x9;
	_ =	strace $0x8000004B  }
0xb4: {  	_ =	swait.ge [sflag:s29], $0x1  }
0xb5: {  	[sflag:s29] =	ssyncadd.s32 $0xFFFFFFFF  }
0xb6: {  	_ =	strace $0x9000004B  }
0xb7: {  	_ =	sfence  }
0xb8: {  	s30 =	sld [smem:$0x0];
	_ =	sdelay $0x2  }
0xb9: {  	s31 =	sshll.u32 s1, $0xD;
	s1 =	sshrl.u32 s1, $0x2  }
0xba: {  	s3 =	sand.u32 $0x4000, s31;
	s1 =	sadd.s32 s1, s30  }
0xbb: {  	s0 =	sor.u32 s3, s0;
	s1 =	sshll.u32 s1, $0x11  }
0xbc: {  	s0 =	sor.u32 s1, s0  }
0xbd: {  	s0 =	sadd.s32 $0x8F2B, s0  }
0xbe: {  	[sflag:s0] =	ssyncadd.remote.s32 $0x1  }
0xbf: {  	_ =	sfence.sel $0xFFFF  }
0xc0: {  	[dreg:$0x0] =	wrdreg $0xFFFFFFFF;
	(pc) =	sbr.abs _section_cstart, $3  }
0xc1: {  	[dreg:$0x1] =	wrdreg $0xFFFFFFFF  }
0xc2: {  	_ =	task.clear_ibuf [dreg:s7], $0x2FFFF;
	_ =	strace $0x9FFFFFFF  }
0xc3: {  	(tm) =	ssettm $0x7FFFFFFF  }
tec
execute0_lowered:
.L_overlay_start_1:
0x0: {  	(tag) =	ssettag $0x1  }
0x1: {  	s2 =	rddreg [dreg:$0x0]  }
0x2: {  	s0 =	rddreg [dreg:$0x1]  }
0x3: {  	s3 =	rddreg [dreg:$0x2]  }
0x4: {  	s9 =	stileid.u32;
	s1 =	srdreg.scid;
	s5 =	simm.s32 $0x0  }
0x5: {  	s19 =	simm.s32 $0x1000;
	s20 =	simm.s32 $0x7;
	s21 =	simm.s32 $0x40  }
0x6: {  	s29 =	simm.s32 $0x1;
	s17 =	simm.s32 $0x5800;
	s31 =	simm.s32 $0x2  }
0x7: {  	s18 =	simm.s32 $0x5;
	s4 =	smul.u32 $0x14000, s9;
	s1 =	sand.u32 $0x1, s1  }
0x8: {  	[smem:$0x7FF] =	sst s5;
	s10 =	sadd.s32 $0x16200, s0;
	s11 =	sadd.s32 $0xBC00, s0  }
0x9: {  	s12 =	sadd.s32 $0x1C00, s0;
	s8 =	smul.u32 $0xA, s9;
	s24 =	sshll.u32 s9, $0x6  }
0xa: {  	s22 =	smul.u32 $0x140000, s1;
	_ =	strace $0x8000004A;
	[dreg:$0x4] =	wrdreg s10  }
0xb: {  	s7 =	ssub.s32 $0x2, s1;
	p0 =	seq.s32 s1, $0x0;
	[dreg:$0x5] =	wrdreg s11  }
0xc: {  	[dreg:$0x6] =	wrdreg s12;
	s6 =	sshrl.u32 s4, $0x3;
	s23 =	sshrl.u32 s7, $0x1  }
0xd: {  	s1 =	sadd.s32 $0xA0, s8;
	s5 =	sadd.s32 s4, s22;
	s6 =	sadd.s32 s6, s0  }
0xe: {  	s1 =	smov.u32 @p0 s8;
	s4 =	sadd.s32 s4, s3;
	s6 =	sadd.s32 $0x20200, s6  }
0xf: {  	s25 =	sshll.u32 s1, $0x7;
	s1 =	sor.u32 $0x1, s1;
	[dreg:$0x7] =	wrdreg s6  }
0x10: {  	s5 =	sshrl.u32 s5, $0x3;
	s4 =	sshrl.u32 s4, $0x3;
	[dreg:$0xc] =	wrdreg s1  }
0x11: {  	s0 =	sadd.s32 s5, s0;
	s26 =	sadd.s32 s10, s25;
	[dreg:$0xf] =	wrdreg s4  }
0x12: {  	s5 =	ssub.s32 s7, s23;
	s28 =	sadd.s32 s11, s25;
	[dreg:$0x9] =	wrdreg s26  }
.Ltmp0:
0x13: {  	s6 =	sadd.s32 s12, s25;
	[dreg:$0xa] =	wrdreg s28;
	(pc) =	sbr.rel .LBB2_1-.Ltmp0, $4  }
0x14: {  	s7 =	sor.u32 $0x1C08, s24;
	s1 =	simm.s32 $0x3;
	[dreg:$0xb] =	wrdreg s6  }
0x15: {  	s23 =	simm.s32 $0x4;
	s0 =	sadd.s32 $0x48200, s0;
	[dreg:$0x8] =	wrdreg s7  }
0x16: {  	s24 =	simm.s32 $0x6;
	s30 =	smax.u32 s5, $0x1;
	[dreg:$0xd] =	wrdreg s0  }
0x17: {  	s5 =	simm.s32 $0x8;
	s6 =	simm.s32 $0x0;
	[dreg:$0xe] =	wrdreg s30  }
.LBB2_19:
0x18: {  	_ =	swait.ge [sflag:s18], $0x2000  }
0x19: {  	[sflag:s18] =	ssyncset.done $0x0  }
0x1a: {  	[sflag:s18] =	ssyncadd.s32 $0xFFFFE000  }
0x1b: {  	_ =	swait.ge [sflag:s24], $0x2000  }
0x1c: {  	[sflag:s24] =	ssyncset.done $0x0  }
0x1d: {  	[sflag:s24] =	ssyncadd.s32 $0xFFFFE000  }
0x1e: {  	[bflag:$0x0] =	sbarrier.arrive $0xFFFF  }
0x1f: {  	s7 =	rddreg [dreg:$0x8]  }
0x20: {  	s0 =	rddreg [dreg:$0xd]  }
0x21: {  	s5 =	simm.s32 $0x8;
	s4 =	rddreg [dreg:$0xf]  }
0x22: {  	[hbm:s0], [sflag:s7] =	dma.local [spmem:s4], $0x2800  }
0x23: {  	_ =	swait.ge [sflag:s5], $0x2800  }
0x24: {  	s6 =	rddreg [dreg:$0x10]  }
0x25: {  	s30 =	rddreg [dreg:$0xe];
	s6 =	sadd.s32 $0x1, s6  }
0x26: {  	p0 =	sne.s32 s6, s30  }
.Ltmp1:
0x27: {  	_ = 	snop;
	(pc) =	sbr.rel @!p0 .LBB2_20-.Ltmp1, $3  }
0x28: {  	_ =	sdelay $0x1  }
0x29: {  	[sflag:s5] =	ssyncset.done $0x0  }
0x2a: {  	[sflag:s5] =	ssyncadd.s32 $0xFFFFD800  }
.LBB2_1:
0x2b: {  	[dreg:$0x10] =	wrdreg s6  }
0x2c: {  	s0 =	rddreg [dreg:$0x7]  }
0x2d: {  	[spmem:s4], [sflag:s7] =	dma.local [hbm:s0], $0x2800  }
0x2e: {  	_ =	swait.ge [sflag:s5], $0x2800  }
0x2f: {  	[sflag:s5] =	ssyncset.done $0x0  }
0x30: {  	s11 =	simm.s32 $0x0;
	s12 =	rddreg [dreg:$0x9];
	[sflag:s5] =	ssyncadd.s32 $0xFFFFD800  }
0x31: {  	[tilespmem:s11], [sflag:$0x7] =	stream.linear.gather [hbm4b:s12+s11], $0x400, $0x38;
	[tilespmem:$0x1D800] =	vst v63  }
0x32: {  	s14 =	simm.s32 $0x800;
	s13 =	rddreg [dreg:$0xa]  }
0x33: {  	[tilespmem:s14], [sflag:$0x7] =	stream.linear.gather [hbm4b:s13+s11], $0x400, $0x38;
	[tilespmem:$0x1D800] =	vst v63  }
0x34: {  	s15 =	rddreg [dreg:$0xb]  }
0x35: {  	[tilespmem:s19], [sflag:$0x7] =	stream.linear.gather [hbm4b:s15+s11], $0x400, $0x38;
	[tilespmem:$0x1D800] =	vst v63  }
0x36: {  	[bflag:$0x0] =	sbarrier.arrive $0xFFFF  }
0x37: {  	_ =	swait.ge [sflag:s20], $0x400  }
0x38: {  	[sflag:s20] =	ssyncset.done $0x0  }
0x39: {  	[sflag:s20] =	ssyncadd.s32 $0xFFFFFC00  }
0x3a: {  	_ =	swait.ge [sflag:s20], $0x400  }
0x3b: {  	[sflag:s20] =	ssyncset.done $0x0  }
0x3c: {  	[sflag:s20] =	ssyncadd.s32 $0xFFFFFC00  }
0x3d: {  	_ =	swait.ge [sflag:s20], $0x400  }
0x3e: {  	[sflag:s20] =	ssyncset.done $0x0  }
0x3f: {  	s16 =	simm.s32 $0x1800;
	[sflag:s20] =	ssyncadd.s32 $0xFFFFFC00  }
0x40: {  	[tilespmem:s16], [sflag:$0x1] =	stream.indirect.gather [hbm4b:s2+s21], $0x40, s11, s21, $0xb8;
	[tilespmem:$0x1D800] =	vst v63  }
0x41: {  	s22 =	simm.s32 $0x2800  }
0x42: {  	[tilespmem:s22], [sflag:$0x2] =	stream.indirect.gather [hbm4b:s2+s21], $0x40, s21, s21, $0xb8;
	[tilespmem:$0x1D800] =	vst v63  }
.Ltmp2:
0x43: {  	_ = 	snop;
	(pc) =	sbr.rel .LBB2_2-.Ltmp2, $4  }
0x44: {  	s25 =	simm.s32 $0x80;
	s26 =	simm.s32 $0x3800  }
0x45: {  	[tilespmem:s26], [sflag:$0x3] =	stream.indirect.gather [hbm4b:s2+s21], $0x40, s25, s21, $0xb8;
	[tilespmem:$0x1D800] =	vst v63  }
0x46: {  	s28 =	simm.s32 $0xC0;
	s30 =	simm.s32 $0x4800;
	s26 =	simm.s32 $0x0  }
0x47: {  	[tilespmem:s30], [sflag:$0x4] =	stream.indirect.gather [hbm4b:s2+s21], $0x40, s28, s21, $0xb8;
	[tilespmem:$0x1D800] =	vst v63  }
.LBB2_18:
0x48: {  	s26 =	sadd.s32 $0x1, s26  }
0x49: {  	p0 =	sne.s32 s26, $0x14  }
.Ltmp3:
0x4a: {  	_ = 	snop;
	(pc) =	sbr.rel @!p0 .LBB2_19-.Ltmp3, $1  }
0x4b: {  	_ =	sdelay $0x3  }
.LBB2_2:
0x4c: {  	p0 =	sgt.u32 s26, $0x9  }
.Ltmp4:
0x4d: {  	_ = 	snop;
	(pc) =	sbr.rel @p0 .LBB2_18-.Ltmp4, $1  }
0x4e: {  	_ =	sdelay $0x3  }
0x4f: {  	s12 =	rddreg [dreg:$0xc]  }
0x50: {  	s0 =	sshll.u32 s26, $0xA;
	s4 =	rddreg [dreg:$0x4]  }
0x51: {  	s14 =	rddreg [dreg:$0x5];
	s28 =	sand.u32 $0x400, s0  }
0x52: {  	s16 =	rddreg [dreg:$0x6];
	s13 =	sxor.u32 $0xC00, s28  }
0x53: {  	s15 =	sxor.u32 $0x1400, s28;
	[dreg:$0x12] =	wrdreg s13  }
0x54: {  	s22 =	sxor.u32 $0x440, s28;
	[dreg:$0x14] =	wrdreg s15  }
0x55: {  	s0 =	sadd.s32 s26, s12;
	s25 =	sxor.u32 $0x480, s28;
	[dreg:$0x16] =	wrdreg s22  }
0x56: {  	s0 =	sshll.u32 s0, $0x7;
	s30 =	sxor.u32 $0x4C0, s28;
	[dreg:$0x17] =	wrdreg s25  }
0x57: {  	p0 =	seq.s32 s26, $0x9;
	s4 =	sadd.s32 s4, s0;
	[dreg:$0x18] =	wrdreg s30  }
0x58: {  	s5 =	simm.s32 $0x0;
	[dreg:$0x11] =	wrdreg s4;
	s4 =	sadd.s32 s14, s0  }
0x59: {  	s8 =	sxor.u32 $0x400, s28;
	s0 =	sadd.s32 s16, s0;
	[dreg:$0x13] =	wrdreg s4  }
0x5a: {  	v0 =	vmov s28;
	s25 =	simm.s32 $0x0;
	[dreg:$0x15] =	wrdreg s0;
	s4 =	sor.u32 $0x800, s28  }
.LBB2_4:
0x5b: {  	_ =	swait.ge [sflag:s29], $0x1000;
	s0 =	sor.u32 s26, s5  }
0x5c: {  	[sflag:s29] =	ssyncset.done $0x0;
	p2 =	seq.s32 s0, $0x0  }
0x5d: {  	s7 =	sadd.s32 $0xFFFFFFFE, s25;
	[sflag:s29] =	ssyncadd.s32 $0xFFFFF000;
	s0 =	simm.s32 @!p2 $0x5  }
0x5e: {  	p1 =	sne.s32 @!p0 s5, $0x1;
	s6 =	sadd.s32 $0x3, s7;
	_ =	swait.ge @!p2 [sflag:s0], $0x2000  }
0x5f: {  	p1 =	por p1, p0;
	v1 =	vmov s6;
	[sflag:s0] =	ssyncset.done @!p2 $0x0;
	s6 =	rddreg [dreg:$0x11]  }
0x60: {  	s9 =	rddreg [dreg:$0x13];
	[sflag:s0] =	ssyncadd.s32 @!p2 $0xFFFFE000;
	s0 =	simm.s32 @!p1 $0x0  }
0x61: {  	v1 =	vand.u32 $0x33F, v1;
	[tilespmem:s8], [sflag:$0x7] =	stream.linear.gather @!p1 [hbm4b:s6+s0], $0x400, $0x38;
	[tilespmem:$0x1D800] =	vst v63  }
0x62: {  	v1 =	vor.u32 v0, v1;
	s6 =	rddreg [dreg:$0x12]  }
0x63: {  	v1 =	vbroadcast v1, $0x0;
	[tilespmem:s6], [sflag:$0x7] =	stream.linear.gather @!p1 [hbm4b:s9+s0], $0x400, $0x38;
	[tilespmem:$0x1D800] =	vst v63  }
0x64: {  	s6 =	rddreg [dreg:$0x14]  }
0x65: {  	s9 =	rddreg [dreg:$0x15]  }
0x66: {  	[tilespmem:s6], [sflag:$0x7] =	stream.linear.gather @!p1 [hbm4b:s9+s0], $0x400, $0x38;
	[tilespmem:$0x1D800] =	vst v63  }
0x67: {  	s6 =	simm.s32 $0x1840  }
0x68: {  	v2 =	vld [tilespmem:s6+$0x0]  }
0x69: {  	v3 =	vld.idx.msk [tilespmem:v1+s19+$0x0], $0xffff  }
0x6a: {  	s16 =	sadd.s32 $0x0, s25  }
0x6b: {  	s22 =	sadd.s32 $0x3, s16  }
0x6c: {  	v1 =	vmov s22  }
0x6d: {  	v1 =	vand.u32 $0x33F, v1;
	v4 =	vunpack.i.l.bf16.f32 v2  }
0x6e: {  	v1 =	vor.u32 v0, v1;
	v2 =	vunpack.i.u.bf16.f32 v2;
	v4 =	vmul.f32 v4, v3  }
0x6f: {  	s0 =	simm.s32 $0x5880;
	v1 =	vbroadcast v1, $0x0;
	v2 =	vmul.f32 v2, v3  }
0x70: {  	[tilespmem:s0+$0x0] =	vst v4  }
0x71: {  	s7 =	sadd.s32 $0x2, s7;
	[tilespmem:s0+$0x10] =	vst v2  }
0x72: {  	v2 =	vmov s7;
	v4 =	vld [tilespmem:s6+$0x10]  }
0x73: {  	s13 =	simm.s32 $0x18C0;
	v2 =	vand.u32 $0x33E, v2  }
0x74: {  	v6 =	vld [tilespmem:s13+$0x0];
	v2 =	vor.u32 v0, v2  }
0x75: {  	v5 =	vld.idx.msk [tilespmem:v1+s19+$0x0], $0xffff;
	v2 =	vbroadcast v2, $0x0;
	_ =	sdelay $0x1  }
0x76: {  	v1 =	vunpack.i.l.bf16.f32 v4  }
0x77: {  	s10 =	sadd.s32 $0x2, s16;
	v4 =	vunpack.i.u.bf16.f32 v4;
	v1 =	vmul.f32 v1, v3  }
0x78: {  	s11 =	sadd.s32 $0x2, s25;
	v7 =	vmov s10;
	v8 =	vunpack.i.l.bf16.f32 v6;
	v4 =	vmul.f32 v4, v3  }
0x79: {  	s12 =	sadd.s32 $0x3, s11;
	v7 =	vand.u32 $0x33E, v7;
	v9 =	vld [tilespmem:s6+$0xFFFFFFC0];
	v8 =	vmul.f32 v8, v5;
	[tilespmem:s0+$0x20] =	vst v1;
	v1 =	vunpack.i.u.bf16.f32 v6  }
0x7a: {  	s7 =	simm.s32 $0x5980;
	v6 =	vld.idx.msk [tilespmem:v2+s19+$0x0], $0xffff;
	v2 =	vor.u32 v0, v7;
	[tilespmem:s0+$0x30] =	vst v4;
	v4 =	vmov s12;
	v1 =	vmul.f32 v1, v5  }
0x7b: {  	[tilespmem:s7+$0x0] =	vst v8;
	v2 =	vbroadcast v2, $0x0;
	v7 =	vld [tilespmem:s6+$0x20];
	v4 =	vand.u32 $0x33F, v4  }
0x7c: {  	v4 =	vor.u32 v0, v4;
	[tilespmem:s7+$0x10] =	vst v1  }
0x7d: {  	v4 =	vbroadcast v4, $0x0;
	v10 =	vld [tilespmem:s13+$0x10]  }
0x7e: {  	v1 =	vunpack.i.l.bf16.f32 v9  }
0x7f: {  	v8 =	vunpack.i.u.bf16.f32 v9;
	v1 =	vmul.f32 v1, v6  }
0x80: {  	v9 =	vld [tilespmem:s13+$0xFFFFFFC0];
	v8 =	vmul.f32 v8, v6;
	v11 =	vunpack.i.l.bf16.f32 v7  }
0x81: {  	s9 =	sadd.s32 $0x2, s11;
	s22 =	simm.s32 $0x1940;
	[tilespmem:s0+$0xFFFFFF80] =	vst v1;
	v1 =	vld.idx.msk [tilespmem:v2+s19+$0x0], $0xffff;
	v2 =	vunpack.i.u.bf16.f32 v7;
	v7 =	vmul.f32 v11, v3  }
0x82: {  	[tilespmem:s0+$0xFFFFFF90] =	vst v8;
	v8 =	vmov s9;
	v11 =	vld [tilespmem:s22+$0x0];
	v2 =	vmul.f32 v2, v3;
	v12 =	vunpack.i.l.bf16.f32 v10  }
0x83: {  	v13 =	vand.u32 $0x33E, v8;
	[tilespmem:s0+$0x40] =	vst v7;
	v8 =	vld.idx.msk [tilespmem:v4+s19+$0x0], $0xffff;
	v4 =	vunpack.i.u.bf16.f32 v10;
	v7 =	vmul.f32 v12, v5  }
0x84: {  	v10 =	vld [tilespmem:s6+$0xFFFFFFD0];
	v12 =	vor.u32 v0, v13;
	[tilespmem:s0+$0x50] =	vst v2;
	v2 =	vmul.f32 v4, v5  }
0x85: {  	v4 =	vunpack.i.l.bf16.f32 v9;
	v12 =	vbroadcast v12, $0x0;
	[tilespmem:s7+$0x20] =	vst v7  }
0x86: {  	v7 =	vunpack.i.u.bf16.f32 v9;
	v4 =	vmul.f32 v4, v1;
	v9 =	vld [tilespmem:s6+$0x30];
	[tilespmem:s7+$0x30] =	vst v2  }
0x87: {  	v13 =	vunpack.i.l.bf16.f32 v11;
	v2 =	vmul.f32 v7, v1;
	v7 =	vld [tilespmem:s13+$0x20]  }
0x88: {  	s14 =	sadd.s32 $0x4, s25;
	[tilespmem:s7+$0xFFFFFF80] =	vst v4;
	v4 =	vunpack.i.u.bf16.f32 v11;
	v11 =	vmul.f32 v13, v8  }
0x89: {  	s10 =	simm.s32 $0x5A80;
	s11 =	sadd.s32 $0x3, s14;
	v13 =	vunpack.i.l.bf16.f32 v10;
	[tilespmem:s7+$0xFFFFFF90] =	vst v2;
	v4 =	vmul.f32 v4, v8  }
0x8a: {  	v14 =	vmov s11;
	v2 =	vunpack.i.u.bf16.f32 v10;
	v10 =	vmul.f32 v13, v6;
	v13 =	vld [tilespmem:s22+$0xFFFFFFC0];
	[tilespmem:s10+$0x0] =	vst v11  }
0x8b: {  	v14 =	vand.u32 $0x33F, v14;
	v11 =	vmul.f32 v2, v6;
	v2 =	vld.idx.msk [tilespmem:v12+s19+$0x0], $0xffff;
	v12 =	vunpack.i.u.bf16.f32 v9;
	[tilespmem:s10+$0x10] =	vst v4  }
0x8c: {  	[tilespmem:s0+$0xFFFFFFA0] =	vst v10;
	v10 =	vor.u32 v0, v14;
	v4 =	vmul.f32 v12, v3;
	v12 =	vunpack.i.l.bf16.f32 v7;
	v14 =	vld [tilespmem:s22+$0x10]  }
0x8d: {  	[tilespmem:s0+$0xFFFFFFB0] =	vst v11;
	v10 =	vbroadcast v10, $0x0;
	v7 =	vunpack.i.u.bf16.f32 v7;
	v11 =	vmul.f32 v12, v5  }
0x8e: {  	v9 =	vunpack.i.l.bf16.f32 v9;
	v12 =	vld [tilespmem:s13+$0xFFFFFFD0];
	[tilespmem:s0+$0x70] =	vst v4;
	v4 =	vmul.f32 v7, v5  }
0x8f: {  	s9 =	sadd.s32 $0x2, s14;
	v3 =	vmul.f32 v9, v3;
	v7 =	vunpack.i.l.bf16.f32 v13;
	[tilespmem:s7+$0x40] =	vst v11  }
0x90: {  	v9 =	vld [tilespmem:s6+$0xFFFFFFE0];
	v11 =	vunpack.i.u.bf16.f32 v13;
	v13 =	vmov s9;
	v7 =	vmul.f32 v7, v2;
	[tilespmem:s7+$0x50] =	vst v4  }
0x91: {  	s30 =	simm.s32 $0x19C0;
	[tilespmem:s0+$0x60] =	vst v3;
	v4 =	vand.u32 $0x33E, v13;
	v3 =	vmul.f32 v11, v2;
	v11 =	vld [tilespmem:s13+$0x30];
	v13 =	vunpack.i.l.bf16.f32 v14  }
0x92: {  	v4 =	vor.u32 v0, v4;
	v14 =	vunpack.i.u.bf16.f32 v14;
	[tilespmem:s10+$0xFFFFFF80] =	vst v7;
	v7 =	vld [tilespmem:s30+$0x0];
	v13 =	vmul.f32 v13, v8  }
0x93: {  	v4 =	vbroadcast v4, $0x0;
	v15 =	vunpack.i.l.bf16.f32 v12;
	[tilespmem:s10+$0xFFFFFF90] =	vst v3;
	v3 =	vld.idx.msk [tilespmem:v10+s19+$0x0], $0xffff;
	v10 =	vmul.f32 v14, v8  }
0x94: {  	v12 =	vunpack.i.u.bf16.f32 v12;
	v14 =	vmul.f32 v15, v1;
	[tilespmem:s10+$0x20] =	vst v13  }
0x95: {  	v12 =	vmul.f32 v12, v1;
	v13 =	vunpack.i.l.bf16.f32 v9;
	[tilespmem:s10+$0x30] =	vst v10  }
0x96: {  	v9 =	vunpack.i.u.bf16.f32 v9;
	v10 =	vmul.f32 v13, v6;
	[tilespmem:s7+$0xFFFFFFA0] =	vst v14;
	v13 =	vld [tilespmem:s22+$0x20]  }
0x97: {  	s15 =	sadd.s32 $0x6, s25;
	v9 =	vmul.f32 v9, v6;
	[tilespmem:s7+$0xFFFFFFB0] =	vst v12;
	v12 =	vunpack.i.u.bf16.f32 v11;
	v14 =	vunpack.i.l.bf16.f32 v7  }
0x98: {  	s16 =	sadd.s32 $0x3, s15;
	v15 =	vld [tilespmem:s30+$0xFFFFFFC0];
	v11 =	vunpack.i.l.bf16.f32 v11;
	[tilespmem:s0+$0xFFFFFFC0] =	vst v10;
	v7 =	vunpack.i.u.bf16.f32 v7;
	v10 =	vmul.f32 v14, v3  }
0x99: {  	s12 =	sadd.s32 $0x2, s15;
	s9 =	simm.s32 $0x5B80;
	v11 =	vmul.f32 v11, v5;
	[tilespmem:s0+$0xFFFFFFD0] =	vst v9;
	v9 =	vmov s16;
	v4 =	vld.idx.msk [tilespmem:v4+s19+$0x0], $0xffff;
	v7 =	vmul.f32 v7, v3  }
0x9a: {  	v5 =	vmul.f32 v12, v5;
	v12 =	vmov s12;
	v14 =	vld [tilespmem:s22+$0xFFFFFFD0];
	v9 =	vand.u32 $0x33F, v9;
	[tilespmem:s9+$0x0] =	vst v10  }
0x9b: {  	v12 =	vand.u32 $0x33E, v12;
	v17 =	vld [tilespmem:s6+$0xFFFFFFF0];
	v9 =	vor.u32 v0, v9;
	[tilespmem:s9+$0x10] =	vst v7;
	v7 =	vunpack.i.l.bf16.f32 v13  }
0x9c: {  	[tilespmem:s7+$0x70] =	vst v5;
	v5 =	vbroadcast v9, $0x0;
	v13 =	vunpack.i.u.bf16.f32 v13;
	v9 =	vld [tilespmem:s30+$0x10];
	v7 =	vmul.f32 v7, v8  }
0x9d: {  	v16 =	vunpack.i.l.bf16.f32 v15;
	v12 =	vor.u32 v0, v12;
	[tilespmem:s7+$0x60] =	vst v11;
	v10 =	vld [tilespmem:s13+$0xFFFFFFE0];
	v13 =	vmul.f32 v13, v8  }
0x9e: {  	v11 =	vunpack.i.u.bf16.f32 v15;
	v12 =	vbroadcast v12, $0x0;
	v15 =	vmul.f32 v16, v4;
	[tilespmem:s10+$0x40] =	vst v7  }
0x9f: {  	v7 =	vmul.f32 v11, v4;
	v11 =	vunpack.i.l.bf16.f32 v14;
	[tilespmem:s10+$0x50] =	vst v13  }
0xa0: {  	s11 =	simm.s32 $0x1A40;
	v13 =	vunpack.i.u.bf16.f32 v14;
	v11 =	vmul.f32 v11, v2;
	v16 =	vld [tilespmem:s22+$0x30];
	[tilespmem:s9+$0xFFFFFF80] =	vst v15  }
0xa1: {  	v63 =	vunpack.i.l.bf16.f32 v17;
	v14 =	vmul.f32 v13, v2;
	v13 =	vld [tilespmem:s11+$0x0];
	[tilespmem:s9+$0xFFFFFF90] =	vst v7;
	v18 =	vunpack.i.l.bf16.f32 v9  }
0xa2: {  	v15 =	vunpack.i.u.bf16.f32 v10;
	v7 =	vld.idx.msk [tilespmem:v5+s19+$0x0], $0xffff;
	v5 =	vunpack.i.u.bf16.f32 v9;
	[tilespmem:s10+$0xFFFFFFA0] =	vst v11;
	v9 =	vmul.f32 v18, v3  }
0xa3: {  	v10 =	vunpack.i.l.bf16.f32 v10;
	v15 =	vmul.f32 v15, v1;
	v11 =	vld [tilespmem:s11+$0xFFFFFFC0];
	[tilespmem:s10+$0xFFFFFFB0] =	vst v14;
	v19 =	vmul.f32 v5, v3  }
0xa4: {  	v17 =	vunpack.i.u.bf16.f32 v17;
	v20 =	vmul.f32 v10, v1;
	v14 =	vmul.f32 v63, v6;
	v5 =	vld.idx.msk [tilespmem:v12+s19+$0x0], $0xffff;
	[tilespmem:s9+$0x20] =	vst v9  }
0xa5: {  	v9 =	vmul.f32 v17, v6;
	v6 =	vld [tilespmem:s30+$0xFFFFFFD0];
	[tilespmem:s9+$0x30] =	vst v19;
	v17 =	vunpack.i.u.bf16.f32 v16;
	v10 =	vunpack.i.l.bf16.f32 v16  }
0xa6: {  	s14 =	simm.s32 $0x8;
	s12 =	simm.s32 $0x5B80;
	s6 =	sshll.u32 s5, $0x2;
	[tilespmem:s7+$0xFFFFFFC0] =	vst v20;
	v12 =	vld [tilespmem:s30+$0x20];
	v10 =	vmul.f32 v10, v8;
	v8 =	vmul.f32 v17, v8  }
.LBB2_5:
0xa7: {  	s15 =	sadd.s32 s14, s25;
	v16 =	vunpack.i.l.bf16.f32 v13;
	v17 =	vld [tilespmem:s22+$0xFFFFFFE0];
	[tilespmem:s7+$0xFFFFFFD0] =	vst v15  }
0xa8: {  	v13 =	vunpack.i.u.bf16.f32 v13;
	v18 =	vmovc v7;
	s16 =	sadd.s32 $0x2, s15;
	s15 =	sadd.s32 $0x3, s15;
	v15 =	vunpack.i.u.bf16.f32 v11;
	v16 =	vmul.f32 v16, v7;
	[tilespmem:s10+$0x70] =	vst v8;
	v8 =	vld [tilespmem:s13+$0xFFFFFFF0];
	s13 =	smov.u32 s22  }
0xa9: {  	s9 =	sadd.s32 $0x100, s9;
	v13 =	vmul.f32 v13, v18;
	s22 =	smov.u32 s30;
	s30 =	smov.u32 s11;
	v7 =	vmov s16;
	v19 =	vmov s15;
	[tilespmem:s0+$0xFFFFFFE0] =	vst v14  }
0xaa: {  	s14 =	sadd.s32 $0x2, s14;
	v11 =	vunpack.i.l.bf16.f32 v11;
	v7 =	vand.u32 $0x33E, v7;
	v14 =	vand.u32 $0x33F, v19;
	[tilespmem:s9+$0x0] =	vst v16  }
0xab: {  	p1 =	slt.u32 s14, $0x3E;
	v7 =	vor.u32 v0, v7;
	v14 =	vor.u32 v0, v14;
	[tilespmem:s9+$0x10] =	vst v13;
	v13 =	vunpack.i.l.bf16.f32 v12  }
0xac: {  	v12 =	vunpack.i.u.bf16.f32 v12;
	v14 =	vbroadcast v14, $0x0;
	v16 =	vld [tilespmem:s11+$0x10];
	v13 =	vmul.f32 v13, v3;
	[tilespmem:s0+$0xFFFFFFF0] =	vst v9;
	s0 =	smov.u32 s7;
	s7 =	smov.u32 s10;
	s10 =	smov.u32 s12  }
0xad: {  	v19 =	vbroadcast v7, $0x0;
	v7 =	vunpack.i.u.bf16.f32 v6;
	v9 =	vmul.f32 v12, v3;
	s12 =	smov.u32 s9;
	[tilespmem:s7+$0x60] =	vst v10  }
0xae: {  	v6 =	vunpack.i.l.bf16.f32 v6;
	v10 =	vmul.f32 v11, v5;
	v11 =	vmul.f32 v15, v5;
	[tilespmem:s10+$0x40] =	vst v13  }
0xaf: {  	v6 =	vmul.f32 v6, v4;
	v12 =	vmul.f32 v7, v4;
	v7 =	vunpack.i.u.bf16.f32 v17;
	[tilespmem:s10+$0x50] =	vst v9  }
0xb0: {  	s11 =	sadd.s32 $0x80, s11;
	v15 =	vmul.f32 v7, v2;
	v9 =	vunpack.i.l.bf16.f32 v17;
	v17 =	vunpack.i.u.bf16.f32 v8;
	[tilespmem:s9+$0xFFFFFF80] =	vst v10;
	v10 =	vld [tilespmem:s22+$0x30]  }
0xb1: {  	v8 =	vunpack.i.l.bf16.f32 v8;
	v20 =	vmul.f32 v9, v2;
	v13 =	vld [tilespmem:s11+$0x0];
	[tilespmem:s9+$0xFFFFFF90] =	vst v11;
	v11 =	vunpack.i.l.bf16.f32 v16  }
.Ltmp5:
0xb2: {  	v9 =	vunpack.i.u.bf16.f32 v16;
	v7 =	vld.idx.msk [tilespmem:v14+s19+$0x0], $0xffff;
	v16 =	vmul.f32 v11, v18;
	[tilespmem:s10+$0xFFFFFFA0] =	vst v6;
	v14 =	vmul.f32 v8, v1;
	(pc) =	sbr.rel @p1 .LBB2_5-.Ltmp5, $4  }
0xb3: {  	v8 =	vmul.f32 v9, v18;
	v9 =	vmul.f32 v17, v1;
	v1 =	vmovc v2;
	v2 =	vmov v4;
	v11 =	vld [tilespmem:s11+$0xFFFFFFC0];
	[tilespmem:s10+$0xFFFFFFB0] =	vst v12  }
0xb4: {  	v4 =	vmov v5;
	[tilespmem:s9+$0x20] =	vst v16;
	v5 =	vld.idx.msk [tilespmem:v19+s19+$0x0], $0xffff  }
0xb5: {  	v6 =	vld [tilespmem:s30+$0xFFFFFFD0];
	[tilespmem:s9+$0x30] =	vst v8;
	v8 =	vunpack.i.u.bf16.f32 v10;
	v10 =	vunpack.i.l.bf16.f32 v10  }
0xb6: {  	v12 =	vld [tilespmem:s30+$0x20];
	v10 =	vmul.f32 v10, v3;
	v8 =	vmul.f32 v8, v3;
	[tilespmem:s7+$0xFFFFFFC0] =	vst v20;
	v3 =	vmov v18  }
0xb7: {  	v16 =	vunpack.i.l.bf16.f32 v13  }
0xb8: {  	v23 =	vunpack.i.u.bf16.f32 v13;
	v16 =	vmul.f32 v16, v7  }
0xb9: {  	s9 =	sadd.s32 $0x100, s9;
	[tilespmem:s7+$0xFFFFFFD0] =	vst v15;
	v13 =	vmul.f32 v23, v7  }
0xba: {  	[tilespmem:s9+$0x0] =	vst v16  }
0xbb: {  	v24 =	vunpack.i.l.bf16.f32 v11;
	[tilespmem:s9+$0x10] =	vst v13  }
0xbc: {  	[tilespmem:s0+$0xFFFFFFE0] =	vst v14;
	v25 =	vunpack.i.u.bf16.f32 v11;
	v26 =	vmul.f32 v24, v5;
	v13 =	vld [tilespmem:s11+$0x10]  }
0xbd: {  	[tilespmem:s0+$0xFFFFFFF0] =	vst v9;
	v11 =	vmul.f32 v25, v5  }
0xbe: {  	[tilespmem:s9+$0xFFFFFF80] =	vst v26  }
0xbf: {  	v30 =	vld [tilespmem:s22+$0xFFFFFFE0];
	v33 =	vunpack.i.l.bf16.f32 v6;
	[tilespmem:s9+$0xFFFFFF90] =	vst v11  }
0xc0: {  	[tilespmem:s10+$0x70] =	vst v8;
	v34 =	vunpack.i.u.bf16.f32 v6;
	v35 =	vmul.f32 v33, v4;
	v11 =	vld [tilespmem:s11+$0xFFFFFFD0]  }
0xc1: {  	[tilespmem:s10+$0x60] =	vst v10;
	v6 =	vmul.f32 v34, v4;
	v27 =	vunpack.i.l.bf16.f32 v13  }
0xc2: {  	[tilespmem:s12+$0xFFFFFFA0] =	vst v35;
	v28 =	vunpack.i.u.bf16.f32 v13;
	v8 =	vmul.f32 v27, v7  }
0xc3: {  	v31 =	vunpack.i.u.bf16.f32 v12;
	[tilespmem:s12+$0xFFFFFFB0] =	vst v6;
	v9 =	vmul.f32 v28, v7  }
0xc4: {  	v32 =	vmul.f32 v31, v3;
	v40 =	vunpack.i.l.bf16.f32 v30;
	v44 =	vld [tilespmem:s30+$0xFFFFFFE0];
	[tilespmem:s9+$0x20] =	vst v8  }
0xc5: {  	v39 =	vld [tilespmem:s13+$0xFFFFFFF0];
	v43 =	vmul.f32 v40, v2;
	v38 =	vunpack.i.u.bf16.f32 v11;
	[tilespmem:s9+$0x30] =	vst v9  }
0xc6: {  	[tilespmem:s12+$0x50] =	vst v32;
	v37 =	vunpack.i.l.bf16.f32 v11;
	v41 =	vmul.f32 v38, v5;
	v36 =	vld [tilespmem:s11+$0x20]  }
0xc7: {  	v42 =	vunpack.i.u.bf16.f32 v30;
	[tilespmem:s10+$0xFFFFFFC0] =	vst v43;
	v8 =	vmul.f32 v37, v5  }
0xc8: {  	v29 =	vunpack.i.l.bf16.f32 v12;
	v45 =	vmul.f32 v42, v2;
	[tilespmem:s9+$0xFFFFFFB0] =	vst v41  }
0xc9: {  	v13 =	vmul.f32 v29, v3;
	v52 =	vunpack.i.u.bf16.f32 v44;
	[tilespmem:s9+$0xFFFFFFA0] =	vst v8  }
0xca: {  	v50 =	vunpack.i.l.bf16.f32 v39;
	[tilespmem:s10+$0xFFFFFFD0] =	vst v45;
	v55 =	vmul.f32 v52, v4;
	v48 =	vld [tilespmem:s11+$0xFFFFFFE0]  }
0xcb: {  	[tilespmem:s12+$0x40] =	vst v13;
	v8 =	vmul.f32 v50, v1;
	v46 =	vunpack.i.l.bf16.f32 v36  }
0xcc: {  	v13 =	vld [tilespmem:s30+$0x30];
	[tilespmem:s12+$0xFFFFFFD0] =	vst v55;
	v47 =	vunpack.i.u.bf16.f32 v36;
	v9 =	vmul.f32 v46, v7  }
0xcd: {  	v58 =	vunpack.i.u.bf16.f32 v39;
	v54 =	vld [tilespmem:s22+$0xFFFFFFF0];
	[tilespmem:s7+$0xFFFFFFE0] =	vst v8;
	v6 =	vmul.f32 v47, v7  }
0xce: {  	v51 =	vunpack.i.l.bf16.f32 v44;
	v1 =	vmul.f32 v58, v1;
	[tilespmem:s9+$0x40] =	vst v9  }
0xcf: {  	v56 =	vunpack.i.l.bf16.f32 v48;
	[tilespmem:s9+$0x50] =	vst v6;
	v6 =	vmul.f32 v51, v4  }
0xd0: {  	[tilespmem:s7+$0xFFFFFFF0] =	vst v1;
	v57 =	vunpack.i.u.bf16.f32 v48;
	v9 =	vmul.f32 v56, v5;
	v53 =	vld [tilespmem:s11+$0x30]  }
0xd1: {  	v49 =	vunpack.i.u.bf16.f32 v13;
	v59 =	vunpack.i.l.bf16.f32 v13;
	[tilespmem:s12+$0xFFFFFFC0] =	vst v6;
	v6 =	vmul.f32 v57, v5  }
0xd2: {  	v1 =	vunpack.i.l.bf16.f32 v54;
	v12 =	vmul.f32 v49, v3;
	v3 =	vmul.f32 v59, v3;
	[tilespmem:s9+$0xFFFFFFC0] =	vst v9;
	v60 =	vld [tilespmem:s30+$0xFFFFFFF0]  }
0xd3: {  	v1 =	vmul.f32 v1, v2;
	[tilespmem:s9+$0xFFFFFFD0] =	vst v6  }
0xd4: {  	[tilespmem:s12+$0x60] =	vst v3;
	v3 =	vunpack.i.u.bf16.f32 v54;
	v63 =	vld [tilespmem:s11+$0xFFFFFFF0]  }
0xd5: {  	[tilespmem:s10+$0xFFFFFFE0] =	vst v1;
	v2 =	vmul.f32 v3, v2;
	v61 =	vunpack.i.u.bf16.f32 v53  }
0xd6: {  	[tilespmem:s12+$0x70] =	vst v12;
	v3 =	vunpack.i.l.bf16.f32 v53;
	v62 =	vmul.f32 v61, v7  }
0xd7: {  	[tilespmem:s10+$0xFFFFFFF0] =	vst v2;
	v3 =	vmul.f32 v3, v7;
	v1 =	vunpack.i.l.bf16.f32 v60  }
0xd8: {  	v2 =	vunpack.i.u.bf16.f32 v60;
	[tilespmem:s9+$0x70] =	vst v62;
	v1 =	vmul.f32 v1, v4  }
0xd9: {  	p3 =	seq.s32 s5, $0x3;
	[tilespmem:s9+$0x60] =	vst v3;
	v2 =	vmul.f32 v2, v4;
	v3 =	vunpack.i.l.bf16.f32 v63  }
.Ltmp6:
0xda: {  	[tilespmem:s12+$0xFFFFFFE0] =	vst v1;
	v1 =	vunpack.i.u.bf16.f32 v63;
	v3 =	vmul.f32 v3, v5;
	(pc) =	sbr.rel @!p3 .LBB2_7-.Ltmp6, $4  }
0xdb: {  	s7 =	sshll.u32 s5, $0xA;
	[tilespmem:s12+$0xFFFFFFF0] =	vst v2;
	v1 =	vmul.f32 v1, v5  }
0xdc: {  	s0 =	sshrl.u32 s7, $0x2;
	[tilespmem:s9+$0xFFFFFFE0] =	vst v3  }
0xdd: {  	s30 =	sadd.s32 s0, s4;
	[tilespmem:s9+$0xFFFFFFF0] =	vst v1  }
0xde: {  	[spmem:s3] =	stream.indirect.scatter.add.f32 [tilespmem:s17], [sflag:$0x5], $0x80, s30, s21, $0xb8;
	[tilespmem:$0x1D800] =	vst v63  }
.Ltmp7:
0xdf: {  	(pc) =	sbr.rel @p0 .LBB2_11-.Ltmp7, $2  }
0xe0: {  	_ =	sdelay $0x2  }
0xe1: {  	p1 =	por $0x0, $0x0  }
0xe2: {  	_ =	swait.ge [sflag:s20], $0x400  }
0xe3: {  	[sflag:s20] =	ssyncset.done $0x0  }
0xe4: {  	[sflag:s20] =	ssyncadd.s32 $0xFFFFFC00  }
0xe5: {  	_ =	swait.ge [sflag:s20], $0x400  }
.Ltmp8:
0xe6: {  	[sflag:s20] =	ssyncset.done $0x0;
	(pc) =	sbr.rel .LBB2_10-.Ltmp8, $4  }
0xe7: {  	[sflag:s20] =	ssyncadd.s32 $0xFFFFFC00  }
0xe8: {  	_ =	swait.ge [sflag:s20], $0x400  }
0xe9: {  	[sflag:s20] =	ssyncset.done $0x0  }
0xea: {  	s0 =	smov.u32 s8;
	[sflag:s20] =	ssyncadd.s32 $0xFFFFFC00  }
.LBB2_7:
0xeb: {  	s0 =	sadd.s32 s0, s28  }
0xec: {  	s0 =	sadd.s32 $0x100, s0  }
.LBB2_10:
0xed: {  	s9 =	simm.s32 $0x1800;
	p1 =	por p3, p3  }
0xee: {  	[tilespmem:s9], [sflag:$0x1] =	stream.indirect.gather [hbm4b:s2+s21], $0x40, s0, s21, $0xb8;
	[tilespmem:$0x1D800] =	vst v63  }
.LBB2_11:
0xef: {  	s0 =	sadd.s32 $0xFFFFFFFE, s25  }
0xf0: {  	s9 =	sadd.s32 $0x43, s0  }
0xf1: {  	v1 =	vmov s9  }
0xf2: {  	_ =	swait.ge [sflag:s31], $0x1000;
	v2 =	vand.u32 $0x7FFFFF78, v1  }
0xf3: {  	[sflag:s31] =	ssyncset.done $0x0;
	v1 =	vand.u32 $0x7, v1;
	v2 =	vadd.s32 v0, v2  }
0xf4: {  	[sflag:s31] =	ssyncadd.s32 $0xFFFFF000;
	s9 =	simm.s32 @!p2 $0x6;
	v1 =	vor.u32 v1, v2  }
0xf5: {  	_ =	swait.ge @!p2 [sflag:s9], $0x2000  }
0xf6: {  	[sflag:s9] =	ssyncset.done @!p2 $0x0  }
0xf7: {  	s12 =	simm.s32 $0x2840;
	[sflag:s9] =	ssyncadd.s32 @!p2 $0xFFFFE000  }
0xf8: {  	v2 =	vld [tilespmem:s12+$0x0]  }
0xf9: {  	v3 =	vld.idx.msk [tilespmem:v1+s19+$0x0], $0xffff;
	_ =	sdelay $0x2  }
0xfa: {  	s17 =	sadd.s32 $0x0, s25  }
0xfb: {  	s10 =	sadd.s32 $0x43, s17;
	v1 =	vunpack.i.l.bf16.f32 v2  }
0xfc: {  	v4 =	vmov s10;
	v2 =	vunpack.i.u.bf16.f32 v2;
	v1 =	vmul.f32 v1, v3  }
0xfd: {  	s30 =	simm.s32 $0x7880;
	v5 =	vand.u32 $0x7FFFFF78, v4;
	v2 =	vmul.f32 v2, v3  }
0xfe: {  	[tilespmem:s30+$0x0] =	vst v1;
	v1 =	vand.u32 $0x7, v4;
	v4 =	vadd.s32 v0, v5  }
0xff: {  	s0 =	sadd.s32 $0x42, s0;
	[tilespmem:s30+$0x10] =	vst v2;
	v1 =	vor.u32 v1, v4  }
0x100: {  	v2 =	vmov s0;
	v4 =	vld [tilespmem:s12+$0x10]  }
0x101: {  	v5 =	vand.u32 $0x7FFFFF78, v2  }
0x102: {  	s22 =	simm.s32 $0x28C0;
	v2 =	vand.u32 $0x6, v2;
	v5 =	vadd.s32 v0, v5  }
0x103: {  	v7 =	vld [tilespmem:s22+$0x0];
	v2 =	vor.u32 v2, v5  }
0x104: {  	v6 =	vld.idx.msk [tilespmem:v1+s19+$0x0], $0xffff  }
0x105: {  	v1 =	vunpack.i.l.bf16.f32 v4  }
0x106: {  	v4 =	vunpack.i.u.bf16.f32 v4;
	v1 =	vmul.f32 v1, v3  }
0x107: {  	s10 =	sadd.s32 $0x42, s17;
	v8 =	vld [tilespmem:s12+$0xFFFFFFC0];
	v4 =	vmul.f32 v4, v3  }
0x108: {  	v5 =	vld.idx.msk [tilespmem:v2+s19+$0x0], $0xffff;
	v2 =	vmov s10;
	[tilespmem:s30+$0x20] =	vst v1;
	v1 =	vunpack.i.l.bf16.f32 v7  }
0x109: {  	s11 =	sadd.s32 $0x2, s25;
	v9 =	vand.u32 $0x7FFFFF78, v2;
	[tilespmem:s30+$0x30] =	vst v4;
	v4 =	vunpack.i.u.bf16.f32 v7;
	v1 =	vmul.f32 v1, v6  }
0x10a: {  	s13 =	simm.s32 $0x7980;
	s14 =	sadd.s32 $0x43, s11;
	v2 =	vand.u32 $0x6, v2;
	v7 =	vadd.s32 v0, v9;
	v9 =	vld [tilespmem:s12+$0x20];
	v4 =	vmul.f32 v4, v6  }
0x10b: {  	v2 =	vor.u32 v2, v7;
	v7 =	vmov s14;
	[tilespmem:s13+$0x0] =	vst v1  }
0x10c: {  	v10 =	vand.u32 $0x7FFFFF78, v7;
	v1 =	vunpack.i.u.bf16.f32 v8;
	v8 =	vunpack.i.l.bf16.f32 v8;
	[tilespmem:s13+$0x10] =	vst v4  }
0x10d: {  	v7 =	vand.u32 $0x7, v7;
	v4 =	vmul.f32 v8, v5;
	v8 =	vadd.s32 v0, v10;
	v10 =	vld [tilespmem:s22+$0x10]  }
0x10e: {  	v1 =	vmul.f32 v1, v5;
	v7 =	vor.u32 v7, v8  }
0x10f: {  	v8 =	vunpack.i.l.bf16.f32 v9;
	[tilespmem:s30+$0xFFFFFF80] =	vst v4;
	v4 =	vld [tilespmem:s22+$0xFFFFFFC0]  }
0x110: {  	s0 =	simm.s32 $0x2940;
	[tilespmem:s30+$0xFFFFFF90] =	vst v1;
	v1 =	vld.idx.msk [tilespmem:v2+s19+$0x0], $0xffff;
	v2 =	vunpack.i.u.bf16.f32 v9;
	v8 =	vmul.f32 v8, v3  }
0x111: {  	s15 =	sadd.s32 $0x42, s11;
	v12 =	vld [tilespmem:s0+$0x0];
	v2 =	vmul.f32 v2, v3  }
0x112: {  	v11 =	vmov s15;
	v9 =	vld [tilespmem:s12+$0xFFFFFFD0];
	[tilespmem:s30+$0x40] =	vst v8;
	v13 =	vunpack.i.l.bf16.f32 v10  }
0x113: {  	v14 =	vand.u32 $0x7FFFFF78, v11;
	[tilespmem:s30+$0x50] =	vst v2;
	v2 =	vunpack.i.u.bf16.f32 v10;
	v8 =	vld.idx.msk [tilespmem:v7+s19+$0x0], $0xffff;
	v7 =	vmul.f32 v13, v6  }
0x114: {  	v10 =	vand.u32 $0x6, v11;
	v11 =	vadd.s32 v0, v14;
	v13 =	vld [tilespmem:s12+$0x30];
	v2 =	vmul.f32 v2, v6  }
0x115: {  	v10 =	vor.u32 v10, v11;
	v14 =	vunpack.i.l.bf16.f32 v4;
	[tilespmem:s13+$0x20] =	vst v7  }
0x116: {  	v11 =	vld [tilespmem:s0+$0xFFFFFFC0];
	v4 =	vunpack.i.u.bf16.f32 v4;
	v7 =	vmul.f32 v14, v1;
	[tilespmem:s13+$0x30] =	vst v2  }
0x117: {  	v15 =	vunpack.i.l.bf16.f32 v12;
	v2 =	vmul.f32 v4, v1;
	v4 =	vunpack.i.u.bf16.f32 v9;
	v14 =	vld [tilespmem:s22+$0x20]  }
0x118: {  	s16 =	sadd.s32 $0x4, s25;
	[tilespmem:s13+$0xFFFFFF80] =	vst v7;
	v7 =	vunpack.i.l.bf16.f32 v9;
	v9 =	vunpack.i.u.bf16.f32 v12;
	v12 =	vmul.f32 v15, v8  }
0x119: {  	s9 =	sadd.s32 $0x43, s16;
	s10 =	simm.s32 $0x7A80;
	v4 =	vmul.f32 v4, v5;
	[tilespmem:s13+$0xFFFFFF90] =	vst v2;
	v15 =	vunpack.i.u.bf16.f32 v13;
	v9 =	vmul.f32 v9, v8  }
0x11a: {  	s11 =	sadd.s32 $0x42, s16;
	v16 =	vmov s9;
	v7 =	vmul.f32 v7, v5;
	v2 =	vld.idx.msk [tilespmem:v10+s19+$0x0], $0xffff;
	v10 =	vmul.f32 v15, v3;
	[tilespmem:s10+$0x0] =	vst v12  }
0x11b: {  	v15 =	vunpack.i.u.bf16.f32 v11;
	v11 =	vunpack.i.l.bf16.f32 v11;
	v12 =	vmov s11;
	[tilespmem:s10+$0x10] =	vst v9  }
0x11c: {  	[tilespmem:s30+$0xFFFFFFA0] =	vst v7;
	v7 =	vand.u32 $0x7FFFFF78, v16;
	v9 =	vand.u32 $0x7, v16;
	v16 =	vunpack.i.l.bf16.f32 v14;
	v17 =	vld [tilespmem:s0+$0x10]  }
0x11d: {  	[tilespmem:s30+$0xFFFFFFB0] =	vst v4;
	v4 =	vadd.s32 v0, v7;
	v7 =	vunpack.i.u.bf16.f32 v14;
	v14 =	vmul.f32 v16, v6  }
0x11e: {  	[tilespmem:s30+$0x70] =	vst v10;
	v10 =	vand.u32 $0x7FFFFF78, v12;
	v16 =	vld [tilespmem:s22+$0xFFFFFFD0];
	v4 =	vor.u32 v9, v4;
	v7 =	vmul.f32 v7, v6  }
0x11f: {  	v10 =	vadd.s32 v0, v10;
	v9 =	vmul.f32 v11, v2;
	v11 =	vand.u32 $0x6, v12;
	[tilespmem:s13+$0x40] =	vst v14  }
0x120: {  	s11 =	simm.s32 $0x29C0;
	v12 =	vunpack.i.l.bf16.f32 v13;
	v13 =	vld [tilespmem:s12+$0xFFFFFFE0];
	v14 =	vmul.f32 v15, v2;
	v10 =	vor.u32 v11, v10;
	[tilespmem:s13+$0x50] =	vst v7  }
0x121: {  	v3 =	vmul.f32 v12, v3;
	v11 =	vld [tilespmem:s11+$0x0];
	[tilespmem:s10+$0xFFFFFF80] =	vst v9;
	v9 =	vunpack.i.l.bf16.f32 v17  }
0x122: {  	v7 =	vld [tilespmem:s22+$0x30];
	[tilespmem:s10+$0xFFFFFF90] =	vst v14;
	v12 =	vunpack.i.u.bf16.f32 v17;
	v9 =	vmul.f32 v9, v8  }
0x123: {  	[tilespmem:s30+$0x60] =	vst v3;
	v14 =	vunpack.i.l.bf16.f32 v16;
	v4 =	vld.idx.msk [tilespmem:v4+s19+$0x0], $0xffff;
	v12 =	vmul.f32 v12, v8  }
0x124: {  	s17 =	sadd.s32 $0x6, s25;
	v15 =	vld [tilespmem:s11+$0xFFFFFFC0];
	v3 =	vunpack.i.u.bf16.f32 v16;
	v14 =	vmul.f32 v14, v1;
	[tilespmem:s10+$0x20] =	vst v9  }
0x125: {  	s15 =	sadd.s32 $0x43, s17;
	v16 =	vunpack.i.u.bf16.f32 v13;
	v13 =	vunpack.i.l.bf16.f32 v13;
	v9 =	vmul.f32 v3, v1;
	v3 =	vld.idx.msk [tilespmem:v10+s19+$0x0], $0xffff;
	[tilespmem:s10+$0x30] =	vst v12  }
0x126: {  	s14 =	sadd.s32 $0x42, s17;
	v17 =	vmov s15;
	v12 =	vmul.f32 v13, v5;
	[tilespmem:s13+$0xFFFFFFA0] =	vst v14;
	v13 =	vld [tilespmem:s0+$0x20]  }
0x127: {  	v10 =	vmul.f32 v16, v5;
	v16 =	vmov s14;
	v14 =	vunpack.i.l.bf16.f32 v11;
	[tilespmem:s13+$0xFFFFFFB0] =	vst v9  }
0x128: {  	v11 =	vunpack.i.u.bf16.f32 v11;
	v9 =	vunpack.i.u.bf16.f32 v7;
	[tilespmem:s30+$0xFFFFFFC0] =	vst v12;
	v12 =	vmul.f32 v14, v4  }
0x129: {  	s9 =	simm.s32 $0x7B80;
	v7 =	vunpack.i.l.bf16.f32 v7;
	[tilespmem:s30+$0xFFFFFFD0] =	vst v10;
	v14 =	vunpack.i.l.bf16.f32 v15;
	v11 =	vmul.f32 v11, v4  }
0x12a: {  	v10 =	vunpack.i.u.bf16.f32 v15;
	v9 =	vmul.f32 v9, v6;
	v15 =	vld [tilespmem:s0+$0xFFFFFFD0];
	v14 =	vmul.f32 v14, v3;
	[tilespmem:s9+$0x0] =	vst v12  }
0x12b: {  	v12 =	vand.u32 $0x7FFFFF78, v17;
	v17 =	vand.u32 $0x7, v17;
	[tilespmem:s9+$0x10] =	vst v11;
	v11 =	vunpack.i.l.bf16.f32 v13  }
0x12c: {  	[tilespmem:s13+$0x70] =	vst v9;
	v9 =	vadd.s32 v0, v12;
	v12 =	vld [tilespmem:s11+$0x10];
	v13 =	vunpack.i.u.bf16.f32 v13;
	v11 =	vmul.f32 v11, v8  }
0x12d: {  	[tilespmem:s9+$0xFFFFFF80] =	vst v14;
	v14 =	vand.u32 $0x7FFFFF78, v16;
	v9 =	vor.u32 v17, v9;
	v13 =	vmul.f32 v13, v8;
	v17 =	vld [tilespmem:s22+$0xFFFFFFE0]  }
0x12e: {  	v10 =	vmul.f32 v10, v3;
	v16 =	vand.u32 $0x6, v16;
	v14 =	vadd.s32 v0, v14;
	[tilespmem:s10+$0x40] =	vst v11  }
0x12f: {  	v6 =	vmul.f32 v7, v6;
	v18 =	vld [tilespmem:s12+$0xFFFFFFF0];
	v7 =	vunpack.i.l.bf16.f32 v15;
	v14 =	vor.u32 v16, v14;
	[tilespmem:s10+$0x50] =	vst v13  }
0x130: {  	s12 =	simm.s32 $0x2A40;
	[tilespmem:s9+$0xFFFFFF90] =	vst v10;
	v11 =	vunpack.i.u.bf16.f32 v15;
	v10 =	vmul.f32 v7, v2;
	v15 =	vld [tilespmem:s0+$0x30]  }
0x131: {  	[tilespmem:s13+$0x60] =	vst v6;
	v16 =	vmul.f32 v11, v2;
	v11 =	vld [tilespmem:s12+$0x0];
	v13 =	vunpack.i.l.bf16.f32 v12  }
0x132: {  	v6 =	vunpack.i.u.bf16.f32 v12;
	[tilespmem:s10+$0xFFFFFFA0] =	vst v10;
	v7 =	vld.idx.msk [tilespmem:v9+s19+$0x0], $0xffff;
	v9 =	vmul.f32 v13, v4;
	v10 =	vunpack.i.l.bf16.f32 v17  }
0x133: {  	v13 =	vld [tilespmem:s12+$0xFFFFFFC0];
	v12 =	vmul.f32 v6, v4;
	[tilespmem:s10+$0xFFFFFFB0] =	vst v16;
	v16 =	vunpack.i.u.bf16.f32 v17;
	v17 =	vmul.f32 v10, v1  }
0x134: {  	v10 =	vunpack.i.l.bf16.f32 v18;
	v19 =	vmul.f32 v16, v1;
	v16 =	vunpack.i.u.bf16.f32 v18;
	v6 =	vld.idx.msk [tilespmem:v14+s19+$0x0], $0xffff;
	[tilespmem:s9+$0x20] =	vst v9  }
0x135: {  	v14 =	vmul.f32 v10, v5;
	v9 =	vld [tilespmem:s11+$0xFFFFFFD0];
	[tilespmem:s9+$0x30] =	vst v12;
	v10 =	vmul.f32 v16, v5;
	v16 =	vunpack.i.u.bf16.f32 v15  }
0x136: {  	v5 =	vunpack.i.l.bf16.f32 v15;
	v12 =	vld [tilespmem:s11+$0x20];
	[tilespmem:s13+$0xFFFFFFC0] =	vst v17;
	v15 =	vmul.f32 v16, v8  }
0x137: {  	s16 =	simm.s32 $0x8;
	s15 =	simm.s32 $0x7B80;
	s14 =	sor.u32 $0x1, s6;
	[tilespmem:s13+$0xFFFFFFD0] =	vst v19;
	v5 =	vmul.f32 v5, v8;
	v16 =	vunpack.i.l.bf16.f32 v11;
	v8 =	vld [tilespmem:s0+$0xFFFFFFE0]  }
.LBB2_12:
0x138: {  	s17 =	sadd.s32 s16, s25;
	v17 =	vunpack.i.u.bf16.f32 v13;
	v11 =	vunpack.i.u.bf16.f32 v11;
	v19 =	vmul.f32 v16, v7;
	[tilespmem:s10+$0x70] =	vst v15;
	v15 =	vld [tilespmem:s22+$0xFFFFFFF0];
	v18 =	vmovc v7;
	s22 =	smov.u32 s0;
	s0 =	smov.u32 s11  }
0x139: {  	v7 =	vunpack.i.l.bf16.f32 v13;
	s9 =	sadd.s32 $0x100, s9;
	s11 =	sadd.s32 $0x42, s17;
	s17 =	sadd.s32 $0x43, s17;
	v11 =	vmul.f32 v11, v18;
	[tilespmem:s30+$0xFFFFFFE0] =	vst v14  }
0x13a: {  	v7 =	vmul.f32 v7, v6;
	v16 =	vmovc v6;
	v13 =	vmov s11;
	v14 =	vmov s17;
	[tilespmem:s9+$0x0] =	vst v19;
	s11 =	smov.u32 s12  }
0x13b: {  	s16 =	sadd.s32 $0x2, s16;
	v6 =	vand.u32 $0x7FFFFF78, v14;
	v14 =	vand.u32 $0x7, v14;
	[tilespmem:s9+$0x10] =	vst v11;
	v11 =	vunpack.i.l.bf16.f32 v12  }
0x13c: {  	p2 =	slt.u32 s16, $0x3E;
	v6 =	vadd.s32 v0, v6;
	[tilespmem:s9+$0xFFFFFF80] =	vst v7;
	v19 =	vld [tilespmem:s12+$0x10];
	v7 =	vunpack.i.u.bf16.f32 v12;
	v11 =	vmul.f32 v11, v4  }
0x13d: {  	v12 =	vand.u32 $0x7FFFFF78, v13;
	v6 =	vor.u32 v14, v6;
	v7 =	vmul.f32 v7, v4;
	[tilespmem:s30+$0xFFFFFFF0] =	vst v10;
	s30 =	smov.u32 s13;
	s13 =	smov.u32 s10;
	s10 =	smov.u32 s15  }
0x13e: {  	v10 =	vand.u32 $0x6, v13;
	v12 =	vadd.s32 v0, v12;
	v13 =	vmul.f32 v17, v16;
	s15 =	smov.u32 s9;
	[tilespmem:s10+$0x40] =	vst v11  }
0x13f: {  	v10 =	vor.u32 v10, v12;
	v11 =	vunpack.i.u.bf16.f32 v9;
	v9 =	vunpack.i.l.bf16.f32 v9;
	[tilespmem:s10+$0x50] =	vst v7  }
0x140: {  	s12 =	sadd.s32 $0x80, s12;
	v9 =	vmul.f32 v9, v3;
	v12 =	vmul.f32 v11, v3;
	v7 =	vunpack.i.u.bf16.f32 v8;
	[tilespmem:s9+$0xFFFFFF90] =	vst v13;
	v17 =	vld [tilespmem:s0+$0x30]  }
0x141: {  	v8 =	vunpack.i.l.bf16.f32 v8;
	v20 =	vmul.f32 v7, v2;
	v11 =	vld [tilespmem:s12+$0x0];
	v13 =	vunpack.i.l.bf16.f32 v19;
	[tilespmem:s13+$0x60] =	vst v5  }
0x142: {  	v8 =	vmul.f32 v8, v2;
	v5 =	vunpack.i.u.bf16.f32 v19;
	v7 =	vld.idx.msk [tilespmem:v6+s19+$0x0], $0xffff;
	v14 =	vmul.f32 v13, v18;
	[tilespmem:s10+$0xFFFFFFA0] =	vst v9  }
.Ltmp9:
0x143: {  	v5 =	vmul.f32 v5, v18;
	v9 =	vunpack.i.u.bf16.f32 v15;
	v13 =	vld [tilespmem:s12+$0xFFFFFFC0];
	[tilespmem:s10+$0xFFFFFFB0] =	vst v12;
	v12 =	vunpack.i.l.bf16.f32 v15;
	(pc) =	sbr.rel @p2 .LBB2_12-.Ltmp9, $4  }
0x144: {  	v6 =	vld.idx.msk [tilespmem:v10+s19+$0x0], $0xffff;
	[tilespmem:s9+$0x20] =	vst v14;
	v14 =	vmul.f32 v12, v1;
	v10 =	vmul.f32 v9, v1;
	v1 =	vmov v2  }
0x145: {  	v2 =	vmovc v3;
	v3 =	vmov v16;
	v9 =	vld [tilespmem:s11+$0xFFFFFFD0];
	[tilespmem:s9+$0x30] =	vst v5;
	v15 =	vunpack.i.u.bf16.f32 v17;
	v5 =	vunpack.i.l.bf16.f32 v17  }
0x146: {  	v12 =	vld [tilespmem:s11+$0x20];
	v5 =	vmul.f32 v5, v4;
	v15 =	vmul.f32 v15, v4;
	[tilespmem:s13+$0xFFFFFFC0] =	vst v8;
	v4 =	vmov v18  }
0x147: {  	v16 =	vunpack.i.l.bf16.f32 v11;
	v8 =	vld [tilespmem:s0+$0xFFFFFFE0];
	[tilespmem:s13+$0xFFFFFFD0] =	vst v20  }
0x148: {  	v11 =	vunpack.i.u.bf16.f32 v11;
	v16 =	vmul.f32 v16, v7  }
0x149: {  	s9 =	sadd.s32 $0x100, s9;
	v11 =	vmul.f32 v11, v7  }
0x14a: {  	[tilespmem:s9+$0x0] =	vst v16  }
0x14b: {  	[tilespmem:s9+$0x10] =	vst v11  }
0x14c: {  	v11 =	vld [tilespmem:s12+$0x10]  }
0x14d: {  	v16 =	vunpack.i.l.bf16.f32 v13  }
0x14e: {  	[tilespmem:s10+$0x70] =	vst v15;
	v13 =	vunpack.i.u.bf16.f32 v13;
	v15 =	vmul.f32 v16, v6  }
0x14f: {  	[tilespmem:s30+$0xFFFFFFE0] =	vst v14;
	v13 =	vmul.f32 v13, v6  }
0x150: {  	[tilespmem:s9+$0xFFFFFF80] =	vst v15  }
0x151: {  	[tilespmem:s9+$0xFFFFFF90] =	vst v13;
	v13 =	vunpack.i.l.bf16.f32 v11  }
0x152: {  	[tilespmem:s30+$0xFFFFFFF0] =	vst v10;
	v10 =	vunpack.i.u.bf16.f32 v11;
	v11 =	vmul.f32 v13, v7;
	v13 =	vld [tilespmem:s12+$0xFFFFFFD0]  }
0x153: {  	[tilespmem:s10+$0x60] =	vst v5;
	v14 =	vunpack.i.l.bf16.f32 v12;
	v10 =	vmul.f32 v10, v7  }
0x154: {  	v12 =	vunpack.i.u.bf16.f32 v12;
	v14 =	vmul.f32 v14, v4;
	[tilespmem:s9+$0x20] =	vst v11  }
0x155: {  	v12 =	vmul.f32 v12, v4;
	v11 =	vunpack.i.l.bf16.f32 v9;
	[tilespmem:s9+$0x30] =	vst v10  }
0x156: {  	[tilespmem:s15+$0x40] =	vst v14;
	v9 =	vunpack.i.u.bf16.f32 v9;
	v10 =	vmul.f32 v11, v3;
	v11 =	vld [tilespmem:s12+$0x20]  }
0x157: {  	[tilespmem:s15+$0x50] =	vst v12;
	v9 =	vmul.f32 v9, v3;
	v5 =	vunpack.i.l.bf16.f32 v13  }
0x158: {  	v12 =	vld [tilespmem:s11+$0x30];
	[tilespmem:s15+$0xFFFFFFA0] =	vst v10;
	v10 =	vunpack.i.u.bf16.f32 v13;
	v5 =	vmul.f32 v5, v6  }
0x159: {  	v14 =	vunpack.i.l.bf16.f32 v8;
	v13 =	vld [tilespmem:s22+$0xFFFFFFF0];
	[tilespmem:s15+$0xFFFFFFB0] =	vst v9;
	v9 =	vmul.f32 v10, v6  }
0x15a: {  	v8 =	vunpack.i.u.bf16.f32 v8;
	v10 =	vmul.f32 v14, v2;
	v14 =	vld [tilespmem:s11+$0xFFFFFFE0];
	[tilespmem:s9+$0xFFFFFFA0] =	vst v5  }
0x15b: {  	v5 =	vmul.f32 v8, v2;
	v8 =	vunpack.i.l.bf16.f32 v11;
	[tilespmem:s9+$0xFFFFFFB0] =	vst v9  }
0x15c: {  	[tilespmem:s10+$0xFFFFFFC0] =	vst v10;
	v9 =	vunpack.i.u.bf16.f32 v11;
	v8 =	vmul.f32 v8, v7;
	v10 =	vld [tilespmem:s12+$0xFFFFFFE0]  }
0x15d: {  	v11 =	vunpack.i.u.bf16.f32 v12;
	[tilespmem:s10+$0xFFFFFFD0] =	vst v5;
	v5 =	vmul.f32 v9, v7  }
0x15e: {  	v11 =	vmul.f32 v11, v4;
	v9 =	vunpack.i.l.bf16.f32 v13;
	[tilespmem:s9+$0x40] =	vst v8  }
0x15f: {  	v8 =	vmul.f32 v9, v1;
	[tilespmem:s9+$0x50] =	vst v5;
	v5 =	vunpack.i.l.bf16.f32 v14  }
0x160: {  	[tilespmem:s15+$0x70] =	vst v11;
	v11 =	vunpack.i.u.bf16.f32 v14;
	v9 =	vld [tilespmem:s12+$0x30];
	v5 =	vmul.f32 v5, v3  }
0x161: {  	v14 =	vld [tilespmem:s0+$0xFFFFFFF0];
	[tilespmem:s13+$0xFFFFFFE0] =	vst v8;
	v8 =	vmul.f32 v11, v3;
	v11 =	vunpack.i.l.bf16.f32 v10  }
0x162: {  	[tilespmem:s15+$0xFFFFFFC0] =	vst v5;
	v5 =	vunpack.i.u.bf16.f32 v10;
	v10 =	vmul.f32 v11, v6  }
0x163: {  	v11 =	vunpack.i.u.bf16.f32 v13;
	[tilespmem:s15+$0xFFFFFFD0] =	vst v8;
	v5 =	vmul.f32 v5, v6  }
0x164: {  	v8 =	vunpack.i.l.bf16.f32 v12;
	v1 =	vmul.f32 v11, v1;
	v11 =	vld [tilespmem:s11+$0xFFFFFFF0];
	[tilespmem:s9+$0xFFFFFFC0] =	vst v10  }
0x165: {  	v4 =	vmul.f32 v8, v4;
	v8 =	vunpack.i.u.bf16.f32 v9;
	[tilespmem:s9+$0xFFFFFFD0] =	vst v5  }
0x166: {  	[tilespmem:s13+$0xFFFFFFF0] =	vst v1;
	v1 =	vunpack.i.l.bf16.f32 v14;
	v5 =	vmul.f32 v8, v7;
	v8 =	vld [tilespmem:s12+$0xFFFFFFF0]  }
0x167: {  	[tilespmem:s15+$0x60] =	vst v4;
	v4 =	vunpack.i.u.bf16.f32 v14;
	v1 =	vmul.f32 v1, v2  }
0x168: {  	v2 =	vmul.f32 v4, v2;
	v4 =	vunpack.i.l.bf16.f32 v9;
	[tilespmem:s9+$0x70] =	vst v5  }
0x169: {  	v4 =	vmul.f32 v4, v7;
	[tilespmem:s10+$0xFFFFFFE0] =	vst v1;
	v1 =	vunpack.i.l.bf16.f32 v11  }
0x16a: {  	[tilespmem:s10+$0xFFFFFFF0] =	vst v2;
	v2 =	vunpack.i.u.bf16.f32 v11;
	v1 =	vmul.f32 v1, v3  }
0x16b: {  	[tilespmem:s9+$0x60] =	vst v4;
	v2 =	vmul.f32 v2, v3;
	v3 =	vunpack.i.l.bf16.f32 v8  }
0x16c: {  	[tilespmem:s15+$0xFFFFFFE0] =	vst v1;
	v1 =	vunpack.i.u.bf16.f32 v8;
	v3 =	vmul.f32 v3, v6  }
0x16d: {  	[tilespmem:s15+$0xFFFFFFF0] =	vst v2;
	s15 =	sshll.u32 s14, $0x6;
	v1 =	vmul.f32 v1, v6  }
0x16e: {  	s0 =	sand.u32 $0x3FFFFFC0, s15;
	[tilespmem:s9+$0xFFFFFFE0] =	vst v3  }
0x16f: {  	p2 =	seq.s32 s5, $0x3;
	s16 =	simm.s32 $0x7800;
	s0 =	sadd.s32 s0, s4;
	[tilespmem:s9+$0xFFFFFFF0] =	vst v1  }
0x170: {  	[spmem:s3] =	stream.indirect.scatter.add.f32 [tilespmem:s16], [sflag:$0x6], $0x80, s0, s21, $0xb8;
	[tilespmem:$0x1D800] =	vst v63  }
0x171: {  	s17 =	sadd.s32 $0xFFFFFFFE, s25;
	s0 =	sshrl.u32 @!p2 s7, $0x2  }
0x172: {  	s22 =	sadd.s32 $0x83, s17;
	s7 =	sadd.s32 @!p2 s0, s28  }
0x173: {  	s10 =	simm.s32 @!p2 $0x2800;
	s9 =	simm.s32 @!p2 $0x40;
	s0 =	sadd.s32 @!p2 $0x140, s7  }
0x174: {  	[tilespmem:s10], [sflag:$0x2] =	stream.indirect.gather @!p2 [hbm4b:s2+s9], $0x40, s0, s9, $0xb8;
	[tilespmem:$0x1D800] =	vst v63  }
0x175: {  	s12 =	rddreg [dreg:$0x16];
	s9 =	simm.s32 @p1 $0x40;
	s10 =	simm.s32 @p1 $0x2800  }
0x176: {  	v1 =	vmov s22;
	[tilespmem:s10], [sflag:$0x2] =	stream.indirect.gather @p1 [hbm4b:s2+s9], $0x40, s12, s9, $0xb8;
	[tilespmem:$0x1D800] =	vst v63  }
0x177: {  	v2 =	vand.u32 $0x7FFFFFB8, v1;
	_ =	swait.ge [sflag:s1], $0x1000  }
0x178: {  	v1 =	vand.u32 $0x7, v1;
	v2 =	vadd.s32 v0, v2;
	[sflag:s1] =	ssyncset.done $0x0  }
0x179: {  	v1 =	vor.u32 v1, v2;
	[sflag:s1] =	ssyncadd.s32 $0xFFFFF000  }
0x17a: {  	_ =	swait.ge [sflag:s18], $0x2000  }
0x17b: {  	[sflag:s18] =	ssyncset.done $0x0  }
0x17c: {  	s12 =	simm.s32 $0x3840;
	[sflag:s18] =	ssyncadd.s32 $0xFFFFE000  }
0x17d: {  	v2 =	vld [tilespmem:s12+$0x0]  }
0x17e: {  	v3 =	vld.idx.msk [tilespmem:v1+s19+$0x0], $0xffff;
	_ =	sdelay $0x2  }
0x17f: {  	s13 =	sadd.s32 $0x0, s25  }
0x180: {  	s14 =	sadd.s32 $0x83, s13;
	v1 =	vunpack.i.l.bf16.f32 v2  }
0x181: {  	v4 =	vmov s14;
	v2 =	vunpack.i.u.bf16.f32 v2;
	v1 =	vmul.f32 v1, v3  }
0x182: {  	s30 =	simm.s32 $0x5880;
	v5 =	vand.u32 $0x7FFFFFB8, v4;
	v2 =	vmul.f32 v2, v3  }
0x183: {  	[tilespmem:s30+$0x0] =	vst v1;
	v1 =	vand.u32 $0x7, v4;
	v4 =	vadd.s32 v0, v5  }
0x184: {  	s0 =	sadd.s32 $0x82, s17;
	[tilespmem:s30+$0x10] =	vst v2;
	v1 =	vor.u32 v1, v4  }
0x185: {  	v2 =	vmov s0;
	v4 =	vld [tilespmem:s12+$0x10]  }
0x186: {  	v5 =	vand.u32 $0x7FFFFFB8, v2  }
0x187: {  	s22 =	simm.s32 $0x38C0;
	v2 =	vand.u32 $0x6, v2;
	v5 =	vadd.s32 v0, v5  }
0x188: {  	v7 =	vld [tilespmem:s22+$0x0];
	v2 =	vor.u32 v2, v5  }
0x189: {  	v6 =	vld.idx.msk [tilespmem:v1+s19+$0x0], $0xffff  }
0x18a: {  	v1 =	vunpack.i.l.bf16.f32 v4  }
0x18b: {  	v4 =	vunpack.i.u.bf16.f32 v4;
	v1 =	vmul.f32 v1, v3  }
0x18c: {  	s15 =	sadd.s32 $0x82, s13;
	v8 =	vld [tilespmem:s12+$0xFFFFFFC0];
	v4 =	vmul.f32 v4, v3  }
0x18d: {  	v5 =	vld.idx.msk [tilespmem:v2+s19+$0x0], $0xffff;
	v2 =	vmov s15;
	[tilespmem:s30+$0x20] =	vst v1;
	v1 =	vunpack.i.l.bf16.f32 v7  }
0x18e: {  	s16 =	sadd.s32 $0x2, s25;
	v9 =	vand.u32 $0x7FFFFFB8, v2;
	[tilespmem:s30+$0x30] =	vst v4;
	v4 =	vunpack.i.u.bf16.f32 v7;
	v1 =	vmul.f32 v1, v6  }
0x18f: {  	s13 =	simm.s32 $0x5980;
	s17 =	sadd.s32 $0x83, s16;
	v2 =	vand.u32 $0x6, v2;
	v7 =	vadd.s32 v0, v9;
	v9 =	vld [tilespmem:s12+$0x20];
	v4 =	vmul.f32 v4, v6  }
0x190: {  	v2 =	vor.u32 v2, v7;
	v7 =	vmov s17;
	[tilespmem:s13+$0x0] =	vst v1  }
0x191: {  	v10 =	vand.u32 $0x7FFFFFB8, v7;
	v1 =	vunpack.i.u.bf16.f32 v8;
	v8 =	vunpack.i.l.bf16.f32 v8;
	[tilespmem:s13+$0x10] =	vst v4  }
0x192: {  	v7 =	vand.u32 $0x7, v7;
	v4 =	vmul.f32 v8, v5;
	v8 =	vadd.s32 v0, v10;
	v10 =	vld [tilespmem:s22+$0x10]  }
0x193: {  	v1 =	vmul.f32 v1, v5;
	v7 =	vor.u32 v7, v8  }
0x194: {  	v8 =	vunpack.i.l.bf16.f32 v9;
	[tilespmem:s30+$0xFFFFFF80] =	vst v4;
	v4 =	vld [tilespmem:s22+$0xFFFFFFC0]  }
0x195: {  	s0 =	simm.s32 $0x3940;
	[tilespmem:s30+$0xFFFFFF90] =	vst v1;
	v1 =	vld.idx.msk [tilespmem:v2+s19+$0x0], $0xffff;
	v2 =	vunpack.i.u.bf16.f32 v9;
	v8 =	vmul.f32 v8, v3  }
0x196: {  	s10 =	sadd.s32 $0x82, s16;
	v12 =	vld [tilespmem:s0+$0x0];
	v2 =	vmul.f32 v2, v3  }
0x197: {  	v11 =	vmov s10;
	v9 =	vld [tilespmem:s12+$0xFFFFFFD0];
	[tilespmem:s30+$0x40] =	vst v8;
	v13 =	vunpack.i.l.bf16.f32 v10  }
0x198: {  	v14 =	vand.u32 $0x7FFFFFB8, v11;
	[tilespmem:s30+$0x50] =	vst v2;
	v2 =	vunpack.i.u.bf16.f32 v10;
	v8 =	vld.idx.msk [tilespmem:v7+s19+$0x0], $0xffff;
	v7 =	vmul.f32 v13, v6  }
0x199: {  	v10 =	vand.u32 $0x6, v11;
	v11 =	vadd.s32 v0, v14;
	v13 =	vld [tilespmem:s12+$0x30];
	v2 =	vmul.f32 v2, v6  }
0x19a: {  	v10 =	vor.u32 v10, v11;
	v14 =	vunpack.i.l.bf16.f32 v4;
	[tilespmem:s13+$0x20] =	vst v7  }
0x19b: {  	v11 =	vld [tilespmem:s0+$0xFFFFFFC0];
	v4 =	vunpack.i.u.bf16.f32 v4;
	v7 =	vmul.f32 v14, v1;
	[tilespmem:s13+$0x30] =	vst v2  }
0x19c: {  	v15 =	vunpack.i.l.bf16.f32 v12;
	v2 =	vmul.f32 v4, v1;
	v4 =	vunpack.i.u.bf16.f32 v9;
	v14 =	vld [tilespmem:s22+$0x20]  }
0x19d: {  	s11 =	sadd.s32 $0x4, s25;
	[tilespmem:s13+$0xFFFFFF80] =	vst v7;
	v7 =	vunpack.i.l.bf16.f32 v9;
	v9 =	vunpack.i.u.bf16.f32 v12;
	v12 =	vmul.f32 v15, v8  }
0x19e: {  	s9 =	sadd.s32 $0x83, s11;
	s10 =	simm.s32 $0x5A80;
	v4 =	vmul.f32 v4, v5;
	[tilespmem:s13+$0xFFFFFF90] =	vst v2;
	v15 =	vunpack.i.u.bf16.f32 v13;
	v9 =	vmul.f32 v9, v8  }
0x19f: {  	s14 =	sadd.s32 $0x82, s11;
	v16 =	vmov s9;
	v7 =	vmul.f32 v7, v5;
	v2 =	vld.idx.msk [tilespmem:v10+s19+$0x0], $0xffff;
	v10 =	vmul.f32 v15, v3;
	[tilespmem:s10+$0x0] =	vst v12  }
0x1a0: {  	v15 =	vunpack.i.u.bf16.f32 v11;
	v11 =	vunpack.i.l.bf16.f32 v11;
	v12 =	vmov s14;
	[tilespmem:s10+$0x10] =	vst v9  }
0x1a1: {  	[tilespmem:s30+$0xFFFFFFA0] =	vst v7;
	v7 =	vand.u32 $0x7FFFFFB8, v16;
	v9 =	vand.u32 $0x7, v16;
	v16 =	vunpack.i.l.bf16.f32 v14;
	v17 =	vld [tilespmem:s0+$0x10]  }
0x1a2: {  	[tilespmem:s30+$0xFFFFFFB0] =	vst v4;
	v4 =	vadd.s32 v0, v7;
	v7 =	vunpack.i.u.bf16.f32 v14;
	v14 =	vmul.f32 v16, v6  }
0x1a3: {  	[tilespmem:s30+$0x70] =	vst v10;
	v10 =	vand.u32 $0x7FFFFFB8, v12;
	v16 =	vld [tilespmem:s22+$0xFFFFFFD0];
	v4 =	vor.u32 v9, v4;
	v7 =	vmul.f32 v7, v6  }
0x1a4: {  	v10 =	vadd.s32 v0, v10;
	v9 =	vmul.f32 v11, v2;
	v11 =	vand.u32 $0x6, v12;
	[tilespmem:s13+$0x40] =	vst v14  }
0x1a5: {  	s11 =	simm.s32 $0x39C0;
	v12 =	vunpack.i.l.bf16.f32 v13;
	v13 =	vld [tilespmem:s12+$0xFFFFFFE0];
	v14 =	vmul.f32 v15, v2;
	v10 =	vor.u32 v11, v10;
	[tilespmem:s13+$0x50] =	vst v7  }
0x1a6: {  	v3 =	vmul.f32 v12, v3;
	v11 =	vld [tilespmem:s11+$0x0];
	[tilespmem:s10+$0xFFFFFF80] =	vst v9;
	v9 =	vunpack.i.l.bf16.f32 v17  }
0x1a7: {  	v7 =	vld [tilespmem:s22+$0x30];
	[tilespmem:s10+$0xFFFFFF90] =	vst v14;
	v12 =	vunpack.i.u.bf16.f32 v17;
	v9 =	vmul.f32 v9, v8  }
0x1a8: {  	[tilespmem:s30+$0x60] =	vst v3;
	v14 =	vunpack.i.l.bf16.f32 v16;
	v4 =	vld.idx.msk [tilespmem:v4+s19+$0x0], $0xffff;
	v12 =	vmul.f32 v12, v8  }
0x1a9: {  	s15 =	sadd.s32 $0x6, s25;
	v15 =	vld [tilespmem:s11+$0xFFFFFFC0];
	v3 =	vunpack.i.u.bf16.f32 v16;
	v14 =	vmul.f32 v14, v1;
	[tilespmem:s10+$0x20] =	vst v9  }
0x1aa: {  	s17 =	sadd.s32 $0x83, s15;
	v16 =	vunpack.i.u.bf16.f32 v13;
	v13 =	vunpack.i.l.bf16.f32 v13;
	v9 =	vmul.f32 v3, v1;
	v3 =	vld.idx.msk [tilespmem:v10+s19+$0x0], $0xffff;
	[tilespmem:s10+$0x30] =	vst v12  }
0x1ab: {  	s16 =	sadd.s32 $0x82, s15;
	v17 =	vmov s17;
	v12 =	vmul.f32 v13, v5;
	[tilespmem:s13+$0xFFFFFFA0] =	vst v14;
	v13 =	vld [tilespmem:s0+$0x20]  }
0x1ac: {  	v10 =	vmul.f32 v16, v5;
	v16 =	vmov s16;
	v14 =	vunpack.i.l.bf16.f32 v11;
	[tilespmem:s13+$0xFFFFFFB0] =	vst v9  }
0x1ad: {  	v11 =	vunpack.i.u.bf16.f32 v11;
	v9 =	vunpack.i.u.bf16.f32 v7;
	[tilespmem:s30+$0xFFFFFFC0] =	vst v12;
	v12 =	vmul.f32 v14, v4  }
0x1ae: {  	s9 =	simm.s32 $0x5B80;
	v7 =	vunpack.i.l.bf16.f32 v7;
	[tilespmem:s30+$0xFFFFFFD0] =	vst v10;
	v14 =	vunpack.i.l.bf16.f32 v15;
	v11 =	vmul.f32 v11, v4  }
0x1af: {  	v10 =	vunpack.i.u.bf16.f32 v15;
	v9 =	vmul.f32 v9, v6;
	v15 =	vld [tilespmem:s0+$0xFFFFFFD0];
	v14 =	vmul.f32 v14, v3;
	[tilespmem:s9+$0x0] =	vst v12  }
0x1b0: {  	v12 =	vand.u32 $0x7FFFFFB8, v17;
	v17 =	vand.u32 $0x7, v17;
	[tilespmem:s9+$0x10] =	vst v11;
	v11 =	vunpack.i.l.bf16.f32 v13  }
0x1b1: {  	[tilespmem:s13+$0x70] =	vst v9;
	v9 =	vadd.s32 v0, v12;
	v12 =	vld [tilespmem:s11+$0x10];
	v13 =	vunpack.i.u.bf16.f32 v13;
	v11 =	vmul.f32 v11, v8  }
0x1b2: {  	[tilespmem:s9+$0xFFFFFF80] =	vst v14;
	v14 =	vand.u32 $0x7FFFFFB8, v16;
	v9 =	vor.u32 v17, v9;
	v13 =	vmul.f32 v13, v8;
	v17 =	vld [tilespmem:s22+$0xFFFFFFE0]  }
0x1b3: {  	v10 =	vmul.f32 v10, v3;
	v16 =	vand.u32 $0x6, v16;
	v14 =	vadd.s32 v0, v14;
	[tilespmem:s10+$0x40] =	vst v11  }
0x1b4: {  	v6 =	vmul.f32 v7, v6;
	v18 =	vld [tilespmem:s12+$0xFFFFFFF0];
	v7 =	vunpack.i.l.bf16.f32 v15;
	v14 =	vor.u32 v16, v14;
	[tilespmem:s10+$0x50] =	vst v13  }
0x1b5: {  	s12 =	simm.s32 $0x3A40;
	[tilespmem:s9+$0xFFFFFF90] =	vst v10;
	v11 =	vunpack.i.u.bf16.f32 v15;
	v10 =	vmul.f32 v7, v2;
	v15 =	vld [tilespmem:s0+$0x30]  }
0x1b6: {  	[tilespmem:s13+$0x60] =	vst v6;
	v16 =	vmul.f32 v11, v2;
	v11 =	vld [tilespmem:s12+$0x0];
	v13 =	vunpack.i.l.bf16.f32 v12  }
0x1b7: {  	v6 =	vunpack.i.u.bf16.f32 v12;
	[tilespmem:s10+$0xFFFFFFA0] =	vst v10;
	v7 =	vld.idx.msk [tilespmem:v9+s19+$0x0], $0xffff;
	v9 =	vmul.f32 v13, v4;
	v10 =	vunpack.i.l.bf16.f32 v17  }
0x1b8: {  	v13 =	vld [tilespmem:s12+$0xFFFFFFC0];
	v12 =	vmul.f32 v6, v4;
	[tilespmem:s10+$0xFFFFFFB0] =	vst v16;
	v16 =	vunpack.i.u.bf16.f32 v17;
	v17 =	vmul.f32 v10, v1  }
0x1b9: {  	v10 =	vunpack.i.l.bf16.f32 v18;
	v19 =	vmul.f32 v16, v1;
	v16 =	vunpack.i.u.bf16.f32 v18;
	v6 =	vld.idx.msk [tilespmem:v14+s19+$0x0], $0xffff;
	[tilespmem:s9+$0x20] =	vst v9  }
0x1ba: {  	v14 =	vmul.f32 v10, v5;
	v9 =	vld [tilespmem:s11+$0xFFFFFFD0];
	[tilespmem:s9+$0x30] =	vst v12;
	v10 =	vmul.f32 v16, v5;
	v16 =	vunpack.i.u.bf16.f32 v15  }
0x1bb: {  	v5 =	vunpack.i.l.bf16.f32 v15;
	v12 =	vld [tilespmem:s11+$0x20];
	[tilespmem:s13+$0xFFFFFFC0] =	vst v17;
	v15 =	vmul.f32 v16, v8  }
0x1bc: {  	s15 =	simm.s32 $0x5B80;
	s14 =	sor.u32 $0x2, s6;
	s16 =	simm.s32 $0x8;
	[tilespmem:s13+$0xFFFFFFD0] =	vst v19;
	v5 =	vmul.f32 v5, v8;
	v16 =	vunpack.i.l.bf16.f32 v11;
	v8 =	vld [tilespmem:s0+$0xFFFFFFE0]  }
.LBB2_14:
0x1bd: {  	s17 =	sadd.s32 s16, s25;
	v17 =	vunpack.i.u.bf16.f32 v13;
	v11 =	vunpack.i.u.bf16.f32 v11;
	v19 =	vmul.f32 v16, v7;
	[tilespmem:s10+$0x70] =	vst v15;
	v15 =	vld [tilespmem:s22+$0xFFFFFFF0];
	v18 =	vmovc v7;
	s22 =	smov.u32 s0;
	s0 =	smov.u32 s11  }
0x1be: {  	v7 =	vunpack.i.l.bf16.f32 v13;
	s9 =	sadd.s32 $0x100, s9;
	s11 =	sadd.s32 $0x82, s17;
	s17 =	sadd.s32 $0x83, s17;
	v11 =	vmul.f32 v11, v18;
	[tilespmem:s30+$0xFFFFFFE0] =	vst v14  }
0x1bf: {  	v7 =	vmul.f32 v7, v6;
	v16 =	vmovc v6;
	v13 =	vmov s11;
	v14 =	vmov s17;
	[tilespmem:s9+$0x0] =	vst v19;
	s11 =	smov.u32 s12  }
0x1c0: {  	s16 =	sadd.s32 $0x2, s16;
	v6 =	vand.u32 $0x7FFFFFB8, v14;
	v14 =	vand.u32 $0x7, v14;
	[tilespmem:s9+$0x10] =	vst v11;
	v11 =	vunpack.i.l.bf16.f32 v12  }
0x1c1: {  	p3 =	slt.u32 s16, $0x3E;
	v6 =	vadd.s32 v0, v6;
	[tilespmem:s9+$0xFFFFFF80] =	vst v7;
	v19 =	vld [tilespmem:s12+$0x10];
	v7 =	vunpack.i.u.bf16.f32 v12;
	v11 =	vmul.f32 v11, v4  }
0x1c2: {  	v12 =	vand.u32 $0x7FFFFFB8, v13;
	v6 =	vor.u32 v14, v6;
	v7 =	vmul.f32 v7, v4;
	[tilespmem:s30+$0xFFFFFFF0] =	vst v10;
	s30 =	smov.u32 s13;
	s13 =	smov.u32 s10;
	s10 =	smov.u32 s15  }
0x1c3: {  	v10 =	vand.u32 $0x6, v13;
	v12 =	vadd.s32 v0, v12;
	v13 =	vmul.f32 v17, v16;
	s15 =	smov.u32 s9;
	[tilespmem:s10+$0x40] =	vst v11  }
0x1c4: {  	v10 =	vor.u32 v10, v12;
	v11 =	vunpack.i.u.bf16.f32 v9;
	v9 =	vunpack.i.l.bf16.f32 v9;
	[tilespmem:s10+$0x50] =	vst v7  }
0x1c5: {  	s12 =	sadd.s32 $0x80, s12;
	v9 =	vmul.f32 v9, v3;
	v12 =	vmul.f32 v11, v3;
	v7 =	vunpack.i.u.bf16.f32 v8;
	[tilespmem:s9+$0xFFFFFF90] =	vst v13;
	v17 =	vld [tilespmem:s0+$0x30]  }
0x1c6: {  	v8 =	vunpack.i.l.bf16.f32 v8;
	v20 =	vmul.f32 v7, v2;
	v11 =	vld [tilespmem:s12+$0x0];
	v13 =	vunpack.i.l.bf16.f32 v19;
	[tilespmem:s13+$0x60] =	vst v5  }
0x1c7: {  	v8 =	vmul.f32 v8, v2;
	v5 =	vunpack.i.u.bf16.f32 v19;
	v7 =	vld.idx.msk [tilespmem:v6+s19+$0x0], $0xffff;
	v14 =	vmul.f32 v13, v18;
	[tilespmem:s10+$0xFFFFFFA0] =	vst v9  }
.Ltmp10:
0x1c8: {  	v5 =	vmul.f32 v5, v18;
	v9 =	vunpack.i.u.bf16.f32 v15;
	v13 =	vld [tilespmem:s12+$0xFFFFFFC0];
	[tilespmem:s10+$0xFFFFFFB0] =	vst v12;
	v12 =	vunpack.i.l.bf16.f32 v15;
	(pc) =	sbr.rel @p3 .LBB2_14-.Ltmp10, $4  }
0x1c9: {  	v6 =	vld.idx.msk [tilespmem:v10+s19+$0x0], $0xffff;
	[tilespmem:s9+$0x20] =	vst v14;
	v14 =	vmul.f32 v12, v1;
	v10 =	vmul.f32 v9, v1;
	v1 =	vmov v2  }
0x1ca: {  	v2 =	vmovc v3;
	v3 =	vmov v16;
	v9 =	vld [tilespmem:s11+$0xFFFFFFD0];
	[tilespmem:s9+$0x30] =	vst v5;
	v15 =	vunpack.i.u.bf16.f32 v17;
	v5 =	vunpack.i.l.bf16.f32 v17  }
0x1cb: {  	v12 =	vld [tilespmem:s11+$0x20];
	v5 =	vmul.f32 v5, v4;
	v15 =	vmul.f32 v15, v4;
	[tilespmem:s13+$0xFFFFFFC0] =	vst v8;
	v4 =	vmov v18  }
0x1cc: {  	v16 =	vunpack.i.l.bf16.f32 v11;
	v8 =	vld [tilespmem:s0+$0xFFFFFFE0];
	[tilespmem:s13+$0xFFFFFFD0] =	vst v20  }
0x1cd: {  	v11 =	vunpack.i.u.bf16.f32 v11;
	v16 =	vmul.f32 v16, v7  }
0x1ce: {  	s9 =	sadd.s32 $0x100, s9;
	v11 =	vmul.f32 v11, v7  }
0x1cf: {  	[tilespmem:s9+$0x0] =	vst v16  }
0x1d0: {  	[tilespmem:s9+$0x10] =	vst v11  }
0x1d1: {  	v11 =	vld [tilespmem:s12+$0x10]  }
0x1d2: {  	v16 =	vunpack.i.l.bf16.f32 v13  }
0x1d3: {  	[tilespmem:s10+$0x70] =	vst v15;
	v13 =	vunpack.i.u.bf16.f32 v13;
	v15 =	vmul.f32 v16, v6  }
0x1d4: {  	[tilespmem:s30+$0xFFFFFFE0] =	vst v14;
	v13 =	vmul.f32 v13, v6  }
0x1d5: {  	[tilespmem:s9+$0xFFFFFF80] =	vst v15  }
0x1d6: {  	[tilespmem:s9+$0xFFFFFF90] =	vst v13;
	v13 =	vunpack.i.l.bf16.f32 v11  }
0x1d7: {  	[tilespmem:s30+$0xFFFFFFF0] =	vst v10;
	v10 =	vunpack.i.u.bf16.f32 v11;
	v11 =	vmul.f32 v13, v7;
	v13 =	vld [tilespmem:s12+$0xFFFFFFD0]  }
0x1d8: {  	[tilespmem:s10+$0x60] =	vst v5;
	v14 =	vunpack.i.l.bf16.f32 v12;
	v10 =	vmul.f32 v10, v7  }
0x1d9: {  	v12 =	vunpack.i.u.bf16.f32 v12;
	v14 =	vmul.f32 v14, v4;
	[tilespmem:s9+$0x20] =	vst v11  }
0x1da: {  	v12 =	vmul.f32 v12, v4;
	v11 =	vunpack.i.l.bf16.f32 v9;
	[tilespmem:s9+$0x30] =	vst v10  }
0x1db: {  	[tilespmem:s15+$0x40] =	vst v14;
	v9 =	vunpack.i.u.bf16.f32 v9;
	v10 =	vmul.f32 v11, v3;
	v11 =	vld [tilespmem:s12+$0x20]  }
0x1dc: {  	[tilespmem:s15+$0x50] =	vst v12;
	v9 =	vmul.f32 v9, v3;
	v5 =	vunpack.i.l.bf16.f32 v13  }
0x1dd: {  	v12 =	vld [tilespmem:s11+$0x30];
	[tilespmem:s15+$0xFFFFFFA0] =	vst v10;
	v10 =	vunpack.i.u.bf16.f32 v13;
	v5 =	vmul.f32 v5, v6  }
0x1de: {  	v14 =	vunpack.i.l.bf16.f32 v8;
	v13 =	vld [tilespmem:s22+$0xFFFFFFF0];
	[tilespmem:s15+$0xFFFFFFB0] =	vst v9;
	v9 =	vmul.f32 v10, v6  }
0x1df: {  	v8 =	vunpack.i.u.bf16.f32 v8;
	v10 =	vmul.f32 v14, v2;
	v14 =	vld [tilespmem:s11+$0xFFFFFFE0];
	[tilespmem:s9+$0xFFFFFFA0] =	vst v5  }
0x1e0: {  	v5 =	vmul.f32 v8, v2;
	v8 =	vunpack.i.l.bf16.f32 v11;
	[tilespmem:s9+$0xFFFFFFB0] =	vst v9  }
0x1e1: {  	[tilespmem:s10+$0xFFFFFFC0] =	vst v10;
	v9 =	vunpack.i.u.bf16.f32 v11;
	v8 =	vmul.f32 v8, v7;
	v10 =	vld [tilespmem:s12+$0xFFFFFFE0]  }
0x1e2: {  	v11 =	vunpack.i.u.bf16.f32 v12;
	[tilespmem:s10+$0xFFFFFFD0] =	vst v5;
	v5 =	vmul.f32 v9, v7  }
0x1e3: {  	v11 =	vmul.f32 v11, v4;
	v9 =	vunpack.i.l.bf16.f32 v13;
	[tilespmem:s9+$0x40] =	vst v8  }
0x1e4: {  	v8 =	vmul.f32 v9, v1;
	[tilespmem:s9+$0x50] =	vst v5;
	v5 =	vunpack.i.l.bf16.f32 v14  }
0x1e5: {  	[tilespmem:s15+$0x70] =	vst v11;
	v11 =	vunpack.i.u.bf16.f32 v14;
	v9 =	vld [tilespmem:s12+$0x30];
	v5 =	vmul.f32 v5, v3  }
0x1e6: {  	v14 =	vld [tilespmem:s0+$0xFFFFFFF0];
	[tilespmem:s13+$0xFFFFFFE0] =	vst v8;
	v8 =	vmul.f32 v11, v3;
	v11 =	vunpack.i.l.bf16.f32 v10  }
0x1e7: {  	[tilespmem:s15+$0xFFFFFFC0] =	vst v5;
	v5 =	vunpack.i.u.bf16.f32 v10;
	v10 =	vmul.f32 v11, v6  }
0x1e8: {  	v11 =	vunpack.i.u.bf16.f32 v13;
	[tilespmem:s15+$0xFFFFFFD0] =	vst v8;
	v5 =	vmul.f32 v5, v6  }
0x1e9: {  	v8 =	vunpack.i.l.bf16.f32 v12;
	v1 =	vmul.f32 v11, v1;
	v11 =	vld [tilespmem:s11+$0xFFFFFFF0];
	[tilespmem:s9+$0xFFFFFFC0] =	vst v10  }
0x1ea: {  	v4 =	vmul.f32 v8, v4;
	v8 =	vunpack.i.u.bf16.f32 v9;
	[tilespmem:s9+$0xFFFFFFD0] =	vst v5  }
0x1eb: {  	[tilespmem:s13+$0xFFFFFFF0] =	vst v1;
	v1 =	vunpack.i.l.bf16.f32 v14;
	v5 =	vmul.f32 v8, v7;
	v8 =	vld [tilespmem:s12+$0xFFFFFFF0]  }
0x1ec: {  	[tilespmem:s15+$0x60] =	vst v4;
	v4 =	vunpack.i.u.bf16.f32 v14;
	v1 =	vmul.f32 v1, v2  }
0x1ed: {  	v2 =	vmul.f32 v4, v2;
	v4 =	vunpack.i.l.bf16.f32 v9;
	[tilespmem:s9+$0x70] =	vst v5  }
0x1ee: {  	v4 =	vmul.f32 v4, v7;
	[tilespmem:s10+$0xFFFFFFE0] =	vst v1;
	v1 =	vunpack.i.l.bf16.f32 v11  }
0x1ef: {  	[tilespmem:s10+$0xFFFFFFF0] =	vst v2;
	v2 =	vunpack.i.u.bf16.f32 v11;
	v1 =	vmul.f32 v1, v3  }
0x1f0: {  	[tilespmem:s9+$0x60] =	vst v4;
	v2 =	vmul.f32 v2, v3;
	v3 =	vunpack.i.l.bf16.f32 v8  }
0x1f1: {  	[tilespmem:s15+$0xFFFFFFE0] =	vst v1;
	v1 =	vunpack.i.u.bf16.f32 v8;
	v3 =	vmul.f32 v3, v6  }
0x1f2: {  	s13 =	sshll.u32 s14, $0x6;
	[tilespmem:s15+$0xFFFFFFF0] =	vst v2;
	v1 =	vmul.f32 v1, v6  }
0x1f3: {  	s17 =	simm.s32 $0x5800;
	s0 =	sand.u32 $0x3FFFFFC0, s13;
	[tilespmem:s9+$0xFFFFFFE0] =	vst v3  }
0x1f4: {  	s14 =	sadd.s32 $0xFFFFFFFE, s25;
	s0 =	sadd.s32 s0, s4;
	s10 =	simm.s32 @!p2 $0x3800;
	[tilespmem:s9+$0xFFFFFFF0] =	vst v1  }
0x1f5: {  	[spmem:s3] =	stream.indirect.scatter.add.f32 [tilespmem:s17], [sflag:$0x5], $0x80, s0, s21, $0xb8;
	[tilespmem:$0x1D800] =	vst v63  }
0x1f6: {  	s15 =	sadd.s32 $0xC3, s14;
	s9 =	simm.s32 @!p2 $0x40;
	s0 =	sadd.s32 @!p2 $0x180, s7  }
0x1f7: {  	[tilespmem:s10], [sflag:$0x3] =	stream.indirect.gather @!p2 [hbm4b:s2+s9], $0x40, s0, s9, $0xb8;
	[tilespmem:$0x1D800] =	vst v63  }
0x1f8: {  	s12 =	rddreg [dreg:$0x17];
	s9 =	simm.s32 @p1 $0x40;
	s10 =	simm.s32 @p1 $0x3800  }
0x1f9: {  	v1 =	vmov s15;
	[tilespmem:s10], [sflag:$0x3] =	stream.indirect.gather @p1 [hbm4b:s2+s9], $0x40, s12, s9, $0xb8;
	[tilespmem:$0x1D800] =	vst v63  }
0x1fa: {  	v2 =	vand.u32 $0x7FFFFFF8, v1;
	_ =	swait.ge [sflag:s23], $0x1000  }
0x1fb: {  	v1 =	vand.u32 $0x7, v1;
	v2 =	vadd.s32 v0, v2;
	[sflag:s23] =	ssyncset.done $0x0  }
0x1fc: {  	v1 =	vor.u32 v1, v2;
	[sflag:s23] =	ssyncadd.s32 $0xFFFFF000  }
0x1fd: {  	_ =	swait.ge [sflag:s24], $0x2000  }
0x1fe: {  	[sflag:s24] =	ssyncset.done $0x0  }
0x1ff: {  	s12 =	simm.s32 $0x4840;
	[sflag:s24] =	ssyncadd.s32 $0xFFFFE000  }
0x200: {  	v2 =	vld [tilespmem:s12+$0x0]  }
0x201: {  	v3 =	vld.idx.msk [tilespmem:v1+s19+$0x0], $0xffff;
	_ =	sdelay $0x2  }
0x202: {  	s16 =	sadd.s32 $0x0, s25  }
0x203: {  	s22 =	sadd.s32 $0xC3, s16;
	v1 =	vunpack.i.l.bf16.f32 v2  }
0x204: {  	v4 =	vmov s22;
	v2 =	vunpack.i.u.bf16.f32 v2;
	v1 =	vmul.f32 v1, v3  }
0x205: {  	s30 =	simm.s32 $0x7880;
	v5 =	vand.u32 $0x7FFFFFF8, v4;
	v2 =	vmul.f32 v2, v3  }
0x206: {  	[tilespmem:s30+$0x0] =	vst v1;
	v1 =	vand.u32 $0x7, v4;
	v4 =	vadd.s32 v0, v5  }
0x207: {  	s0 =	sadd.s32 $0xC2, s14;
	[tilespmem:s30+$0x10] =	vst v2;
	v1 =	vor.u32 v1, v4  }
0x208: {  	v2 =	vmov s0;
	v4 =	vld [tilespmem:s12+$0x10]  }
0x209: {  	v5 =	vand.u32 $0x7FFFFFF8, v2  }
0x20a: {  	s22 =	simm.s32 $0x48C0;
	v2 =	vand.u32 $0x6, v2;
	v5 =	vadd.s32 v0, v5  }
0x20b: {  	v7 =	vld [tilespmem:s22+$0x0];
	v2 =	vor.u32 v2, v5  }
0x20c: {  	v6 =	vld.idx.msk [tilespmem:v1+s19+$0x0], $0xffff  }
0x20d: {  	v1 =	vunpack.i.l.bf16.f32 v4  }
0x20e: {  	v4 =	vunpack.i.u.bf16.f32 v4;
	v1 =	vmul.f32 v1, v3  }
0x20f: {  	s9 =	sadd.s32 $0xC2, s16;
	v8 =	vld [tilespmem:s12+$0xFFFFFFC0];
	v4 =	vmul.f32 v4, v3  }
0x210: {  	v5 =	vld.idx.msk [tilespmem:v2+s19+$0x0], $0xffff;
	v2 =	vmov s9;
	[tilespmem:s30+$0x20] =	vst v1;
	v1 =	vunpack.i.l.bf16.f32 v7  }
0x211: {  	s10 =	sadd.s32 $0x2, s25;
	v9 =	vand.u32 $0x7FFFFFF8, v2;
	[tilespmem:s30+$0x30] =	vst v4;
	v4 =	vunpack.i.u.bf16.f32 v7;
	v1 =	vmul.f32 v1, v6  }
0x212: {  	s13 =	simm.s32 $0x7980;
	s11 =	sadd.s32 $0xC3, s10;
	v2 =	vand.u32 $0x6, v2;
	v7 =	vadd.s32 v0, v9;
	v9 =	vld [tilespmem:s12+$0x20];
	v4 =	vmul.f32 v4, v6  }
0x213: {  	v2 =	vor.u32 v2, v7;
	v7 =	vmov s11;
	[tilespmem:s13+$0x0] =	vst v1  }
0x214: {  	v10 =	vand.u32 $0x7FFFFFF8, v7;
	v1 =	vunpack.i.u.bf16.f32 v8;
	v8 =	vunpack.i.l.bf16.f32 v8;
	[tilespmem:s13+$0x10] =	vst v4  }
0x215: {  	v7 =	vand.u32 $0x7, v7;
	v4 =	vmul.f32 v8, v5;
	v8 =	vadd.s32 v0, v10;
	v10 =	vld [tilespmem:s22+$0x10]  }
0x216: {  	v1 =	vmul.f32 v1, v5;
	v7 =	vor.u32 v7, v8  }
0x217: {  	v8 =	vunpack.i.l.bf16.f32 v9;
	[tilespmem:s30+$0xFFFFFF80] =	vst v4;
	v4 =	vld [tilespmem:s22+$0xFFFFFFC0]  }
0x218: {  	s0 =	simm.s32 $0x4940;
	[tilespmem:s30+$0xFFFFFF90] =	vst v1;
	v1 =	vld.idx.msk [tilespmem:v2+s19+$0x0], $0xffff;
	v2 =	vunpack.i.u.bf16.f32 v9;
	v8 =	vmul.f32 v8, v3  }
0x219: {  	s14 =	sadd.s32 $0xC2, s10;
	v12 =	vld [tilespmem:s0+$0x0];
	v2 =	vmul.f32 v2, v3  }
0x21a: {  	v11 =	vmov s14;
	v9 =	vld [tilespmem:s12+$0xFFFFFFD0];
	[tilespmem:s30+$0x40] =	vst v8;
	v13 =	vunpack.i.l.bf16.f32 v10  }
0x21b: {  	v14 =	vand.u32 $0x7FFFFFF8, v11;
	[tilespmem:s30+$0x50] =	vst v2;
	v2 =	vunpack.i.u.bf16.f32 v10;
	v8 =	vld.idx.msk [tilespmem:v7+s19+$0x0], $0xffff;
	v7 =	vmul.f32 v13, v6  }
0x21c: {  	v10 =	vand.u32 $0x6, v11;
	v11 =	vadd.s32 v0, v14;
	v13 =	vld [tilespmem:s12+$0x30];
	v2 =	vmul.f32 v2, v6  }
0x21d: {  	v10 =	vor.u32 v10, v11;
	v14 =	vunpack.i.l.bf16.f32 v4;
	[tilespmem:s13+$0x20] =	vst v7  }
0x21e: {  	v11 =	vld [tilespmem:s0+$0xFFFFFFC0];
	v4 =	vunpack.i.u.bf16.f32 v4;
	v7 =	vmul.f32 v14, v1;
	[tilespmem:s13+$0x30] =	vst v2  }
0x21f: {  	v15 =	vunpack.i.l.bf16.f32 v12;
	v2 =	vmul.f32 v4, v1;
	v4 =	vunpack.i.u.bf16.f32 v9;
	v14 =	vld [tilespmem:s22+$0x20]  }
0x220: {  	s15 =	sadd.s32 $0x4, s25;
	[tilespmem:s13+$0xFFFFFF80] =	vst v7;
	v7 =	vunpack.i.l.bf16.f32 v9;
	v9 =	vunpack.i.u.bf16.f32 v12;
	v12 =	vmul.f32 v15, v8  }
0x221: {  	s10 =	simm.s32 $0x7A80;
	s9 =	sadd.s32 $0xC3, s15;
	v4 =	vmul.f32 v4, v5;
	[tilespmem:s13+$0xFFFFFF90] =	vst v2;
	v15 =	vunpack.i.u.bf16.f32 v13;
	v9 =	vmul.f32 v9, v8  }
0x222: {  	s16 =	sadd.s32 $0xC2, s15;
	v16 =	vmov s9;
	v7 =	vmul.f32 v7, v5;
	v2 =	vld.idx.msk [tilespmem:v10+s19+$0x0], $0xffff;
	v10 =	vmul.f32 v15, v3;
	[tilespmem:s10+$0x0] =	vst v12  }
0x223: {  	v15 =	vunpack.i.u.bf16.f32 v11;
	v11 =	vunpack.i.l.bf16.f32 v11;
	v12 =	vmov s16;
	[tilespmem:s10+$0x10] =	vst v9  }
0x224: {  	[tilespmem:s30+$0xFFFFFFA0] =	vst v7;
	v7 =	vand.u32 $0x7FFFFFF8, v16;
	v9 =	vand.u32 $0x7, v16;
	v16 =	vunpack.i.l.bf16.f32 v14;
	v17 =	vld [tilespmem:s0+$0x10]  }
0x225: {  	[tilespmem:s30+$0xFFFFFFB0] =	vst v4;
	v4 =	vadd.s32 v0, v7;
	v7 =	vunpack.i.u.bf16.f32 v14;
	v14 =	vmul.f32 v16, v6  }
0x226: {  	[tilespmem:s30+$0x70] =	vst v10;
	v10 =	vand.u32 $0x7FFFFFF8, v12;
	v16 =	vld [tilespmem:s22+$0xFFFFFFD0];
	v4 =	vor.u32 v9, v4;
	v7 =	vmul.f32 v7, v6  }
0x227: {  	v10 =	vadd.s32 v0, v10;
	v9 =	vmul.f32 v11, v2;
	v11 =	vand.u32 $0x6, v12;
	[tilespmem:s13+$0x40] =	vst v14  }
0x228: {  	s11 =	simm.s32 $0x49C0;
	v12 =	vunpack.i.l.bf16.f32 v13;
	v13 =	vld [tilespmem:s12+$0xFFFFFFE0];
	v14 =	vmul.f32 v15, v2;
	v10 =	vor.u32 v11, v10;
	[tilespmem:s13+$0x50] =	vst v7  }
0x229: {  	v3 =	vmul.f32 v12, v3;
	v11 =	vld [tilespmem:s11+$0x0];
	[tilespmem:s10+$0xFFFFFF80] =	vst v9;
	v9 =	vunpack.i.l.bf16.f32 v17  }
0x22a: {  	v7 =	vld [tilespmem:s22+$0x30];
	[tilespmem:s10+$0xFFFFFF90] =	vst v14;
	v12 =	vunpack.i.u.bf16.f32 v17;
	v9 =	vmul.f32 v9, v8  }
0x22b: {  	[tilespmem:s30+$0x60] =	vst v3;
	v14 =	vunpack.i.l.bf16.f32 v16;
	v4 =	vld.idx.msk [tilespmem:v4+s19+$0x0], $0xffff;
	v12 =	vmul.f32 v12, v8  }
0x22c: {  	s14 =	sadd.s32 $0x6, s25;
	v15 =	vld [tilespmem:s11+$0xFFFFFFC0];
	v3 =	vunpack.i.u.bf16.f32 v16;
	v14 =	vmul.f32 v14, v1;
	[tilespmem:s10+$0x20] =	vst v9  }
0x22d: {  	s16 =	sadd.s32 $0xC3, s14;
	v16 =	vunpack.i.u.bf16.f32 v13;
	v13 =	vunpack.i.l.bf16.f32 v13;
	v9 =	vmul.f32 v3, v1;
	v3 =	vld.idx.msk [tilespmem:v10+s19+$0x0], $0xffff;
	[tilespmem:s10+$0x30] =	vst v12  }
0x22e: {  	s15 =	sadd.s32 $0xC2, s14;
	v17 =	vmov s16;
	v12 =	vmul.f32 v13, v5;
	[tilespmem:s13+$0xFFFFFFA0] =	vst v14;
	v13 =	vld [tilespmem:s0+$0x20]  }
0x22f: {  	v10 =	vmul.f32 v16, v5;
	v16 =	vmov s15;
	v14 =	vunpack.i.l.bf16.f32 v11;
	[tilespmem:s13+$0xFFFFFFB0] =	vst v9  }
0x230: {  	v11 =	vunpack.i.u.bf16.f32 v11;
	v9 =	vunpack.i.u.bf16.f32 v7;
	[tilespmem:s30+$0xFFFFFFC0] =	vst v12;
	v12 =	vmul.f32 v14, v4  }
0x231: {  	s9 =	simm.s32 $0x7B80;
	v7 =	vunpack.i.l.bf16.f32 v7;
	[tilespmem:s30+$0xFFFFFFD0] =	vst v10;
	v14 =	vunpack.i.l.bf16.f32 v15;
	v11 =	vmul.f32 v11, v4  }
0x232: {  	v10 =	vunpack.i.u.bf16.f32 v15;
	v9 =	vmul.f32 v9, v6;
	v15 =	vld [tilespmem:s0+$0xFFFFFFD0];
	v14 =	vmul.f32 v14, v3;
	[tilespmem:s9+$0x0] =	vst v12  }
0x233: {  	v12 =	vand.u32 $0x7FFFFFF8, v17;
	v17 =	vand.u32 $0x7, v17;
	[tilespmem:s9+$0x10] =	vst v11;
	v11 =	vunpack.i.l.bf16.f32 v13  }
0x234: {  	[tilespmem:s13+$0x70] =	vst v9;
	v9 =	vadd.s32 v0, v12;
	v12 =	vld [tilespmem:s11+$0x10];
	v13 =	vunpack.i.u.bf16.f32 v13;
	v11 =	vmul.f32 v11, v8  }
0x235: {  	[tilespmem:s9+$0xFFFFFF80] =	vst v14;
	v14 =	vand.u32 $0x7FFFFFF8, v16;
	v9 =	vor.u32 v17, v9;
	v13 =	vmul.f32 v13, v8;
	v17 =	vld [tilespmem:s22+$0xFFFFFFE0]  }
0x236: {  	v10 =	vmul.f32 v10, v3;
	v16 =	vand.u32 $0x6, v16;
	v14 =	vadd.s32 v0, v14;
	[tilespmem:s10+$0x40] =	vst v11  }
0x237: {  	v6 =	vmul.f32 v7, v6;
	v18 =	vld [tilespmem:s12+$0xFFFFFFF0];
	v7 =	vunpack.i.l.bf16.f32 v15;
	v14 =	vor.u32 v16, v14;
	[tilespmem:s10+$0x50] =	vst v13  }
0x238: {  	s12 =	simm.s32 $0x4A40;
	[tilespmem:s9+$0xFFFFFF90] =	vst v10;
	v11 =	vunpack.i.u.bf16.f32 v15;
	v10 =	vmul.f32 v7, v2;
	v15 =	vld [tilespmem:s0+$0x30]  }
0x239: {  	[tilespmem:s13+$0x60] =	vst v6;
	v16 =	vmul.f32 v11, v2;
	v11 =	vld [tilespmem:s12+$0x0];
	v13 =	vunpack.i.l.bf16.f32 v12  }
0x23a: {  	v6 =	vunpack.i.u.bf16.f32 v12;
	[tilespmem:s10+$0xFFFFFFA0] =	vst v10;
	v7 =	vld.idx.msk [tilespmem:v9+s19+$0x0], $0xffff;
	v9 =	vmul.f32 v13, v4;
	v10 =	vunpack.i.l.bf16.f32 v17  }
0x23b: {  	v13 =	vld [tilespmem:s12+$0xFFFFFFC0];
	v12 =	vmul.f32 v6, v4;
	[tilespmem:s10+$0xFFFFFFB0] =	vst v16;
	v16 =	vunpack.i.u.bf16.f32 v17;
	v17 =	vmul.f32 v10, v1  }
0x23c: {  	v10 =	vunpack.i.l.bf16.f32 v18;
	v19 =	vmul.f32 v16, v1;
	v16 =	vunpack.i.u.bf16.f32 v18;
	v6 =	vld.idx.msk [tilespmem:v14+s19+$0x0], $0xffff;
	[tilespmem:s9+$0x20] =	vst v9  }
0x23d: {  	v14 =	vmul.f32 v10, v5;
	v9 =	vld [tilespmem:s11+$0xFFFFFFD0];
	[tilespmem:s9+$0x30] =	vst v12;
	v10 =	vmul.f32 v16, v5;
	v16 =	vunpack.i.u.bf16.f32 v15  }
0x23e: {  	v5 =	vunpack.i.l.bf16.f32 v15;
	v12 =	vld [tilespmem:s11+$0x20];
	[tilespmem:s13+$0xFFFFFFC0] =	vst v17;
	v15 =	vmul.f32 v16, v8  }
0x23f: {  	s6 =	sor.u32 $0x3, s6;
	s14 =	simm.s32 $0x7B80;
	s15 =	simm.s32 $0x8;
	[tilespmem:s13+$0xFFFFFFD0] =	vst v19;
	v5 =	vmul.f32 v5, v8;
	v16 =	vunpack.i.l.bf16.f32 v11;
	v8 =	vld [tilespmem:s0+$0xFFFFFFE0]  }
.LBB2_16:
0x240: {  	s16 =	sadd.s32 s15, s25;
	v17 =	vunpack.i.u.bf16.f32 v13;
	v11 =	vunpack.i.u.bf16.f32 v11;
	v19 =	vmul.f32 v16, v7;
	[tilespmem:s10+$0x70] =	vst v15;
	v15 =	vld [tilespmem:s22+$0xFFFFFFF0];
	v18 =	vmovc v7;
	s22 =	smov.u32 s0;
	s0 =	smov.u32 s11  }
0x241: {  	v7 =	vunpack.i.l.bf16.f32 v13;
	s9 =	sadd.s32 $0x100, s9;
	s11 =	sadd.s32 $0xC2, s16;
	s16 =	sadd.s32 $0xC3, s16;
	v11 =	vmul.f32 v11, v18;
	[tilespmem:s30+$0xFFFFFFE0] =	vst v14  }
0x242: {  	v7 =	vmul.f32 v7, v6;
	v16 =	vmovc v6;
	v13 =	vmov s11;
	v14 =	vmov s16;
	[tilespmem:s9+$0x0] =	vst v19;
	s11 =	smov.u32 s12  }
0x243: {  	s15 =	sadd.s32 $0x2, s15;
	v6 =	vand.u32 $0x7FFFFFF8, v14;
	v14 =	vand.u32 $0x7, v14;
	[tilespmem:s9+$0x10] =	vst v11;
	v11 =	vunpack.i.l.bf16.f32 v12  }
0x244: {  	p3 =	slt.u32 s15, $0x3E;
	v6 =	vadd.s32 v0, v6;
	[tilespmem:s9+$0xFFFFFF80] =	vst v7;
	v19 =	vld [tilespmem:s12+$0x10];
	v7 =	vunpack.i.u.bf16.f32 v12;
	v11 =	vmul.f32 v11, v4  }
0x245: {  	v12 =	vand.u32 $0x7FFFFFF8, v13;
	v6 =	vor.u32 v14, v6;
	v7 =	vmul.f32 v7, v4;
	[tilespmem:s30+$0xFFFFFFF0] =	vst v10;
	s30 =	smov.u32 s13;
	s13 =	smov.u32 s10;
	s10 =	smov.u32 s14  }
0x246: {  	v10 =	vand.u32 $0x6, v13;
	v12 =	vadd.s32 v0, v12;
	v13 =	vmul.f32 v17, v16;
	s14 =	smov.u32 s9;
	[tilespmem:s10+$0x40] =	vst v11  }
0x247: {  	v10 =	vor.u32 v10, v12;
	v11 =	vunpack.i.u.bf16.f32 v9;
	v9 =	vunpack.i.l.bf16.f32 v9;
	[tilespmem:s10+$0x50] =	vst v7  }
0x248: {  	s12 =	sadd.s32 $0x80, s12;
	v9 =	vmul.f32 v9, v3;
	v12 =	vmul.f32 v11, v3;
	v7 =	vunpack.i.u.bf16.f32 v8;
	[tilespmem:s9+$0xFFFFFF90] =	vst v13;
	v17 =	vld [tilespmem:s0+$0x30]  }
0x249: {  	v8 =	vunpack.i.l.bf16.f32 v8;
	v20 =	vmul.f32 v7, v2;
	v11 =	vld [tilespmem:s12+$0x0];
	v13 =	vunpack.i.l.bf16.f32 v19;
	[tilespmem:s13+$0x60] =	vst v5  }
0x24a: {  	v8 =	vmul.f32 v8, v2;
	v5 =	vunpack.i.u.bf16.f32 v19;
	v7 =	vld.idx.msk [tilespmem:v6+s19+$0x0], $0xffff;
	v14 =	vmul.f32 v13, v18;
	[tilespmem:s10+$0xFFFFFFA0] =	vst v9  }
.Ltmp11:
0x24b: {  	v5 =	vmul.f32 v5, v18;
	v9 =	vunpack.i.u.bf16.f32 v15;
	v13 =	vld [tilespmem:s12+$0xFFFFFFC0];
	[tilespmem:s10+$0xFFFFFFB0] =	vst v12;
	v12 =	vunpack.i.l.bf16.f32 v15;
	(pc) =	sbr.rel @p3 .LBB2_16-.Ltmp11, $4  }
0x24c: {  	v6 =	vld.idx.msk [tilespmem:v10+s19+$0x0], $0xffff;
	[tilespmem:s9+$0x20] =	vst v14;
	v14 =	vmul.f32 v12, v1;
	v10 =	vmul.f32 v9, v1;
	v1 =	vmov v2  }
0x24d: {  	v2 =	vmovc v3;
	v3 =	vmov v16;
	v9 =	vld [tilespmem:s11+$0xFFFFFFD0];
	[tilespmem:s9+$0x30] =	vst v5;
	v15 =	vunpack.i.u.bf16.f32 v17;
	v5 =	vunpack.i.l.bf16.f32 v17  }
0x24e: {  	v12 =	vld [tilespmem:s11+$0x20];
	v5 =	vmul.f32 v5, v4;
	v15 =	vmul.f32 v15, v4;
	[tilespmem:s13+$0xFFFFFFC0] =	vst v8;
	v4 =	vmov v18  }
0x24f: {  	v16 =	vunpack.i.l.bf16.f32 v11;
	v8 =	vld [tilespmem:s0+$0xFFFFFFE0];
	[tilespmem:s13+$0xFFFFFFD0] =	vst v20  }
0x250: {  	v11 =	vunpack.i.u.bf16.f32 v11;
	v16 =	vmul.f32 v16, v7;
	[tilespmem:s10+$0x70] =	vst v15  }
0x251: {  	s9 =	sadd.s32 $0x100, s9;
	v63 =	vunpack.i.l.bf16.f32 v13;
	[tilespmem:s30+$0xFFFFFFE0] =	vst v14;
	v11 =	vmul.f32 v11, v7  }
0x252: {  	v19 =	vunpack.i.u.bf16.f32 v13;
	v20 =	vmul.f32 v63, v6;
	[tilespmem:s9+$0x0] =	vst v16  }
0x253: {  	v13 =	vmul.f32 v19, v6;
	[tilespmem:s9+$0x10] =	vst v11  }
0x254: {  	[tilespmem:s9+$0xFFFFFF80] =	vst v20;
	v11 =	vld [tilespmem:s12+$0x10]  }
0x255: {  	v27 =	vunpack.i.l.bf16.f32 v9;
	[tilespmem:s9+$0xFFFFFF90] =	vst v13  }
0x256: {  	[tilespmem:s30+$0xFFFFFFF0] =	vst v10;
	v28 =	vunpack.i.u.bf16.f32 v9;
	v29 =	vmul.f32 v27, v3;
	v25 =	vld [tilespmem:s12+$0xFFFFFFD0]  }
0x257: {  	[tilespmem:s10+$0x60] =	vst v5;
	v21 =	vunpack.i.l.bf16.f32 v12;
	v9 =	vmul.f32 v28, v3  }
0x258: {  	v26 =	vunpack.i.u.bf16.f32 v12;
	v14 =	vmul.f32 v21, v4;
	[tilespmem:s14+$0xFFFFFFA0] =	vst v29  }
0x259: {  	v12 =	vmul.f32 v26, v4;
	[tilespmem:s14+$0xFFFFFFB0] =	vst v9;
	v22 =	vunpack.i.l.bf16.f32 v11  }
0x25a: {  	v33 =	vld [tilespmem:s22+$0xFFFFFFF0];
	[tilespmem:s14+$0x40] =	vst v14;
	v23 =	vunpack.i.u.bf16.f32 v11;
	v24 =	vmul.f32 v22, v7  }
0x25b: {  	[tilespmem:s14+$0x50] =	vst v12;
	v31 =	vunpack.i.l.bf16.f32 v25;
	v10 =	vmul.f32 v23, v7  }
0x25c: {  	v38 =	vld [tilespmem:s11+$0xFFFFFFE0];
	v32 =	vunpack.i.u.bf16.f32 v25;
	v5 =	vmul.f32 v31, v6;
	[tilespmem:s9+$0x20] =	vst v24  }
0x25d: {  	v34 =	vunpack.i.l.bf16.f32 v8;
	v35 =	vmul.f32 v32, v6;
	[tilespmem:s9+$0x30] =	vst v10  }
0x25e: {  	v36 =	vunpack.i.u.bf16.f32 v8;
	v37 =	vmul.f32 v34, v2;
	[tilespmem:s9+$0xFFFFFFA0] =	vst v5;
	v30 =	vld [tilespmem:s12+$0x20]  }
0x25f: {  	v39 =	vmul.f32 v36, v2;
	v45 =	vunpack.i.l.bf16.f32 v33;
	[tilespmem:s9+$0xFFFFFFB0] =	vst v35  }
0x260: {  	v55 =	vunpack.i.u.bf16.f32 v33;
	v46 =	vmul.f32 v45, v1;
	[tilespmem:s10+$0xFFFFFFC0] =	vst v37;
	v42 =	vld [tilespmem:s12+$0xFFFFFFE0]  }
0x261: {  	v1 =	vmul.f32 v55, v1;
	[tilespmem:s10+$0xFFFFFFD0] =	vst v39;
	v47 =	vunpack.i.l.bf16.f32 v38  }
0x262: {  	v12 =	vld [tilespmem:s11+$0x30];
	[tilespmem:s13+$0xFFFFFFE0] =	vst v46;
	v49 =	vunpack.i.u.bf16.f32 v38;
	v5 =	vmul.f32 v47, v3  }
0x263: {  	v50 =	vld [tilespmem:s0+$0xFFFFFFF0];
	[tilespmem:s13+$0xFFFFFFF0] =	vst v1;
	v51 =	vmul.f32 v49, v3;
	v40 =	vunpack.i.l.bf16.f32 v30  }
0x264: {  	[tilespmem:s14+$0xFFFFFFC0] =	vst v5;
	v41 =	vunpack.i.u.bf16.f32 v30;
	v8 =	vmul.f32 v40, v7  }
0x265: {  	[tilespmem:s14+$0xFFFFFFD0] =	vst v51;
	v52 =	vunpack.i.l.bf16.f32 v42;
	v44 =	vmul.f32 v41, v7  }
0x266: {  	v57 =	vld [tilespmem:s11+$0xFFFFFFF0];
	v53 =	vunpack.i.u.bf16.f32 v42;
	v54 =	vmul.f32 v52, v6;
	[tilespmem:s9+$0x40] =	vst v8  }
0x267: {  	v43 =	vunpack.i.u.bf16.f32 v12;
	v5 =	vmul.f32 v53, v6;
	[tilespmem:s9+$0x50] =	vst v44  }
0x268: {  	v11 =	vmul.f32 v43, v4;
	v1 =	vunpack.i.l.bf16.f32 v50;
	[tilespmem:s9+$0xFFFFFFC0] =	vst v54;
	v48 =	vld [tilespmem:s12+$0x30]  }
0x269: {  	v62 =	vunpack.i.u.bf16.f32 v50;
	v1 =	vmul.f32 v1, v2;
	[tilespmem:s9+$0xFFFFFFD0] =	vst v5  }
0x26a: {  	v56 =	vunpack.i.l.bf16.f32 v12;
	v2 =	vmul.f32 v62, v2;
	[tilespmem:s14+$0x70] =	vst v11;
	v61 =	vld [tilespmem:s12+$0xFFFFFFF0]  }
0x26b: {  	v58 =	vmul.f32 v56, v4;
	[tilespmem:s10+$0xFFFFFFE0] =	vst v1;
	v1 =	vunpack.i.l.bf16.f32 v57  }
0x26c: {  	[tilespmem:s10+$0xFFFFFFF0] =	vst v2;
	v2 =	vunpack.i.u.bf16.f32 v57;
	v1 =	vmul.f32 v1, v3  }
0x26d: {  	[tilespmem:s14+$0x60] =	vst v58;
	v2 =	vmul.f32 v2, v3;
	v59 =	vunpack.i.u.bf16.f32 v48  }
0x26e: {  	[tilespmem:s14+$0xFFFFFFE0] =	vst v1;
	v63 =	vunpack.i.l.bf16.f32 v48;
	v60 =	vmul.f32 v59, v7  }
0x26f: {  	[tilespmem:s14+$0xFFFFFFF0] =	vst v2;
	v3 =	vunpack.i.l.bf16.f32 v61;
	v4 =	vmul.f32 v63, v7  }
0x270: {  	v1 =	vunpack.i.u.bf16.f32 v61;
	v3 =	vmul.f32 v3, v6;
	[tilespmem:s9+$0x70] =	vst v60  }
0x271: {  	s22 =	sshll.u32 s6, $0x6;
	v1 =	vmul.f32 v1, v6;
	[tilespmem:s9+$0x60] =	vst v4  }
0x272: {  	s0 =	sand.u32 $0x3FFFFFC0, s22;
	[tilespmem:s9+$0xFFFFFFE0] =	vst v3  }
0x273: {  	s30 =	simm.s32 $0x7800;
	s6 =	simm.s32 @!p2 $0x40;
	s0 =	sadd.s32 s0, s4;
	[tilespmem:s9+$0xFFFFFFF0] =	vst v1  }
0x274: {  	[spmem:s3] =	stream.indirect.scatter.add.f32 [tilespmem:s30], [sflag:$0x6], $0x80, s0, s21, $0xb8;
	[tilespmem:$0x1D800] =	vst v63  }
0x275: {  	s5 =	sadd.s32 $0x1, s5;
	s0 =	sadd.s32 @!p2 $0x1C0, s7;
	s7 =	simm.s32 @!p2 $0x4800  }
0x276: {  	[tilespmem:s7], [sflag:$0x4] =	stream.indirect.gather @!p2 [hbm4b:s2+s6], $0x40, s0, s6, $0xb8;
	[tilespmem:$0x1D800] =	vst v63  }
0x277: {  	s0 =	simm.s32 @p1 $0x40;
	s6 =	simm.s32 @p1 $0x4800;
	s7 =	rddreg [dreg:$0x18]  }
0x278: {  	[tilespmem:s6], [sflag:$0x4] =	stream.indirect.gather @p1 [hbm4b:s2+s0], $0x40, s7, s0, $0xb8;
	[tilespmem:$0x1D800] =	vst v63  }
0x279: {  	p1 =	sne.s32 s5, $0x4  }
.Ltmp12:
0x27a: {  	_ = 	snop;
	(pc) =	sbr.rel @p1 .LBB2_4-.Ltmp12, $4  }
.Ltmp13:
0x27b: {  	_ = 	snop;
	(pc) =	sbr.rel @!p1 .LBB2_18-.Ltmp13, $4  }
0x27c: {  	_ = 	snop  }
0x27d: {  	_ = 	snop  }
0x27e: {  	s25 =	sadd.s32 $0x100, s25  }
0x27f: {  	_ = 	snop  }
.LBB2_20:
0x280: {  	_ =	sfence.sel $0x180000  }
0x281: {  	[bflag:$0x0] =	sbarrier.arrive $0xFFFF  }
0x282: {  	_ =	strace $0x9000004A  }
0x283: {  	s0 =	stileid.u32;
	[bflag:$0x2] =	sbarrier.arrive $0xFFFF  }
0x284: {  	p0 =	sne.s32 s0, $0x0;
	s0 =	rddreg [dreg:$0x3]  }
0x285: {  	s0 =	sadd.s32 @!p0 $0x100000, s0  }
0x286: {  	[sflag:s0] =	ssyncadd.tile.s32 @!p0 $0x1;
	_ =	shalt  }
.Lfunc_end2:
_tile_overlayer_lowered:
.L_overlay_start_2:
0x287: {  	(tag) =	ssettag $0x2  }
0x288: {  	s0 =	rddreg [dreg:$0x0];
	s2 =	stileid.u32  }
0x289: {  	s1 =	rddreg [dreg:$0x1];
	p0 =	sne.s32 s2, $0x0  }
0x28a: {  	s3 =	rddreg [dreg:$0x2];
	[bflag:$0x3] =	sbarrier.arrive $0xFFFF;
	s2 =	simm.s32 @!p0 $0x1C08  }
0x28b: {  	[timem:s3], [sflag:s2] =	dma.local @!p0 [hbm:s0], s1  }
0x28c: {  	s0 =	simm.s32 @!p0 $0x8  }
0x28d: {  	_ =	swait.ge @!p0 [sflag:s0], s1  }
0x28e: {  	s1 =	ssub.s32 @!p0 $0x0, s1;
	[sflag:s0] =	ssyncset.done @!p0 $0x0  }
0x28f: {  	[sflag:s0] =	ssyncadd.s32 @!p0 s1  }
0x290: {  	[bflag:$0x3] =	sbarrier.arrive $0xFFFF  }
0x291: {  	_ =	shalt  }

// kernel: kernel.14.cloned.1.call-start
scs
__scs_entry_jumppad:
0x0: {  	(pc) =	sbr.rel $0x88, $3  }
0x1: {  	(tag) =	ssettag $0x0;
	lr =	simm.s32 $0x1  }
0x2: {  	[smem:$0x3F9A] =	sst lr;
	_ =	strace $0xD0000000  }
0x3: {  	_ = 	snop  }
0x4: {  	_ = 	snop  }
0x5: {  	_ = 	snop  }
0x6: {  	_ = 	snop  }
0x7: {  	_ = 	snop  }
__scs_overlays_trampoline_lowered:
0x8: {  	[smem:$0x3FA9] =	sst s0  }
0x9: {  	[smem:$0x3FAA] =	sst s1  }
0xa: {  	[smem:$0x3FAB] =	sst s2  }
0xb: {  	[smem:$0x3FAC] =	sst s3  }
0xc: {  	[smem:$0x3FAD] =	sst s4  }
0xd: {  	[smem:$0x3FAE] =	sst s5  }
0xe: {  	[smem:$0x3FAF] =	sst s6  }
0xf: {  	[smem:$0x3FB0] =	sst s7  }
0x10: {  	[smem:$0x3FB1] =	sst s8  }
0x11: {  	[smem:$0x3FB2] =	sst s9;
	s0 =	simm.s32 @!p0 $0x0  }
0x12: {  	s1 =	sld [smem:$0x3F98];
	s0 =	simm.s32 @p0 $0x1  }
0x13: {  	[smem:$0x3FB3] =	sst s0;
	s0 =	simm.s32 @!p1 $0x0  }
0x14: {  	s2 =	sld [smem:$0x3F97];
	s0 =	simm.s32 @p1 $0x1  }
0x15: {  	[smem:$0x3FB4] =	sst s0;
	s0 =	simm.s32 @!p2 $0x0  }
0x16: {  	s3 =	sld [smem:$0x3FDB];
	s0 =	simm.s32 @p2 $0x1  }
0x17: {  	s4 =	simm.s32 $0x1BF5;
	[smem:$0x3FB6] =	sst s0  }
0x18: {  	s0 =	sld [smem:$0x3F99];
	_ =	swait.ge [sflag:s4], $0x0  }
0x19: {  	s7 =	sld [smem:$0x3F9A]  }
0x1a: {  	s8 =	sadd.s32 $0xFFFFE003, lr  }
0x1b: {  	s9 =	sadd.s32 $0xFFFFFEF7, lr;
	s5 =	simm.s32 $0xFFFFFFFF;
	p2 =	slt.u32 s8, $0xFFFFF086  }
0x1c: {  	p1 =	slt.u32 s9, $0xF7A;
	s5 =	simm.s32 @!p2 $0x0  }
0x1d: {  	s5 =	simm.s32 @p1 $0x1;
	p0 =	seq.s32 s7, s2  }
0x1e: {  	s7 =	smul.u32 @!p0 $0xF7A, s2;
	p2 =	seq.s32 @!p0 s5, $0x0  }
0x1f: {  	s9 =	smul.u32 $0xF7A, s1;
	s8 =	simm.s32 @!p0 $0x1BF5;
	p2 =	por !p2, p0  }
0x20: {  	[sflag:s8] =	ssyncset.s32 @!p0 $0xFFFFF086;
	s6 =	sadd.s32 @!p0 s3, s7;
	s7 =	simm.s32 @!p0 $0x108  }
0x21: {  	s3 =	sadd.s32 s3, s9;
	s6 =	sadd.s32 @!p0 $0x88, s6;
	s7 =	simm.s32 @p2 $0x1082  }
0x22: {  	[simem:s7], [sflag:s8] =	dma.local @!p0 [hbm:s6], $0xF7A  }
0x23: {  	s9 =	sor.u32 $0xD0000000, s2;
	s6 =	simm.s32 $0x108;
	_ =	swait.ge @!p0 [sflag:s8], $0x0  }
0x24: {  	s3 =	sadd.s32 $0x88, s3;
	s6 =	simm.s32 @!p1 $0x1082;
	[sflag:s4] =	ssyncset.s32 $0xFFFFF086  }
0x25: {  	[simem:s6], [sflag:s4] =	dma.local [hbm:s3], $0xF7A  }
0x26: {  	[smem:$0x3F9A] =	sst s1;
	(tag) =	ssettag s2;
	_ =	strace s9  }
0x27: {  	s1 =	sld [smem:$0x3FAA]  }
0x28: {  	s2 =	sld [smem:$0x3FAB]  }
0x29: {  	s4 =	sld [smem:$0x3FAD]  }
0x2a: {  	p0 =	seq.s32 s5, $0x0;
	s5 =	sld [smem:$0x3FAE]  }
0x2b: {  	s6 =	sld [smem:$0x3FAF]  }
0x2c: {  	s7 =	sld [smem:$0x3FB0]  }
0x2d: {  	s3 =	simm.s32 $0x108;
	s8 =	sld [smem:$0x3FB1]  }
0x2e: {  	s3 =	simm.s32 @!p0 $0x1082;
	s9 =	sld [smem:$0x3FB2]  }
0x2f: {  	lr =	sadd.s32 s0, s3;
	s0 =	sld [smem:$0x3FA9]  }
0x30: {  	s3 =	sld [smem:$0x3FAC]  }
0x31: {  	[smem:$0x3FB5] =	sst s10  }
0x32: {  	s10 =	sld [smem:$0x3FB3];
	_ =	sdelay $0x3  }
0x33: {  	p0 =	seq.s32 s10, $0x1;
	s10 =	sld [smem:$0x3FB5];
	_ =	sdelay $0x3  }
0x34: {  	[smem:$0x3FB5] =	sst s10  }
0x35: {  	s10 =	sld [smem:$0x3FB4];
	_ =	sdelay $0x3  }
0x36: {  	p1 =	seq.s32 s10, $0x1;
	s10 =	sld [smem:$0x3FB5];
	_ =	sdelay $0x3  }
0x37: {  	[smem:$0x3FB5] =	sst s10  }
0x38: {  	s10 =	sld [smem:$0x3FB6]  }
0x39: {  	_ = 	snop;
	(pc) =	sbr.ind lr, $3  }
0x3a: {  	_ = 	snop  }
0x3b: {  	_ = 	snop  }
0x3c: {  	p2 =	seq.s32 s10, $0x1;
	s10 =	sld [smem:$0x3FB5]  }
0x3d: {  	_ =	shalt  }
0x3e: {  	_ =	shalt  }
0x3f: {  	_ =	shalt  }
0x40: {  	_ =	shalt  }
0x41: {  	_ =	shalt  }
0x42: {  	_ =	shalt  }
0x43: {  	_ =	shalt  }
0x44: {  	_ =	shalt  }
0x45: {  	_ =	shalt  }
0x46: {  	_ =	shalt  }
0x47: {  	_ =	shalt  }
0x48: {  	_ =	shalt  }
0x49: {  	_ =	shalt  }
0x4a: {  	_ =	shalt  }
0x4b: {  	_ =	shalt  }
0x4c: {  	_ =	shalt  }
0x4d: {  	_ =	shalt  }
0x4e: {  	_ =	shalt  }
0x4f: {  	_ =	shalt  }
0x50: {  	_ =	shalt  }
0x51: {  	_ =	shalt  }
0x52: {  	_ =	shalt  }
0x53: {  	_ =	shalt  }
0x54: {  	_ =	shalt  }
0x55: {  	_ =	shalt  }
0x56: {  	_ =	shalt  }
0x57: {  	_ =	shalt  }
0x58: {  	_ =	shalt  }
0x59: {  	_ =	shalt  }
0x5a: {  	_ =	shalt  }
0x5b: {  	_ =	shalt  }
0x5c: {  	_ =	shalt  }
0x5d: {  	_ =	shalt  }
0x5e: {  	_ =	shalt  }
0x5f: {  	_ =	shalt  }
0x60: {  	_ =	shalt  }
0x61: {  	_ =	shalt  }
0x62: {  	_ =	shalt  }
0x63: {  	_ =	shalt  }
0x64: {  	_ =	shalt  }
0x65: {  	_ =	shalt  }
0x66: {  	_ =	shalt  }
0x67: {  	_ =	shalt  }
0x68: {  	_ =	shalt  }
0x69: {  	_ =	shalt  }
0x6a: {  	_ =	shalt  }
0x6b: {  	_ =	shalt  }
0x6c: {  	_ =	shalt  }
0x6d: {  	_ =	shalt  }
0x6e: {  	_ =	shalt  }
0x6f: {  	_ =	shalt  }
0x70: {  	_ =	shalt  }
0x71: {  	_ =	shalt  }
0x72: {  	_ =	shalt  }
0x73: {  	_ =	shalt  }
0x74: {  	_ =	shalt  }
0x75: {  	_ =	shalt  }
0x76: {  	_ =	shalt  }
0x77: {  	_ =	shalt  }
0x78: {  	_ =	shalt  }
0x79: {  	_ =	shalt  }
0x7a: {  	_ =	shalt  }
0x7b: {  	_ =	shalt  }
0x7c: {  	_ =	shalt  }
0x7d: {  	_ =	shalt  }
0x7e: {  	_ =	shalt  }
0x7f: {  	_ =	shalt  }
0x80: {  	_ =	shalt  }
0x81: {  	_ =	shalt  }
0x82: {  	_ =	shalt  }
0x83: {  	_ =	shalt  }
0x84: {  	_ =	shalt  }
0x85: {  	_ =	shalt  }
0x86: {  	_ =	shalt  }
0x87: {  	_ =	shalt  }
.Lfunc_end0:
.L_simem_size_0:
called_computation.2_lowered:
.L_overlay_start_0:
0x88: {  	s2 =	sld [smem:$0x3FD9]  }
0x89: {  	s3 =	sld [smem:$0x3FFE];
	_ =	sdelay $0x1  }
0x8a: {  	s1 =	srdreg.scid  }
0x8b: {  	s0 =	sand.u32 $0x1, s1  }
0x8c: {  	s16 =	sshll.u32 s0, $0xA;
	s2 =	sadd.s32 s3, s2  }
0x8d: {  	s2 =	sadd.s32 s2, s16  }
0x8e: {  	[smem:$0x3FC1] =	sst s2  }
0x8f: {  	_ = 	snop  }
0x90: {  	(tm) =	ssettm $0x1  }
0x91: {  	s17 =	sld [smem:$0x3FFB];
	_ =	sdelay $0x3  }
0x92: {  	_ =	strace s17  }
0x93: {  	s2 =	sld [smem:$0x3FFC];
	_ =	sdelay $0x3  }
0x94: {  	_ =	strace s2  }
0x95: {  	s2 =	sld [smem:$0x3FFD];
	_ =	sdelay $0x3  }
0x96: {  	_ =	strace s2  }
0x97: {  	_ =	strace $0x8FFFFFFF  }
0x98: {  	s18 =	sld [smem:$0x3FDB];
	_ =	sdelay $0x1  }
0x99: {  	s19 =	simm.s32 $_scs_section_size  }
0x9a: {  	s4 =	simm.s32 $_size__tile_overlayer_lowered;
	s5 =	simm.s32 $_tile_overlayer_lowered  }
0x9b: {  	s22 =	simm.s32 $0x1BFF;
	s21 =	sshll.u32 s5, $0x1;
	s2 =	sadd.s32 s19, s18  }
0x9c: {  	s6 =	simm.s32 $0x0;
	s20 =	sshll.u32 s4, $0x1;
	s4 =	sadd.s32 s21, s2  }
0x9d: {  	[timem:s6], [sflag:s22] =	dma.local [hbm:s4], s20  }
0x9e: {  	_ =	swait.ge [sflag:s22], s20  }
0x9f: {  	s3 =	ssub.s32 $0x0, s20;
	[sflag:s22] =	ssyncset.done $0x0  }
0xa0: {  	[sflag:s22] =	ssyncadd.s32 s3;
	_ =	sdelay $0x1  }
0xa1: {  	s23 =	simm.s32 $0x1B8B  }
0xa2: {  	_ =	swait.ge [sflag:s23], $0x1  }
0xa3: {  	[sflag:s23] =	ssyncset.done $0x0  }
0xa4: {  	s25 =	simm.s32 $0x1B8E;
	s24 =	sld [smem:$0x3FFE];
	[sflag:s23] =	ssyncadd.s32 $0xFFFFFFFF  }
0xa5: {  	s26 =	simm.s32 $execute0_lowered;
	[smem:$0x3FD2] =	sst s25  }
0xa6: {  	s4 =	sshll.u32 s26, $0x1;
	_ =	strace $0x8000004C;
	[dreg:$0x1] =	wrdreg $0xFFFFFFFF  }
0xa7: {  	s28 =	simm.s32 $_size_execute0_lowered;
	s2 =	sadd.s32 s2, s4;
	[dreg:$0x0] =	wrdreg $0x0  }
0xa8: {  	s4 =	sshll.u32 s28, $0x1;
	[dreg:$0x2] =	wrdreg s2  }
0xa9: {  	[dreg:$0x3] =	wrdreg s4  }
0xaa: {  	[dreg:$0x4] =	wrdreg $0xC0  }
0xab: {  	_ =	task [dreg:s6], $0x5FFFF  }
0xac: {  	[dreg:$0x1] =	wrdreg $0xFFFFFFFF  }
0xad: {  	[dreg:$0x0] =	wrdreg $0x60  }
0xae: {  	[dreg:$0x2] =	wrdreg s24  }
0xaf: {  	[dreg:$0x3] =	wrdreg $0x98000  }
0xb0: {  	[dreg:$0x4] =	wrdreg $0x9  }
0xb1: {  	_ =	task.clear_ibuf [dreg:s6], $0x5FFFF;
	_ =	strace $0x9000004C  }
0xb2: {  	s29 =	simm.s32 $0x9;
	_ =	strace $0x8000004E  }
0xb3: {  	_ =	swait.ge [sflag:s29], $0x1  }
0xb4: {  	[sflag:s29] =	ssyncadd.s32 $0xFFFFFFFF  }
0xb5: {  	_ =	strace $0x9000004E  }
0xb6: {  	_ =	sfence  }
0xb7: {  	s30 =	sld [smem:$0x0];
	_ =	sdelay $0x2  }
0xb8: {  	s31 =	sshll.u32 s1, $0xD;
	s1 =	sshrl.u32 s1, $0x2  }
0xb9: {  	s3 =	sand.u32 $0x4000, s31;
	s1 =	sadd.s32 s1, s30  }
0xba: {  	s0 =	sor.u32 s3, s0;
	s1 =	sshll.u32 s1, $0x11  }
0xbb: {  	s0 =	sor.u32 s1, s0  }
0xbc: {  	s0 =	sadd.s32 $0x8F2B, s0  }
0xbd: {  	[sflag:s0] =	ssyncadd.remote.s32 $0x1  }
0xbe: {  	_ =	sfence.sel $0xFFFF  }
0xbf: {  	[dreg:$0x0] =	wrdreg $0xFFFFFFFF;
	(pc) =	sbr.abs _section_cstart, $3  }
0xc0: {  	[dreg:$0x1] =	wrdreg $0xFFFFFFFF  }
0xc1: {  	_ =	task.clear_ibuf [dreg:s6], $0x2FFFF;
	_ =	strace $0x9FFFFFFF  }
0xc2: {  	(tm) =	ssettm $0x7FFFFFFF  }
0xc3: {  	_ =	shalt  }
tec
execute0_lowered:
.L_overlay_start_1:
0x0: {  	(tag) =	ssettag $0x1  }
0x1: {  	s0 =	rddreg [dreg:$0x0]  }
0x2: {  	s2 =	rddreg [dreg:$0x1];
	s3 =	simm.s32 $0x0  }
0x3: {  	s9 =	stileid.u32;
	s1 =	srdreg.scid;
	s19 =	simm.s32 $0x1000  }
0x4: {  	s20 =	simm.s32 $0x7;
	s21 =	simm.s32 $0x40;
	s29 =	simm.s32 $0x1  }
0x5: {  	s17 =	simm.s32 $0x5800;
	s31 =	simm.s32 $0x2;
	s18 =	simm.s32 $0x5  }
0x6: {  	[smem:$0x7FF] =	sst s3;
	s22 =	smul.u32 $0x14000, s9;
	s1 =	sand.u32 $0x1, s1  }
0x7: {  	s4 =	sadd.s32 $0x48200, s0;
	s10 =	sadd.s32 $0x16200, s0;
	s11 =	sadd.s32 $0xBC00, s0  }
0x8: {  	s12 =	sadd.s32 $0x1C00, s0;
	s8 =	smul.u32 $0xA, s9;
	s24 =	sshll.u32 s9, $0x6  }
0x9: {  	_ =	strace $0x8000004D;
	s5 =	smul.u32 $0x140000, s1;
	[dreg:$0x3] =	wrdreg s10  }
0xa: {  	s7 =	ssub.s32 $0x2, s1;
	p0 =	seq.s32 s1, $0x0;
	[dreg:$0x4] =	wrdreg s11  }
0xb: {  	[dreg:$0x5] =	wrdreg s12;
	s6 =	sshrl.u32 s22, $0x3;
	s23 =	sshrl.u32 s7, $0x1  }
0xc: {  	s1 =	sadd.s32 $0xA0, s8;
	s3 =	sadd.s32 s22, s2;
	s5 =	sadd.s32 s22, s5  }
0xd: {  	s6 =	sadd.s32 s6, s0;
	s1 =	smov.u32 @p0 s8;
	s3 =	sshrl.u32 s3, $0x3  }
0xe: {  	s5 =	sshrl.u32 s5, $0x3;
	s6 =	sadd.s32 $0x20200, s6;
	[dreg:$0xe] =	wrdreg s3  }
0xf: {  	s25 =	sshll.u32 s1, $0x7;
	s1 =	sor.u32 $0x1, s1;
	[dreg:$0x6] =	wrdreg s6  }
0x10: {  	s0 =	sadd.s32 s5, s0;
	s26 =	sadd.s32 s10, s25;
	[dreg:$0xb] =	wrdreg s1  }
0x11: {  	s5 =	ssub.s32 s7, s23;
	s28 =	sadd.s32 s11, s25;
	[dreg:$0x8] =	wrdreg s26  }
.Ltmp0:
0x12: {  	s6 =	sadd.s32 s12, s25;
	[dreg:$0x9] =	wrdreg s28;
	(pc) =	sbr.rel .LBB2_1-.Ltmp0, $4  }
0x13: {  	s7 =	sor.u32 $0x1C08, s24;
	s1 =	simm.s32 $0x3;
	[dreg:$0xa] =	wrdreg s6  }
0x14: {  	s23 =	simm.s32 $0x4;
	s0 =	sadd.s32 $0x5BC00, s0;
	[dreg:$0x7] =	wrdreg s7  }
0x15: {  	s24 =	simm.s32 $0x6;
	s30 =	smax.u32 s5, $0x1;
	[dreg:$0xc] =	wrdreg s0  }
0x16: {  	s5 =	simm.s32 $0x8;
	s6 =	simm.s32 $0x0;
	[dreg:$0xd] =	wrdreg s30  }
.LBB2_19:
0x17: {  	_ =	swait.ge [sflag:s18], $0x2000  }
0x18: {  	[sflag:s18] =	ssyncset.done $0x0  }
0x19: {  	[sflag:s18] =	ssyncadd.s32 $0xFFFFE000  }
0x1a: {  	_ =	swait.ge [sflag:s24], $0x2000  }
0x1b: {  	[sflag:s24] =	ssyncset.done $0x0  }
0x1c: {  	[sflag:s24] =	ssyncadd.s32 $0xFFFFE000  }
0x1d: {  	[bflag:$0x0] =	sbarrier.arrive $0xFFFF  }
0x1e: {  	s7 =	rddreg [dreg:$0x7]  }
0x1f: {  	s0 =	rddreg [dreg:$0xc]  }
0x20: {  	s5 =	simm.s32 $0x8;
	s3 =	rddreg [dreg:$0xe]  }
0x21: {  	[hbm:s0], [sflag:s7] =	dma.local [spmem:s3], $0x2800  }
0x22: {  	_ =	swait.ge [sflag:s5], $0x2800  }
0x23: {  	s6 =	rddreg [dreg:$0xf]  }
0x24: {  	s30 =	rddreg [dreg:$0xd];
	s6 =	sadd.s32 $0x1, s6  }
0x25: {  	p0 =	sne.s32 s6, s30  }
.Ltmp1:
0x26: {  	_ = 	snop;
	(pc) =	sbr.rel @!p0 .LBB2_20-.Ltmp1, $3  }
0x27: {  	_ =	sdelay $0x1  }
0x28: {  	[sflag:s5] =	ssyncset.done $0x0  }
0x29: {  	[sflag:s5] =	ssyncadd.s32 $0xFFFFD800  }
.LBB2_1:
0x2a: {  	[dreg:$0xf] =	wrdreg s6  }
0x2b: {  	s0 =	rddreg [dreg:$0x6]  }
0x2c: {  	[spmem:s3], [sflag:s7] =	dma.local [hbm:s0], $0x2800  }
0x2d: {  	_ =	swait.ge [sflag:s5], $0x2800  }
0x2e: {  	[sflag:s5] =	ssyncset.done $0x0  }
0x2f: {  	s11 =	simm.s32 $0x0;
	s12 =	rddreg [dreg:$0x8];
	[sflag:s5] =	ssyncadd.s32 $0xFFFFD800  }
0x30: {  	[tilespmem:s11], [sflag:$0x7] =	stream.linear.gather [hbm4b:s12+s11], $0x400, $0x38;
	[tilespmem:$0x1D800] =	vst v63  }
0x31: {  	s14 =	simm.s32 $0x800;
	s13 =	rddreg [dreg:$0x9]  }
0x32: {  	[tilespmem:s14], [sflag:$0x7] =	stream.linear.gather [hbm4b:s13+s11], $0x400, $0x38;
	[tilespmem:$0x1D800] =	vst v63  }
0x33: {  	s15 =	rddreg [dreg:$0xa]  }
0x34: {  	[tilespmem:s19], [sflag:$0x7] =	stream.linear.gather [hbm4b:s15+s11], $0x400, $0x38;
	[tilespmem:$0x1D800] =	vst v63  }
0x35: {  	[bflag:$0x0] =	sbarrier.arrive $0xFFFF  }
0x36: {  	_ =	swait.ge [sflag:s20], $0x400  }
0x37: {  	[sflag:s20] =	ssyncset.done $0x0  }
0x38: {  	[sflag:s20] =	ssyncadd.s32 $0xFFFFFC00  }
0x39: {  	_ =	swait.ge [sflag:s20], $0x400  }
0x3a: {  	[sflag:s20] =	ssyncset.done $0x0  }
0x3b: {  	[sflag:s20] =	ssyncadd.s32 $0xFFFFFC00  }
0x3c: {  	_ =	swait.ge [sflag:s20], $0x400  }
0x3d: {  	[sflag:s20] =	ssyncset.done $0x0  }
0x3e: {  	s16 =	simm.s32 $0x1800;
	[sflag:s20] =	ssyncadd.s32 $0xFFFFFC00  }
0x3f: {  	[tilespmem:s16], [sflag:$0x1] =	stream.indirect.gather [hbm4b:s4+s21], $0x40, s11, s21, $0xb8;
	[tilespmem:$0x1D800] =	vst v63  }
0x40: {  	s22 =	simm.s32 $0x2800  }
0x41: {  	[tilespmem:s22], [sflag:$0x2] =	stream.indirect.gather [hbm4b:s4+s21], $0x40, s21, s21, $0xb8;
	[tilespmem:$0x1D800] =	vst v63  }
.Ltmp2:
0x42: {  	_ = 	snop;
	(pc) =	sbr.rel .LBB2_2-.Ltmp2, $4  }
0x43: {  	s25 =	simm.s32 $0x80;
	s26 =	simm.s32 $0x3800  }
0x44: {  	[tilespmem:s26], [sflag:$0x3] =	stream.indirect.gather [hbm4b:s4+s21], $0x40, s25, s21, $0xb8;
	[tilespmem:$0x1D800] =	vst v63  }
0x45: {  	s28 =	simm.s32 $0xC0;
	s30 =	simm.s32 $0x4800;
	s26 =	simm.s32 $0x0  }
0x46: {  	[tilespmem:s30], [sflag:$0x4] =	stream.indirect.gather [hbm4b:s4+s21], $0x40, s28, s21, $0xb8;
	[tilespmem:$0x1D800] =	vst v63  }
.LBB2_18:
0x47: {  	s26 =	sadd.s32 $0x1, s26  }
0x48: {  	p0 =	sne.s32 s26, $0x14  }
.Ltmp3:
0x49: {  	_ = 	snop;
	(pc) =	sbr.rel @!p0 .LBB2_19-.Ltmp3, $1  }
0x4a: {  	_ =	sdelay $0x3  }
.LBB2_2:
0x4b: {  	p0 =	sgt.u32 s26, $0x9  }
.Ltmp4:
0x4c: {  	_ = 	snop;
	(pc) =	sbr.rel @p0 .LBB2_18-.Ltmp4, $1  }
0x4d: {  	_ =	sdelay $0x3  }
0x4e: {  	s12 =	rddreg [dreg:$0xb]  }
0x4f: {  	s0 =	sshll.u32 s26, $0xA;
	s3 =	rddreg [dreg:$0x3]  }
0x50: {  	s14 =	rddreg [dreg:$0x4];
	s28 =	sand.u32 $0x400, s0  }
0x51: {  	s16 =	rddreg [dreg:$0x5];
	s13 =	sxor.u32 $0xC00, s28  }
0x52: {  	s15 =	sxor.u32 $0x1400, s28;
	[dreg:$0x11] =	wrdreg s13  }
0x53: {  	s22 =	sxor.u32 $0x440, s28;
	[dreg:$0x13] =	wrdreg s15  }
0x54: {  	s0 =	sadd.s32 s26, s12;
	s25 =	sxor.u32 $0x480, s28;
	[dreg:$0x15] =	wrdreg s22  }
0x55: {  	s0 =	sshll.u32 s0, $0x7;
	s30 =	sxor.u32 $0x4C0, s28;
	[dreg:$0x16] =	wrdreg s25  }
0x56: {  	p0 =	seq.s32 s26, $0x9;
	s3 =	sadd.s32 s3, s0;
	[dreg:$0x17] =	wrdreg s30  }
0x57: {  	s5 =	simm.s32 $0x0;
	[dreg:$0x10] =	wrdreg s3;
	s3 =	sadd.s32 s14, s0  }
0x58: {  	s8 =	sxor.u32 $0x400, s28;
	s0 =	sadd.s32 s16, s0;
	[dreg:$0x12] =	wrdreg s3  }
0x59: {  	v0 =	vmov s28;
	s25 =	simm.s32 $0x0;
	[dreg:$0x14] =	wrdreg s0;
	s3 =	sor.u32 $0x800, s28  }
.LBB2_4:
0x5a: {  	_ =	swait.ge [sflag:s29], $0x1000;
	s0 =	sor.u32 s26, s5  }
0x5b: {  	[sflag:s29] =	ssyncset.done $0x0;
	p2 =	seq.s32 s0, $0x0  }
0x5c: {  	s7 =	sadd.s32 $0xFFFFFFFE, s25;
	[sflag:s29] =	ssyncadd.s32 $0xFFFFF000;
	s0 =	simm.s32 @!p2 $0x5  }
0x5d: {  	p1 =	sne.s32 @!p0 s5, $0x1;
	s6 =	sadd.s32 $0x3, s7;
	_ =	swait.ge @!p2 [sflag:s0], $0x2000  }
0x5e: {  	p1 =	por p1, p0;
	v1 =	vmov s6;
	[sflag:s0] =	ssyncset.done @!p2 $0x0;
	s6 =	rddreg [dreg:$0x10]  }
0x5f: {  	s9 =	rddreg [dreg:$0x12];
	[sflag:s0] =	ssyncadd.s32 @!p2 $0xFFFFE000;
	s0 =	simm.s32 @!p1 $0x0  }
0x60: {  	v1 =	vand.u32 $0x33F, v1;
	[tilespmem:s8], [sflag:$0x7] =	stream.linear.gather @!p1 [hbm4b:s6+s0], $0x400, $0x38;
	[tilespmem:$0x1D800] =	vst v63  }
0x61: {  	v1 =	vor.u32 v0, v1;
	s6 =	rddreg [dreg:$0x11]  }
0x62: {  	v1 =	vbroadcast v1, $0x0;
	[tilespmem:s6], [sflag:$0x7] =	stream.linear.gather @!p1 [hbm4b:s9+s0], $0x400, $0x38;
	[tilespmem:$0x1D800] =	vst v63  }
0x63: {  	s6 =	rddreg [dreg:$0x13]  }
0x64: {  	s9 =	rddreg [dreg:$0x14]  }
0x65: {  	[tilespmem:s6], [sflag:$0x7] =	stream.linear.gather @!p1 [hbm4b:s9+s0], $0x400, $0x38;
	[tilespmem:$0x1D800] =	vst v63  }
0x66: {  	s6 =	simm.s32 $0x1840  }
0x67: {  	v2 =	vld [tilespmem:s6+$0x0]  }
0x68: {  	v3 =	vld.idx.msk [tilespmem:v1+s19+$0x0], $0xffff  }
0x69: {  	s16 =	sadd.s32 $0x0, s25  }
0x6a: {  	s22 =	sadd.s32 $0x3, s16  }
0x6b: {  	v1 =	vmov s22  }
0x6c: {  	v1 =	vand.u32 $0x33F, v1;
	v4 =	vunpack.i.l.bf16.f32 v2  }
0x6d: {  	v1 =	vor.u32 v0, v1;
	v2 =	vunpack.i.u.bf16.f32 v2;
	v4 =	vmul.f32 v4, v3  }
0x6e: {  	s0 =	simm.s32 $0x5880;
	v1 =	vbroadcast v1, $0x0;
	v2 =	vmul.f32 v2, v3  }
0x6f: {  	[tilespmem:s0+$0x0] =	vst v4  }
0x70: {  	s7 =	sadd.s32 $0x2, s7;
	[tilespmem:s0+$0x10] =	vst v2  }
0x71: {  	v2 =	vmov s7;
	v4 =	vld [tilespmem:s6+$0x10]  }
0x72: {  	s13 =	simm.s32 $0x18C0;
	v2 =	vand.u32 $0x33E, v2  }
0x73: {  	v6 =	vld [tilespmem:s13+$0x0];
	v2 =	vor.u32 v0, v2  }
0x74: {  	v5 =	vld.idx.msk [tilespmem:v1+s19+$0x0], $0xffff;
	v2 =	vbroadcast v2, $0x0;
	_ =	sdelay $0x1  }
0x75: {  	v1 =	vunpack.i.l.bf16.f32 v4  }
0x76: {  	s10 =	sadd.s32 $0x2, s16;
	v4 =	vunpack.i.u.bf16.f32 v4;
	v1 =	vmul.f32 v1, v3  }
0x77: {  	s11 =	sadd.s32 $0x2, s25;
	v7 =	vmov s10;
	v8 =	vunpack.i.l.bf16.f32 v6;
	v4 =	vmul.f32 v4, v3  }
0x78: {  	s12 =	sadd.s32 $0x3, s11;
	v7 =	vand.u32 $0x33E, v7;
	v9 =	vld [tilespmem:s6+$0xFFFFFFC0];
	v8 =	vmul.f32 v8, v5;
	[tilespmem:s0+$0x20] =	vst v1;
	v1 =	vunpack.i.u.bf16.f32 v6  }
0x79: {  	s7 =	simm.s32 $0x5980;
	v6 =	vld.idx.msk [tilespmem:v2+s19+$0x0], $0xffff;
	v2 =	vor.u32 v0, v7;
	[tilespmem:s0+$0x30] =	vst v4;
	v4 =	vmov s12;
	v1 =	vmul.f32 v1, v5  }
0x7a: {  	[tilespmem:s7+$0x0] =	vst v8;
	v2 =	vbroadcast v2, $0x0;
	v7 =	vld [tilespmem:s6+$0x20];
	v4 =	vand.u32 $0x33F, v4  }
0x7b: {  	v4 =	vor.u32 v0, v4;
	[tilespmem:s7+$0x10] =	vst v1  }
0x7c: {  	v4 =	vbroadcast v4, $0x0;
	v10 =	vld [tilespmem:s13+$0x10]  }
0x7d: {  	v1 =	vunpack.i.l.bf16.f32 v9  }
0x7e: {  	v8 =	vunpack.i.u.bf16.f32 v9;
	v1 =	vmul.f32 v1, v6  }
0x7f: {  	v9 =	vld [tilespmem:s13+$0xFFFFFFC0];
	v8 =	vmul.f32 v8, v6;
	v11 =	vunpack.i.l.bf16.f32 v7  }
0x80: {  	s9 =	sadd.s32 $0x2, s11;
	s22 =	simm.s32 $0x1940;
	[tilespmem:s0+$0xFFFFFF80] =	vst v1;
	v1 =	vld.idx.msk [tilespmem:v2+s19+$0x0], $0xffff;
	v2 =	vunpack.i.u.bf16.f32 v7;
	v7 =	vmul.f32 v11, v3  }
0x81: {  	[tilespmem:s0+$0xFFFFFF90] =	vst v8;
	v8 =	vmov s9;
	v11 =	vld [tilespmem:s22+$0x0];
	v2 =	vmul.f32 v2, v3;
	v12 =	vunpack.i.l.bf16.f32 v10  }
0x82: {  	v13 =	vand.u32 $0x33E, v8;
	[tilespmem:s0+$0x40] =	vst v7;
	v8 =	vld.idx.msk [tilespmem:v4+s19+$0x0], $0xffff;
	v4 =	vunpack.i.u.bf16.f32 v10;
	v7 =	vmul.f32 v12, v5  }
0x83: {  	v10 =	vld [tilespmem:s6+$0xFFFFFFD0];
	v12 =	vor.u32 v0, v13;
	[tilespmem:s0+$0x50] =	vst v2;
	v2 =	vmul.f32 v4, v5  }
0x84: {  	v4 =	vunpack.i.l.bf16.f32 v9;
	v12 =	vbroadcast v12, $0x0;
	[tilespmem:s7+$0x20] =	vst v7  }
0x85: {  	v7 =	vunpack.i.u.bf16.f32 v9;
	v4 =	vmul.f32 v4, v1;
	v9 =	vld [tilespmem:s6+$0x30];
	[tilespmem:s7+$0x30] =	vst v2  }
0x86: {  	v13 =	vunpack.i.l.bf16.f32 v11;
	v2 =	vmul.f32 v7, v1;
	v7 =	vld [tilespmem:s13+$0x20]  }
0x87: {  	s14 =	sadd.s32 $0x4, s25;
	[tilespmem:s7+$0xFFFFFF80] =	vst v4;
	v4 =	vunpack.i.u.bf16.f32 v11;
	v11 =	vmul.f32 v13, v8  }
0x88: {  	s10 =	simm.s32 $0x5A80;
	s11 =	sadd.s32 $0x3, s14;
	v13 =	vunpack.i.l.bf16.f32 v10;
	[tilespmem:s7+$0xFFFFFF90] =	vst v2;
	v4 =	vmul.f32 v4, v8  }
0x89: {  	v14 =	vmov s11;
	v2 =	vunpack.i.u.bf16.f32 v10;
	v10 =	vmul.f32 v13, v6;
	v13 =	vld [tilespmem:s22+$0xFFFFFFC0];
	[tilespmem:s10+$0x0] =	vst v11  }
0x8a: {  	v14 =	vand.u32 $0x33F, v14;
	v11 =	vmul.f32 v2, v6;
	v2 =	vld.idx.msk [tilespmem:v12+s19+$0x0], $0xffff;
	v12 =	vunpack.i.u.bf16.f32 v9;
	[tilespmem:s10+$0x10] =	vst v4  }
0x8b: {  	[tilespmem:s0+$0xFFFFFFA0] =	vst v10;
	v10 =	vor.u32 v0, v14;
	v4 =	vmul.f32 v12, v3;
	v12 =	vunpack.i.l.bf16.f32 v7;
	v14 =	vld [tilespmem:s22+$0x10]  }
0x8c: {  	[tilespmem:s0+$0xFFFFFFB0] =	vst v11;
	v10 =	vbroadcast v10, $0x0;
	v7 =	vunpack.i.u.bf16.f32 v7;
	v11 =	vmul.f32 v12, v5  }
0x8d: {  	v9 =	vunpack.i.l.bf16.f32 v9;
	v12 =	vld [tilespmem:s13+$0xFFFFFFD0];
	[tilespmem:s0+$0x70] =	vst v4;
	v4 =	vmul.f32 v7, v5  }
0x8e: {  	s9 =	sadd.s32 $0x2, s14;
	v3 =	vmul.f32 v9, v3;
	v7 =	vunpack.i.l.bf16.f32 v13;
	[tilespmem:s7+$0x40] =	vst v11  }
0x8f: {  	v9 =	vld [tilespmem:s6+$0xFFFFFFE0];
	v11 =	vunpack.i.u.bf16.f32 v13;
	v13 =	vmov s9;
	v7 =	vmul.f32 v7, v2;
	[tilespmem:s7+$0x50] =	vst v4  }
0x90: {  	s30 =	simm.s32 $0x19C0;
	[tilespmem:s0+$0x60] =	vst v3;
	v4 =	vand.u32 $0x33E, v13;
	v3 =	vmul.f32 v11, v2;
	v11 =	vld [tilespmem:s13+$0x30];
	v13 =	vunpack.i.l.bf16.f32 v14  }
0x91: {  	v4 =	vor.u32 v0, v4;
	v14 =	vunpack.i.u.bf16.f32 v14;
	[tilespmem:s10+$0xFFFFFF80] =	vst v7;
	v7 =	vld [tilespmem:s30+$0x0];
	v13 =	vmul.f32 v13, v8  }
0x92: {  	v4 =	vbroadcast v4, $0x0;
	v15 =	vunpack.i.l.bf16.f32 v12;
	[tilespmem:s10+$0xFFFFFF90] =	vst v3;
	v3 =	vld.idx.msk [tilespmem:v10+s19+$0x0], $0xffff;
	v10 =	vmul.f32 v14, v8  }
0x93: {  	v12 =	vunpack.i.u.bf16.f32 v12;
	v14 =	vmul.f32 v15, v1;
	[tilespmem:s10+$0x20] =	vst v13  }
0x94: {  	v12 =	vmul.f32 v12, v1;
	v13 =	vunpack.i.l.bf16.f32 v9;
	[tilespmem:s10+$0x30] =	vst v10  }
0x95: {  	v9 =	vunpack.i.u.bf16.f32 v9;
	v10 =	vmul.f32 v13, v6;
	[tilespmem:s7+$0xFFFFFFA0] =	vst v14;
	v13 =	vld [tilespmem:s22+$0x20]  }
0x96: {  	s15 =	sadd.s32 $0x6, s25;
	v9 =	vmul.f32 v9, v6;
	[tilespmem:s7+$0xFFFFFFB0] =	vst v12;
	v12 =	vunpack.i.u.bf16.f32 v11;
	v14 =	vunpack.i.l.bf16.f32 v7  }
0x97: {  	s16 =	sadd.s32 $0x3, s15;
	v15 =	vld [tilespmem:s30+$0xFFFFFFC0];
	v11 =	vunpack.i.l.bf16.f32 v11;
	[tilespmem:s0+$0xFFFFFFC0] =	vst v10;
	v7 =	vunpack.i.u.bf16.f32 v7;
	v10 =	vmul.f32 v14, v3  }
0x98: {  	s12 =	sadd.s32 $0x2, s15;
	s9 =	simm.s32 $0x5B80;
	v11 =	vmul.f32 v11, v5;
	[tilespmem:s0+$0xFFFFFFD0] =	vst v9;
	v9 =	vmov s16;
	v4 =	vld.idx.msk [tilespmem:v4+s19+$0x0], $0xffff;
	v7 =	vmul.f32 v7, v3  }
0x99: {  	v5 =	vmul.f32 v12, v5;
	v12 =	vmov s12;
	v14 =	vld [tilespmem:s22+$0xFFFFFFD0];
	v9 =	vand.u32 $0x33F, v9;
	[tilespmem:s9+$0x0] =	vst v10  }
0x9a: {  	v12 =	vand.u32 $0x33E, v12;
	v17 =	vld [tilespmem:s6+$0xFFFFFFF0];
	v9 =	vor.u32 v0, v9;
	[tilespmem:s9+$0x10] =	vst v7;
	v7 =	vunpack.i.l.bf16.f32 v13  }
0x9b: {  	[tilespmem:s7+$0x70] =	vst v5;
	v5 =	vbroadcast v9, $0x0;
	v13 =	vunpack.i.u.bf16.f32 v13;
	v9 =	vld [tilespmem:s30+$0x10];
	v7 =	vmul.f32 v7, v8  }
0x9c: {  	v16 =	vunpack.i.l.bf16.f32 v15;
	v12 =	vor.u32 v0, v12;
	[tilespmem:s7+$0x60] =	vst v11;
	v10 =	vld [tilespmem:s13+$0xFFFFFFE0];
	v13 =	vmul.f32 v13, v8  }
0x9d: {  	v11 =	vunpack.i.u.bf16.f32 v15;
	v12 =	vbroadcast v12, $0x0;
	v15 =	vmul.f32 v16, v4;
	[tilespmem:s10+$0x40] =	vst v7  }
0x9e: {  	v7 =	vmul.f32 v11, v4;
	v11 =	vunpack.i.l.bf16.f32 v14;
	[tilespmem:s10+$0x50] =	vst v13  }
0x9f: {  	s11 =	simm.s32 $0x1A40;
	v13 =	vunpack.i.u.bf16.f32 v14;
	v11 =	vmul.f32 v11, v2;
	v16 =	vld [tilespmem:s22+$0x30];
	[tilespmem:s9+$0xFFFFFF80] =	vst v15  }
0xa0: {  	v63 =	vunpack.i.l.bf16.f32 v17;
	v14 =	vmul.f32 v13, v2;
	v13 =	vld [tilespmem:s11+$0x0];
	[tilespmem:s9+$0xFFFFFF90] =	vst v7;
	v18 =	vunpack.i.l.bf16.f32 v9  }
0xa1: {  	v15 =	vunpack.i.u.bf16.f32 v10;
	v7 =	vld.idx.msk [tilespmem:v5+s19+$0x0], $0xffff;
	v5 =	vunpack.i.u.bf16.f32 v9;
	[tilespmem:s10+$0xFFFFFFA0] =	vst v11;
	v9 =	vmul.f32 v18, v3  }
0xa2: {  	v10 =	vunpack.i.l.bf16.f32 v10;
	v15 =	vmul.f32 v15, v1;
	v11 =	vld [tilespmem:s11+$0xFFFFFFC0];
	[tilespmem:s10+$0xFFFFFFB0] =	vst v14;
	v19 =	vmul.f32 v5, v3  }
0xa3: {  	v17 =	vunpack.i.u.bf16.f32 v17;
	v20 =	vmul.f32 v10, v1;
	v14 =	vmul.f32 v63, v6;
	v5 =	vld.idx.msk [tilespmem:v12+s19+$0x0], $0xffff;
	[tilespmem:s9+$0x20] =	vst v9  }
0xa4: {  	v9 =	vmul.f32 v17, v6;
	v6 =	vld [tilespmem:s30+$0xFFFFFFD0];
	[tilespmem:s9+$0x30] =	vst v19;
	v17 =	vunpack.i.u.bf16.f32 v16;
	v10 =	vunpack.i.l.bf16.f32 v16  }
0xa5: {  	s14 =	simm.s32 $0x8;
	s12 =	simm.s32 $0x5B80;
	s6 =	sshll.u32 s5, $0x2;
	[tilespmem:s7+$0xFFFFFFC0] =	vst v20;
	v12 =	vld [tilespmem:s30+$0x20];
	v10 =	vmul.f32 v10, v8;
	v8 =	vmul.f32 v17, v8  }
.LBB2_5:
0xa6: {  	s15 =	sadd.s32 s14, s25;
	v16 =	vunpack.i.l.bf16.f32 v13;
	v17 =	vld [tilespmem:s22+$0xFFFFFFE0];
	[tilespmem:s7+$0xFFFFFFD0] =	vst v15  }
0xa7: {  	v13 =	vunpack.i.u.bf16.f32 v13;
	v18 =	vmovc v7;
	s16 =	sadd.s32 $0x2, s15;
	s15 =	sadd.s32 $0x3, s15;
	v15 =	vunpack.i.u.bf16.f32 v11;
	v16 =	vmul.f32 v16, v7;
	[tilespmem:s10+$0x70] =	vst v8;
	v8 =	vld [tilespmem:s13+$0xFFFFFFF0];
	s13 =	smov.u32 s22  }
0xa8: {  	s9 =	sadd.s32 $0x100, s9;
	v13 =	vmul.f32 v13, v18;
	s22 =	smov.u32 s30;
	s30 =	smov.u32 s11;
	v7 =	vmov s16;
	v19 =	vmov s15;
	[tilespmem:s0+$0xFFFFFFE0] =	vst v14  }
0xa9: {  	s14 =	sadd.s32 $0x2, s14;
	v11 =	vunpack.i.l.bf16.f32 v11;
	v7 =	vand.u32 $0x33E, v7;
	v14 =	vand.u32 $0x33F, v19;
	[tilespmem:s9+$0x0] =	vst v16  }
0xaa: {  	p1 =	slt.u32 s14, $0x3E;
	v7 =	vor.u32 v0, v7;
	v14 =	vor.u32 v0, v14;
	[tilespmem:s9+$0x10] =	vst v13;
	v13 =	vunpack.i.l.bf16.f32 v12  }
0xab: {  	v12 =	vunpack.i.u.bf16.f32 v12;
	v14 =	vbroadcast v14, $0x0;
	v16 =	vld [tilespmem:s11+$0x10];
	v13 =	vmul.f32 v13, v3;
	[tilespmem:s0+$0xFFFFFFF0] =	vst v9;
	s0 =	smov.u32 s7;
	s7 =	smov.u32 s10;
	s10 =	smov.u32 s12  }
0xac: {  	v19 =	vbroadcast v7, $0x0;
	v7 =	vunpack.i.u.bf16.f32 v6;
	v9 =	vmul.f32 v12, v3;
	s12 =	smov.u32 s9;
	[tilespmem:s7+$0x60] =	vst v10  }
0xad: {  	v6 =	vunpack.i.l.bf16.f32 v6;
	v10 =	vmul.f32 v11, v5;
	v11 =	vmul.f32 v15, v5;
	[tilespmem:s10+$0x40] =	vst v13  }
0xae: {  	v6 =	vmul.f32 v6, v4;
	v12 =	vmul.f32 v7, v4;
	v7 =	vunpack.i.u.bf16.f32 v17;
	[tilespmem:s10+$0x50] =	vst v9  }
0xaf: {  	s11 =	sadd.s32 $0x80, s11;
	v15 =	vmul.f32 v7, v2;
	v9 =	vunpack.i.l.bf16.f32 v17;
	v17 =	vunpack.i.u.bf16.f32 v8;
	[tilespmem:s9+$0xFFFFFF80] =	vst v10;
	v10 =	vld [tilespmem:s22+$0x30]  }
0xb0: {  	v8 =	vunpack.i.l.bf16.f32 v8;
	v20 =	vmul.f32 v9, v2;
	v13 =	vld [tilespmem:s11+$0x0];
	[tilespmem:s9+$0xFFFFFF90] =	vst v11;
	v11 =	vunpack.i.l.bf16.f32 v16  }
.Ltmp5:
0xb1: {  	v9 =	vunpack.i.u.bf16.f32 v16;
	v7 =	vld.idx.msk [tilespmem:v14+s19+$0x0], $0xffff;
	v16 =	vmul.f32 v11, v18;
	[tilespmem:s10+$0xFFFFFFA0] =	vst v6;
	v14 =	vmul.f32 v8, v1;
	(pc) =	sbr.rel @p1 .LBB2_5-.Ltmp5, $4  }
0xb2: {  	v8 =	vmul.f32 v9, v18;
	v9 =	vmul.f32 v17, v1;
	v1 =	vmovc v2;
	v2 =	vmov v4;
	v11 =	vld [tilespmem:s11+$0xFFFFFFC0];
	[tilespmem:s10+$0xFFFFFFB0] =	vst v12  }
0xb3: {  	v4 =	vmov v5;
	[tilespmem:s9+$0x20] =	vst v16;
	v5 =	vld.idx.msk [tilespmem:v19+s19+$0x0], $0xffff  }
0xb4: {  	v6 =	vld [tilespmem:s30+$0xFFFFFFD0];
	[tilespmem:s9+$0x30] =	vst v8;
	v8 =	vunpack.i.u.bf16.f32 v10;
	v10 =	vunpack.i.l.bf16.f32 v10  }
0xb5: {  	v12 =	vld [tilespmem:s30+$0x20];
	v10 =	vmul.f32 v10, v3;
	v8 =	vmul.f32 v8, v3;
	[tilespmem:s7+$0xFFFFFFC0] =	vst v20;
	v3 =	vmov v18  }
0xb6: {  	v16 =	vunpack.i.l.bf16.f32 v13  }
0xb7: {  	v23 =	vunpack.i.u.bf16.f32 v13;
	v16 =	vmul.f32 v16, v7  }
0xb8: {  	s9 =	sadd.s32 $0x100, s9;
	[tilespmem:s7+$0xFFFFFFD0] =	vst v15;
	v13 =	vmul.f32 v23, v7  }
0xb9: {  	[tilespmem:s9+$0x0] =	vst v16  }
0xba: {  	v24 =	vunpack.i.l.bf16.f32 v11;
	[tilespmem:s9+$0x10] =	vst v13  }
0xbb: {  	[tilespmem:s0+$0xFFFFFFE0] =	vst v14;
	v25 =	vunpack.i.u.bf16.f32 v11;
	v26 =	vmul.f32 v24, v5;
	v13 =	vld [tilespmem:s11+$0x10]  }
0xbc: {  	[tilespmem:s0+$0xFFFFFFF0] =	vst v9;
	v11 =	vmul.f32 v25, v5  }
0xbd: {  	[tilespmem:s9+$0xFFFFFF80] =	vst v26  }
0xbe: {  	v30 =	vld [tilespmem:s22+$0xFFFFFFE0];
	v33 =	vunpack.i.l.bf16.f32 v6;
	[tilespmem:s9+$0xFFFFFF90] =	vst v11  }
0xbf: {  	[tilespmem:s10+$0x70] =	vst v8;
	v34 =	vunpack.i.u.bf16.f32 v6;
	v35 =	vmul.f32 v33, v4;
	v11 =	vld [tilespmem:s11+$0xFFFFFFD0]  }
0xc0: {  	[tilespmem:s10+$0x60] =	vst v10;
	v6 =	vmul.f32 v34, v4;
	v27 =	vunpack.i.l.bf16.f32 v13  }
0xc1: {  	[tilespmem:s12+$0xFFFFFFA0] =	vst v35;
	v28 =	vunpack.i.u.bf16.f32 v13;
	v8 =	vmul.f32 v27, v7  }
0xc2: {  	v31 =	vunpack.i.u.bf16.f32 v12;
	[tilespmem:s12+$0xFFFFFFB0] =	vst v6;
	v9 =	vmul.f32 v28, v7  }
0xc3: {  	v32 =	vmul.f32 v31, v3;
	v40 =	vunpack.i.l.bf16.f32 v30;
	v44 =	vld [tilespmem:s30+$0xFFFFFFE0];
	[tilespmem:s9+$0x20] =	vst v8  }
0xc4: {  	v39 =	vld [tilespmem:s13+$0xFFFFFFF0];
	v43 =	vmul.f32 v40, v2;
	v38 =	vunpack.i.u.bf16.f32 v11;
	[tilespmem:s9+$0x30] =	vst v9  }
0xc5: {  	[tilespmem:s12+$0x50] =	vst v32;
	v37 =	vunpack.i.l.bf16.f32 v11;
	v41 =	vmul.f32 v38, v5;
	v36 =	vld [tilespmem:s11+$0x20]  }
0xc6: {  	v42 =	vunpack.i.u.bf16.f32 v30;
	[tilespmem:s10+$0xFFFFFFC0] =	vst v43;
	v8 =	vmul.f32 v37, v5  }
0xc7: {  	v29 =	vunpack.i.l.bf16.f32 v12;
	v45 =	vmul.f32 v42, v2;
	[tilespmem:s9+$0xFFFFFFB0] =	vst v41  }
0xc8: {  	v13 =	vmul.f32 v29, v3;
	v52 =	vunpack.i.u.bf16.f32 v44;
	[tilespmem:s9+$0xFFFFFFA0] =	vst v8  }
0xc9: {  	v50 =	vunpack.i.l.bf16.f32 v39;
	[tilespmem:s10+$0xFFFFFFD0] =	vst v45;
	v55 =	vmul.f32 v52, v4;
	v48 =	vld [tilespmem:s11+$0xFFFFFFE0]  }
0xca: {  	[tilespmem:s12+$0x40] =	vst v13;
	v8 =	vmul.f32 v50, v1;
	v46 =	vunpack.i.l.bf16.f32 v36  }
0xcb: {  	v13 =	vld [tilespmem:s30+$0x30];
	[tilespmem:s12+$0xFFFFFFD0] =	vst v55;
	v47 =	vunpack.i.u.bf16.f32 v36;
	v9 =	vmul.f32 v46, v7  }
0xcc: {  	v58 =	vunpack.i.u.bf16.f32 v39;
	v54 =	vld [tilespmem:s22+$0xFFFFFFF0];
	[tilespmem:s7+$0xFFFFFFE0] =	vst v8;
	v6 =	vmul.f32 v47, v7  }
0xcd: {  	v51 =	vunpack.i.l.bf16.f32 v44;
	v1 =	vmul.f32 v58, v1;
	[tilespmem:s9+$0x40] =	vst v9  }
0xce: {  	v56 =	vunpack.i.l.bf16.f32 v48;
	[tilespmem:s9+$0x50] =	vst v6;
	v6 =	vmul.f32 v51, v4  }
0xcf: {  	[tilespmem:s7+$0xFFFFFFF0] =	vst v1;
	v57 =	vunpack.i.u.bf16.f32 v48;
	v9 =	vmul.f32 v56, v5;
	v53 =	vld [tilespmem:s11+$0x30]  }
0xd0: {  	v49 =	vunpack.i.u.bf16.f32 v13;
	v59 =	vunpack.i.l.bf16.f32 v13;
	[tilespmem:s12+$0xFFFFFFC0] =	vst v6;
	v6 =	vmul.f32 v57, v5  }
0xd1: {  	v1 =	vunpack.i.l.bf16.f32 v54;
	v12 =	vmul.f32 v49, v3;
	v3 =	vmul.f32 v59, v3;
	[tilespmem:s9+$0xFFFFFFC0] =	vst v9;
	v60 =	vld [tilespmem:s30+$0xFFFFFFF0]  }
0xd2: {  	v1 =	vmul.f32 v1, v2;
	[tilespmem:s9+$0xFFFFFFD0] =	vst v6  }
0xd3: {  	[tilespmem:s12+$0x60] =	vst v3;
	v3 =	vunpack.i.u.bf16.f32 v54;
	v63 =	vld [tilespmem:s11+$0xFFFFFFF0]  }
0xd4: {  	[tilespmem:s10+$0xFFFFFFE0] =	vst v1;
	v2 =	vmul.f32 v3, v2;
	v61 =	vunpack.i.u.bf16.f32 v53  }
0xd5: {  	[tilespmem:s12+$0x70] =	vst v12;
	v3 =	vunpack.i.l.bf16.f32 v53;
	v62 =	vmul.f32 v61, v7  }
0xd6: {  	[tilespmem:s10+$0xFFFFFFF0] =	vst v2;
	v3 =	vmul.f32 v3, v7;
	v1 =	vunpack.i.l.bf16.f32 v60  }
0xd7: {  	v2 =	vunpack.i.u.bf16.f32 v60;
	[tilespmem:s9+$0x70] =	vst v62;
	v1 =	vmul.f32 v1, v4  }
0xd8: {  	p3 =	seq.s32 s5, $0x3;
	[tilespmem:s9+$0x60] =	vst v3;
	v2 =	vmul.f32 v2, v4;
	v3 =	vunpack.i.l.bf16.f32 v63  }
.Ltmp6:
0xd9: {  	[tilespmem:s12+$0xFFFFFFE0] =	vst v1;
	v1 =	vunpack.i.u.bf16.f32 v63;
	v3 =	vmul.f32 v3, v5;
	(pc) =	sbr.rel @!p3 .LBB2_7-.Ltmp6, $4  }
0xda: {  	s7 =	sshll.u32 s5, $0xA;
	[tilespmem:s12+$0xFFFFFFF0] =	vst v2;
	v1 =	vmul.f32 v1, v5  }
0xdb: {  	s0 =	sshrl.u32 s7, $0x2;
	[tilespmem:s9+$0xFFFFFFE0] =	vst v3  }
0xdc: {  	s30 =	sadd.s32 s0, s3;
	[tilespmem:s9+$0xFFFFFFF0] =	vst v1  }
0xdd: {  	[spmem:s2] =	stream.indirect.scatter.add.f32 [tilespmem:s17], [sflag:$0x5], $0x80, s30, s21, $0xb8;
	[tilespmem:$0x1D800] =	vst v63  }
.Ltmp7:
0xde: {  	(pc) =	sbr.rel @p0 .LBB2_11-.Ltmp7, $2  }
0xdf: {  	_ =	sdelay $0x2  }
0xe0: {  	p1 =	por $0x0, $0x0  }
0xe1: {  	_ =	swait.ge [sflag:s20], $0x400  }
0xe2: {  	[sflag:s20] =	ssyncset.done $0x0  }
0xe3: {  	[sflag:s20] =	ssyncadd.s32 $0xFFFFFC00  }
0xe4: {  	_ =	swait.ge [sflag:s20], $0x400  }
.Ltmp8:
0xe5: {  	[sflag:s20] =	ssyncset.done $0x0;
	(pc) =	sbr.rel .LBB2_10-.Ltmp8, $4  }
0xe6: {  	[sflag:s20] =	ssyncadd.s32 $0xFFFFFC00  }
0xe7: {  	_ =	swait.ge [sflag:s20], $0x400  }
0xe8: {  	[sflag:s20] =	ssyncset.done $0x0  }
0xe9: {  	s0 =	smov.u32 s8;
	[sflag:s20] =	ssyncadd.s32 $0xFFFFFC00  }
.LBB2_7:
0xea: {  	s0 =	sadd.s32 s0, s28  }
0xeb: {  	s0 =	sadd.s32 $0x100, s0  }
.LBB2_10:
0xec: {  	s9 =	simm.s32 $0x1800;
	p1 =	por p3, p3  }
0xed: {  	[tilespmem:s9], [sflag:$0x1] =	stream.indirect.gather [hbm4b:s4+s21], $0x40, s0, s21, $0xb8;
	[tilespmem:$0x1D800] =	vst v63  }
.LBB2_11:
0xee: {  	s0 =	sadd.s32 $0xFFFFFFFE, s25  }
0xef: {  	s9 =	sadd.s32 $0x43, s0  }
0xf0: {  	v1 =	vmov s9  }
0xf1: {  	_ =	swait.ge [sflag:s31], $0x1000;
	v2 =	vand.u32 $0x7FFFFF78, v1  }
0xf2: {  	[sflag:s31] =	ssyncset.done $0x0;
	v1 =	vand.u32 $0x7, v1;
	v2 =	vadd.s32 v0, v2  }
0xf3: {  	[sflag:s31] =	ssyncadd.s32 $0xFFFFF000;
	s9 =	simm.s32 @!p2 $0x6;
	v1 =	vor.u32 v1, v2  }
0xf4: {  	_ =	swait.ge @!p2 [sflag:s9], $0x2000  }
0xf5: {  	[sflag:s9] =	ssyncset.done @!p2 $0x0  }
0xf6: {  	s12 =	simm.s32 $0x2840;
	[sflag:s9] =	ssyncadd.s32 @!p2 $0xFFFFE000  }
0xf7: {  	v2 =	vld [tilespmem:s12+$0x0]  }
0xf8: {  	v3 =	vld.idx.msk [tilespmem:v1+s19+$0x0], $0xffff;
	_ =	sdelay $0x2  }
0xf9: {  	s17 =	sadd.s32 $0x0, s25  }
0xfa: {  	s10 =	sadd.s32 $0x43, s17;
	v1 =	vunpack.i.l.bf16.f32 v2  }
0xfb: {  	v4 =	vmov s10;
	v2 =	vunpack.i.u.bf16.f32 v2;
	v1 =	vmul.f32 v1, v3  }
0xfc: {  	s30 =	simm.s32 $0x7880;
	v5 =	vand.u32 $0x7FFFFF78, v4;
	v2 =	vmul.f32 v2, v3  }
0xfd: {  	[tilespmem:s30+$0x0] =	vst v1;
	v1 =	vand.u32 $0x7, v4;
	v4 =	vadd.s32 v0, v5  }
0xfe: {  	s0 =	sadd.s32 $0x42, s0;
	[tilespmem:s30+$0x10] =	vst v2;
	v1 =	vor.u32 v1, v4  }
0xff: {  	v2 =	vmov s0;
	v4 =	vld [tilespmem:s12+$0x10]  }
0x100: {  	v5 =	vand.u32 $0x7FFFFF78, v2  }
0x101: {  	s22 =	simm.s32 $0x28C0;
	v2 =	vand.u32 $0x6, v2;
	v5 =	vadd.s32 v0, v5  }
0x102: {  	v7 =	vld [tilespmem:s22+$0x0];
	v2 =	vor.u32 v2, v5  }
0x103: {  	v6 =	vld.idx.msk [tilespmem:v1+s19+$0x0], $0xffff  }
0x104: {  	v1 =	vunpack.i.l.bf16.f32 v4  }
0x105: {  	v4 =	vunpack.i.u.bf16.f32 v4;
	v1 =	vmul.f32 v1, v3  }
0x106: {  	s10 =	sadd.s32 $0x42, s17;
	v8 =	vld [tilespmem:s12+$0xFFFFFFC0];
	v4 =	vmul.f32 v4, v3  }
0x107: {  	v5 =	vld.idx.msk [tilespmem:v2+s19+$0x0], $0xffff;
	v2 =	vmov s10;
	[tilespmem:s30+$0x20] =	vst v1;
	v1 =	vunpack.i.l.bf16.f32 v7  }
0x108: {  	s11 =	sadd.s32 $0x2, s25;
	v9 =	vand.u32 $0x7FFFFF78, v2;
	[tilespmem:s30+$0x30] =	vst v4;
	v4 =	vunpack.i.u.bf16.f32 v7;
	v1 =	vmul.f32 v1, v6  }
0x109: {  	s13 =	simm.s32 $0x7980;
	s14 =	sadd.s32 $0x43, s11;
	v2 =	vand.u32 $0x6, v2;
	v7 =	vadd.s32 v0, v9;
	v9 =	vld [tilespmem:s12+$0x20];
	v4 =	vmul.f32 v4, v6  }
0x10a: {  	v2 =	vor.u32 v2, v7;
	v7 =	vmov s14;
	[tilespmem:s13+$0x0] =	vst v1  }
0x10b: {  	v10 =	vand.u32 $0x7FFFFF78, v7;
	v1 =	vunpack.i.u.bf16.f32 v8;
	v8 =	vunpack.i.l.bf16.f32 v8;
	[tilespmem:s13+$0x10] =	vst v4  }
0x10c: {  	v7 =	vand.u32 $0x7, v7;
	v4 =	vmul.f32 v8, v5;
	v8 =	vadd.s32 v0, v10;
	v10 =	vld [tilespmem:s22+$0x10]  }
0x10d: {  	v1 =	vmul.f32 v1, v5;
	v7 =	vor.u32 v7, v8  }
0x10e: {  	v8 =	vunpack.i.l.bf16.f32 v9;
	[tilespmem:s30+$0xFFFFFF80] =	vst v4;
	v4 =	vld [tilespmem:s22+$0xFFFFFFC0]  }
0x10f: {  	s0 =	simm.s32 $0x2940;
	[tilespmem:s30+$0xFFFFFF90] =	vst v1;
	v1 =	vld.idx.msk [tilespmem:v2+s19+$0x0], $0xffff;
	v2 =	vunpack.i.u.bf16.f32 v9;
	v8 =	vmul.f32 v8, v3  }
0x110: {  	s15 =	sadd.s32 $0x42, s11;
	v12 =	vld [tilespmem:s0+$0x0];
	v2 =	vmul.f32 v2, v3  }
0x111: {  	v11 =	vmov s15;
	v9 =	vld [tilespmem:s12+$0xFFFFFFD0];
	[tilespmem:s30+$0x40] =	vst v8;
	v13 =	vunpack.i.l.bf16.f32 v10  }
0x112: {  	v14 =	vand.u32 $0x7FFFFF78, v11;
	[tilespmem:s30+$0x50] =	vst v2;
	v2 =	vunpack.i.u.bf16.f32 v10;
	v8 =	vld.idx.msk [tilespmem:v7+s19+$0x0], $0xffff;
	v7 =	vmul.f32 v13, v6  }
0x113: {  	v10 =	vand.u32 $0x6, v11;
	v11 =	vadd.s32 v0, v14;
	v13 =	vld [tilespmem:s12+$0x30];
	v2 =	vmul.f32 v2, v6  }
0x114: {  	v10 =	vor.u32 v10, v11;
	v14 =	vunpack.i.l.bf16.f32 v4;
	[tilespmem:s13+$0x20] =	vst v7  }
0x115: {  	v11 =	vld [tilespmem:s0+$0xFFFFFFC0];
	v4 =	vunpack.i.u.bf16.f32 v4;
	v7 =	vmul.f32 v14, v1;
	[tilespmem:s13+$0x30] =	vst v2  }
0x116: {  	v15 =	vunpack.i.l.bf16.f32 v12;
	v2 =	vmul.f32 v4, v1;
	v4 =	vunpack.i.u.bf16.f32 v9;
	v14 =	vld [tilespmem:s22+$0x20]  }
0x117: {  	s16 =	sadd.s32 $0x4, s25;
	[tilespmem:s13+$0xFFFFFF80] =	vst v7;
	v7 =	vunpack.i.l.bf16.f32 v9;
	v9 =	vunpack.i.u.bf16.f32 v12;
	v12 =	vmul.f32 v15, v8  }
0x118: {  	s9 =	sadd.s32 $0x43, s16;
	s10 =	simm.s32 $0x7A80;
	v4 =	vmul.f32 v4, v5;
	[tilespmem:s13+$0xFFFFFF90] =	vst v2;
	v15 =	vunpack.i.u.bf16.f32 v13;
	v9 =	vmul.f32 v9, v8  }
0x119: {  	s11 =	sadd.s32 $0x42, s16;
	v16 =	vmov s9;
	v7 =	vmul.f32 v7, v5;
	v2 =	vld.idx.msk [tilespmem:v10+s19+$0x0], $0xffff;
	v10 =	vmul.f32 v15, v3;
	[tilespmem:s10+$0x0] =	vst v12  }
0x11a: {  	v15 =	vunpack.i.u.bf16.f32 v11;
	v11 =	vunpack.i.l.bf16.f32 v11;
	v12 =	vmov s11;
	[tilespmem:s10+$0x10] =	vst v9  }
0x11b: {  	[tilespmem:s30+$0xFFFFFFA0] =	vst v7;
	v7 =	vand.u32 $0x7FFFFF78, v16;
	v9 =	vand.u32 $0x7, v16;
	v16 =	vunpack.i.l.bf16.f32 v14;
	v17 =	vld [tilespmem:s0+$0x10]  }
0x11c: {  	[tilespmem:s30+$0xFFFFFFB0] =	vst v4;
	v4 =	vadd.s32 v0, v7;
	v7 =	vunpack.i.u.bf16.f32 v14;
	v14 =	vmul.f32 v16, v6  }
0x11d: {  	[tilespmem:s30+$0x70] =	vst v10;
	v10 =	vand.u32 $0x7FFFFF78, v12;
	v16 =	vld [tilespmem:s22+$0xFFFFFFD0];
	v4 =	vor.u32 v9, v4;
	v7 =	vmul.f32 v7, v6  }
0x11e: {  	v10 =	vadd.s32 v0, v10;
	v9 =	vmul.f32 v11, v2;
	v11 =	vand.u32 $0x6, v12;
	[tilespmem:s13+$0x40] =	vst v14  }
0x11f: {  	s11 =	simm.s32 $0x29C0;
	v12 =	vunpack.i.l.bf16.f32 v13;
	v13 =	vld [tilespmem:s12+$0xFFFFFFE0];
	v14 =	vmul.f32 v15, v2;
	v10 =	vor.u32 v11, v10;
	[tilespmem:s13+$0x50] =	vst v7  }
0x120: {  	v3 =	vmul.f32 v12, v3;
	v11 =	vld [tilespmem:s11+$0x0];
	[tilespmem:s10+$0xFFFFFF80] =	vst v9;
	v9 =	vunpack.i.l.bf16.f32 v17  }
0x121: {  	v7 =	vld [tilespmem:s22+$0x30];
	[tilespmem:s10+$0xFFFFFF90] =	vst v14;
	v12 =	vunpack.i.u.bf16.f32 v17;
	v9 =	vmul.f32 v9, v8  }
0x122: {  	[tilespmem:s30+$0x60] =	vst v3;
	v14 =	vunpack.i.l.bf16.f32 v16;
	v4 =	vld.idx.msk [tilespmem:v4+s19+$0x0], $0xffff;
	v12 =	vmul.f32 v12, v8  }
0x123: {  	s17 =	sadd.s32 $0x6, s25;
	v15 =	vld [tilespmem:s11+$0xFFFFFFC0];
	v3 =	vunpack.i.u.bf16.f32 v16;
	v14 =	vmul.f32 v14, v1;
	[tilespmem:s10+$0x20] =	vst v9  }
0x124: {  	s15 =	sadd.s32 $0x43, s17;
	v16 =	vunpack.i.u.bf16.f32 v13;
	v13 =	vunpack.i.l.bf16.f32 v13;
	v9 =	vmul.f32 v3, v1;
	v3 =	vld.idx.msk [tilespmem:v10+s19+$0x0], $0xffff;
	[tilespmem:s10+$0x30] =	vst v12  }
0x125: {  	s14 =	sadd.s32 $0x42, s17;
	v17 =	vmov s15;
	v12 =	vmul.f32 v13, v5;
	[tilespmem:s13+$0xFFFFFFA0] =	vst v14;
	v13 =	vld [tilespmem:s0+$0x20]  }
0x126: {  	v10 =	vmul.f32 v16, v5;
	v16 =	vmov s14;
	v14 =	vunpack.i.l.bf16.f32 v11;
	[tilespmem:s13+$0xFFFFFFB0] =	vst v9  }
0x127: {  	v11 =	vunpack.i.u.bf16.f32 v11;
	v9 =	vunpack.i.u.bf16.f32 v7;
	[tilespmem:s30+$0xFFFFFFC0] =	vst v12;
	v12 =	vmul.f32 v14, v4  }
0x128: {  	s9 =	simm.s32 $0x7B80;
	v7 =	vunpack.i.l.bf16.f32 v7;
	[tilespmem:s30+$0xFFFFFFD0] =	vst v10;
	v14 =	vunpack.i.l.bf16.f32 v15;
	v11 =	vmul.f32 v11, v4  }
0x129: {  	v10 =	vunpack.i.u.bf16.f32 v15;
	v9 =	vmul.f32 v9, v6;
	v15 =	vld [tilespmem:s0+$0xFFFFFFD0];
	v14 =	vmul.f32 v14, v3;
	[tilespmem:s9+$0x0] =	vst v12  }
0x12a: {  	v12 =	vand.u32 $0x7FFFFF78, v17;
	v17 =	vand.u32 $0x7, v17;
	[tilespmem:s9+$0x10] =	vst v11;
	v11 =	vunpack.i.l.bf16.f32 v13  }
0x12b: {  	[tilespmem:s13+$0x70] =	vst v9;
	v9 =	vadd.s32 v0, v12;
	v12 =	vld [tilespmem:s11+$0x10];
	v13 =	vunpack.i.u.bf16.f32 v13;
	v11 =	vmul.f32 v11, v8  }
0x12c: {  	[tilespmem:s9+$0xFFFFFF80] =	vst v14;
	v14 =	vand.u32 $0x7FFFFF78, v16;
	v9 =	vor.u32 v17, v9;
	v13 =	vmul.f32 v13, v8;
	v17 =	vld [tilespmem:s22+$0xFFFFFFE0]  }
0x12d: {  	v10 =	vmul.f32 v10, v3;
	v16 =	vand.u32 $0x6, v16;
	v14 =	vadd.s32 v0, v14;
	[tilespmem:s10+$0x40] =	vst v11  }
0x12e: {  	v6 =	vmul.f32 v7, v6;
	v18 =	vld [tilespmem:s12+$0xFFFFFFF0];
	v7 =	vunpack.i.l.bf16.f32 v15;
	v14 =	vor.u32 v16, v14;
	[tilespmem:s10+$0x50] =	vst v13  }
0x12f: {  	s12 =	simm.s32 $0x2A40;
	[tilespmem:s9+$0xFFFFFF90] =	vst v10;
	v11 =	vunpack.i.u.bf16.f32 v15;
	v10 =	vmul.f32 v7, v2;
	v15 =	vld [tilespmem:s0+$0x30]  }
0x130: {  	[tilespmem:s13+$0x60] =	vst v6;
	v16 =	vmul.f32 v11, v2;
	v11 =	vld [tilespmem:s12+$0x0];
	v13 =	vunpack.i.l.bf16.f32 v12  }
0x131: {  	v6 =	vunpack.i.u.bf16.f32 v12;
	[tilespmem:s10+$0xFFFFFFA0] =	vst v10;
	v7 =	vld.idx.msk [tilespmem:v9+s19+$0x0], $0xffff;
	v9 =	vmul.f32 v13, v4;
	v10 =	vunpack.i.l.bf16.f32 v17  }
0x132: {  	v13 =	vld [tilespmem:s12+$0xFFFFFFC0];
	v12 =	vmul.f32 v6, v4;
	[tilespmem:s10+$0xFFFFFFB0] =	vst v16;
	v16 =	vunpack.i.u.bf16.f32 v17;
	v17 =	vmul.f32 v10, v1  }
0x133: {  	v10 =	vunpack.i.l.bf16.f32 v18;
	v19 =	vmul.f32 v16, v1;
	v16 =	vunpack.i.u.bf16.f32 v18;
	v6 =	vld.idx.msk [tilespmem:v14+s19+$0x0], $0xffff;
	[tilespmem:s9+$0x20] =	vst v9  }
0x134: {  	v14 =	vmul.f32 v10, v5;
	v9 =	vld [tilespmem:s11+$0xFFFFFFD0];
	[tilespmem:s9+$0x30] =	vst v12;
	v10 =	vmul.f32 v16, v5;
	v16 =	vunpack.i.u.bf16.f32 v15  }
0x135: {  	v5 =	vunpack.i.l.bf16.f32 v15;
	v12 =	vld [tilespmem:s11+$0x20];
	[tilespmem:s13+$0xFFFFFFC0] =	vst v17;
	v15 =	vmul.f32 v16, v8  }
0x136: {  	s16 =	simm.s32 $0x8;
	s15 =	simm.s32 $0x7B80;
	s14 =	sor.u32 $0x1, s6;
	[tilespmem:s13+$0xFFFFFFD0] =	vst v19;
	v5 =	vmul.f32 v5, v8;
	v16 =	vunpack.i.l.bf16.f32 v11;
	v8 =	vld [tilespmem:s0+$0xFFFFFFE0]  }
.LBB2_12:
0x137: {  	s17 =	sadd.s32 s16, s25;
	v17 =	vunpack.i.u.bf16.f32 v13;
	v11 =	vunpack.i.u.bf16.f32 v11;
	v19 =	vmul.f32 v16, v7;
	[tilespmem:s10+$0x70] =	vst v15;
	v15 =	vld [tilespmem:s22+$0xFFFFFFF0];
	v18 =	vmovc v7;
	s22 =	smov.u32 s0;
	s0 =	smov.u32 s11  }
0x138: {  	v7 =	vunpack.i.l.bf16.f32 v13;
	s9 =	sadd.s32 $0x100, s9;
	s11 =	sadd.s32 $0x42, s17;
	s17 =	sadd.s32 $0x43, s17;
	v11 =	vmul.f32 v11, v18;
	[tilespmem:s30+$0xFFFFFFE0] =	vst v14  }
0x139: {  	v7 =	vmul.f32 v7, v6;
	v16 =	vmovc v6;
	v13 =	vmov s11;
	v14 =	vmov s17;
	[tilespmem:s9+$0x0] =	vst v19;
	s11 =	smov.u32 s12  }
0x13a: {  	s16 =	sadd.s32 $0x2, s16;
	v6 =	vand.u32 $0x7FFFFF78, v14;
	v14 =	vand.u32 $0x7, v14;
	[tilespmem:s9+$0x10] =	vst v11;
	v11 =	vunpack.i.l.bf16.f32 v12  }
0x13b: {  	p2 =	slt.u32 s16, $0x3E;
	v6 =	vadd.s32 v0, v6;
	[tilespmem:s9+$0xFFFFFF80] =	vst v7;
	v19 =	vld [tilespmem:s12+$0x10];
	v7 =	vunpack.i.u.bf16.f32 v12;
	v11 =	vmul.f32 v11, v4  }
0x13c: {  	v12 =	vand.u32 $0x7FFFFF78, v13;
	v6 =	vor.u32 v14, v6;
	v7 =	vmul.f32 v7, v4;
	[tilespmem:s30+$0xFFFFFFF0] =	vst v10;
	s30 =	smov.u32 s13;
	s13 =	smov.u32 s10;
	s10 =	smov.u32 s15  }
0x13d: {  	v10 =	vand.u32 $0x6, v13;
	v12 =	vadd.s32 v0, v12;
	v13 =	vmul.f32 v17, v16;
	s15 =	smov.u32 s9;
	[tilespmem:s10+$0x40] =	vst v11  }
0x13e: {  	v10 =	vor.u32 v10, v12;
	v11 =	vunpack.i.u.bf16.f32 v9;
	v9 =	vunpack.i.l.bf16.f32 v9;
	[tilespmem:s10+$0x50] =	vst v7  }
0x13f: {  	s12 =	sadd.s32 $0x80, s12;
	v9 =	vmul.f32 v9, v3;
	v12 =	vmul.f32 v11, v3;
	v7 =	vunpack.i.u.bf16.f32 v8;
	[tilespmem:s9+$0xFFFFFF90] =	vst v13;
	v17 =	vld [tilespmem:s0+$0x30]  }
0x140: {  	v8 =	vunpack.i.l.bf16.f32 v8;
	v20 =	vmul.f32 v7, v2;
	v11 =	vld [tilespmem:s12+$0x0];
	v13 =	vunpack.i.l.bf16.f32 v19;
	[tilespmem:s13+$0x60] =	vst v5  }
0x141: {  	v8 =	vmul.f32 v8, v2;
	v5 =	vunpack.i.u.bf16.f32 v19;
	v7 =	vld.idx.msk [tilespmem:v6+s19+$0x0], $0xffff;
	v14 =	vmul.f32 v13, v18;
	[tilespmem:s10+$0xFFFFFFA0] =	vst v9  }
.Ltmp9:
0x142: {  	v5 =	vmul.f32 v5, v18;
	v9 =	vunpack.i.u.bf16.f32 v15;
	v13 =	vld [tilespmem:s12+$0xFFFFFFC0];
	[tilespmem:s10+$0xFFFFFFB0] =	vst v12;
	v12 =	vunpack.i.l.bf16.f32 v15;
	(pc) =	sbr.rel @p2 .LBB2_12-.Ltmp9, $4  }
0x143: {  	v6 =	vld.idx.msk [tilespmem:v10+s19+$0x0], $0xffff;
	[tilespmem:s9+$0x20] =	vst v14;
	v14 =	vmul.f32 v12, v1;
	v10 =	vmul.f32 v9, v1;
	v1 =	vmov v2  }
0x144: {  	v2 =	vmovc v3;
	v3 =	vmov v16;
	v9 =	vld [tilespmem:s11+$0xFFFFFFD0];
	[tilespmem:s9+$0x30] =	vst v5;
	v15 =	vunpack.i.u.bf16.f32 v17;
	v5 =	vunpack.i.l.bf16.f32 v17  }
0x145: {  	v12 =	vld [tilespmem:s11+$0x20];
	v5 =	vmul.f32 v5, v4;
	v15 =	vmul.f32 v15, v4;
	[tilespmem:s13+$0xFFFFFFC0] =	vst v8;
	v4 =	vmov v18  }
0x146: {  	v16 =	vunpack.i.l.bf16.f32 v11;
	v8 =	vld [tilespmem:s0+$0xFFFFFFE0];
	[tilespmem:s13+$0xFFFFFFD0] =	vst v20  }
0x147: {  	v11 =	vunpack.i.u.bf16.f32 v11;
	v16 =	vmul.f32 v16, v7  }
0x148: {  	s9 =	sadd.s32 $0x100, s9;
	v11 =	vmul.f32 v11, v7  }
0x149: {  	[tilespmem:s9+$0x0] =	vst v16  }
0x14a: {  	[tilespmem:s9+$0x10] =	vst v11  }
0x14b: {  	v11 =	vld [tilespmem:s12+$0x10]  }
0x14c: {  	v16 =	vunpack.i.l.bf16.f32 v13  }
0x14d: {  	[tilespmem:s10+$0x70] =	vst v15;
	v13 =	vunpack.i.u.bf16.f32 v13;
	v15 =	vmul.f32 v16, v6  }
0x14e: {  	[tilespmem:s30+$0xFFFFFFE0] =	vst v14;
	v13 =	vmul.f32 v13, v6  }
0x14f: {  	[tilespmem:s9+$0xFFFFFF80] =	vst v15  }
0x150: {  	[tilespmem:s9+$0xFFFFFF90] =	vst v13;
	v13 =	vunpack.i.l.bf16.f32 v11  }
0x151: {  	[tilespmem:s30+$0xFFFFFFF0] =	vst v10;
	v10 =	vunpack.i.u.bf16.f32 v11;
	v11 =	vmul.f32 v13, v7;
	v13 =	vld [tilespmem:s12+$0xFFFFFFD0]  }
0x152: {  	[tilespmem:s10+$0x60] =	vst v5;
	v14 =	vunpack.i.l.bf16.f32 v12;
	v10 =	vmul.f32 v10, v7  }
0x153: {  	v12 =	vunpack.i.u.bf16.f32 v12;
	v14 =	vmul.f32 v14, v4;
	[tilespmem:s9+$0x20] =	vst v11  }
0x154: {  	v12 =	vmul.f32 v12, v4;
	v11 =	vunpack.i.l.bf16.f32 v9;
	[tilespmem:s9+$0x30] =	vst v10  }
0x155: {  	[tilespmem:s15+$0x40] =	vst v14;
	v9 =	vunpack.i.u.bf16.f32 v9;
	v10 =	vmul.f32 v11, v3;
	v11 =	vld [tilespmem:s12+$0x20]  }
0x156: {  	[tilespmem:s15+$0x50] =	vst v12;
	v9 =	vmul.f32 v9, v3;
	v5 =	vunpack.i.l.bf16.f32 v13  }
0x157: {  	v12 =	vld [tilespmem:s11+$0x30];
	[tilespmem:s15+$0xFFFFFFA0] =	vst v10;
	v10 =	vunpack.i.u.bf16.f32 v13;
	v5 =	vmul.f32 v5, v6  }
0x158: {  	v14 =	vunpack.i.l.bf16.f32 v8;
	v13 =	vld [tilespmem:s22+$0xFFFFFFF0];
	[tilespmem:s15+$0xFFFFFFB0] =	vst v9;
	v9 =	vmul.f32 v10, v6  }
0x159: {  	v8 =	vunpack.i.u.bf16.f32 v8;
	v10 =	vmul.f32 v14, v2;
	v14 =	vld [tilespmem:s11+$0xFFFFFFE0];
	[tilespmem:s9+$0xFFFFFFA0] =	vst v5  }
0x15a: {  	v5 =	vmul.f32 v8, v2;
	v8 =	vunpack.i.l.bf16.f32 v11;
	[tilespmem:s9+$0xFFFFFFB0] =	vst v9  }
0x15b: {  	[tilespmem:s10+$0xFFFFFFC0] =	vst v10;
	v9 =	vunpack.i.u.bf16.f32 v11;
	v8 =	vmul.f32 v8, v7;
	v10 =	vld [tilespmem:s12+$0xFFFFFFE0]  }
0x15c: {  	v11 =	vunpack.i.u.bf16.f32 v12;
	[tilespmem:s10+$0xFFFFFFD0] =	vst v5;
	v5 =	vmul.f32 v9, v7  }
0x15d: {  	v11 =	vmul.f32 v11, v4;
	v9 =	vunpack.i.l.bf16.f32 v13;
	[tilespmem:s9+$0x40] =	vst v8  }
0x15e: {  	v8 =	vmul.f32 v9, v1;
	[tilespmem:s9+$0x50] =	vst v5;
	v5 =	vunpack.i.l.bf16.f32 v14  }
0x15f: {  	[tilespmem:s15+$0x70] =	vst v11;
	v11 =	vunpack.i.u.bf16.f32 v14;
	v9 =	vld [tilespmem:s12+$0x30];
	v5 =	vmul.f32 v5, v3  }
0x160: {  	v14 =	vld [tilespmem:s0+$0xFFFFFFF0];
	[tilespmem:s13+$0xFFFFFFE0] =	vst v8;
	v8 =	vmul.f32 v11, v3;
	v11 =	vunpack.i.l.bf16.f32 v10  }
0x161: {  	[tilespmem:s15+$0xFFFFFFC0] =	vst v5;
	v5 =	vunpack.i.u.bf16.f32 v10;
	v10 =	vmul.f32 v11, v6  }
0x162: {  	v11 =	vunpack.i.u.bf16.f32 v13;
	[tilespmem:s15+$0xFFFFFFD0] =	vst v8;
	v5 =	vmul.f32 v5, v6  }
0x163: {  	v8 =	vunpack.i.l.bf16.f32 v12;
	v1 =	vmul.f32 v11, v1;
	v11 =	vld [tilespmem:s11+$0xFFFFFFF0];
	[tilespmem:s9+$0xFFFFFFC0] =	vst v10  }
0x164: {  	v4 =	vmul.f32 v8, v4;
	v8 =	vunpack.i.u.bf16.f32 v9;
	[tilespmem:s9+$0xFFFFFFD0] =	vst v5  }
0x165: {  	[tilespmem:s13+$0xFFFFFFF0] =	vst v1;
	v1 =	vunpack.i.l.bf16.f32 v14;
	v5 =	vmul.f32 v8, v7;
	v8 =	vld [tilespmem:s12+$0xFFFFFFF0]  }
0x166: {  	[tilespmem:s15+$0x60] =	vst v4;
	v4 =	vunpack.i.u.bf16.f32 v14;
	v1 =	vmul.f32 v1, v2  }
0x167: {  	v2 =	vmul.f32 v4, v2;
	v4 =	vunpack.i.l.bf16.f32 v9;
	[tilespmem:s9+$0x70] =	vst v5  }
0x168: {  	v4 =	vmul.f32 v4, v7;
	[tilespmem:s10+$0xFFFFFFE0] =	vst v1;
	v1 =	vunpack.i.l.bf16.f32 v11  }
0x169: {  	[tilespmem:s10+$0xFFFFFFF0] =	vst v2;
	v2 =	vunpack.i.u.bf16.f32 v11;
	v1 =	vmul.f32 v1, v3  }
0x16a: {  	[tilespmem:s9+$0x60] =	vst v4;
	v2 =	vmul.f32 v2, v3;
	v3 =	vunpack.i.l.bf16.f32 v8  }
0x16b: {  	[tilespmem:s15+$0xFFFFFFE0] =	vst v1;
	v1 =	vunpack.i.u.bf16.f32 v8;
	v3 =	vmul.f32 v3, v6  }
0x16c: {  	[tilespmem:s15+$0xFFFFFFF0] =	vst v2;
	s15 =	sshll.u32 s14, $0x6;
	v1 =	vmul.f32 v1, v6  }
0x16d: {  	s0 =	sand.u32 $0x3FFFFFC0, s15;
	[tilespmem:s9+$0xFFFFFFE0] =	vst v3  }
0x16e: {  	p2 =	seq.s32 s5, $0x3;
	s16 =	simm.s32 $0x7800;
	s0 =	sadd.s32 s0, s3;
	[tilespmem:s9+$0xFFFFFFF0] =	vst v1  }
0x16f: {  	[spmem:s2] =	stream.indirect.scatter.add.f32 [tilespmem:s16], [sflag:$0x6], $0x80, s0, s21, $0xb8;
	[tilespmem:$0x1D800] =	vst v63  }
0x170: {  	s17 =	sadd.s32 $0xFFFFFFFE, s25;
	s0 =	sshrl.u32 @!p2 s7, $0x2  }
0x171: {  	s22 =	sadd.s32 $0x83, s17;
	s7 =	sadd.s32 @!p2 s0, s28  }
0x172: {  	s10 =	simm.s32 @!p2 $0x2800;
	s9 =	simm.s32 @!p2 $0x40;
	s0 =	sadd.s32 @!p2 $0x140, s7  }
0x173: {  	[tilespmem:s10], [sflag:$0x2] =	stream.indirect.gather @!p2 [hbm4b:s4+s9], $0x40, s0, s9, $0xb8;
	[tilespmem:$0x1D800] =	vst v63  }
0x174: {  	s12 =	rddreg [dreg:$0x15];
	s9 =	simm.s32 @p1 $0x40;
	s10 =	simm.s32 @p1 $0x2800  }
0x175: {  	v1 =	vmov s22;
	[tilespmem:s10], [sflag:$0x2] =	stream.indirect.gather @p1 [hbm4b:s4+s9], $0x40, s12, s9, $0xb8;
	[tilespmem:$0x1D800] =	vst v63  }
0x176: {  	v2 =	vand.u32 $0x7FFFFFB8, v1;
	_ =	swait.ge [sflag:s1], $0x1000  }
0x177: {  	v1 =	vand.u32 $0x7, v1;
	v2 =	vadd.s32 v0, v2;
	[sflag:s1] =	ssyncset.done $0x0  }
0x178: {  	v1 =	vor.u32 v1, v2;
	[sflag:s1] =	ssyncadd.s32 $0xFFFFF000  }
0x179: {  	_ =	swait.ge [sflag:s18], $0x2000  }
0x17a: {  	[sflag:s18] =	ssyncset.done $0x0  }
0x17b: {  	s12 =	simm.s32 $0x3840;
	[sflag:s18] =	ssyncadd.s32 $0xFFFFE000  }
0x17c: {  	v2 =	vld [tilespmem:s12+$0x0]  }
0x17d: {  	v3 =	vld.idx.msk [tilespmem:v1+s19+$0x0], $0xffff;
	_ =	sdelay $0x2  }
0x17e: {  	s13 =	sadd.s32 $0x0, s25  }
0x17f: {  	s14 =	sadd.s32 $0x83, s13;
	v1 =	vunpack.i.l.bf16.f32 v2  }
0x180: {  	v4 =	vmov s14;
	v2 =	vunpack.i.u.bf16.f32 v2;
	v1 =	vmul.f32 v1, v3  }
0x181: {  	s30 =	simm.s32 $0x5880;
	v5 =	vand.u32 $0x7FFFFFB8, v4;
	v2 =	vmul.f32 v2, v3  }
0x182: {  	[tilespmem:s30+$0x0] =	vst v1;
	v1 =	vand.u32 $0x7, v4;
	v4 =	vadd.s32 v0, v5  }
0x183: {  	s0 =	sadd.s32 $0x82, s17;
	[tilespmem:s30+$0x10] =	vst v2;
	v1 =	vor.u32 v1, v4  }
0x184: {  	v2 =	vmov s0;
	v4 =	vld [tilespmem:s12+$0x10]  }
0x185: {  	v5 =	vand.u32 $0x7FFFFFB8, v2  }
0x186: {  	s22 =	simm.s32 $0x38C0;
	v2 =	vand.u32 $0x6, v2;
	v5 =	vadd.s32 v0, v5  }
0x187: {  	v7 =	vld [tilespmem:s22+$0x0];
	v2 =	vor.u32 v2, v5  }
0x188: {  	v6 =	vld.idx.msk [tilespmem:v1+s19+$0x0], $0xffff  }
0x189: {  	v1 =	vunpack.i.l.bf16.f32 v4  }
0x18a: {  	v4 =	vunpack.i.u.bf16.f32 v4;
	v1 =	vmul.f32 v1, v3  }
0x18b: {  	s15 =	sadd.s32 $0x82, s13;
	v8 =	vld [tilespmem:s12+$0xFFFFFFC0];
	v4 =	vmul.f32 v4, v3  }
0x18c: {  	v5 =	vld.idx.msk [tilespmem:v2+s19+$0x0], $0xffff;
	v2 =	vmov s15;
	[tilespmem:s30+$0x20] =	vst v1;
	v1 =	vunpack.i.l.bf16.f32 v7  }
0x18d: {  	s16 =	sadd.s32 $0x2, s25;
	v9 =	vand.u32 $0x7FFFFFB8, v2;
	[tilespmem:s30+$0x30] =	vst v4;
	v4 =	vunpack.i.u.bf16.f32 v7;
	v1 =	vmul.f32 v1, v6  }
0x18e: {  	s13 =	simm.s32 $0x5980;
	s17 =	sadd.s32 $0x83, s16;
	v2 =	vand.u32 $0x6, v2;
	v7 =	vadd.s32 v0, v9;
	v9 =	vld [tilespmem:s12+$0x20];
	v4 =	vmul.f32 v4, v6  }
0x18f: {  	v2 =	vor.u32 v2, v7;
	v7 =	vmov s17;
	[tilespmem:s13+$0x0] =	vst v1  }
0x190: {  	v10 =	vand.u32 $0x7FFFFFB8, v7;
	v1 =	vunpack.i.u.bf16.f32 v8;
	v8 =	vunpack.i.l.bf16.f32 v8;
	[tilespmem:s13+$0x10] =	vst v4  }
0x191: {  	v7 =	vand.u32 $0x7, v7;
	v4 =	vmul.f32 v8, v5;
	v8 =	vadd.s32 v0, v10;
	v10 =	vld [tilespmem:s22+$0x10]  }
0x192: {  	v1 =	vmul.f32 v1, v5;
	v7 =	vor.u32 v7, v8  }
0x193: {  	v8 =	vunpack.i.l.bf16.f32 v9;
	[tilespmem:s30+$0xFFFFFF80] =	vst v4;
	v4 =	vld [tilespmem:s22+$0xFFFFFFC0]  }
0x194: {  	s0 =	simm.s32 $0x3940;
	[tilespmem:s30+$0xFFFFFF90] =	vst v1;
	v1 =	vld.idx.msk [tilespmem:v2+s19+$0x0], $0xffff;
	v2 =	vunpack.i.u.bf16.f32 v9;
	v8 =	vmul.f32 v8, v3  }
0x195: {  	s10 =	sadd.s32 $0x82, s16;
	v12 =	vld [tilespmem:s0+$0x0];
	v2 =	vmul.f32 v2, v3  }
0x196: {  	v11 =	vmov s10;
	v9 =	vld [tilespmem:s12+$0xFFFFFFD0];
	[tilespmem:s30+$0x40] =	vst v8;
	v13 =	vunpack.i.l.bf16.f32 v10  }
0x197: {  	v14 =	vand.u32 $0x7FFFFFB8, v11;
	[tilespmem:s30+$0x50] =	vst v2;
	v2 =	vunpack.i.u.bf16.f32 v10;
	v8 =	vld.idx.msk [tilespmem:v7+s19+$0x0], $0xffff;
	v7 =	vmul.f32 v13, v6  }
0x198: {  	v10 =	vand.u32 $0x6, v11;
	v11 =	vadd.s32 v0, v14;
	v13 =	vld [tilespmem:s12+$0x30];
	v2 =	vmul.f32 v2, v6  }
0x199: {  	v10 =	vor.u32 v10, v11;
	v14 =	vunpack.i.l.bf16.f32 v4;
	[tilespmem:s13+$0x20] =	vst v7  }
0x19a: {  	v11 =	vld [tilespmem:s0+$0xFFFFFFC0];
	v4 =	vunpack.i.u.bf16.f32 v4;
	v7 =	vmul.f32 v14, v1;
	[tilespmem:s13+$0x30] =	vst v2  }
0x19b: {  	v15 =	vunpack.i.l.bf16.f32 v12;
	v2 =	vmul.f32 v4, v1;
	v4 =	vunpack.i.u.bf16.f32 v9;
	v14 =	vld [tilespmem:s22+$0x20]  }
0x19c: {  	s11 =	sadd.s32 $0x4, s25;
	[tilespmem:s13+$0xFFFFFF80] =	vst v7;
	v7 =	vunpack.i.l.bf16.f32 v9;
	v9 =	vunpack.i.u.bf16.f32 v12;
	v12 =	vmul.f32 v15, v8  }
0x19d: {  	s9 =	sadd.s32 $0x83, s11;
	s10 =	simm.s32 $0x5A80;
	v4 =	vmul.f32 v4, v5;
	[tilespmem:s13+$0xFFFFFF90] =	vst v2;
	v15 =	vunpack.i.u.bf16.f32 v13;
	v9 =	vmul.f32 v9, v8  }
0x19e: {  	s14 =	sadd.s32 $0x82, s11;
	v16 =	vmov s9;
	v7 =	vmul.f32 v7, v5;
	v2 =	vld.idx.msk [tilespmem:v10+s19+$0x0], $0xffff;
	v10 =	vmul.f32 v15, v3;
	[tilespmem:s10+$0x0] =	vst v12  }
0x19f: {  	v15 =	vunpack.i.u.bf16.f32 v11;
	v11 =	vunpack.i.l.bf16.f32 v11;
	v12 =	vmov s14;
	[tilespmem:s10+$0x10] =	vst v9  }
0x1a0: {  	[tilespmem:s30+$0xFFFFFFA0] =	vst v7;
	v7 =	vand.u32 $0x7FFFFFB8, v16;
	v9 =	vand.u32 $0x7, v16;
	v16 =	vunpack.i.l.bf16.f32 v14;
	v17 =	vld [tilespmem:s0+$0x10]  }
0x1a1: {  	[tilespmem:s30+$0xFFFFFFB0] =	vst v4;
	v4 =	vadd.s32 v0, v7;
	v7 =	vunpack.i.u.bf16.f32 v14;
	v14 =	vmul.f32 v16, v6  }
0x1a2: {  	[tilespmem:s30+$0x70] =	vst v10;
	v10 =	vand.u32 $0x7FFFFFB8, v12;
	v16 =	vld [tilespmem:s22+$0xFFFFFFD0];
	v4 =	vor.u32 v9, v4;
	v7 =	vmul.f32 v7, v6  }
0x1a3: {  	v10 =	vadd.s32 v0, v10;
	v9 =	vmul.f32 v11, v2;
	v11 =	vand.u32 $0x6, v12;
	[tilespmem:s13+$0x40] =	vst v14  }
0x1a4: {  	s11 =	simm.s32 $0x39C0;
	v12 =	vunpack.i.l.bf16.f32 v13;
	v13 =	vld [tilespmem:s12+$0xFFFFFFE0];
	v14 =	vmul.f32 v15, v2;
	v10 =	vor.u32 v11, v10;
	[tilespmem:s13+$0x50] =	vst v7  }
0x1a5: {  	v3 =	vmul.f32 v12, v3;
	v11 =	vld [tilespmem:s11+$0x0];
	[tilespmem:s10+$0xFFFFFF80] =	vst v9;
	v9 =	vunpack.i.l.bf16.f32 v17  }
0x1a6: {  	v7 =	vld [tilespmem:s22+$0x30];
	[tilespmem:s10+$0xFFFFFF90] =	vst v14;
	v12 =	vunpack.i.u.bf16.f32 v17;
	v9 =	vmul.f32 v9, v8  }
0x1a7: {  	[tilespmem:s30+$0x60] =	vst v3;
	v14 =	vunpack.i.l.bf16.f32 v16;
	v4 =	vld.idx.msk [tilespmem:v4+s19+$0x0], $0xffff;
	v12 =	vmul.f32 v12, v8  }
0x1a8: {  	s15 =	sadd.s32 $0x6, s25;
	v15 =	vld [tilespmem:s11+$0xFFFFFFC0];
	v3 =	vunpack.i.u.bf16.f32 v16;
	v14 =	vmul.f32 v14, v1;
	[tilespmem:s10+$0x20] =	vst v9  }
0x1a9: {  	s17 =	sadd.s32 $0x83, s15;
	v16 =	vunpack.i.u.bf16.f32 v13;
	v13 =	vunpack.i.l.bf16.f32 v13;
	v9 =	vmul.f32 v3, v1;
	v3 =	vld.idx.msk [tilespmem:v10+s19+$0x0], $0xffff;
	[tilespmem:s10+$0x30] =	vst v12  }
0x1aa: {  	s16 =	sadd.s32 $0x82, s15;
	v17 =	vmov s17;
	v12 =	vmul.f32 v13, v5;
	[tilespmem:s13+$0xFFFFFFA0] =	vst v14;
	v13 =	vld [tilespmem:s0+$0x20]  }
0x1ab: {  	v10 =	vmul.f32 v16, v5;
	v16 =	vmov s16;
	v14 =	vunpack.i.l.bf16.f32 v11;
	[tilespmem:s13+$0xFFFFFFB0] =	vst v9  }
0x1ac: {  	v11 =	vunpack.i.u.bf16.f32 v11;
	v9 =	vunpack.i.u.bf16.f32 v7;
	[tilespmem:s30+$0xFFFFFFC0] =	vst v12;
	v12 =	vmul.f32 v14, v4  }
0x1ad: {  	s9 =	simm.s32 $0x5B80;
	v7 =	vunpack.i.l.bf16.f32 v7;
	[tilespmem:s30+$0xFFFFFFD0] =	vst v10;
	v14 =	vunpack.i.l.bf16.f32 v15;
	v11 =	vmul.f32 v11, v4  }
0x1ae: {  	v10 =	vunpack.i.u.bf16.f32 v15;
	v9 =	vmul.f32 v9, v6;
	v15 =	vld [tilespmem:s0+$0xFFFFFFD0];
	v14 =	vmul.f32 v14, v3;
	[tilespmem:s9+$0x0] =	vst v12  }
0x1af: {  	v12 =	vand.u32 $0x7FFFFFB8, v17;
	v17 =	vand.u32 $0x7, v17;
	[tilespmem:s9+$0x10] =	vst v11;
	v11 =	vunpack.i.l.bf16.f32 v13  }
0x1b0: {  	[tilespmem:s13+$0x70] =	vst v9;
	v9 =	vadd.s32 v0, v12;
	v12 =	vld [tilespmem:s11+$0x10];
	v13 =	vunpack.i.u.bf16.f32 v13;
	v11 =	vmul.f32 v11, v8  }
0x1b1: {  	[tilespmem:s9+$0xFFFFFF80] =	vst v14;
	v14 =	vand.u32 $0x7FFFFFB8, v16;
	v9 =	vor.u32 v17, v9;
	v13 =	vmul.f32 v13, v8;
	v17 =	vld [tilespmem:s22+$0xFFFFFFE0]  }
0x1b2: {  	v10 =	vmul.f32 v10, v3;
	v16 =	vand.u32 $0x6, v16;
	v14 =	vadd.s32 v0, v14;
	[tilespmem:s10+$0x40] =	vst v11  }
0x1b3: {  	v6 =	vmul.f32 v7, v6;
	v18 =	vld [tilespmem:s12+$0xFFFFFFF0];
	v7 =	vunpack.i.l.bf16.f32 v15;
	v14 =	vor.u32 v16, v14;
	[tilespmem:s10+$0x50] =	vst v13  }
0x1b4: {  	s12 =	simm.s32 $0x3A40;
	[tilespmem:s9+$0xFFFFFF90] =	vst v10;
	v11 =	vunpack.i.u.bf16.f32 v15;
	v10 =	vmul.f32 v7, v2;
	v15 =	vld [tilespmem:s0+$0x30]  }
0x1b5: {  	[tilespmem:s13+$0x60] =	vst v6;
	v16 =	vmul.f32 v11, v2;
	v11 =	vld [tilespmem:s12+$0x0];
	v13 =	vunpack.i.l.bf16.f32 v12  }
0x1b6: {  	v6 =	vunpack.i.u.bf16.f32 v12;
	[tilespmem:s10+$0xFFFFFFA0] =	vst v10;
	v7 =	vld.idx.msk [tilespmem:v9+s19+$0x0], $0xffff;
	v9 =	vmul.f32 v13, v4;
	v10 =	vunpack.i.l.bf16.f32 v17  }
0x1b7: {  	v13 =	vld [tilespmem:s12+$0xFFFFFFC0];
	v12 =	vmul.f32 v6, v4;
	[tilespmem:s10+$0xFFFFFFB0] =	vst v16;
	v16 =	vunpack.i.u.bf16.f32 v17;
	v17 =	vmul.f32 v10, v1  }
0x1b8: {  	v10 =	vunpack.i.l.bf16.f32 v18;
	v19 =	vmul.f32 v16, v1;
	v16 =	vunpack.i.u.bf16.f32 v18;
	v6 =	vld.idx.msk [tilespmem:v14+s19+$0x0], $0xffff;
	[tilespmem:s9+$0x20] =	vst v9  }
0x1b9: {  	v14 =	vmul.f32 v10, v5;
	v9 =	vld [tilespmem:s11+$0xFFFFFFD0];
	[tilespmem:s9+$0x30] =	vst v12;
	v10 =	vmul.f32 v16, v5;
	v16 =	vunpack.i.u.bf16.f32 v15  }
0x1ba: {  	v5 =	vunpack.i.l.bf16.f32 v15;
	v12 =	vld [tilespmem:s11+$0x20];
	[tilespmem:s13+$0xFFFFFFC0] =	vst v17;
	v15 =	vmul.f32 v16, v8  }
0x1bb: {  	s15 =	simm.s32 $0x5B80;
	s14 =	sor.u32 $0x2, s6;
	s16 =	simm.s32 $0x8;
	[tilespmem:s13+$0xFFFFFFD0] =	vst v19;
	v5 =	vmul.f32 v5, v8;
	v16 =	vunpack.i.l.bf16.f32 v11;
	v8 =	vld [tilespmem:s0+$0xFFFFFFE0]  }
.LBB2_14:
0x1bc: {  	s17 =	sadd.s32 s16, s25;
	v17 =	vunpack.i.u.bf16.f32 v13;
	v11 =	vunpack.i.u.bf16.f32 v11;
	v19 =	vmul.f32 v16, v7;
	[tilespmem:s10+$0x70] =	vst v15;
	v15 =	vld [tilespmem:s22+$0xFFFFFFF0];
	v18 =	vmovc v7;
	s22 =	smov.u32 s0;
	s0 =	smov.u32 s11  }
0x1bd: {  	v7 =	vunpack.i.l.bf16.f32 v13;
	s9 =	sadd.s32 $0x100, s9;
	s11 =	sadd.s32 $0x82, s17;
	s17 =	sadd.s32 $0x83, s17;
	v11 =	vmul.f32 v11, v18;
	[tilespmem:s30+$0xFFFFFFE0] =	vst v14  }
0x1be: {  	v7 =	vmul.f32 v7, v6;
	v16 =	vmovc v6;
	v13 =	vmov s11;
	v14 =	vmov s17;
	[tilespmem:s9+$0x0] =	vst v19;
	s11 =	smov.u32 s12  }
0x1bf: {  	s16 =	sadd.s32 $0x2, s16;
	v6 =	vand.u32 $0x7FFFFFB8, v14;
	v14 =	vand.u32 $0x7, v14;
	[tilespmem:s9+$0x10] =	vst v11;
	v11 =	vunpack.i.l.bf16.f32 v12  }
0x1c0: {  	p3 =	slt.u32 s16, $0x3E;
	v6 =	vadd.s32 v0, v6;
	[tilespmem:s9+$0xFFFFFF80] =	vst v7;
	v19 =	vld [tilespmem:s12+$0x10];
	v7 =	vunpack.i.u.bf16.f32 v12;
	v11 =	vmul.f32 v11, v4  }
0x1c1: {  	v12 =	vand.u32 $0x7FFFFFB8, v13;
	v6 =	vor.u32 v14, v6;
	v7 =	vmul.f32 v7, v4;
	[tilespmem:s30+$0xFFFFFFF0] =	vst v10;
	s30 =	smov.u32 s13;
	s13 =	smov.u32 s10;
	s10 =	smov.u32 s15  }
0x1c2: {  	v10 =	vand.u32 $0x6, v13;
	v12 =	vadd.s32 v0, v12;
	v13 =	vmul.f32 v17, v16;
	s15 =	smov.u32 s9;
	[tilespmem:s10+$0x40] =	vst v11  }
0x1c3: {  	v10 =	vor.u32 v10, v12;
	v11 =	vunpack.i.u.bf16.f32 v9;
	v9 =	vunpack.i.l.bf16.f32 v9;
	[tilespmem:s10+$0x50] =	vst v7  }
0x1c4: {  	s12 =	sadd.s32 $0x80, s12;
	v9 =	vmul.f32 v9, v3;
	v12 =	vmul.f32 v11, v3;
	v7 =	vunpack.i.u.bf16.f32 v8;
	[tilespmem:s9+$0xFFFFFF90] =	vst v13;
	v17 =	vld [tilespmem:s0+$0x30]  }
0x1c5: {  	v8 =	vunpack.i.l.bf16.f32 v8;
	v20 =	vmul.f32 v7, v2;
	v11 =	vld [tilespmem:s12+$0x0];
	v13 =	vunpack.i.l.bf16.f32 v19;
	[tilespmem:s13+$0x60] =	vst v5  }
0x1c6: {  	v8 =	vmul.f32 v8, v2;
	v5 =	vunpack.i.u.bf16.f32 v19;
	v7 =	vld.idx.msk [tilespmem:v6+s19+$0x0], $0xffff;
	v14 =	vmul.f32 v13, v18;
	[tilespmem:s10+$0xFFFFFFA0] =	vst v9  }
.Ltmp10:
0x1c7: {  	v5 =	vmul.f32 v5, v18;
	v9 =	vunpack.i.u.bf16.f32 v15;
	v13 =	vld [tilespmem:s12+$0xFFFFFFC0];
	[tilespmem:s10+$0xFFFFFFB0] =	vst v12;
	v12 =	vunpack.i.l.bf16.f32 v15;
	(pc) =	sbr.rel @p3 .LBB2_14-.Ltmp10, $4  }
0x1c8: {  	v6 =	vld.idx.msk [tilespmem:v10+s19+$0x0], $0xffff;
	[tilespmem:s9+$0x20] =	vst v14;
	v14 =	vmul.f32 v12, v1;
	v10 =	vmul.f32 v9, v1;
	v1 =	vmov v2  }
0x1c9: {  	v2 =	vmovc v3;
	v3 =	vmov v16;
	v9 =	vld [tilespmem:s11+$0xFFFFFFD0];
	[tilespmem:s9+$0x30] =	vst v5;
	v15 =	vunpack.i.u.bf16.f32 v17;
	v5 =	vunpack.i.l.bf16.f32 v17  }
0x1ca: {  	v12 =	vld [tilespmem:s11+$0x20];
	v5 =	vmul.f32 v5, v4;
	v15 =	vmul.f32 v15, v4;
	[tilespmem:s13+$0xFFFFFFC0] =	vst v8;
	v4 =	vmov v18  }
0x1cb: {  	v16 =	vunpack.i.l.bf16.f32 v11;
	v8 =	vld [tilespmem:s0+$0xFFFFFFE0];
	[tilespmem:s13+$0xFFFFFFD0] =	vst v20  }
0x1cc: {  	v11 =	vunpack.i.u.bf16.f32 v11;
	v16 =	vmul.f32 v16, v7  }
0x1cd: {  	s9 =	sadd.s32 $0x100, s9;
	v11 =	vmul.f32 v11, v7  }
0x1ce: {  	[tilespmem:s9+$0x0] =	vst v16  }
0x1cf: {  	[tilespmem:s9+$0x10] =	vst v11  }
0x1d0: {  	v11 =	vld [tilespmem:s12+$0x10]  }
0x1d1: {  	v16 =	vunpack.i.l.bf16.f32 v13  }
0x1d2: {  	[tilespmem:s10+$0x70] =	vst v15;
	v13 =	vunpack.i.u.bf16.f32 v13;
	v15 =	vmul.f32 v16, v6  }
0x1d3: {  	[tilespmem:s30+$0xFFFFFFE0] =	vst v14;
	v13 =	vmul.f32 v13, v6  }
0x1d4: {  	[tilespmem:s9+$0xFFFFFF80] =	vst v15  }
0x1d5: {  	[tilespmem:s9+$0xFFFFFF90] =	vst v13;
	v13 =	vunpack.i.l.bf16.f32 v11  }
0x1d6: {  	[tilespmem:s30+$0xFFFFFFF0] =	vst v10;
	v10 =	vunpack.i.u.bf16.f32 v11;
	v11 =	vmul.f32 v13, v7;
	v13 =	vld [tilespmem:s12+$0xFFFFFFD0]  }
0x1d7: {  	[tilespmem:s10+$0x60] =	vst v5;
	v14 =	vunpack.i.l.bf16.f32 v12;
	v10 =	vmul.f32 v10, v7  }
0x1d8: {  	v12 =	vunpack.i.u.bf16.f32 v12;
	v14 =	vmul.f32 v14, v4;
	[tilespmem:s9+$0x20] =	vst v11  }
0x1d9: {  	v12 =	vmul.f32 v12, v4;
	v11 =	vunpack.i.l.bf16.f32 v9;
	[tilespmem:s9+$0x30] =	vst v10  }
0x1da: {  	[tilespmem:s15+$0x40] =	vst v14;
	v9 =	vunpack.i.u.bf16.f32 v9;
	v10 =	vmul.f32 v11, v3;
	v11 =	vld [tilespmem:s12+$0x20]  }
0x1db: {  	[tilespmem:s15+$0x50] =	vst v12;
	v9 =	vmul.f32 v9, v3;
	v5 =	vunpack.i.l.bf16.f32 v13  }
0x1dc: {  	v12 =	vld [tilespmem:s11+$0x30];
	[tilespmem:s15+$0xFFFFFFA0] =	vst v10;
	v10 =	vunpack.i.u.bf16.f32 v13;
	v5 =	vmul.f32 v5, v6  }
0x1dd: {  	v14 =	vunpack.i.l.bf16.f32 v8;
	v13 =	vld [tilespmem:s22+$0xFFFFFFF0];
	[tilespmem:s15+$0xFFFFFFB0] =	vst v9;
	v9 =	vmul.f32 v10, v6  }
0x1de: {  	v8 =	vunpack.i.u.bf16.f32 v8;
	v10 =	vmul.f32 v14, v2;
	v14 =	vld [tilespmem:s11+$0xFFFFFFE0];
	[tilespmem:s9+$0xFFFFFFA0] =	vst v5  }
0x1df: {  	v5 =	vmul.f32 v8, v2;
	v8 =	vunpack.i.l.bf16.f32 v11;
	[tilespmem:s9+$0xFFFFFFB0] =	vst v9  }
0x1e0: {  	[tilespmem:s10+$0xFFFFFFC0] =	vst v10;
	v9 =	vunpack.i.u.bf16.f32 v11;
	v8 =	vmul.f32 v8, v7;
	v10 =	vld [tilespmem:s12+$0xFFFFFFE0]  }
0x1e1: {  	v11 =	vunpack.i.u.bf16.f32 v12;
	[tilespmem:s10+$0xFFFFFFD0] =	vst v5;
	v5 =	vmul.f32 v9, v7  }
0x1e2: {  	v11 =	vmul.f32 v11, v4;
	v9 =	vunpack.i.l.bf16.f32 v13;
	[tilespmem:s9+$0x40] =	vst v8  }
0x1e3: {  	v8 =	vmul.f32 v9, v1;
	[tilespmem:s9+$0x50] =	vst v5;
	v5 =	vunpack.i.l.bf16.f32 v14  }
0x1e4: {  	[tilespmem:s15+$0x70] =	vst v11;
	v11 =	vunpack.i.u.bf16.f32 v14;
	v9 =	vld [tilespmem:s12+$0x30];
	v5 =	vmul.f32 v5, v3  }
0x1e5: {  	v14 =	vld [tilespmem:s0+$0xFFFFFFF0];
	[tilespmem:s13+$0xFFFFFFE0] =	vst v8;
	v8 =	vmul.f32 v11, v3;
	v11 =	vunpack.i.l.bf16.f32 v10  }
0x1e6: {  	[tilespmem:s15+$0xFFFFFFC0] =	vst v5;
	v5 =	vunpack.i.u.bf16.f32 v10;
	v10 =	vmul.f32 v11, v6  }
0x1e7: {  	v11 =	vunpack.i.u.bf16.f32 v13;
	[tilespmem:s15+$0xFFFFFFD0] =	vst v8;
	v5 =	vmul.f32 v5, v6  }
0x1e8: {  	v8 =	vunpack.i.l.bf16.f32 v12;
	v1 =	vmul.f32 v11, v1;
	v11 =	vld [tilespmem:s11+$0xFFFFFFF0];
	[tilespmem:s9+$0xFFFFFFC0] =	vst v10  }
0x1e9: {  	v4 =	vmul.f32 v8, v4;
	v8 =	vunpack.i.u.bf16.f32 v9;
	[tilespmem:s9+$0xFFFFFFD0] =	vst v5  }
0x1ea: {  	[tilespmem:s13+$0xFFFFFFF0] =	vst v1;
	v1 =	vunpack.i.l.bf16.f32 v14;
	v5 =	vmul.f32 v8, v7;
	v8 =	vld [tilespmem:s12+$0xFFFFFFF0]  }
0x1eb: {  	[tilespmem:s15+$0x60] =	vst v4;
	v4 =	vunpack.i.u.bf16.f32 v14;
	v1 =	vmul.f32 v1, v2  }
0x1ec: {  	v2 =	vmul.f32 v4, v2;
	v4 =	vunpack.i.l.bf16.f32 v9;
	[tilespmem:s9+$0x70] =	vst v5  }
0x1ed: {  	v4 =	vmul.f32 v4, v7;
	[tilespmem:s10+$0xFFFFFFE0] =	vst v1;
	v1 =	vunpack.i.l.bf16.f32 v11  }
0x1ee: {  	[tilespmem:s10+$0xFFFFFFF0] =	vst v2;
	v2 =	vunpack.i.u.bf16.f32 v11;
	v1 =	vmul.f32 v1, v3  }
0x1ef: {  	[tilespmem:s9+$0x60] =	vst v4;
	v2 =	vmul.f32 v2, v3;
	v3 =	vunpack.i.l.bf16.f32 v8  }
0x1f0: {  	[tilespmem:s15+$0xFFFFFFE0] =	vst v1;
	v1 =	vunpack.i.u.bf16.f32 v8;
	v3 =	vmul.f32 v3, v6  }
0x1f1: {  	s13 =	sshll.u32 s14, $0x6;
	[tilespmem:s15+$0xFFFFFFF0] =	vst v2;
	v1 =	vmul.f32 v1, v6  }
0x1f2: {  	s17 =	simm.s32 $0x5800;
	s0 =	sand.u32 $0x3FFFFFC0, s13;
	[tilespmem:s9+$0xFFFFFFE0] =	vst v3  }
0x1f3: {  	s14 =	sadd.s32 $0xFFFFFFFE, s25;
	s0 =	sadd.s32 s0, s3;
	s10 =	simm.s32 @!p2 $0x3800;
	[tilespmem:s9+$0xFFFFFFF0] =	vst v1  }
0x1f4: {  	[spmem:s2] =	stream.indirect.scatter.add.f32 [tilespmem:s17], [sflag:$0x5], $0x80, s0, s21, $0xb8;
	[tilespmem:$0x1D800] =	vst v63  }
0x1f5: {  	s15 =	sadd.s32 $0xC3, s14;
	s9 =	simm.s32 @!p2 $0x40;
	s0 =	sadd.s32 @!p2 $0x180, s7  }
0x1f6: {  	[tilespmem:s10], [sflag:$0x3] =	stream.indirect.gather @!p2 [hbm4b:s4+s9], $0x40, s0, s9, $0xb8;
	[tilespmem:$0x1D800] =	vst v63  }
0x1f7: {  	s12 =	rddreg [dreg:$0x16];
	s9 =	simm.s32 @p1 $0x40;
	s10 =	simm.s32 @p1 $0x3800  }
0x1f8: {  	v1 =	vmov s15;
	[tilespmem:s10], [sflag:$0x3] =	stream.indirect.gather @p1 [hbm4b:s4+s9], $0x40, s12, s9, $0xb8;
	[tilespmem:$0x1D800] =	vst v63  }
0x1f9: {  	v2 =	vand.u32 $0x7FFFFFF8, v1;
	_ =	swait.ge [sflag:s23], $0x1000  }
0x1fa: {  	v1 =	vand.u32 $0x7, v1;
	v2 =	vadd.s32 v0, v2;
	[sflag:s23] =	ssyncset.done $0x0  }
0x1fb: {  	v1 =	vor.u32 v1, v2;
	[sflag:s23] =	ssyncadd.s32 $0xFFFFF000  }
0x1fc: {  	_ =	swait.ge [sflag:s24], $0x2000  }
0x1fd: {  	[sflag:s24] =	ssyncset.done $0x0  }
0x1fe: {  	s12 =	simm.s32 $0x4840;
	[sflag:s24] =	ssyncadd.s32 $0xFFFFE000  }
0x1ff: {  	v2 =	vld [tilespmem:s12+$0x0]  }
0x200: {  	v3 =	vld.idx.msk [tilespmem:v1+s19+$0x0], $0xffff;
	_ =	sdelay $0x2  }
0x201: {  	s16 =	sadd.s32 $0x0, s25  }
0x202: {  	s22 =	sadd.s32 $0xC3, s16;
	v1 =	vunpack.i.l.bf16.f32 v2  }
0x203: {  	v4 =	vmov s22;
	v2 =	vunpack.i.u.bf16.f32 v2;
	v1 =	vmul.f32 v1, v3  }
0x204: {  	s30 =	simm.s32 $0x7880;
	v5 =	vand.u32 $0x7FFFFFF8, v4;
	v2 =	vmul.f32 v2, v3  }
0x205: {  	[tilespmem:s30+$0x0] =	vst v1;
	v1 =	vand.u32 $0x7, v4;
	v4 =	vadd.s32 v0, v5  }
0x206: {  	s0 =	sadd.s32 $0xC2, s14;
	[tilespmem:s30+$0x10] =	vst v2;
	v1 =	vor.u32 v1, v4  }
0x207: {  	v2 =	vmov s0;
	v4 =	vld [tilespmem:s12+$0x10]  }
0x208: {  	v5 =	vand.u32 $0x7FFFFFF8, v2  }
0x209: {  	s22 =	simm.s32 $0x48C0;
	v2 =	vand.u32 $0x6, v2;
	v5 =	vadd.s32 v0, v5  }
0x20a: {  	v7 =	vld [tilespmem:s22+$0x0];
	v2 =	vor.u32 v2, v5  }
0x20b: {  	v6 =	vld.idx.msk [tilespmem:v1+s19+$0x0], $0xffff  }
0x20c: {  	v1 =	vunpack.i.l.bf16.f32 v4  }
0x20d: {  	v4 =	vunpack.i.u.bf16.f32 v4;
	v1 =	vmul.f32 v1, v3  }
0x20e: {  	s9 =	sadd.s32 $0xC2, s16;
	v8 =	vld [tilespmem:s12+$0xFFFFFFC0];
	v4 =	vmul.f32 v4, v3  }
0x20f: {  	v5 =	vld.idx.msk [tilespmem:v2+s19+$0x0], $0xffff;
	v2 =	vmov s9;
	[tilespmem:s30+$0x20] =	vst v1;
	v1 =	vunpack.i.l.bf16.f32 v7  }
0x210: {  	s10 =	sadd.s32 $0x2, s25;
	v9 =	vand.u32 $0x7FFFFFF8, v2;
	[tilespmem:s30+$0x30] =	vst v4;
	v4 =	vunpack.i.u.bf16.f32 v7;
	v1 =	vmul.f32 v1, v6  }
0x211: {  	s13 =	simm.s32 $0x7980;
	s11 =	sadd.s32 $0xC3, s10;
	v2 =	vand.u32 $0x6, v2;
	v7 =	vadd.s32 v0, v9;
	v9 =	vld [tilespmem:s12+$0x20];
	v4 =	vmul.f32 v4, v6  }
0x212: {  	v2 =	vor.u32 v2, v7;
	v7 =	vmov s11;
	[tilespmem:s13+$0x0] =	vst v1  }
0x213: {  	v10 =	vand.u32 $0x7FFFFFF8, v7;
	v1 =	vunpack.i.u.bf16.f32 v8;
	v8 =	vunpack.i.l.bf16.f32 v8;
	[tilespmem:s13+$0x10] =	vst v4  }
0x214: {  	v7 =	vand.u32 $0x7, v7;
	v4 =	vmul.f32 v8, v5;
	v8 =	vadd.s32 v0, v10;
	v10 =	vld [tilespmem:s22+$0x10]  }
0x215: {  	v1 =	vmul.f32 v1, v5;
	v7 =	vor.u32 v7, v8  }
0x216: {  	v8 =	vunpack.i.l.bf16.f32 v9;
	[tilespmem:s30+$0xFFFFFF80] =	vst v4;
	v4 =	vld [tilespmem:s22+$0xFFFFFFC0]  }
0x217: {  	s0 =	simm.s32 $0x4940;
	[tilespmem:s30+$0xFFFFFF90] =	vst v1;
	v1 =	vld.idx.msk [tilespmem:v2+s19+$0x0], $0xffff;
	v2 =	vunpack.i.u.bf16.f32 v9;
	v8 =	vmul.f32 v8, v3  }
0x218: {  	s14 =	sadd.s32 $0xC2, s10;
	v12 =	vld [tilespmem:s0+$0x0];
	v2 =	vmul.f32 v2, v3  }
0x219: {  	v11 =	vmov s14;
	v9 =	vld [tilespmem:s12+$0xFFFFFFD0];
	[tilespmem:s30+$0x40] =	vst v8;
	v13 =	vunpack.i.l.bf16.f32 v10  }
0x21a: {  	v14 =	vand.u32 $0x7FFFFFF8, v11;
	[tilespmem:s30+$0x50] =	vst v2;
	v2 =	vunpack.i.u.bf16.f32 v10;
	v8 =	vld.idx.msk [tilespmem:v7+s19+$0x0], $0xffff;
	v7 =	vmul.f32 v13, v6  }
0x21b: {  	v10 =	vand.u32 $0x6, v11;
	v11 =	vadd.s32 v0, v14;
	v13 =	vld [tilespmem:s12+$0x30];
	v2 =	vmul.f32 v2, v6  }
0x21c: {  	v10 =	vor.u32 v10, v11;
	v14 =	vunpack.i.l.bf16.f32 v4;
	[tilespmem:s13+$0x20] =	vst v7  }
0x21d: {  	v11 =	vld [tilespmem:s0+$0xFFFFFFC0];
	v4 =	vunpack.i.u.bf16.f32 v4;
	v7 =	vmul.f32 v14, v1;
	[tilespmem:s13+$0x30] =	vst v2  }
0x21e: {  	v15 =	vunpack.i.l.bf16.f32 v12;
	v2 =	vmul.f32 v4, v1;
	v4 =	vunpack.i.u.bf16.f32 v9;
	v14 =	vld [tilespmem:s22+$0x20]  }
0x21f: {  	s15 =	sadd.s32 $0x4, s25;
	[tilespmem:s13+$0xFFFFFF80] =	vst v7;
	v7 =	vunpack.i.l.bf16.f32 v9;
	v9 =	vunpack.i.u.bf16.f32 v12;
	v12 =	vmul.f32 v15, v8  }
0x220: {  	s10 =	simm.s32 $0x7A80;
	s9 =	sadd.s32 $0xC3, s15;
	v4 =	vmul.f32 v4, v5;
	[tilespmem:s13+$0xFFFFFF90] =	vst v2;
	v15 =	vunpack.i.u.bf16.f32 v13;
	v9 =	vmul.f32 v9, v8  }
0x221: {  	s16 =	sadd.s32 $0xC2, s15;
	v16 =	vmov s9;
	v7 =	vmul.f32 v7, v5;
	v2 =	vld.idx.msk [tilespmem:v10+s19+$0x0], $0xffff;
	v10 =	vmul.f32 v15, v3;
	[tilespmem:s10+$0x0] =	vst v12  }
0x222: {  	v15 =	vunpack.i.u.bf16.f32 v11;
	v11 =	vunpack.i.l.bf16.f32 v11;
	v12 =	vmov s16;
	[tilespmem:s10+$0x10] =	vst v9  }
0x223: {  	[tilespmem:s30+$0xFFFFFFA0] =	vst v7;
	v7 =	vand.u32 $0x7FFFFFF8, v16;
	v9 =	vand.u32 $0x7, v16;
	v16 =	vunpack.i.l.bf16.f32 v14;
	v17 =	vld [tilespmem:s0+$0x10]  }
0x224: {  	[tilespmem:s30+$0xFFFFFFB0] =	vst v4;
	v4 =	vadd.s32 v0, v7;
	v7 =	vunpack.i.u.bf16.f32 v14;
	v14 =	vmul.f32 v16, v6  }
0x225: {  	[tilespmem:s30+$0x70] =	vst v10;
	v10 =	vand.u32 $0x7FFFFFF8, v12;
	v16 =	vld [tilespmem:s22+$0xFFFFFFD0];
	v4 =	vor.u32 v9, v4;
	v7 =	vmul.f32 v7, v6  }
0x226: {  	v10 =	vadd.s32 v0, v10;
	v9 =	vmul.f32 v11, v2;
	v11 =	vand.u32 $0x6, v12;
	[tilespmem:s13+$0x40] =	vst v14  }
0x227: {  	s11 =	simm.s32 $0x49C0;
	v12 =	vunpack.i.l.bf16.f32 v13;
	v13 =	vld [tilespmem:s12+$0xFFFFFFE0];
	v14 =	vmul.f32 v15, v2;
	v10 =	vor.u32 v11, v10;
	[tilespmem:s13+$0x50] =	vst v7  }
0x228: {  	v3 =	vmul.f32 v12, v3;
	v11 =	vld [tilespmem:s11+$0x0];
	[tilespmem:s10+$0xFFFFFF80] =	vst v9;
	v9 =	vunpack.i.l.bf16.f32 v17  }
0x229: {  	v7 =	vld [tilespmem:s22+$0x30];
	[tilespmem:s10+$0xFFFFFF90] =	vst v14;
	v12 =	vunpack.i.u.bf16.f32 v17;
	v9 =	vmul.f32 v9, v8  }
0x22a: {  	[tilespmem:s30+$0x60] =	vst v3;
	v14 =	vunpack.i.l.bf16.f32 v16;
	v4 =	vld.idx.msk [tilespmem:v4+s19+$0x0], $0xffff;
	v12 =	vmul.f32 v12, v8  }
0x22b: {  	s14 =	sadd.s32 $0x6, s25;
	v15 =	vld [tilespmem:s11+$0xFFFFFFC0];
	v3 =	vunpack.i.u.bf16.f32 v16;
	v14 =	vmul.f32 v14, v1;
	[tilespmem:s10+$0x20] =	vst v9  }
0x22c: {  	s16 =	sadd.s32 $0xC3, s14;
	v16 =	vunpack.i.u.bf16.f32 v13;
	v13 =	vunpack.i.l.bf16.f32 v13;
	v9 =	vmul.f32 v3, v1;
	v3 =	vld.idx.msk [tilespmem:v10+s19+$0x0], $0xffff;
	[tilespmem:s10+$0x30] =	vst v12  }
0x22d: {  	s15 =	sadd.s32 $0xC2, s14;
	v17 =	vmov s16;
	v12 =	vmul.f32 v13, v5;
	[tilespmem:s13+$0xFFFFFFA0] =	vst v14;
	v13 =	vld [tilespmem:s0+$0x20]  }
0x22e: {  	v10 =	vmul.f32 v16, v5;
	v16 =	vmov s15;
	v14 =	vunpack.i.l.bf16.f32 v11;
	[tilespmem:s13+$0xFFFFFFB0] =	vst v9  }
0x22f: {  	v11 =	vunpack.i.u.bf16.f32 v11;
	v9 =	vunpack.i.u.bf16.f32 v7;
	[tilespmem:s30+$0xFFFFFFC0] =	vst v12;
	v12 =	vmul.f32 v14, v4  }
0x230: {  	s9 =	simm.s32 $0x7B80;
	v7 =	vunpack.i.l.bf16.f32 v7;
	[tilespmem:s30+$0xFFFFFFD0] =	vst v10;
	v14 =	vunpack.i.l.bf16.f32 v15;
	v11 =	vmul.f32 v11, v4  }
0x231: {  	v10 =	vunpack.i.u.bf16.f32 v15;
	v9 =	vmul.f32 v9, v6;
	v15 =	vld [tilespmem:s0+$0xFFFFFFD0];
	v14 =	vmul.f32 v14, v3;
	[tilespmem:s9+$0x0] =	vst v12  }
0x232: {  	v12 =	vand.u32 $0x7FFFFFF8, v17;
	v17 =	vand.u32 $0x7, v17;
	[tilespmem:s9+$0x10] =	vst v11;
	v11 =	vunpack.i.l.bf16.f32 v13  }
0x233: {  	[tilespmem:s13+$0x70] =	vst v9;
	v9 =	vadd.s32 v0, v12;
	v12 =	vld [tilespmem:s11+$0x10];
	v13 =	vunpack.i.u.bf16.f32 v13;
	v11 =	vmul.f32 v11, v8  }
0x234: {  	[tilespmem:s9+$0xFFFFFF80] =	vst v14;
	v14 =	vand.u32 $0x7FFFFFF8, v16;
	v9 =	vor.u32 v17, v9;
	v13 =	vmul.f32 v13, v8;
	v17 =	vld [tilespmem:s22+$0xFFFFFFE0]  }
0x235: {  	v10 =	vmul.f32 v10, v3;
	v16 =	vand.u32 $0x6, v16;
	v14 =	vadd.s32 v0, v14;
	[tilespmem:s10+$0x40] =	vst v11  }
0x236: {  	v6 =	vmul.f32 v7, v6;
	v18 =	vld [tilespmem:s12+$0xFFFFFFF0];
	v7 =	vunpack.i.l.bf16.f32 v15;
	v14 =	vor.u32 v16, v14;
	[tilespmem:s10+$0x50] =	vst v13  }
0x237: {  	s12 =	simm.s32 $0x4A40;
	[tilespmem:s9+$0xFFFFFF90] =	vst v10;
	v11 =	vunpack.i.u.bf16.f32 v15;
	v10 =	vmul.f32 v7, v2;
	v15 =	vld [tilespmem:s0+$0x30]  }
0x238: {  	[tilespmem:s13+$0x60] =	vst v6;
	v16 =	vmul.f32 v11, v2;
	v11 =	vld [tilespmem:s12+$0x0];
	v13 =	vunpack.i.l.bf16.f32 v12  }
0x239: {  	v6 =	vunpack.i.u.bf16.f32 v12;
	[tilespmem:s10+$0xFFFFFFA0] =	vst v10;
	v7 =	vld.idx.msk [tilespmem:v9+s19+$0x0], $0xffff;
	v9 =	vmul.f32 v13, v4;
	v10 =	vunpack.i.l.bf16.f32 v17  }
0x23a: {  	v13 =	vld [tilespmem:s12+$0xFFFFFFC0];
	v12 =	vmul.f32 v6, v4;
	[tilespmem:s10+$0xFFFFFFB0] =	vst v16;
	v16 =	vunpack.i.u.bf16.f32 v17;
	v17 =	vmul.f32 v10, v1  }
0x23b: {  	v10 =	vunpack.i.l.bf16.f32 v18;
	v19 =	vmul.f32 v16, v1;
	v16 =	vunpack.i.u.bf16.f32 v18;
	v6 =	vld.idx.msk [tilespmem:v14+s19+$0x0], $0xffff;
	[tilespmem:s9+$0x20] =	vst v9  }
0x23c: {  	v14 =	vmul.f32 v10, v5;
	v9 =	vld [tilespmem:s11+$0xFFFFFFD0];
	[tilespmem:s9+$0x30] =	vst v12;
	v10 =	vmul.f32 v16, v5;
	v16 =	vunpack.i.u.bf16.f32 v15  }
0x23d: {  	v5 =	vunpack.i.l.bf16.f32 v15;
	v12 =	vld [tilespmem:s11+$0x20];
	[tilespmem:s13+$0xFFFFFFC0] =	vst v17;
	v15 =	vmul.f32 v16, v8  }
0x23e: {  	s6 =	sor.u32 $0x3, s6;
	s14 =	simm.s32 $0x7B80;
	s15 =	simm.s32 $0x8;
	[tilespmem:s13+$0xFFFFFFD0] =	vst v19;
	v5 =	vmul.f32 v5, v8;
	v16 =	vunpack.i.l.bf16.f32 v11;
	v8 =	vld [tilespmem:s0+$0xFFFFFFE0]  }
.LBB2_16:
0x23f: {  	s16 =	sadd.s32 s15, s25;
	v17 =	vunpack.i.u.bf16.f32 v13;
	v11 =	vunpack.i.u.bf16.f32 v11;
	v19 =	vmul.f32 v16, v7;
	[tilespmem:s10+$0x70] =	vst v15;
	v15 =	vld [tilespmem:s22+$0xFFFFFFF0];
	v18 =	vmovc v7;
	s22 =	smov.u32 s0;
	s0 =	smov.u32 s11  }
0x240: {  	v7 =	vunpack.i.l.bf16.f32 v13;
	s9 =	sadd.s32 $0x100, s9;
	s11 =	sadd.s32 $0xC2, s16;
	s16 =	sadd.s32 $0xC3, s16;
	v11 =	vmul.f32 v11, v18;
	[tilespmem:s30+$0xFFFFFFE0] =	vst v14  }
0x241: {  	v7 =	vmul.f32 v7, v6;
	v16 =	vmovc v6;
	v13 =	vmov s11;
	v14 =	vmov s16;
	[tilespmem:s9+$0x0] =	vst v19;
	s11 =	smov.u32 s12  }
0x242: {  	s15 =	sadd.s32 $0x2, s15;
	v6 =	vand.u32 $0x7FFFFFF8, v14;
	v14 =	vand.u32 $0x7, v14;
	[tilespmem:s9+$0x10] =	vst v11;
	v11 =	vunpack.i.l.bf16.f32 v12  }
0x243: {  	p3 =	slt.u32 s15, $0x3E;
	v6 =	vadd.s32 v0, v6;
	[tilespmem:s9+$0xFFFFFF80] =	vst v7;
	v19 =	vld [tilespmem:s12+$0x10];
	v7 =	vunpack.i.u.bf16.f32 v12;
	v11 =	vmul.f32 v11, v4  }
0x244: {  	v12 =	vand.u32 $0x7FFFFFF8, v13;
	v6 =	vor.u32 v14, v6;
	v7 =	vmul.f32 v7, v4;
	[tilespmem:s30+$0xFFFFFFF0] =	vst v10;
	s30 =	smov.u32 s13;
	s13 =	smov.u32 s10;
	s10 =	smov.u32 s14  }
0x245: {  	v10 =	vand.u32 $0x6, v13;
	v12 =	vadd.s32 v0, v12;
	v13 =	vmul.f32 v17, v16;
	s14 =	smov.u32 s9;
	[tilespmem:s10+$0x40] =	vst v11  }
0x246: {  	v10 =	vor.u32 v10, v12;
	v11 =	vunpack.i.u.bf16.f32 v9;
	v9 =	vunpack.i.l.bf16.f32 v9;
	[tilespmem:s10+$0x50] =	vst v7  }
0x247: {  	s12 =	sadd.s32 $0x80, s12;
	v9 =	vmul.f32 v9, v3;
	v12 =	vmul.f32 v11, v3;
	v7 =	vunpack.i.u.bf16.f32 v8;
	[tilespmem:s9+$0xFFFFFF90] =	vst v13;
	v17 =	vld [tilespmem:s0+$0x30]  }
0x248: {  	v8 =	vunpack.i.l.bf16.f32 v8;
	v20 =	vmul.f32 v7, v2;
	v11 =	vld [tilespmem:s12+$0x0];
	v13 =	vunpack.i.l.bf16.f32 v19;
	[tilespmem:s13+$0x60] =	vst v5  }
0x249: {  	v8 =	vmul.f32 v8, v2;
	v5 =	vunpack.i.u.bf16.f32 v19;
	v7 =	vld.idx.msk [tilespmem:v6+s19+$0x0], $0xffff;
	v14 =	vmul.f32 v13, v18;
	[tilespmem:s10+$0xFFFFFFA0] =	vst v9  }
.Ltmp11:
0x24a: {  	v5 =	vmul.f32 v5, v18;
	v9 =	vunpack.i.u.bf16.f32 v15;
	v13 =	vld [tilespmem:s12+$0xFFFFFFC0];
	[tilespmem:s10+$0xFFFFFFB0] =	vst v12;
	v12 =	vunpack.i.l.bf16.f32 v15;
	(pc) =	sbr.rel @p3 .LBB2_16-.Ltmp11, $4  }
0x24b: {  	v6 =	vld.idx.msk [tilespmem:v10+s19+$0x0], $0xffff;
	[tilespmem:s9+$0x20] =	vst v14;
	v14 =	vmul.f32 v12, v1;
	v10 =	vmul.f32 v9, v1;
	v1 =	vmov v2  }
0x24c: {  	v2 =	vmovc v3;
	v3 =	vmov v16;
	v9 =	vld [tilespmem:s11+$0xFFFFFFD0];
	[tilespmem:s9+$0x30] =	vst v5;
	v15 =	vunpack.i.u.bf16.f32 v17;
	v5 =	vunpack.i.l.bf16.f32 v17  }
0x24d: {  	v12 =	vld [tilespmem:s11+$0x20];
	v5 =	vmul.f32 v5, v4;
	v15 =	vmul.f32 v15, v4;
	[tilespmem:s13+$0xFFFFFFC0] =	vst v8;
	v4 =	vmov v18  }
0x24e: {  	v16 =	vunpack.i.l.bf16.f32 v11;
	v8 =	vld [tilespmem:s0+$0xFFFFFFE0];
	[tilespmem:s13+$0xFFFFFFD0] =	vst v20  }
0x24f: {  	v11 =	vunpack.i.u.bf16.f32 v11;
	v16 =	vmul.f32 v16, v7;
	[tilespmem:s10+$0x70] =	vst v15  }
0x250: {  	s9 =	sadd.s32 $0x100, s9;
	v63 =	vunpack.i.l.bf16.f32 v13;
	[tilespmem:s30+$0xFFFFFFE0] =	vst v14;
	v11 =	vmul.f32 v11, v7  }
0x251: {  	v19 =	vunpack.i.u.bf16.f32 v13;
	v20 =	vmul.f32 v63, v6;
	[tilespmem:s9+$0x0] =	vst v16  }
0x252: {  	v13 =	vmul.f32 v19, v6;
	[tilespmem:s9+$0x10] =	vst v11  }
0x253: {  	[tilespmem:s9+$0xFFFFFF80] =	vst v20;
	v11 =	vld [tilespmem:s12+$0x10]  }
0x254: {  	v27 =	vunpack.i.l.bf16.f32 v9;
	[tilespmem:s9+$0xFFFFFF90] =	vst v13  }
0x255: {  	[tilespmem:s30+$0xFFFFFFF0] =	vst v10;
	v28 =	vunpack.i.u.bf16.f32 v9;
	v29 =	vmul.f32 v27, v3;
	v25 =	vld [tilespmem:s12+$0xFFFFFFD0]  }
0x256: {  	[tilespmem:s10+$0x60] =	vst v5;
	v21 =	vunpack.i.l.bf16.f32 v12;
	v9 =	vmul.f32 v28, v3  }
0x257: {  	v26 =	vunpack.i.u.bf16.f32 v12;
	v14 =	vmul.f32 v21, v4;
	[tilespmem:s14+$0xFFFFFFA0] =	vst v29  }
0x258: {  	v12 =	vmul.f32 v26, v4;
	[tilespmem:s14+$0xFFFFFFB0] =	vst v9;
	v22 =	vunpack.i.l.bf16.f32 v11  }
0x259: {  	v33 =	vld [tilespmem:s22+$0xFFFFFFF0];
	[tilespmem:s14+$0x40] =	vst v14;
	v23 =	vunpack.i.u.bf16.f32 v11;
	v24 =	vmul.f32 v22, v7  }
0x25a: {  	[tilespmem:s14+$0x50] =	vst v12;
	v31 =	vunpack.i.l.bf16.f32 v25;
	v10 =	vmul.f32 v23, v7  }
0x25b: {  	v38 =	vld [tilespmem:s11+$0xFFFFFFE0];
	v32 =	vunpack.i.u.bf16.f32 v25;
	v5 =	vmul.f32 v31, v6;
	[tilespmem:s9+$0x20] =	vst v24  }
0x25c: {  	v34 =	vunpack.i.l.bf16.f32 v8;
	v35 =	vmul.f32 v32, v6;
	[tilespmem:s9+$0x30] =	vst v10  }
0x25d: {  	v36 =	vunpack.i.u.bf16.f32 v8;
	v37 =	vmul.f32 v34, v2;
	[tilespmem:s9+$0xFFFFFFA0] =	vst v5;
	v30 =	vld [tilespmem:s12+$0x20]  }
0x25e: {  	v39 =	vmul.f32 v36, v2;
	v45 =	vunpack.i.l.bf16.f32 v33;
	[tilespmem:s9+$0xFFFFFFB0] =	vst v35  }
0x25f: {  	v55 =	vunpack.i.u.bf16.f32 v33;
	v46 =	vmul.f32 v45, v1;
	[tilespmem:s10+$0xFFFFFFC0] =	vst v37;
	v42 =	vld [tilespmem:s12+$0xFFFFFFE0]  }
0x260: {  	v1 =	vmul.f32 v55, v1;
	[tilespmem:s10+$0xFFFFFFD0] =	vst v39;
	v47 =	vunpack.i.l.bf16.f32 v38  }
0x261: {  	v12 =	vld [tilespmem:s11+$0x30];
	[tilespmem:s13+$0xFFFFFFE0] =	vst v46;
	v49 =	vunpack.i.u.bf16.f32 v38;
	v5 =	vmul.f32 v47, v3  }
0x262: {  	v50 =	vld [tilespmem:s0+$0xFFFFFFF0];
	[tilespmem:s13+$0xFFFFFFF0] =	vst v1;
	v51 =	vmul.f32 v49, v3;
	v40 =	vunpack.i.l.bf16.f32 v30  }
0x263: {  	[tilespmem:s14+$0xFFFFFFC0] =	vst v5;
	v41 =	vunpack.i.u.bf16.f32 v30;
	v8 =	vmul.f32 v40, v7  }
0x264: {  	[tilespmem:s14+$0xFFFFFFD0] =	vst v51;
	v52 =	vunpack.i.l.bf16.f32 v42;
	v44 =	vmul.f32 v41, v7  }
0x265: {  	v57 =	vld [tilespmem:s11+$0xFFFFFFF0];
	v53 =	vunpack.i.u.bf16.f32 v42;
	v54 =	vmul.f32 v52, v6;
	[tilespmem:s9+$0x40] =	vst v8  }
0x266: {  	v43 =	vunpack.i.u.bf16.f32 v12;
	v5 =	vmul.f32 v53, v6;
	[tilespmem:s9+$0x50] =	vst v44  }
0x267: {  	v11 =	vmul.f32 v43, v4;
	v1 =	vunpack.i.l.bf16.f32 v50;
	[tilespmem:s9+$0xFFFFFFC0] =	vst v54;
	v48 =	vld [tilespmem:s12+$0x30]  }
0x268: {  	v62 =	vunpack.i.u.bf16.f32 v50;
	v1 =	vmul.f32 v1, v2;
	[tilespmem:s9+$0xFFFFFFD0] =	vst v5  }
0x269: {  	v56 =	vunpack.i.l.bf16.f32 v12;
	v2 =	vmul.f32 v62, v2;
	[tilespmem:s14+$0x70] =	vst v11;
	v61 =	vld [tilespmem:s12+$0xFFFFFFF0]  }
0x26a: {  	v58 =	vmul.f32 v56, v4;
	[tilespmem:s10+$0xFFFFFFE0] =	vst v1;
	v1 =	vunpack.i.l.bf16.f32 v57  }
0x26b: {  	[tilespmem:s10+$0xFFFFFFF0] =	vst v2;
	v2 =	vunpack.i.u.bf16.f32 v57;
	v1 =	vmul.f32 v1, v3  }
0x26c: {  	[tilespmem:s14+$0x60] =	vst v58;
	v2 =	vmul.f32 v2, v3;
	v59 =	vunpack.i.u.bf16.f32 v48  }
0x26d: {  	[tilespmem:s14+$0xFFFFFFE0] =	vst v1;
	v63 =	vunpack.i.l.bf16.f32 v48;
	v60 =	vmul.f32 v59, v7  }
0x26e: {  	[tilespmem:s14+$0xFFFFFFF0] =	vst v2;
	v3 =	vunpack.i.l.bf16.f32 v61;
	v4 =	vmul.f32 v63, v7  }
0x26f: {  	v1 =	vunpack.i.u.bf16.f32 v61;
	v3 =	vmul.f32 v3, v6;
	[tilespmem:s9+$0x70] =	vst v60  }
0x270: {  	s22 =	sshll.u32 s6, $0x6;
	v1 =	vmul.f32 v1, v6;
	[tilespmem:s9+$0x60] =	vst v4  }
0x271: {  	s0 =	sand.u32 $0x3FFFFFC0, s22;
	[tilespmem:s9+$0xFFFFFFE0] =	vst v3  }
0x272: {  	s30 =	simm.s32 $0x7800;
	s6 =	simm.s32 @!p2 $0x40;
	s0 =	sadd.s32 s0, s3;
	[tilespmem:s9+$0xFFFFFFF0] =	vst v1  }
0x273: {  	[spmem:s2] =	stream.indirect.scatter.add.f32 [tilespmem:s30], [sflag:$0x6], $0x80, s0, s21, $0xb8;
	[tilespmem:$0x1D800] =	vst v63  }
0x274: {  	s5 =	sadd.s32 $0x1, s5;
	s0 =	sadd.s32 @!p2 $0x1C0, s7;
	s7 =	simm.s32 @!p2 $0x4800  }
0x275: {  	[tilespmem:s7], [sflag:$0x4] =	stream.indirect.gather @!p2 [hbm4b:s4+s6], $0x40, s0, s6, $0xb8;
	[tilespmem:$0x1D800] =	vst v63  }
0x276: {  	s0 =	simm.s32 @p1 $0x40;
	s6 =	simm.s32 @p1 $0x4800;
	s7 =	rddreg [dreg:$0x17]  }
0x277: {  	[tilespmem:s6], [sflag:$0x4] =	stream.indirect.gather @p1 [hbm4b:s4+s0], $0x40, s7, s0, $0xb8;
	[tilespmem:$0x1D800] =	vst v63  }
0x278: {  	p1 =	sne.s32 s5, $0x4  }
.Ltmp12:
0x279: {  	_ = 	snop;
	(pc) =	sbr.rel @p1 .LBB2_4-.Ltmp12, $4  }
.Ltmp13:
0x27a: {  	_ = 	snop;
	(pc) =	sbr.rel @!p1 .LBB2_18-.Ltmp13, $4  }
0x27b: {  	_ = 	snop  }
0x27c: {  	_ = 	snop  }
0x27d: {  	s25 =	sadd.s32 $0x100, s25  }
0x27e: {  	_ = 	snop  }
.LBB2_20:
0x27f: {  	_ =	sfence.sel $0x180000  }
0x280: {  	[bflag:$0x0] =	sbarrier.arrive $0xFFFF  }
0x281: {  	_ =	strace $0x9000004D  }
0x282: {  	s0 =	stileid.u32;
	[bflag:$0x2] =	sbarrier.arrive $0xFFFF  }
0x283: {  	p0 =	sne.s32 s0, $0x0;
	s0 =	rddreg [dreg:$0x2]  }
0x284: {  	s0 =	sadd.s32 @!p0 $0x100000, s0  }
0x285: {  	[sflag:s0] =	ssyncadd.tile.s32 @!p0 $0x1;
	_ =	shalt  }
.Lfunc_end2:
_tile_overlayer_lowered:
.L_overlay_start_2:
0x286: {  	(tag) =	ssettag $0x2  }
0x287: {  	s0 =	rddreg [dreg:$0x0];
	s2 =	stileid.u32  }
0x288: {  	s1 =	rddreg [dreg:$0x1];
	p0 =	sne.s32 s2, $0x0  }
0x289: {  	s3 =	rddreg [dreg:$0x2];
	[bflag:$0x3] =	sbarrier.arrive $0xFFFF;
	s2 =	simm.s32 @!p0 $0x1C08  }
0x28a: {  	[timem:s3], [sflag:s2] =	dma.local @!p0 [hbm:s0], s1  }
0x28b: {  	s0 =	simm.s32 @!p0 $0x8  }
0x28c: {  	_ =	swait.ge @!p0 [sflag:s0], s1  }
0x28d: {  	s1 =	ssub.s32 @!p0 $0x0, s1;
	[sflag:s0] =	ssyncset.done @!p0 $0x0  }
0x28e: {  	[sflag:s0] =	ssyncadd.s32 @!p0 s1  }
0x28f: {  	[bflag:$0x3] =	sbarrier.arrive $0xFFFF  }
0x290: {  	_ =	shalt  }

// kernel: kernel.8.cloned.1.call-start
scs
__scs_entry_jumppad:
0x0: {  	(pc) =	sbr.rel $0x88, $3  }
0x1: {  	(tag) =	ssettag $0x0;
	lr =	simm.s32 $0x1  }
0x2: {  	[smem:$0x3F9A] =	sst lr;
	_ =	strace $0xD0000000  }
0x3: {  	_ = 	snop  }
0x4: {  	_ = 	snop  }
0x5: {  	_ = 	snop  }
0x6: {  	_ = 	snop  }
0x7: {  	_ = 	snop  }
__scs_overlays_trampoline_lowered:
0x8: {  	[smem:$0x3FA9] =	sst s0  }
0x9: {  	[smem:$0x3FAA] =	sst s1  }
0xa: {  	[smem:$0x3FAB] =	sst s2  }
0xb: {  	[smem:$0x3FAC] =	sst s3  }
0xc: {  	[smem:$0x3FAD] =	sst s4  }
0xd: {  	[smem:$0x3FAE] =	sst s5  }
0xe: {  	[smem:$0x3FAF] =	sst s6  }
0xf: {  	[smem:$0x3FB0] =	sst s7  }
0x10: {  	[smem:$0x3FB1] =	sst s8  }
0x11: {  	[smem:$0x3FB2] =	sst s9;
	s0 =	simm.s32 @!p0 $0x0  }
0x12: {  	s1 =	sld [smem:$0x3F98];
	s0 =	simm.s32 @p0 $0x1  }
0x13: {  	[smem:$0x3FB3] =	sst s0;
	s0 =	simm.s32 @!p1 $0x0  }
0x14: {  	s2 =	sld [smem:$0x3F97];
	s0 =	simm.s32 @p1 $0x1  }
0x15: {  	[smem:$0x3FB4] =	sst s0;
	s0 =	simm.s32 @!p2 $0x0  }
0x16: {  	s3 =	sld [smem:$0x3FDB];
	s0 =	simm.s32 @p2 $0x1  }
0x17: {  	s4 =	simm.s32 $0x1BF5;
	[smem:$0x3FB6] =	sst s0  }
0x18: {  	s0 =	sld [smem:$0x3F99];
	_ =	swait.ge [sflag:s4], $0x0  }
0x19: {  	s7 =	sld [smem:$0x3F9A]  }
0x1a: {  	s8 =	sadd.s32 $0xFFFFE003, lr  }
0x1b: {  	s9 =	sadd.s32 $0xFFFFFEF7, lr;
	s5 =	simm.s32 $0xFFFFFFFF;
	p2 =	slt.u32 s8, $0xFFFFF086  }
0x1c: {  	p1 =	slt.u32 s9, $0xF7A;
	s5 =	simm.s32 @!p2 $0x0  }
0x1d: {  	s5 =	simm.s32 @p1 $0x1;
	p0 =	seq.s32 s7, s2  }
0x1e: {  	s7 =	smul.u32 @!p0 $0xF7A, s2;
	p2 =	seq.s32 @!p0 s5, $0x0  }
0x1f: {  	s9 =	smul.u32 $0xF7A, s1;
	s8 =	simm.s32 @!p0 $0x1BF5;
	p2 =	por !p2, p0  }
0x20: {  	[sflag:s8] =	ssyncset.s32 @!p0 $0xFFFFF086;
	s6 =	sadd.s32 @!p0 s3, s7;
	s7 =	simm.s32 @!p0 $0x108  }
0x21: {  	s3 =	sadd.s32 s3, s9;
	s6 =	sadd.s32 @!p0 $0x88, s6;
	s7 =	simm.s32 @p2 $0x1082  }
0x22: {  	[simem:s7], [sflag:s8] =	dma.local @!p0 [hbm:s6], $0xF7A  }
0x23: {  	s9 =	sor.u32 $0xD0000000, s2;
	s6 =	simm.s32 $0x108;
	_ =	swait.ge @!p0 [sflag:s8], $0x0  }
0x24: {  	s3 =	sadd.s32 $0x88, s3;
	s6 =	simm.s32 @!p1 $0x1082;
	[sflag:s4] =	ssyncset.s32 $0xFFFFF086  }
0x25: {  	[simem:s6], [sflag:s4] =	dma.local [hbm:s3], $0xF7A  }
0x26: {  	[smem:$0x3F9A] =	sst s1;
	(tag) =	ssettag s2;
	_ =	strace s9  }
0x27: {  	s1 =	sld [smem:$0x3FAA]  }
0x28: {  	s2 =	sld [smem:$0x3FAB]  }
0x29: {  	s4 =	sld [smem:$0x3FAD]  }
0x2a: {  	p0 =	seq.s32 s5, $0x0;
	s5 =	sld [smem:$0x3FAE]  }
0x2b: {  	s6 =	sld [smem:$0x3FAF]  }
0x2c: {  	s7 =	sld [smem:$0x3FB0]  }
0x2d: {  	s3 =	simm.s32 $0x108;
	s8 =	sld [smem:$0x3FB1]  }
0x2e: {  	s3 =	simm.s32 @!p0 $0x1082;
	s9 =	sld [smem:$0x3FB2]  }
0x2f: {  	lr =	sadd.s32 s0, s3;
	s0 =	sld [smem:$0x3FA9]  }
0x30: {  	s3 =	sld [smem:$0x3FAC]  }
0x31: {  	[smem:$0x3FB5] =	sst s10  }
0x32: {  	s10 =	sld [smem:$0x3FB3];
	_ =	sdelay $0x3  }
0x33: {  	p0 =	seq.s32 s10, $0x1;
	s10 =	sld [smem:$0x3FB5];
	_ =	sdelay $0x3  }
0x34: {  	[smem:$0x3FB5] =	sst s10  }
0x35: {  	s10 =	sld [smem:$0x3FB4];
	_ =	sdelay $0x3  }
0x36: {  	p1 =	seq.s32 s10, $0x1;
	s10 =	sld [smem:$0x3FB5];
	_ =	sdelay $0x3  }
0x37: {  	[smem:$0x3FB5] =	sst s10  }
0x38: {  	s10 =	sld [smem:$0x3FB6]  }
0x39: {  	_ = 	snop;
	(pc) =	sbr.ind lr, $3  }
0x3a: {  	_ = 	snop  }
0x3b: {  	_ = 	snop  }
0x3c: {  	p2 =	seq.s32 s10, $0x1;
	s10 =	sld [smem:$0x3FB5]  }
0x3d: {  	_ =	shalt  }
0x3e: {  	_ =	shalt  }
0x3f: {  	_ =	shalt  }
0x40: {  	_ =	shalt  }
0x41: {  	_ =	shalt  }
0x42: {  	_ =	shalt  }
0x43: {  	_ =	shalt  }
0x44: {  	_ =	shalt  }
0x45: {  	_ =	shalt  }
0x46: {  	_ =	shalt  }
0x47: {  	_ =	shalt  }
0x48: {  	_ =	shalt  }
0x49: {  	_ =	shalt  }
0x4a: {  	_ =	shalt  }
0x4b: {  	_ =	shalt  }
0x4c: {  	_ =	shalt  }
0x4d: {  	_ =	shalt  }
0x4e: {  	_ =	shalt  }
0x4f: {  	_ =	shalt  }
0x50: {  	_ =	shalt  }
0x51: {  	_ =	shalt  }
0x52: {  	_ =	shalt  }
0x53: {  	_ =	shalt  }
0x54: {  	_ =	shalt  }
0x55: {  	_ =	shalt  }
0x56: {  	_ =	shalt  }
0x57: {  	_ =	shalt  }
0x58: {  	_ =	shalt  }
0x59: {  	_ =	shalt  }
0x5a: {  	_ =	shalt  }
0x5b: {  	_ =	shalt  }
0x5c: {  	_ =	shalt  }
0x5d: {  	_ =	shalt  }
0x5e: {  	_ =	shalt  }
0x5f: {  	_ =	shalt  }
0x60: {  	_ =	shalt  }
0x61: {  	_ =	shalt  }
0x62: {  	_ =	shalt  }
0x63: {  	_ =	shalt  }
0x64: {  	_ =	shalt  }
0x65: {  	_ =	shalt  }
0x66: {  	_ =	shalt  }
0x67: {  	_ =	shalt  }
0x68: {  	_ =	shalt  }
0x69: {  	_ =	shalt  }
0x6a: {  	_ =	shalt  }
0x6b: {  	_ =	shalt  }
0x6c: {  	_ =	shalt  }
0x6d: {  	_ =	shalt  }
0x6e: {  	_ =	shalt  }
0x6f: {  	_ =	shalt  }
0x70: {  	_ =	shalt  }
0x71: {  	_ =	shalt  }
0x72: {  	_ =	shalt  }
0x73: {  	_ =	shalt  }
0x74: {  	_ =	shalt  }
0x75: {  	_ =	shalt  }
0x76: {  	_ =	shalt  }
0x77: {  	_ =	shalt  }
0x78: {  	_ =	shalt  }
0x79: {  	_ =	shalt  }
0x7a: {  	_ =	shalt  }
0x7b: {  	_ =	shalt  }
0x7c: {  	_ =	shalt  }
0x7d: {  	_ =	shalt  }
0x7e: {  	_ =	shalt  }
0x7f: {  	_ =	shalt  }
0x80: {  	_ =	shalt  }
0x81: {  	_ =	shalt  }
0x82: {  	_ =	shalt  }
0x83: {  	_ =	shalt  }
0x84: {  	_ =	shalt  }
0x85: {  	_ =	shalt  }
0x86: {  	_ =	shalt  }
0x87: {  	_ =	shalt  }
.Lfunc_end0:
.L_simem_size_0:
called_computation_lowered:
.L_overlay_start_0:
0x88: {  	s2 =	sld [smem:$0x3FD9]  }
0x89: {  	s3 =	sld [smem:$0x3FFE];
	_ =	sdelay $0x1  }
0x8a: {  	s1 =	srdreg.scid  }
0x8b: {  	s0 =	sand.u32 $0x1, s1  }
0x8c: {  	s17 =	sshll.u32 s0, $0xA;
	s2 =	sadd.s32 s3, s2  }
0x8d: {  	s2 =	sadd.s32 s2, s17  }
0x8e: {  	[smem:$0x3FC1] =	sst s2  }
0x8f: {  	_ = 	snop  }
0x90: {  	s2 =	sld [smem:$0x3FD0];
	(tm) =	ssettm $0x1  }
0x91: {  	s18 =	sld [smem:$0x3FFB];
	_ =	sdelay $0x3  }
0x92: {  	_ =	strace s18  }
0x93: {  	s3 =	sld [smem:$0x3FFC];
	_ =	sdelay $0x3  }
0x94: {  	_ =	strace s3  }
0x95: {  	s3 =	sld [smem:$0x3FFD];
	_ =	sdelay $0x3  }
0x96: {  	_ =	strace s3  }
0x97: {  	_ =	strace $0x8FFFFFFF  }
0x98: {  	s19 =	sld [smem:$0x3FDB];
	_ =	sdelay $0x1  }
0x99: {  	s4 =	simm.s32 $_scs_section_size  }
0x9a: {  	s5 =	simm.s32 $_size__tile_overlayer_lowered;
	s6 =	simm.s32 $_tile_overlayer_lowered  }
0x9b: {  	s22 =	simm.s32 $0x1BFF;
	s21 =	sshll.u32 s6, $0x1;
	s3 =	sadd.s32 s4, s19  }
0x9c: {  	s7 =	simm.s32 $0x0;
	s20 =	sshll.u32 s5, $0x1;
	s5 =	sadd.s32 s21, s3  }
0x9d: {  	[timem:s7], [sflag:s22] =	dma.local [hbm:s5], s20  }
0x9e: {  	_ =	swait.ge [sflag:s22], s20  }
0x9f: {  	s4 =	ssub.s32 $0x0, s20;
	[sflag:s22] =	ssyncset.done $0x0  }
0xa0: {  	[sflag:s22] =	ssyncadd.s32 s4;
	_ =	sdelay $0x1  }
0xa1: {  	s23 =	simm.s32 $0x1B8B  }
0xa2: {  	_ =	swait.ge [sflag:s23], $0x1  }
0xa3: {  	[sflag:s23] =	ssyncset.done $0x0  }
0xa4: {  	s25 =	simm.s32 $0x1B8E;
	s24 =	sld [smem:$0x3FFE];
	[sflag:s23] =	ssyncadd.s32 $0xFFFFFFFF  }
0xa5: {  	s26 =	simm.s32 $execute0_lowered;
	[smem:$0x3FD2] =	sst s25  }
0xa6: {  	s5 =	sshll.u32 s26, $0x1;
	_ =	strace $0x80000046;
	[dreg:$0x1] =	wrdreg $0xFFFFFFFF  }
0xa7: {  	s28 =	simm.s32 $_size_execute0_lowered;
	s3 =	sadd.s32 s3, s5;
	[dreg:$0x0] =	wrdreg $0x0  }
0xa8: {  	s5 =	sshll.u32 s28, $0x1;
	[dreg:$0x2] =	wrdreg s3  }
0xa9: {  	[dreg:$0x3] =	wrdreg s5  }
0xaa: {  	[dreg:$0x4] =	wrdreg $0xC0  }
0xab: {  	_ =	task [dreg:s7], $0x5FFFF  }
0xac: {  	[dreg:$0x1] =	wrdreg $0xFFFFFFFF  }
0xad: {  	[dreg:$0x0] =	wrdreg $0x60  }
0xae: {  	[dreg:$0x2] =	wrdreg s24  }
0xaf: {  	[dreg:$0x3] =	wrdreg s2  }
0xb0: {  	[dreg:$0x4] =	wrdreg $0x50000  }
0xb1: {  	[dreg:$0x5] =	wrdreg $0x9  }
0xb2: {  	_ =	task.clear_ibuf [dreg:s7], $0x6FFFF;
	_ =	strace $0x90000046  }
0xb3: {  	s29 =	simm.s32 $0x9;
	_ =	strace $0x80000048  }
0xb4: {  	_ =	swait.ge [sflag:s29], $0x1  }
0xb5: {  	[sflag:s29] =	ssyncadd.s32 $0xFFFFFFFF  }
0xb6: {  	_ =	strace $0x90000048  }
0xb7: {  	_ =	sfence  }
0xb8: {  	s30 =	sld [smem:$0x0];
	_ =	sdelay $0x2  }
0xb9: {  	s31 =	sshll.u32 s1, $0xD;
	s1 =	sshrl.u32 s1, $0x2  }
0xba: {  	s3 =	sand.u32 $0x4000, s31;
	s1 =	sadd.s32 s1, s30  }
0xbb: {  	s0 =	sor.u32 s3, s0;
	s1 =	sshll.u32 s1, $0x11  }
0xbc: {  	s0 =	sor.u32 s1, s0  }
0xbd: {  	s0 =	sadd.s32 $0x8F2B, s0  }
0xbe: {  	[sflag:s0] =	ssyncadd.remote.s32 $0x1  }
0xbf: {  	_ =	sfence.sel $0xFFFF  }
0xc0: {  	[dreg:$0x0] =	wrdreg $0xFFFFFFFF;
	(pc) =	sbr.abs _section_cstart, $3  }
0xc1: {  	[dreg:$0x1] =	wrdreg $0xFFFFFFFF  }
0xc2: {  	_ =	task.clear_ibuf [dreg:s7], $0x2FFFF;
	_ =	strace $0x9FFFFFFF  }
0xc3: {  	(tm) =	ssettm $0x7FFFFFFF  }
tec
execute0_lowered:
.L_overlay_start_1:
0x0: {  	(tag) =	ssettag $0x1  }
0x1: {  	s3 =	rddreg [dreg:$0x0]  }
0x2: {  	s0 =	srdreg.scid;
	s7 =	rddreg [dreg:$0x1]  }
0x3: {  	s12 =	stileid.u32;
	s1 =	rddreg [dreg:$0x2];
	s2 =	simm.s32 $0x0  }
0x4: {  	s14 =	simm.s32 $0x0;
	s4 =	sand.u32 $0x1, s0;
	s0 =	rddreg [dreg:$0x3]  }
0x5: {  	s28 =	sshll.u32 s12, $0x1;
	[smem:$0x7FF] =	sst s2;
	s6 =	smul.u32 $0x280, s12  }
0x6: {  	s31 =	sshll.u32 s12, $0x6;
	p0 =	sne.s32 s12, $0x0;
	s12 =	simm.s32 $0x80  }
0x7: {  	s5 =	sor.u32 s4, s28;
	_ =	strace $0x80000047;
	s8 =	ssub.s32 $0x2, s4  }
0x8: {  	s11 =	smul.u32 $0x500, s4;
	s4 =	sor.u32 $0x1C01, s31;
	s13 =	sshrl.u32 @!p0 s1, $0x3  }
0x9: {  	s5 =	smul.u32 $0x500, s5;
	s29 =	sshrl.u32 s6, $0x3;
	s10 =	sshrl.u32 s8, $0x1  }
0xa: {  	s30 =	sadd.s32 s6, s1;
	s8 =	ssub.s32 s8, s10;
	s7 =	sadd.s32 s7, s11  }
0xb: {  	s10 =	simm.s32 $0x1;
	s9 =	sadd.s32 s5, s3;
	s3 =	sadd.s32 s29, s3  }
0xc: {  	s11 =	simm.s32 $0x2800;
	s8 =	smax.u32 s8, $0x1;
	s3 =	sadd.s32 $0x15C00, s3  }
0xd: {  	s5 =	sadd.s32 $0xBC00, s9;
	s6 =	sadd.s32 $0x1C00, s9;
	s9 =	sshrl.u32 s30, $0x3  }
.LBB2_1:
0xe: {  	[spmem:s9], [sflag:s4] =	dma.local [hbm:s3], $0x50  }
0xf: {  	_ =	swait.ge [sflag:s10], $0x50  }
0x10: {  	[sflag:s10] =	ssyncset.done $0x0  }
0x11: {  	[sflag:s10] =	ssyncadd.s32 $0xFFFFFFB0  }
0x12: {  	[tilespmem:s2], [sflag:$0x1] =	stream.linear.gather [hbm4b:s5+s2], $0x2800, $0x38;
	[tilespmem:$0x5280] =	vst v63  }
0x13: {  	_ =	swait.ge [sflag:s10], $0x2800  }
0x14: {  	[sflag:s10] =	ssyncset.done $0x0  }
0x15: {  	[sflag:s10] =	ssyncadd.s32 $0xFFFFD800  }
0x16: {  	[tilespmem:s11], [sflag:$0x1] =	stream.linear.gather [hbm4b:s6+s2], $0x2800, $0x38;
	[tilespmem:$0x5280] =	vst v63  }
0x17: {  	_ =	swait.ge [sflag:s10], $0x2800  }
0x18: {  	[sflag:s10] =	ssyncset.done $0x0  }
0x19: {  	[sflag:s10] =	ssyncadd.s32 $0xFFFFD800  }
0x1a: {  	s15 =	simm.s32 $0x0;
	s16 =	simm.s32 $0x2800;
	[bflag:$0x0] =	sbarrier.arrive $0xFFFF  }
0x1b: {  	[spmem:s1] =	stream.indirect.scatter.add.f32 [tilespmem:s16], [sflag:$0x1], $0x1, s15, s12, $0xb8;
	[tilespmem:$0x5280] =	vst v63  }
0x1c: {  	s15 =	simm.s32 $0x200;
	_ =	swait.ge [sflag:s10], $0x80  }
.LBB2_2:
0x1d: {  	s16 =	sshra.s32 s15, $0x2;
	[sflag:s10] =	ssyncset.done $0x0;
	p1 =	sne.s32 s15, $0x9E00  }
.Ltmp0:
0x1e: {  	s17 =	sadd.s32 $0x2800, s16;
	[sflag:s10] =	ssyncadd.s32 $0xFFFFFF80;
	(pc) =	sbr.rel @p1 .LBB2_2-.Ltmp0, $3  }
0x1f: {  	[spmem:s1] =	stream.indirect.scatter.add.f32 [tilespmem:s17], [sflag:$0x1], $0x1, s16, s12, $0xb8;
	[tilespmem:$0x5280] =	vst v63  }
0x20: {  	s15 =	sadd.s32 $0x200, s15;
	_ =	sdelay $0x1  }
0x21: {  	_ =	swait.ge [sflag:s10], $0x80  }
0x22: {  	[sflag:s10] =	ssyncset.done $0x0;
	s14 =	sadd.s32 $0x1, s14  }
0x23: {  	[sflag:s10] =	ssyncadd.s32 $0xFFFFFF80;
	p1 =	sne.s32 s14, s8  }
.Ltmp1:
0x24: {  	s15 =	simm.s32 @!p0 $0x1;
	[bflag:$0x0] =	sbarrier.arrive $0xFFFF;
	(pc) =	sbr.rel @p1 .LBB2_1-.Ltmp1, $4  }
0x25: {  	[hbm:s7], [sflag:s4] =	dma.local @!p0 [spmem:s13], $0x500  }
0x26: {  	_ =	swait.ge @!p0 [sflag:s15], $0x500  }
0x27: {  	[sflag:s15] =	ssyncset.done @!p0 $0x0  }
0x28: {  	[sflag:s15] =	ssyncadd.s32 @!p0 $0xFFFFFB00  }
0x29: {  	_ =	sfence.sel $0x180000  }
0x2a: {  	[bflag:$0x0] =	sbarrier.arrive $0xFFFF  }
0x2b: {  	_ =	strace $0x90000047  }
0x2c: {  	s0 =	sadd.s32 @!p0 $0x100000, s0;
	[bflag:$0x2] =	sbarrier.arrive $0xFFFF  }
0x2d: {  	[sflag:s0] =	ssyncadd.tile.s32 @!p0 $0x1;
	_ =	shalt  }
.Lfunc_end2:
_tile_overlayer_lowered:
.L_overlay_start_2:
0x2e: {  	(tag) =	ssettag $0x2  }
0x2f: {  	s0 =	rddreg [dreg:$0x0];
	s2 =	stileid.u32  }
0x30: {  	s1 =	rddreg [dreg:$0x1];
	p0 =	sne.s32 s2, $0x0  }
0x31: {  	s3 =	rddreg [dreg:$0x2];
	[bflag:$0x3] =	sbarrier.arrive $0xFFFF;
	s2 =	simm.s32 @!p0 $0x1C01  }
0x32: {  	[timem:s3], [sflag:s2] =	dma.local @!p0 [hbm:s0], s1  }
0x33: {  	s0 =	simm.s32 @!p0 $0x1  }
0x34: {  	_ =	swait.ge @!p0 [sflag:s0], s1  }
0x35: {  	s1 =	ssub.s32 @!p0 $0x0, s1;
	[sflag:s0] =	ssyncset.done @!p0 $0x0  }
0x36: {  	[sflag:s0] =	ssyncadd.s32 @!p0 s1  }
0x37: {  	[bflag:$0x3] =	sbarrier.arrive $0xFFFF  }
0x38: {  	_ =	shalt  }

</sc_bundles>
